<compile_context>
chip_gen: v7x
topology: tpu7x:2x2x1
jax: 0.10.2.dev20260603
libtpu: 0.0.44.dev20260713+nightly
codegen_flags: <defaults>
</compile_context>

<pallas_src>
import functools

import jax
import jax.numpy as jnp
from jax import lax
from jax.experimental import pallas as pl
from jax.experimental.pallas import tpu as pltpu
from jax.experimental.pallas import tpu_sc as plsc

IMG = 384
PATCH = 16
FEAT = IMG // PATCH
NUM_PATCHES = FEAT * FEAT
CUTOFF = NUM_PATCHES // 2
NHEADS = 12
BATCH = 16
TSPLIT = 12
BBA = 4
BBB = 2
LANES = 16
NCH = NUM_PATCHES // LANES

_I32_MIN = -(2 ** 31)
_I32_MAXP = (1 << 31) - 1


def _sc_mask_body(att_hbm, out_hbm, rows_v, vals_v, skey_v, mask_v):
    wid = lax.axis_index("s")

    pltpu.sync_copy(att_hbm.at[wid], rows_v)

    for i in range(NCH):
        acc = rows_v[0, pl.ds(i * LANES, LANES)]
        for h in range(1, NHEADS):
            acc = acc + rows_v[h, pl.ds(i * LANES, LANES)]
        vals_v[pl.ds(i * LANES, LANES)] = acc
        bits = lax.bitcast_convert_type(acc, jnp.int32)
        skey_v[pl.ds(i * LANES, LANES)] = jnp.where(
            bits >= 0, bits, bits ^ jnp.int32(_I32_MAXP))

    def search_bit(j, tu):
        bp = lax.shift_left(jnp.full((LANES,), 1, jnp.int32),
                            jnp.int32(31) - j)
        cand_u = tu | bp
        cand_s = cand_u ^ jnp.int32(_I32_MIN)
        cnt = jnp.zeros((LANES,), jnp.int32)
        for i in range(NCH):
            sk = skey_v[pl.ds(i * LANES, LANES)]
            cnt = cnt + plsc.all_reduce_population_count(sk >= cand_s)
        return jnp.where(cnt >= CUTOFF, cand_u, tu)

    tu = lax.fori_loop(0, 32, search_bit, jnp.zeros((LANES,), jnp.int32))
    ts = tu ^ jnp.int32(_I32_MIN)
    thr_bits = jnp.where(ts >= 0, ts, ts ^ jnp.int32(_I32_MAXP))
    thr = lax.bitcast_convert_type(thr_bits, jnp.float32)

    for i in range(NCH):
        v = vals_v[pl.ds(i * LANES, LANES)]
        mask_v[pl.ds(i * LANES, LANES)] = jnp.where(
            v > thr, jnp.float32(1), jnp.float32(0))

    pltpu.sync_copy(mask_v, out_hbm.at[wid])


_sc_mask = functools.partial(
    pl.kernel,
    out_type=jax.ShapeDtypeStruct((BATCH, NUM_PATCHES), jnp.float32),
    mesh=plsc.VectorSubcoreMesh(core_axis_name="c", subcore_axis_name="s",
                                num_cores=1),
    compiler_params=pltpu.CompilerParams(needs_layout_passes=False),
    scratch_types=[
        pltpu.VMEM((NHEADS, NUM_PATCHES), jnp.float32),
        pltpu.VMEM((NUM_PATCHES,), jnp.float32),
        pltpu.VMEM((NUM_PATCHES,), jnp.int32),
        pltpu.VMEM((NUM_PATCHES,), jnp.float32),
    ],
)(_sc_mask_body)


def _build_selectors(pc_ref, pr_ref):
    pc_ref[...] = jnp.where(
        jax.lax.broadcasted_iota(jnp.int32, (FEAT, IMG), 1) // PATCH
        == jax.lax.broadcasted_iota(jnp.int32, (FEAT, IMG), 0),
        1.0, 0.0).astype(jnp.float32)
    pr_ref[...] = jnp.where(
        jax.lax.broadcasted_iota(jnp.int32, (IMG, FEAT), 0) // PATCH
        == jax.lax.broadcasted_iota(jnp.int32, (IMG, FEAT), 1),
        1.0, 0.0).astype(jnp.float32)


def _upsample_multiply(m, img, pc_ref, pr_ref):
    mp = jax.lax.dot_general(m, pc_ref[...], (((1,), (0,)), ((), ())),
                             preferred_element_type=jnp.float32)
    m_full = jax.lax.dot_general(pr_ref[...], mp, (((1,), (0,)), ((), ())),
                                 preferred_element_type=jnp.float32)
    return img * m_full[None, :, :]


def _tc_body_a(att_ref, img_ref, out_ref, mask_ref, pc_ref, pr_ref):
    b = pl.program_id(0)

    @pl.when(b == 0)
    def _prologue():
        _build_selectors(pc_ref, pr_ref)
        a = jnp.sum(att_ref[...], axis=1)
        bits = jax.lax.bitcast_convert_type(a, jnp.int32)
        skey = jnp.where(bits >= 0, bits, bits ^ jnp.int32(_I32_MAXP))
        tu = jnp.zeros((a.shape[0], 1), jnp.int32)
        for bit in range(31, -1, -1):
            bp = jnp.int32(_I32_MIN) if bit == 31 else jnp.int32(1 << bit)
            cand_u = tu | bp
            cand_s = cand_u ^ jnp.int32(_I32_MIN)
            cnt = jnp.sum((skey >= cand_s).astype(jnp.int32),
                          axis=1, keepdims=True)
            tu = jnp.where(cnt >= CUTOFF, cand_u, tu)
        ts = tu ^ jnp.int32(_I32_MIN)
        thr_bits = jnp.where(ts >= 0, ts, ts ^ jnp.int32(_I32_MAXP))
        thr = jax.lax.bitcast_convert_type(thr_bits, jnp.float32)
        mask_ref[...] = jnp.where(a > thr, 1.0, 0.0).reshape(
            a.shape[0], FEAT, FEAT)

    for j in range(BBA):
        out_ref[j] = _upsample_multiply(mask_ref[BBA * b + j],
                                        img_ref[j], pc_ref, pr_ref)


def _tc_body_b(buf_ref, mask_ref, img_ref, out_ref, m24_ref, pc_ref, pr_ref):
    del buf_ref
    b = pl.program_id(0)

    @pl.when(b == 0)
    def _():
        _build_selectors(pc_ref, pr_ref)
        m24_ref[...] = mask_ref[...].reshape(BATCH, FEAT, FEAT)

    for j in range(BBB):
        out_ref[j] = _upsample_multiply(m24_ref[TSPLIT + BBB * b + j],
                                        img_ref[j], pc_ref, pr_ref)


def kernel(x, input_images):
    B, NH = x.shape[0], x.shape[1]
    att = x[:, :, 0, 1:]
    mask_sc = _sc_mask(att)
    out_a = pl.pallas_call(
        _tc_body_a,
        grid=(TSPLIT // BBA,),
        in_specs=[
            pl.BlockSpec((B, NH, NUM_PATCHES), lambda b: (0, 0, 0)),
            pl.BlockSpec((BBA, 3, IMG, IMG), lambda b: (b, 0, 0, 0)),
        ],
        out_specs=pl.BlockSpec((BBA, 3, IMG, IMG), lambda b: (b, 0, 0, 0)),
        out_shape=jax.ShapeDtypeStruct(input_images.shape, input_images.dtype),
        scratch_shapes=[
            pltpu.VMEM((B, FEAT, FEAT), jnp.float32),
            pltpu.VMEM((FEAT, IMG), jnp.float32),
            pltpu.VMEM((IMG, FEAT), jnp.float32),
        ],
    )(att, input_images)
    return pl.pallas_call(
        _tc_body_b,
        grid=((B - TSPLIT) // BBB,),
        in_specs=[
            pl.BlockSpec(memory_space=pl.ANY),
            pl.BlockSpec((B, NUM_PATCHES), lambda b: (0, 0)),
            pl.BlockSpec((BBB, 3, IMG, IMG),
                         lambda b: (b + TSPLIT // BBB, 0, 0, 0)),
        ],
        out_specs=pl.BlockSpec((BBB, 3, IMG, IMG),
                               lambda b: (b + TSPLIT // BBB, 0, 0, 0)),
        out_shape=jax.ShapeDtypeStruct(input_images.shape, input_images.dtype),
        input_output_aliases={0: 0},
        scratch_shapes=[
            pltpu.VMEM((BATCH, FEAT, FEAT), jnp.float32),
            pltpu.VMEM((FEAT, IMG), jnp.float32),
            pltpu.VMEM((IMG, FEAT), jnp.float32),
        ],
    )(out_a, mask_sc, input_images)

# --- scband reference (transcript-rebuilt; emitter-appended) ---
"""Pipeline reference for scband-fixation-50268297232806 (READ-ONLY COPY).

The authoritative reference and input builder live on the scoring server;
editing this copy changes nothing except your own understanding.
"""

import jax, jax.numpy as jnp
import numpy as np

IMG = 384
PATCH = 16
FEAT = IMG // PATCH            # 24
NUM_PATCHES = FEAT * FEAT      # 576
TOP = 0.5
CUTOFF = int(TOP * NUM_PATCHES)  # 288


def setup_inputs(seed: int = 0) -> dict:
    key = jax.random.key(seed)
    k1, k2 = jax.random.split(key)
    x = jax.random.normal(k1, (16, 12, NUM_PATCHES + 1, NUM_PATCHES + 1), dtype=jnp.float32)
    input_images = jax.random.normal(k2, (16, 3, IMG, IMG), dtype=jnp.float32)
    return {"x": x, "input_images": input_images}


def reference(x, input_images):
    B, NH = x.shape[0], x.shape[1]
    W, H = input_images.shape[2], input_images.shape[3]
    # CLS-token attention to all patch tokens, summed over heads
    attentions = x[:, :, 0, 1:].reshape(B, NH, -1)
    attentions = jnp.sum(attentions, axis=1)                 # [B, num_patches]
    # descending sort
    values = -jnp.sort(-attentions, axis=-1)
    # cutoff value = smallest of top `CUTOFF` attentions
    cutoff_values = values[:, CUTOFF - 1:CUTOFF]             # [B, 1]
    attn_mask = jnp.where(attentions > cutoff_values, 1.0, 0.0)
    attn_mask = attn_mask.reshape(B, 1, FEAT, FEAT)
    # nearest-exact upsample by integer factor == repeat each cell PATCH times
    attn_mask = jnp.repeat(attn_mask, PATCH, axis=2)
    attn_mask = jnp.repeat(attn_mask, PATCH, axis=3)         # [B, 1, W, H]
    output = input_images * attn_mask                        # broadcast over 3 channels
    return output

if __name__ == "__main__":
    import jax
    _d = setup_inputs()
    print(jax.jit(kernel)(*tuple(_d.values())))

</pallas_src>

<mosaic_0001>
#map = affine_map<(d0, d1) -> (0, 0, 0)>
#map1 = affine_map<(d0, d1) -> (0, 0)>
module attributes {stable_mosaic.version = 14 : i64} {
  func.func @_sc_mask_body(%arg0: i32, %arg1: i32, %arg2: memref<16x12x576xf32, #tpu.memory_space<hbm>>, %arg3: memref<16x576xf32, #tpu.memory_space<hbm>>, %arg4: memref<12x576xf32, #tpu.memory_space<vmem>>, %arg5: memref<576xf32, #tpu.memory_space<vmem>>, %arg6: memref<576xi32, #tpu.memory_space<vmem>>, %arg7: memref<576xf32, #tpu.memory_space<vmem>>) attributes {dimension_semantics = [#tpu.dimension_semantics<core_parallel>, #tpu.dimension_semantics<subcore_parallel>], iteration_bounds = array<i64: 1, 16>, scalar_prefetch = 0 : i64, scratch_operands = 4 : i64, tpu.core_type = #tpu.core_type<sc_vector_subcore>, window_params = [{transform_indices = #map}, {transform_indices = #map1}]} {
    "tpu.region"() ({
      %run_scoped3A = tpu.sem_alloc : memref<!tpu.dma_semaphore, #tpu.memory_space<semaphore_mem>>
      %dma_start3A = arith.constant 0 : i32
      %dma_start3A_2924 = arith.constant 0 : i32
      %dma_start3A_2925 = tpu.memref_slice %arg2[%arg1, %dma_start3A, %dma_start3A_2924] : memref<16x12x576xf32, #tpu.memory_space<hbm>> -> memref<1x12x576xf32, #tpu.memory_space<hbm>>
      %dma_start3A_2926 = tpu.memref_squeeze %dma_start3A_2925 : memref<1x12x576xf32, #tpu.memory_space<hbm>> -> memref<12x576xf32, #tpu.memory_space<hbm>>
      %dma_start3A_2927 = arith.constant 0 : i32
      %dma_start3A_2928 = arith.constant 0 : i32
      %dma_start3A_2929 = tpu.memref_slice %arg2[%arg1, %dma_start3A_2927, %dma_start3A_2928] : memref<16x12x576xf32, #tpu.memory_space<hbm>> -> memref<1x12x576xf32, #tpu.memory_space<hbm>>
      %dma_start3A_2930 = tpu.memref_squeeze %dma_start3A_2929 : memref<1x12x576xf32, #tpu.memory_space<hbm>> -> memref<12x576xf32, #tpu.memory_space<hbm>>
      tpu.enqueue_dma source(%dma_start3A_2930 : memref<12x576xf32, #tpu.memory_space<hbm>>) target(%arg4 : memref<12x576xf32, #tpu.memory_space<vmem>>) target_semaphore(%run_scoped3A : memref<!tpu.dma_semaphore, #tpu.memory_space<semaphore_mem>>)
      %dma_wait3A = arith.constant 0 : i32
      %dma_wait3A_2931 = arith.constant 0 : i32
      %dma_wait3A_2932 = tpu.memref_slice %arg2[%arg1, %dma_wait3A, %dma_wait3A_2931] : memref<16x12x576xf32, #tpu.memory_space<hbm>> -> memref<1x12x576xf32, #tpu.memory_space<hbm>>
      %dma_wait3A_2933 = tpu.memref_squeeze %dma_wait3A_2932 : memref<1x12x576xf32, #tpu.memory_space<hbm>> -> memref<12x576xf32, #tpu.memory_space<hbm>>
      %dma_wait3A_2934 = arith.constant 0 : i32
      %dma_wait3A_2935 = arith.constant 0 : i32
      %dma_wait3A_2936 = tpu.memref_slice %arg2[%arg1, %dma_wait3A_2934, %dma_wait3A_2935] : memref<16x12x576xf32, #tpu.memory_space<hbm>> -> memref<1x12x576xf32, #tpu.memory_space<hbm>>
      %dma_wait3A_2937 = tpu.memref_squeeze %dma_wait3A_2936 : memref<1x12x576xf32, #tpu.memory_space<hbm>> -> memref<12x576xf32, #tpu.memory_space<hbm>>
      tpu.wait_dma2 semaphore(%run_scoped3A : memref<!tpu.dma_semaphore, #tpu.memory_space<semaphore_mem>>) src(%dma_wait3A_2937 : memref<12x576xf32, #tpu.memory_space<hbm>>) dst(%arg4 : memref<12x576xf32, #tpu.memory_space<vmem>>)
      tpu.yield
    }) : () -> ()
    %get3A = arith.constant 0 : i32
    %get3A_0 = arith.index_cast %get3A : i32 to index
    %get3A_1 = arith.constant 0 : index
    %get3A_2 = tpu.vector_load %arg4[%get3A_0, %get3A_1] {strides = array<i32>} : memref<12x576xf32, #tpu.memory_space<vmem>>, vector<16xf32>,
    %get3A_3 = arith.constant 1 : i32
    %get3A_4 = arith.index_cast %get3A_3 : i32 to index
    %get3A_5 = arith.constant 0 : index
    %get3A_6 = tpu.vector_load %arg4[%get3A_4, %get3A_5] {strides = array<i32>} : memref<12x576xf32, #tpu.memory_space<vmem>>, vector<16xf32>,
    %add3A = arith.addf %get3A_2, %get3A_6 : vector<16xf32>
    %get3A_7 = arith.constant 2 : i32
    %get3A_8 = arith.index_cast %get3A_7 : i32 to index
    %get3A_9 = arith.constant 0 : index
    %get3A_10 = tpu.vector_load %arg4[%get3A_8, %get3A_9] {strides = array<i32>} : memref<12x576xf32, #tpu.memory_space<vmem>>, vector<16xf32>,
    %add3A_11 = arith.addf %add3A, %get3A_10 : vector<16xf32>
    %get3A_12 = arith.constant 3 : i32
    %get3A_13 = arith.index_cast %get3A_12 : i32 to index
    %get3A_14 = arith.constant 0 : index
    %get3A_15 = tpu.vector_load %arg4[%get3A_13, %get3A_14] {strides = array<i32>} : memref<12x576xf32, #tpu.memory_space<vmem>>, vector<16xf32>,
    %add3A_16 = arith.addf %add3A_11, %get3A_15 : vector<16xf32>
    %get3A_17 = arith.constant 4 : i32
    %get3A_18 = arith.index_cast %get3A_17 : i32 to index
    %get3A_19 = arith.constant 0 : index
    %get3A_20 = tpu.vector_load %arg4[%get3A_18, %get3A_19] {strides = array<i32>} : memref<12x576xf32, #tpu.memory_space<vmem>>, vector<16xf32>,
    %add3A_21 = arith.addf %add3A_16, %get3A_20 : vector<16xf32>
    %get3A_22 = arith.constant 5 : i32
    %get3A_23 = arith.index_cast %get3A_22 : i32 to index
    %get3A_24 = arith.constant 0 : index
    %get3A_25 = tpu.vector_load %arg4[%get3A_23, %get3A_24] {strides = array<i32>} : memref<12x576xf32, #tpu.memory_space<vmem>>, vector<16xf32>,
    %add3A_26 = arith.addf %add3A_21, %get3A_25 : vector<16xf32>
    %get3A_27 = arith.constant 6 : i32
    %get3A_28 = arith.index_cast %get3A_27 : i32 to index
    %get3A_29 = arith.constant 0 : index
    %get3A_30 = tpu.vector_load %arg4[%get3A_28, %get3A_29] {strides = array<i32>} : memref<12x576xf32, #tpu.memory_space<vmem>>, vector<16xf32>,
    %add3A_31 = arith.addf %add3A_26, %get3A_30 : vector<16xf32>
    %get3A_32 = arith.constant 7 : i32
    %get3A_33 = arith.index_cast %get3A_32 : i32 to index
    %get3A_34 = arith.constant 0 : index
    %get3A_35 = tpu.vector_load %arg4[%get3A_33, %get3A_34] {strides = array<i32>} : memref<12x576xf32, #tpu.memory_space<vmem>>, vector<16xf32>,
    %add3A_36 = arith.addf %add3A_31, %get3A_35 : vector<16xf32>
    %get3A_37 = arith.constant 8 : i32
    %get3A_38 = arith.index_cast %get3A_37 : i32 to index
    %get3A_39 = arith.constant 0 : index
    %get3A_40 = tpu.vector_load %arg4[%get3A_38, %get3A_39] {strides = array<i32>} : memref<12x576xf32, #tpu.memory_space<vmem>>, vector<16xf32>,
    %add3A_41 = arith.addf %add3A_36, %get3A_40 : vector<16xf32>
    %get3A_42 = arith.constant 9 : i32
    %get3A_43 = arith.index_cast %get3A_42 : i32 to index
    %get3A_44 = arith.constant 0 : index
    %get3A_45 = tpu.vector_load %arg4[%get3A_43, %get3A_44] {strides = array<i32>} : memref<12x576xf32, #tpu.memory_space<vmem>>, vector<16xf32>,
    %add3A_46 = arith.addf %add3A_41, %get3A_45 : vector<16xf32>
    %get3A_47 = arith.constant 10 : i32
    %get3A_48 = arith.index_cast %get3A_47 : i32 to index
    %get3A_49 = arith.constant 0 : index
    %get3A_50 = tpu.vector_load %arg4[%get3A_48, %get3A_49] {strides = array<i32>} : memref<12x576xf32, #tpu.memory_space<vmem>>, vector<16xf32>,
    %add3A_51 = arith.addf %add3A_46, %get3A_50 : vector<16xf32>
    %get3A_52 = arith.constant 11 : i32
    %get3A_53 = arith.index_cast %get3A_52 : i32 to index
    %get3A_54 = arith.constant 0 : index
    %get3A_55 = tpu.vector_load %arg4[%get3A_53, %get3A_54] {strides = array<i32>} : memref<12x576xf32, #tpu.memory_space<vmem>>, vector<16xf32>,
    %add3A_56 = arith.addf %add3A_51, %get3A_55 : vector<16xf32>
    %swap3A = arith.constant 0 : index
    %swap3A_57 = tpu.vector_load %arg5[%swap3A] {strides = array<i32>} : memref<576xf32, #tpu.memory_space<vmem>>, vector<16xf32>,
    tpu.vector_store %arg5[%swap3A], %add3A_56 {strides = array<i32>} : memref<576xf32, #tpu.memory_space<vmem>>, vector<16xf32>,
    %bitcast_convert_type3A = tpu.bitcast %add3A_56 : vector<16xf32> -> vector<16xi32>
    %ge3A = arith.constant 0 : i32
    %ge3A_58 = vector.broadcast %ge3A : i32 to vector<16xi32>
    %ge3A_59 = arith.cmpi sge, %bitcast_convert_type3A, %ge3A_58 : vector<16xi32>
    %xor3A = arith.constant 2147483647 : i32
    %xor3A_60 = vector.broadcast %xor3A : i32 to vector<16xi32>
    %xor3A_61 = arith.xori %bitcast_convert_type3A, %xor3A_60 : vector<16xi32>
    %select_n3A = arith.select %ge3A_59, %bitcast_convert_type3A, %xor3A_61 : vector<16xi1>, vector<16xi32>
    %swap3A_62 = arith.constant 0 : index
    %swap3A_63 = tpu.vector_load %arg6[%swap3A_62] {strides = array<i32>} : memref<576xi32, #tpu.memory_space<vmem>>, vector<16xi32>,
    tpu.vector_store %arg6[%swap3A_62], %select_n3A {strides = array<i32>} : memref<576xi32, #tpu.memory_space<vmem>>, vector<16xi32>,
    %get3A_64 = arith.constant 0 : i32
    %get3A_65 = arith.index_cast %get3A_64 : i32 to index
    %get3A_66 = arith.constant 16 : index
    %get3A_67 = tpu.vector_load %arg4[%get3A_65, %get3A_66] {strides = array<i32>} : memref<12x576xf32, #tpu.memory_space<vmem>>, vector<16xf32>,
    %get3A_68 = arith.constant 1 : i32
    %get3A_69 = arith.index_cast %get3A_68 : i32 to index
    %get3A_70 = arith.constant 16 : index
    %get3A_71 = tpu.vector_load %arg4[%get3A_69, %get3A_70] {strides = array<i32>} : memref<12x576xf32, #tpu.memory_space<vmem>>, vector<16xf32>,
    %add3A_72 = arith.addf %get3A_67, %get3A_71 : vector<16xf32>
    %get3A_73 = arith.constant 2 : i32
    %get3A_74 = arith.index_cast %get3A_73 : i32 to index
    %get3A_75 = arith.constant 16 : index
    %get3A_76 = tpu.vector_load %arg4[%get3A_74, %get3A_75] {strides = array<i32>} : memref<12x576xf32, #tpu.memory_space<vmem>>, vector<16xf32>,
    %add3A_77 = arith.addf %add3A_72, %get3A_76 : vector<16xf32>
    %get3A_78 = arith.constant 3 : i32
    %get3A_79 = arith.index_cast %get3A_78 : i32 to index
    %get3A_80 = arith.constant 16 : index
    %get3A_81 = tpu.vector_load %arg4[%get3A_79, %get3A_80] {strides = array<i32>} : memref<12x576xf32, #tpu.memory_space<vmem>>, vector<16xf32>,
    %add3A_82 = arith.addf %add3A_77, %get3A_81 : vector<16xf32>
    %get3A_83 = arith.constant 4 : i32
    %get3A_84 = arith.index_cast %get3A_83 : i32 to index
    %get3A_85 = arith.constant 16 : index
    %get3A_86 = tpu.vector_load %arg4[%get3A_84, %get3A_85] {strides = array<i32>} : memref<12x576xf32, #tpu.memory_space<vmem>>, vector<16xf32>,
    %add3A_87 = arith.addf %add3A_82, %get3A_86 : vector<16xf32>
    %get3A_88 = arith.constant 5 : i32
    %get3A_89 = arith.index_cast %get3A_88 : i32 to index
    %get3A_90 = arith.constant 16 : index
    %get3A_91 = tpu.vector_load %arg4[%get3A_89, %get3A_90] {strides = array<i32>} : memref<12x576xf32, #tpu.memory_space<vmem>>, vector<16xf32>,
    %add3A_92 = arith.addf %add3A_87, %get3A_91 : vector<16xf32>
    %get3A_93 = arith.constant 6 : i32
    %get3A_94 = arith.index_cast %get3A_93 : i32 to index
    %get3A_95 = arith.constant 16 : index
    %get3A_96 = tpu.vector_load %arg4[%get3A_94, %get3A_95] {strides = array<i32>} : memref<12x576xf32, #tpu.memory_space<vmem>>, vector<16xf32>,
    %add3A_97 = arith.addf %add3A_92, %get3A_96 : vector<16xf32>
    %get3A_98 = arith.constant 7 : i32
    %get3A_99 = arith.index_cast %get3A_98 : i32 to index
    %get3A_100 = arith.constant 16 : index
    %get3A_101 = tpu.vector_load %arg4[%get3A_99, %get3A_100] {strides = array<i32>} : memref<12x576xf32, #tpu.memory_space<vmem>>, vector<16xf32>,
    %add3A_102 = arith.addf %add3A_97, %get3A_101 : vector<16xf32>
    %get3A_103 = arith.constant 8 : i32
    %get3A_104 = arith.index_cast %get3A_103 : i32 to index
    %get3A_105 = arith.constant 16 : index
    %get3A_106 = tpu.vector_load %arg4[%get3A_104, %get3A_105] {strides = array<i32>} : memref<12x576xf32, #tpu.memory_space<vmem>>, vector<16xf32>,
    %add3A_107 = arith.addf %add3A_102, %get3A_106 : vector<16xf32>
    %get3A_108 = arith.constant 9 : i32
    %get3A_109 = arith.index_cast %get3A_108 : i32 to index
    %get3A_110 = arith.constant 16 : index
    %get3A_111 = tpu.vector_load %arg4[%get3A_109, %get3A_110] {strides = array<i32>} : memref<12x576xf32, #tpu.memory_space<vmem>>, vector<16xf32>,
    %add3A_112 = arith.addf %add3A_107, %get3A_111 : vector<16xf32>
    %get3A_113 = arith.constant 10 : i32
    %get3A_114 = arith.index_cast %get3A_113 : i32 to index
    %get3A_115 = arith.constant 16 : index
    %get3A_116 = tpu.vector_load %arg4[%get3A_114, %get3A_115] {strides = array<i32>} : memref<12x576xf32, #tpu.memory_space<vmem>>, vector<16xf32>,
    %add3A_117 = arith.addf %add3A_112, %get3A_116 : vector<16xf32>
    %get3A_118 = arith.constant 11 : i32
    %get3A_119 = arith.index_cast %get3A_118 : i32 to index
    %get3A_120 = arith.constant 16 : index
    %get3A_121 = tpu.vector_load %arg4[%get3A_119, %get3A_120] {strides = array<i32>} : memref<12x576xf32, #tpu.memory_space<vmem>>, vector<16xf32>,
    %add3A_122 = arith.addf %add3A_117, %get3A_121 : vector<16xf32>
    %swap3A_123 = arith.constant 16 : index
    %swap3A_124 = tpu.vector_load %arg5[%swap3A_123] {strides = array<i32>} : memref<576xf32, #tpu.memory_space<vmem>>, vector<16xf32>,
    tpu.vector_store %arg5[%swap3A_123], %add3A_122 {strides = array<i32>} : memref<576xf32, #tpu.memory_space<vmem>>, vector<16xf32>,
    %bitcast_convert_type3A_125 = tpu.bitcast %add3A_122 : vector<16xf32> -> vector<16xi32>
    %ge3A_126 = arith.constant 0 : i32
    %ge3A_127 = vector.broadcast %ge3A_126 : i32 to vector<16xi32>
    %ge3A_128 = arith.cmpi sge, %bitcast_convert_type3A_125, %ge3A_127 : vector<16xi32>
    %xor3A_129 = arith.constant 2147483647 : i32
    %xor3A_130 = vector.broadcast %xor3A_129 : i32 to vector<16xi32>
    %xor3A_131 = arith.xori %bitcast_convert_type3A_125, %xor3A_130 : vector<16xi32>
    %select_n3A_132 = arith.select %ge3A_128, %bitcast_convert_type3A_125, %xor3A_131 : vector<16xi1>, vector<16xi32>
    %swap3A_133 = arith.constant 16 : index
    %swap3A_134 = tpu.vector_load %arg6[%swap3A_133] {strides = array<i32>} : memref<576xi32, #tpu.memory_space<vmem>>, vector<16xi32>,
    tpu.vector_store %arg6[%swap3A_133], %select_n3A_132 {strides = array<i32>} : memref<576xi32, #tpu.memory_space<vmem>>, vector<16xi32>,
    %get3A_135 = arith.constant 0 : i32
    %get3A_136 = arith.index_cast %get3A_135 : i32 to index
    %get3A_137 = arith.constant 32 : index
    %get3A_138 = tpu.vector_load %arg4[%get3A_136, %get3A_137] {strides = array<i32>} : memref<12x576xf32, #tpu.memory_space<vmem>>, vector<16xf32>,
    %get3A_139 = arith.constant 1 : i32
    %get3A_140 = arith.index_cast %get3A_139 : i32 to index
    %get3A_141 = arith.constant 32 : index
    %get3A_142 = tpu.vector_load %arg4[%get3A_140, %get3A_141] {strides = array<i32>} : memref<12x576xf32, #tpu.memory_space<vmem>>, vector<16xf32>,
    %add3A_143 = arith.addf %get3A_138, %get3A_142 : vector<16xf32>
    %get3A_144 = arith.constant 2 : i32
    %get3A_145 = arith.index_cast %get3A_144 : i32 to index
    %get3A_146 = arith.constant 32 : index
    %get3A_147 = tpu.vector_load %arg4[%get3A_145, %get3A_146] {strides = array<i32>} : memref<12x576xf32, #tpu.memory_space<vmem>>, vector<16xf32>,
    %add3A_148 = arith.addf %add3A_143, %get3A_147 : vector<16xf32>
    %get3A_149 = arith.constant 3 : i32
    %get3A_150 = arith.index_cast %get3A_149 : i32 to index
    %get3A_151 = arith.constant 32 : index
    %get3A_152 = tpu.vector_load %arg4[%get3A_150, %get3A_151] {strides = array<i32>} : memref<12x576xf32, #tpu.memory_space<vmem>>, vector<16xf32>,
    %add3A_153 = arith.addf %add3A_148, %get3A_152 : vector<16xf32>
    %get3A_154 = arith.constant 4 : i32
    %get3A_155 = arith.index_cast %get3A_154 : i32 to index
    %get3A_156 = arith.constant 32 : index
    %get3A_157 = tpu.vector_load %arg4[%get3A_155, %get3A_156] {strides = array<i32>} : memref<12x576xf32, #tpu.memory_space<vmem>>, vector<16xf32>,
    %add3A_158 = arith.addf %add3A_153, %get3A_157 : vector<16xf32>
    %get3A_159 = arith.constant 5 : i32
    %get3A_160 = arith.index_cast %get3A_159 : i32 to index
    %get3A_161 = arith.constant 32 : index
    %get3A_162 = tpu.vector_load %arg4[%get3A_160, %get3A_161] {strides = array<i32>} : memref<12x576xf32, #tpu.memory_space<vmem>>, vector<16xf32>,
    %add3A_163 = arith.addf %add3A_158, %get3A_162 : vector<16xf32>
    %get3A_164 = arith.constant 6 : i32
    %get3A_165 = arith.index_cast %get3A_164 : i32 to index
    %get3A_166 = arith.constant 32 : index
    %get3A_167 = tpu.vector_load %arg4[%get3A_165, %get3A_166] {strides = array<i32>} : memref<12x576xf32, #tpu.memory_space<vmem>>, vector<16xf32>,
    %add3A_168 = arith.addf %add3A_163, %get3A_167 : vector<16xf32>
    %get3A_169 = arith.constant 7 : i32
    %get3A_170 = arith.index_cast %get3A_169 : i32 to index
    %get3A_171 = arith.constant 32 : index
    %get3A_172 = tpu.vector_load %arg4[%get3A_170, %get3A_171] {strides = array<i32>} : memref<12x576xf32, #tpu.memory_space<vmem>>, vector<16xf32>,
    %add3A_173 = arith.addf %add3A_168, %get3A_172 : vector<16xf32>
    %get3A_174 = arith.constant 8 : i32
    %get3A_175 = arith.index_cast %get3A_174 : i32 to index
    %get3A_176 = arith.constant 32 : index
    %get3A_177 = tpu.vector_load %arg4[%get3A_175, %get3A_176] {strides = array<i32>} : memref<12x576xf32, #tpu.memory_space<vmem>>, vector<16xf32>,
    %add3A_178 = arith.addf %add3A_173, %get3A_177 : vector<16xf32>
    %get3A_179 = arith.constant 9 : i32
    %get3A_180 = arith.index_cast %get3A_179 : i32 to index
    %get3A_181 = arith.constant 32 : index
    %get3A_182 = tpu.vector_load %arg4[%get3A_180, %get3A_181] {strides = array<i32>} : memref<12x576xf32, #tpu.memory_space<vmem>>, vector<16xf32>,
    %add3A_183 = arith.addf %add3A_178, %get3A_182 : vector<16xf32>
    %get3A_184 = arith.constant 10 : i32
    %get3A_185 = arith.index_cast %get3A_184 : i32 to index
    %get3A_186 = arith.constant 32 : index
    %get3A_187 = tpu.vector_load %arg4[%get3A_185, %get3A_186] {strides = array<i32>} : memref<12x576xf32, #tpu.memory_space<vmem>>, vector<16xf32>,
    %add3A_188 = arith.addf %add3A_183, %get3A_187 : vector<16xf32>
    %get3A_189 = arith.constant 11 : i32
    %get3A_190 = arith.index_cast %get3A_189 : i32 to index
    %get3A_191 = arith.constant 32 : index
    %get3A_192 = tpu.vector_load %arg4[%get3A_190, %get3A_191] {strides = array<i32>} : memref<12x576xf32, #tpu.memory_space<vmem>>, vector<16xf32>,
    %add3A_193 = arith.addf %add3A_188, %get3A_192 : vector<16xf32>
    %swap3A_194 = arith.constant 32 : index
    %swap3A_195 = tpu.vector_load %arg5[%swap3A_194] {strides = array<i32>} : memref<576xf32, #tpu.memory_space<vmem>>, vector<16xf32>,
    tpu.vector_store %arg5[%swap3A_194], %add3A_193 {strides = array<i32>} : memref<576xf32, #tpu.memory_space<vmem>>, vector<16xf32>,
    %bitcast_convert_type3A_196 = tpu.bitcast %add3A_193 : vector<16xf32> -> vector<16xi32>
    %ge3A_197 = arith.constant 0 : i32
    %ge3A_198 = vector.broadcast %ge3A_197 : i32 to vector<16xi32>
    %ge3A_199 = arith.cmpi sge, %bitcast_convert_type3A_196, %ge3A_198 : vector<16xi32>
    %xor3A_200 = arith.constant 2147483647 : i32
    %xor3A_201 = vector.broadcast %xor3A_200 : i32 to vector<16xi32>
    %xor3A_202 = arith.xori %bitcast_convert_type3A_196, %xor3A_201 : vector<16xi32>
    %select_n3A_203 = arith.select %ge3A_199, %bitcast_convert_type3A_196, %xor3A_202 : vector<16xi1>, vector<16xi32>
    %swap3A_204 = arith.constant 32 : index
    %swap3A_205 = tpu.vector_load %arg6[%swap3A_204] {strides = array<i32>} : memref<576xi32, #tpu.memory_space<vmem>>, vector<16xi32>,
    tpu.vector_store %arg6[%swap3A_204], %select_n3A_203 {strides = array<i32>} : memref<576xi32, #tpu.memory_space<vmem>>, vector<16xi32>,
    %get3A_206 = arith.constant 0 : i32
    %get3A_207 = arith.index_cast %get3A_206 : i32 to index
    %get3A_208 = arith.constant 48 : index
    %get3A_209 = tpu.vector_load %arg4[%get3A_207, %get3A_208] {strides = array<i32>} : memref<12x576xf32, #tpu.memory_space<vmem>>, vector<16xf32>,
    %get3A_210 = arith.constant 1 : i32
    %get3A_211 = arith.index_cast %get3A_210 : i32 to index
    %get3A_212 = arith.constant 48 : index
    %get3A_213 = tpu.vector_load %arg4[%get3A_211, %get3A_212] {strides = array<i32>} : memref<12x576xf32, #tpu.memory_space<vmem>>, vector<16xf32>,
    %add3A_214 = arith.addf %get3A_209, %get3A_213 : vector<16xf32>
    %get3A_215 = arith.constant 2 : i32
    %get3A_216 = arith.index_cast %get3A_215 : i32 to index
    %get3A_217 = arith.constant 48 : index
    %get3A_218 = tpu.vector_load %arg4[%get3A_216, %get3A_217] {strides = array<i32>} : memref<12x576xf32, #tpu.memory_space<vmem>>, vector<16xf32>,
    %add3A_219 = arith.addf %add3A_214, %get3A_218 : vector<16xf32>
    %get3A_220 = arith.constant 3 : i32
    %get3A_221 = arith.index_cast %get3A_220 : i32 to index
    %get3A_222 = arith.constant 48 : index
    %get3A_223 = tpu.vector_load %arg4[%get3A_221, %get3A_222] {strides = array<i32>} : memref<12x576xf32, #tpu.memory_space<vmem>>, vector<16xf32>,
    %add3A_224 = arith.addf %add3A_219, %get3A_223 : vector<16xf32>
    %get3A_225 = arith.constant 4 : i32
    %get3A_226 = arith.index_cast %get3A_225 : i32 to index
    %get3A_227 = arith.constant 48 : index
    %get3A_228 = tpu.vector_load %arg4[%get3A_226, %get3A_227] {strides = array<i32>} : memref<12x576xf32, #tpu.memory_space<vmem>>, vector<16xf32>,
    %add3A_229 = arith.addf %add3A_224, %get3A_228 : vector<16xf32>
    %get3A_230 = arith.constant 5 : i32
    %get3A_231 = arith.index_cast %get3A_230 : i32 to index
    %get3A_232 = arith.constant 48 : index
    %get3A_233 = tpu.vector_load %arg4[%get3A_231, %get3A_232] {strides = array<i32>} : memref<12x576xf32, #tpu.memory_space<vmem>>, vector<16xf32>,
    %add3A_234 = arith.addf %add3A_229, %get3A_233 : vector<16xf32>
    %get3A_235 = arith.constant 6 : i32
    %get3A_236 = arith.index_cast %get3A_235 : i32 to index
    %get3A_237 = arith.constant 48 : index
    %get3A_238 = tpu.vector_load %arg4[%get3A_236, %get3A_237] {strides = array<i32>} : memref<12x576xf32, #tpu.memory_space<vmem>>, vector<16xf32>,
    %add3A_239 = arith.addf %add3A_234, %get3A_238 : vector<16xf32>
    %get3A_240 = arith.constant 7 : i32
    %get3A_241 = arith.index_cast %get3A_240 : i32 to index
    %get3A_242 = arith.constant 48 : index
    %get3A_243 = tpu.vector_load %arg4[%get3A_241, %get3A_242] {strides = array<i32>} : memref<12x576xf32, #tpu.memory_space<vmem>>, vector<16xf32>,
    %add3A_244 = arith.addf %add3A_239, %get3A_243 : vector<16xf32>
    %get3A_245 = arith.constant 8 : i32
    %get3A_246 = arith.index_cast %get3A_245 : i32 to index
    %get3A_247 = arith.constant 48 : index
    %get3A_248 = tpu.vector_load %arg4[%get3A_246, %get3A_247] {strides = array<i32>} : memref<12x576xf32, #tpu.memory_space<vmem>>, vector<16xf32>,
    %add3A_249 = arith.addf %add3A_244, %get3A_248 : vector<16xf32>
    %get3A_250 = arith.constant 9 : i32
    %get3A_251 = arith.index_cast %get3A_250 : i32 to index
    %get3A_252 = arith.constant 48 : index
    %get3A_253 = tpu.vector_load %arg4[%get3A_251, %get3A_252] {strides = array<i32>} : memref<12x576xf32, #tpu.memory_space<vmem>>, vector<16xf32>,
    %add3A_254 = arith.addf %add3A_249, %get3A_253 : vector<16xf32>
    %get3A_255 = arith.constant 10 : i32
    %get3A_256 = arith.index_cast %get3A_255 : i32 to index
    %get3A_257 = arith.constant 48 : index
    %get3A_258 = tpu.vector_load %arg4[%get3A_256, %get3A_257] {strides = array<i32>} : memref<12x576xf32, #tpu.memory_space<vmem>>, vector<16xf32>,
    %add3A_259 = arith.addf %add3A_254, %get3A_258 : vector<16xf32>
    %get3A_260 = arith.constant 11 : i32
    %get3A_261 = arith.index_cast %get3A_260 : i32 to index
    %get3A_262 = arith.constant 48 : index
    %get3A_263 = tpu.vector_load %arg4[%get3A_261, %get3A_262] {strides = array<i32>} : memref<12x576xf32, #tpu.memory_space<vmem>>, vector<16xf32>,
    %add3A_264 = arith.addf %add3A_259, %get3A_263 : vector<16xf32>
    %swap3A_265 = arith.constant 48 : index
    %swap3A_266 = tpu.vector_load %arg5[%swap3A_265] {strides = array<i32>} : memref<576xf32, #tpu.memory_space<vmem>>, vector<16xf32>,
    tpu.vector_store %arg5[%swap3A_265], %add3A_264 {strides = array<i32>} : memref<576xf32, #tpu.memory_space<vmem>>, vector<16xf32>,
    %bitcast_convert_type3A_267 = tpu.bitcast %add3A_264 : vector<16xf32> -> vector<16xi32>
    %ge3A_268 = arith.constant 0 : i32
    %ge3A_269 = vector.broadcast %ge3A_268 : i32 to vector<16xi32>
    %ge3A_270 = arith.cmpi sge, %bitcast_convert_type3A_267, %ge3A_269 : vector<16xi32>
    %xor3A_271 = arith.constant 2147483647 : i32
    %xor3A_272 = vector.broadcast %xor3A_271 : i32 to vector<16xi32>
    %xor3A_273 = arith.xori %bitcast_convert_type3A_267, %xor3A_272 : vector<16xi32>
    %select_n3A_274 = arith.select %ge3A_270, %bitcast_convert_type3A_267, %xor3A_273 : vector<16xi1>, vector<16xi32>
    %swap3A_275 = arith.constant 48 : index
    %swap3A_276 = tpu.vector_load %arg6[%swap3A_275] {strides = array<i32>} : memref<576xi32, #tpu.memory_space<vmem>>, vector<16xi32>,
    tpu.vector_store %arg6[%swap3A_275], %select_n3A_274 {strides = array<i32>} : memref<576xi32, #tpu.memory_space<vmem>>, vector<16xi32>,
    %get3A_277 = arith.constant 0 : i32
    %get3A_278 = arith.index_cast %get3A_277 : i32 to index
    %get3A_279 = arith.constant 64 : index
    %get3A_280 = tpu.vector_load %arg4[%get3A_278, %get3A_279] {strides = array<i32>} : memref<12x576xf32, #tpu.memory_space<vmem>>, vector<16xf32>,
    %get3A_281 = arith.constant 1 : i32
    %get3A_282 = arith.index_cast %get3A_281 : i32 to index
    %get3A_283 = arith.constant 64 : index
    %get3A_284 = tpu.vector_load %arg4[%get3A_282, %get3A_283] {strides = array<i32>} : memref<12x576xf32, #tpu.memory_space<vmem>>, vector<16xf32>,
    %add3A_285 = arith.addf %get3A_280, %get3A_284 : vector<16xf32>
    %get3A_286 = arith.constant 2 : i32
    %get3A_287 = arith.index_cast %get3A_286 : i32 to index
    %get3A_288 = arith.constant 64 : index
    %get3A_289 = tpu.vector_load %arg4[%get3A_287, %get3A_288] {strides = array<i32>} : memref<12x576xf32, #tpu.memory_space<vmem>>, vector<16xf32>,
    %add3A_290 = arith.addf %add3A_285, %get3A_289 : vector<16xf32>
    %get3A_291 = arith.constant 3 : i32
    %get3A_292 = arith.index_cast %get3A_291 : i32 to index
    %get3A_293 = arith.constant 64 : index
    %get3A_294 = tpu.vector_load %arg4[%get3A_292, %get3A_293] {strides = array<i32>} : memref<12x576xf32, #tpu.memory_space<vmem>>, vector<16xf32>,
    %add3A_295 = arith.addf %add3A_290, %get3A_294 : vector<16xf32>
    %get3A_296 = arith.constant 4 : i32
    %get3A_297 = arith.index_cast %get3A_296 : i32 to index
    %get3A_298 = arith.constant 64 : index
    %get3A_299 = tpu.vector_load %arg4[%get3A_297, %get3A_298] {strides = array<i32>} : memref<12x576xf32, #tpu.memory_space<vmem>>, vector<16xf32>,
    %add3A_300 = arith.addf %add3A_295, %get3A_299 : vector<16xf32>
    %get3A_301 = arith.constant 5 : i32
    %get3A_302 = arith.index_cast %get3A_301 : i32 to index
    %get3A_303 = arith.constant 64 : index
    %get3A_304 = tpu.vector_load %arg4[%get3A_302, %get3A_303] {strides = array<i32>} : memref<12x576xf32, #tpu.memory_space<vmem>>, vector<16xf32>,
    %add3A_305 = arith.addf %add3A_300, %get3A_304 : vector<16xf32>
    %get3A_306 = arith.constant 6 : i32
    %get3A_307 = arith.index_cast %get3A_306 : i32 to index
    %get3A_308 = arith.constant 64 : index
    %get3A_309 = tpu.vector_load %arg4[%get3A_307, %get3A_308] {strides = array<i32>} : memref<12x576xf32, #tpu.memory_space<vmem>>, vector<16xf32>,
    %add3A_310 = arith.addf %add3A_305, %get3A_309 : vector<16xf32>
    %get3A_311 = arith.constant 7 : i32
    %get3A_312 = arith.index_cast %get3A_311 : i32 to index
    %get3A_313 = arith.constant 64 : index
    %get3A_314 = tpu.vector_load %arg4[%get3A_312, %get3A_313] {strides = array<i32>} : memref<12x576xf32, #tpu.memory_space<vmem>>, vector<16xf32>,
    %add3A_315 = arith.addf %add3A_310, %get3A_314 : vector<16xf32>
    %get3A_316 = arith.constant 8 : i32
    %get3A_317 = arith.index_cast %get3A_316 : i32 to index
    %get3A_318 = arith.constant 64 : index
    %get3A_319 = tpu.vector_load %arg4[%get3A_317, %get3A_318] {strides = array<i32>} : memref<12x576xf32, #tpu.memory_space<vmem>>, vector<16xf32>,
    %add3A_320 = arith.addf %add3A_315, %get3A_319 : vector<16xf32>
    %get3A_321 = arith.constant 9 : i32
    %get3A_322 = arith.index_cast %get3A_321 : i32 to index
    %get3A_323 = arith.constant 64 : index
    %get3A_324 = tpu.vector_load %arg4[%get3A_322, %get3A_323] {strides = array<i32>} : memref<12x576xf32, #tpu.memory_space<vmem>>, vector<16xf32>,
    %add3A_325 = arith.addf %add3A_320, %get3A_324 : vector<16xf32>
    %get3A_326 = arith.constant 10 : i32
    %get3A_327 = arith.index_cast %get3A_326 : i32 to index
    %get3A_328 = arith.constant 64 : index
    %get3A_329 = tpu.vector_load %arg4[%get3A_327, %get3A_328] {strides = array<i32>} : memref<12x576xf32, #tpu.memory_space<vmem>>, vector<16xf32>,
    %add3A_330 = arith.addf %add3A_325, %get3A_329 : vector<16xf32>
    %get3A_331 = arith.constant 11 : i32
    %get3A_332 = arith.index_cast %get3A_331 : i32 to index
    %get3A_333 = arith.constant 64 : index
    %get3A_334 = tpu.vector_load %arg4[%get3A_332, %get3A_333] {strides = array<i32>} : memref<12x576xf32, #tpu.memory_space<vmem>>, vector<16xf32>,
    %add3A_335 = arith.addf %add3A_330, %get3A_334 : vector<16xf32>
    %swap3A_336 = arith.constant 64 : index
    %swap3A_337 = tpu.vector_load %arg5[%swap3A_336] {strides = array<i32>} : memref<576xf32, #tpu.memory_space<vmem>>, vector<16xf32>,
    tpu.vector_store %arg5[%swap3A_336], %add3A_335 {strides = array<i32>} : memref<576xf32, #tpu.memory_space<vmem>>, vector<16xf32>,
    %bitcast_convert_type3A_338 = tpu.bitcast %add3A_335 : vector<16xf32> -> vector<16xi32>
    %ge3A_339 = arith.constant 0 : i32
    %ge3A_340 = vector.broadcast %ge3A_339 : i32 to vector<16xi32>
    %ge3A_341 = arith.cmpi sge, %bitcast_convert_type3A_338, %ge3A_340 : vector<16xi32>
    %xor3A_342 = arith.constant 2147483647 : i32
    %xor3A_343 = vector.broadcast %xor3A_342 : i32 to vector<16xi32>
    %xor3A_344 = arith.xori %bitcast_convert_type3A_338, %xor3A_343 : vector<16xi32>
    %select_n3A_345 = arith.select %ge3A_341, %bitcast_convert_type3A_338, %xor3A_344 : vector<16xi1>, vector<16xi32>
    %swap3A_346 = arith.constant 64 : index
    %swap3A_347 = tpu.vector_load %arg6[%swap3A_346] {strides = array<i32>} : memref<576xi32, #tpu.memory_space<vmem>>, vector<16xi32>,
    tpu.vector_store %arg6[%swap3A_346], %select_n3A_345 {strides = array<i32>} : memref<576xi32, #tpu.memory_space<vmem>>, vector<16xi32>,
    %get3A_348 = arith.constant 0 : i32
    %get3A_349 = arith.index_cast %get3A_348 : i32 to index
    %get3A_350 = arith.constant 80 : index
    %get3A_351 = tpu.vector_load %arg4[%get3A_349, %get3A_350] {strides = array<i32>} : memref<12x576xf32, #tpu.memory_space<vmem>>, vector<16xf32>,
    %get3A_352 = arith.constant 1 : i32
    %get3A_353 = arith.index_cast %get3A_352 : i32 to index
    %get3A_354 = arith.constant 80 : index
    %get3A_355 = tpu.vector_load %arg4[%get3A_353, %get3A_354] {strides = array<i32>} : memref<12x576xf32, #tpu.memory_space<vmem>>, vector<16xf32>,
    %add3A_356 = arith.addf %get3A_351, %get3A_355 : vector<16xf32>
    %get3A_357 = arith.constant 2 : i32
    %get3A_358 = arith.index_cast %get3A_357 : i32 to index
    %get3A_359 = arith.constant 80 : index
    %get3A_360 = tpu.vector_load %arg4[%get3A_358, %get3A_359] {strides = array<i32>} : memref<12x576xf32, #tpu.memory_space<vmem>>, vector<16xf32>,
    %add3A_361 = arith.addf %add3A_356, %get3A_360 : vector<16xf32>
    %get3A_362 = arith.constant 3 : i32
    %get3A_363 = arith.index_cast %get3A_362 : i32 to index
    %get3A_364 = arith.constant 80 : index
    %get3A_365 = tpu.vector_load %arg4[%get3A_363, %get3A_364] {strides = array<i32>} : memref<12x576xf32, #tpu.memory_space<vmem>>, vector<16xf32>,
    %add3A_366 = arith.addf %add3A_361, %get3A_365 : vector<16xf32>
    %get3A_367 = arith.constant 4 : i32
    %get3A_368 = arith.index_cast %get3A_367 : i32 to index
    %get3A_369 = arith.constant 80 : index
    %get3A_370 = tpu.vector_load %arg4[%get3A_368, %get3A_369] {strides = array<i32>} : memref<12x576xf32, #tpu.memory_space<vmem>>, vector<16xf32>,
    %add3A_371 = arith.addf %add3A_366, %get3A_370 : vector<16xf32>
    %get3A_372 = arith.constant 5 : i32
    %get3A_373 = arith.index_cast %get3A_372 : i32 to index
    %get3A_374 = arith.constant 80 : index
    %get3A_375 = tpu.vector_load %arg4[%get3A_373, %get3A_374] {strides = array<i32>} : memref<12x576xf32, #tpu.memory_space<vmem>>, vector<16xf32>,
    %add3A_376 = arith.addf %add3A_371, %get3A_375 : vector<16xf32>
    %get3A_377 = arith.constant 6 : i32
    %get3A_378 = arith.index_cast %get3A_377 : i32 to index
    %get3A_379 = arith.constant 80 : index
    %get3A_380 = tpu.vector_load %arg4[%get3A_378, %get3A_379] {strides = array<i32>} : memref<12x576xf32, #tpu.memory_space<vmem>>, vector<16xf32>,
    %add3A_381 = arith.addf %add3A_376, %get3A_380 : vector<16xf32>
    %get3A_382 = arith.constant 7 : i32
    %get3A_383 = arith.index_cast %get3A_382 : i32 to index
    %get3A_384 = arith.constant 80 : index
    %get3A_385 = tpu.vector_load %arg4[%get3A_383, %get3A_384] {strides = array<i32>} : memref<12x576xf32, #tpu.memory_space<vmem>>, vector<16xf32>,
    %add3A_386 = arith.addf %add3A_381, %get3A_385 : vector<16xf32>
    %get3A_387 = arith.constant 8 : i32
    %get3A_388 = arith.index_cast %get3A_387 : i32 to index
    %get3A_389 = arith.constant 80 : index
    %get3A_390 = tpu.vector_load %arg4[%get3A_388, %get3A_389] {strides = array<i32>} : memref<12x576xf32, #tpu.memory_space<vmem>>, vector<16xf32>,
    %add3A_391 = arith.addf %add3A_386, %get3A_390 : vector<16xf32>
    %get3A_392 = arith.constant 9 : i32
    %get3A_393 = arith.index_cast %get3A_392 : i32 to index
    %get3A_394 = arith.constant 80 : index
    %get3A_395 = tpu.vector_load %arg4[%get3A_393, %get3A_394] {strides = array<i32>} : memref<12x576xf32, #tpu.memory_space<vmem>>, vector<16xf32>,
    %add3A_396 = arith.addf %add3A_391, %get3A_395 : vector<16xf32>
    %get3A_397 = arith.constant 10 : i32
    %get3A_398 = arith.index_cast %get3A_397 : i32 to index
    %get3A_399 = arith.constant 80 : index
    %get3A_400 = tpu.vector_load %arg4[%get3A_398, %get3A_399] {strides = array<i32>} : memref<12x576xf32, #tpu.memory_space<vmem>>, vector<16xf32>,
    %add3A_401 = arith.addf %add3A_396, %get3A_400 : vector<16xf32>
    %get3A_402 = arith.constant 11 : i32
    %get3A_403 = arith.index_cast %get3A_402 : i32 to index
    %get3A_404 = arith.constant 80 : index
    %get3A_405 = tpu.vector_load %arg4[%get3A_403, %get3A_404] {strides = array<i32>} : memref<12x576xf32, #tpu.memory_space<vmem>>, vector<16xf32>,
    %add3A_406 = arith.addf %add3A_401, %get3A_405 : vector<16xf32>
    %swap3A_407 = arith.constant 80 : index
    %swap3A_408 = tpu.vector_load %arg5[%swap3A_407] {strides = array<i32>} : memref<576xf32, #tpu.memory_space<vmem>>, vector<16xf32>,
    tpu.vector_store %arg5[%swap3A_407], %add3A_406 {strides = array<i32>} : memref<576xf32, #tpu.memory_space<vmem>>, vector<16xf32>,
    %bitcast_convert_type3A_409 = tpu.bitcast %add3A_406 : vector<16xf32> -> vector<16xi32>
    %ge3A_410 = arith.constant 0 : i32
    %ge3A_411 = vector.broadcast %ge3A_410 : i32 to vector<16xi32>
    %ge3A_412 = arith.cmpi sge, %bitcast_convert_type3A_409, %ge3A_411 : vector<16xi32>
    %xor3A_413 = arith.constant 2147483647 : i32
    %xor3A_414 = vector.broadcast %xor3A_413 : i32 to vector<16xi32>
    %xor3A_415 = arith.xori %bitcast_convert_type3A_409, %xor3A_414 : vector<16xi32>
    %select_n3A_416 = arith.select %ge3A_412, %bitcast_convert_type3A_409, %xor3A_415 : vector<16xi1>, vector<16xi32>
    %swap3A_417 = arith.constant 80 : index
    %swap3A_418 = tpu.vector_load %arg6[%swap3A_417] {strides = array<i32>} : memref<576xi32, #tpu.memory_space<vmem>>, vector<16xi32>,
    tpu.vector_store %arg6[%swap3A_417], %select_n3A_416 {strides = array<i32>} : memref<576xi32, #tpu.memory_space<vmem>>, vector<16xi32>,
    %get3A_419 = arith.constant 0 : i32
    %get3A_420 = arith.index_cast %get3A_419 : i32 to index
    %get3A_421 = arith.constant 96 : index
    %get3A_422 = tpu.vector_load %arg4[%get3A_420, %get3A_421] {strides = array<i32>} : memref<12x576xf32, #tpu.memory_space<vmem>>, vector<16xf32>,
    %get3A_423 = arith.constant 1 : i32
    %get3A_424 = arith.index_cast %get3A_423 : i32 to index
    %get3A_425 = arith.constant 96 : index
    %get3A_426 = tpu.vector_load %arg4[%get3A_424, %get3A_425] {strides = array<i32>} : memref<12x576xf32, #tpu.memory_space<vmem>>, vector<16xf32>,
    %add3A_427 = arith.addf %get3A_422, %get3A_426 : vector<16xf32>
    %get3A_428 = arith.constant 2 : i32
    %get3A_429 = arith.index_cast %get3A_428 : i32 to index
    %get3A_430 = arith.constant 96 : index
    %get3A_431 = tpu.vector_load %arg4[%get3A_429, %get3A_430] {strides = array<i32>} : memref<12x576xf32, #tpu.memory_space<vmem>>, vector<16xf32>,
    %add3A_432 = arith.addf %add3A_427, %get3A_431 : vector<16xf32>
    %get3A_433 = arith.constant 3 : i32
    %get3A_434 = arith.index_cast %get3A_433 : i32 to index
    %get3A_435 = arith.constant 96 : index
    %get3A_436 = tpu.vector_load %arg4[%get3A_434, %get3A_435] {strides = array<i32>} : memref<12x576xf32, #tpu.memory_space<vmem>>, vector<16xf32>,
    %add3A_437 = arith.addf %add3A_432, %get3A_436 : vector<16xf32>
    %get3A_438 = arith.constant 4 : i32
    %get3A_439 = arith.index_cast %get3A_438 : i32 to index
    %get3A_440 = arith.constant 96 : index
    %get3A_441 = tpu.vector_load %arg4[%get3A_439, %get3A_440] {strides = array<i32>} : memref<12x576xf32, #tpu.memory_space<vmem>>, vector<16xf32>,
    %add3A_442 = arith.addf %add3A_437, %get3A_441 : vector<16xf32>
    %get3A_443 = arith.constant 5 : i32
    %get3A_444 = arith.index_cast %get3A_443 : i32 to index
    %get3A_445 = arith.constant 96 : index
    %get3A_446 = tpu.vector_load %arg4[%get3A_444, %get3A_445] {strides = array<i32>} : memref<12x576xf32, #tpu.memory_space<vmem>>, vector<16xf32>,
    %add3A_447 = arith.addf %add3A_442, %get3A_446 : vector<16xf32>
    %get3A_448 = arith.constant 6 : i32
    %get3A_449 = arith.index_cast %get3A_448 : i32 to index
    %get3A_450 = arith.constant 96 : index
    %get3A_451 = tpu.vector_load %arg4[%get3A_449, %get3A_450] {strides = array<i32>} : memref<12x576xf32, #tpu.memory_space<vmem>>, vector<16xf32>,
    %add3A_452 = arith.addf %add3A_447, %get3A_451 : vector<16xf32>
    %get3A_453 = arith.constant 7 : i32
    %get3A_454 = arith.index_cast %get3A_453 : i32 to index
    %get3A_455 = arith.constant 96 : index
    %get3A_456 = tpu.vector_load %arg4[%get3A_454, %get3A_455] {strides = array<i32>} : memref<12x576xf32, #tpu.memory_space<vmem>>, vector<16xf32>,
    %add3A_457 = arith.addf %add3A_452, %get3A_456 : vector<16xf32>
    %get3A_458 = arith.constant 8 : i32
    %get3A_459 = arith.index_cast %get3A_458 : i32 to index
    %get3A_460 = arith.constant 96 : index
    %get3A_461 = tpu.vector_load %arg4[%get3A_459, %get3A_460] {strides = array<i32>} : memref<12x576xf32, #tpu.memory_space<vmem>>, vector<16xf32>,
    %add3A_462 = arith.addf %add3A_457, %get3A_461 : vector<16xf32>
    %get3A_463 = arith.constant 9 : i32
    %get3A_464 = arith.index_cast %get3A_463 : i32 to index
    %get3A_465 = arith.constant 96 : index
    %get3A_466 = tpu.vector_load %arg4[%get3A_464, %get3A_465] {strides = array<i32>} : memref<12x576xf32, #tpu.memory_space<vmem>>, vector<16xf32>,
    %add3A_467 = arith.addf %add3A_462, %get3A_466 : vector<16xf32>
    %get3A_468 = arith.constant 10 : i32
    %get3A_469 = arith.index_cast %get3A_468 : i32 to index
    %get3A_470 = arith.constant 96 : index
    %get3A_471 = tpu.vector_load %arg4[%get3A_469, %get3A_470] {strides = array<i32>} : memref<12x576xf32, #tpu.memory_space<vmem>>, vector<16xf32>,
    %add3A_472 = arith.addf %add3A_467, %get3A_471 : vector<16xf32>
    %get3A_473 = arith.constant 11 : i32
    %get3A_474 = arith.index_cast %get3A_473 : i32 to index
    %get3A_475 = arith.constant 96 : index
    %get3A_476 = tpu.vector_load %arg4[%get3A_474, %get3A_475] {strides = array<i32>} : memref<12x576xf32, #tpu.memory_space<vmem>>, vector<16xf32>,
    %add3A_477 = arith.addf %add3A_472, %get3A_476 : vector<16xf32>
    %swap3A_478 = arith.constant 96 : index
    %swap3A_479 = tpu.vector_load %arg5[%swap3A_478] {strides = array<i32>} : memref<576xf32, #tpu.memory_space<vmem>>, vector<16xf32>,
    tpu.vector_store %arg5[%swap3A_478], %add3A_477 {strides = array<i32>} : memref<576xf32, #tpu.memory_space<vmem>>, vector<16xf32>,
    %bitcast_convert_type3A_480 = tpu.bitcast %add3A_477 : vector<16xf32> -> vector<16xi32>
    %ge3A_481 = arith.constant 0 : i32
    %ge3A_482 = vector.broadcast %ge3A_481 : i32 to vector<16xi32>
    %ge3A_483 = arith.cmpi sge, %bitcast_convert_type3A_480, %ge3A_482 : vector<16xi32>
    %xor3A_484 = arith.constant 2147483647 : i32
    %xor3A_485 = vector.broadcast %xor3A_484 : i32 to vector<16xi32>
    %xor3A_486 = arith.xori %bitcast_convert_type3A_480, %xor3A_485 : vector<16xi32>
    %select_n3A_487 = arith.select %ge3A_483, %bitcast_convert_type3A_480, %xor3A_486 : vector<16xi1>, vector<16xi32>
    %swap3A_488 = arith.constant 96 : index
    %swap3A_489 = tpu.vector_load %arg6[%swap3A_488] {strides = array<i32>} : memref<576xi32, #tpu.memory_space<vmem>>, vector<16xi32>,
    tpu.vector_store %arg6[%swap3A_488], %select_n3A_487 {strides = array<i32>} : memref<576xi32, #tpu.memory_space<vmem>>, vector<16xi32>,
    %get3A_490 = arith.constant 0 : i32
    %get3A_491 = arith.index_cast %get3A_490 : i32 to index
    %get3A_492 = arith.constant 112 : index
    %get3A_493 = tpu.vector_load %arg4[%get3A_491, %get3A_492] {strides = array<i32>} : memref<12x576xf32, #tpu.memory_space<vmem>>, vector<16xf32>,
    %get3A_494 = arith.constant 1 : i32
    %get3A_495 = arith.index_cast %get3A_494 : i32 to index
    %get3A_496 = arith.constant 112 : index
    %get3A_497 = tpu.vector_load %arg4[%get3A_495, %get3A_496] {strides = array<i32>} : memref<12x576xf32, #tpu.memory_space<vmem>>, vector<16xf32>,
    %add3A_498 = arith.addf %get3A_493, %get3A_497 : vector<16xf32>
    %get3A_499 = arith.constant 2 : i32
    %get3A_500 = arith.index_cast %get3A_499 : i32 to index
    %get3A_501 = arith.constant 112 : index
    %get3A_502 = tpu.vector_load %arg4[%get3A_500, %get3A_501] {strides = array<i32>} : memref<12x576xf32, #tpu.memory_space<vmem>>, vector<16xf32>,
    %add3A_503 = arith.addf %add3A_498, %get3A_502 : vector<16xf32>
    %get3A_504 = arith.constant 3 : i32
    %get3A_505 = arith.index_cast %get3A_504 : i32 to index
    %get3A_506 = arith.constant 112 : index
    %get3A_507 = tpu.vector_load %arg4[%get3A_505, %get3A_506] {strides = array<i32>} : memref<12x576xf32, #tpu.memory_space<vmem>>, vector<16xf32>,
    %add3A_508 = arith.addf %add3A_503, %get3A_507 : vector<16xf32>
    %get3A_509 = arith.constant 4 : i32
    %get3A_510 = arith.index_cast %get3A_509 : i32 to index
    %get3A_511 = arith.constant 112 : index
    %get3A_512 = tpu.vector_load %arg4[%get3A_510, %get3A_511] {strides = array<i32>} : memref<12x576xf32, #tpu.memory_space<vmem>>, vector<16xf32>,
    %add3A_513 = arith.addf %add3A_508, %get3A_512 : vector<16xf32>
    %get3A_514 = arith.constant 5 : i32
    %get3A_515 = arith.index_cast %get3A_514 : i32 to index
    %get3A_516 = arith.constant 112 : index
    %get3A_517 = tpu.vector_load %arg4[%get3A_515, %get3A_516] {strides = array<i32>} : memref<12x576xf32, #tpu.memory_space<vmem>>, vector<16xf32>,
    %add3A_518 = arith.addf %add3A_513, %get3A_517 : vector<16xf32>
    %get3A_519 = arith.constant 6 : i32
    %get3A_520 = arith.index_cast %get3A_519 : i32 to index
    %get3A_521 = arith.constant 112 : index
    %get3A_522 = tpu.vector_load %arg4[%get3A_520, %get3A_521] {strides = array<i32>} : memref<12x576xf32, #tpu.memory_space<vmem>>, vector<16xf32>,
    %add3A_523 = arith.addf %add3A_518, %get3A_522 : vector<16xf32>
    %get3A_524 = arith.constant 7 : i32
    %get3A_525 = arith.index_cast %get3A_524 : i32 to index
    %get3A_526 = arith.constant 112 : index
    %get3A_527 = tpu.vector_load %arg4[%get3A_525, %get3A_526] {strides = array<i32>} : memref<12x576xf32, #tpu.memory_space<vmem>>, vector<16xf32>,
    %add3A_528 = arith.addf %add3A_523, %get3A_527 : vector<16xf32>
    %get3A_529 = arith.constant 8 : i32
    %get3A_530 = arith.index_cast %get3A_529 : i32 to index
    %get3A_531 = arith.constant 112 : index
    %get3A_532 = tpu.vector_load %arg4[%get3A_530, %get3A_531] {strides = array<i32>} : memref<12x576xf32, #tpu.memory_space<vmem>>, vector<16xf32>,
    %add3A_533 = arith.addf %add3A_528, %get3A_532 : vector<16xf32>
    %get3A_534 = arith.constant 9 : i32
    %get3A_535 = arith.index_cast %get3A_534 : i32 to index
    %get3A_536 = arith.constant 112 : index
    %get3A_537 = tpu.vector_load %arg4[%get3A_535, %get3A_536] {strides = array<i32>} : memref<12x576xf32, #tpu.memory_space<vmem>>, vector<16xf32>,
    %add3A_538 = arith.addf %add3A_533, %get3A_537 : vector<16xf32>
    %get3A_539 = arith.constant 10 : i32
    %get3A_540 = arith.index_cast %get3A_539 : i32 to index
    %get3A_541 = arith.constant 112 : index
    %get3A_542 = tpu.vector_load %arg4[%get3A_540, %get3A_541] {strides = array<i32>} : memref<12x576xf32, #tpu.memory_space<vmem>>, vector<16xf32>,
    %add3A_543 = arith.addf %add3A_538, %get3A_542 : vector<16xf32>
    %get3A_544 = arith.constant 11 : i32
    %get3A_545 = arith.index_cast %get3A_544 : i32 to index
    %get3A_546 = arith.constant 112 : index
    %get3A_547 = tpu.vector_load %arg4[%get3A_545, %get3A_546] {strides = array<i32>} : memref<12x576xf32, #tpu.memory_space<vmem>>, vector<16xf32>,
    %add3A_548 = arith.addf %add3A_543, %get3A_547 : vector<16xf32>
    %swap3A_549 = arith.constant 112 : index
    %swap3A_550 = tpu.vector_load %arg5[%swap3A_549] {strides = array<i32>} : memref<576xf32, #tpu.memory_space<vmem>>, vector<16xf32>,
    tpu.vector_store %arg5[%swap3A_549], %add3A_548 {strides = array<i32>} : memref<576xf32, #tpu.memory_space<vmem>>, vector<16xf32>,
    %bitcast_convert_type3A_551 = tpu.bitcast %add3A_548 : vector<16xf32> -> vector<16xi32>
    %ge3A_552 = arith.constant 0 : i32
    %ge3A_553 = vector.broadcast %ge3A_552 : i32 to vector<16xi32>
    %ge3A_554 = arith.cmpi sge, %bitcast_convert_type3A_551, %ge3A_553 : vector<16xi32>
    %xor3A_555 = arith.constant 2147483647 : i32
    %xor3A_556 = vector.broadcast %xor3A_555 : i32 to vector<16xi32>
    %xor3A_557 = arith.xori %bitcast_convert_type3A_551, %xor3A_556 : vector<16xi32>
    %select_n3A_558 = arith.select %ge3A_554, %bitcast_convert_type3A_551, %xor3A_557 : vector<16xi1>, vector<16xi32>
    %swap3A_559 = arith.constant 112 : index
    %swap3A_560 = tpu.vector_load %arg6[%swap3A_559] {strides = array<i32>} : memref<576xi32, #tpu.memory_space<vmem>>, vector<16xi32>,
    tpu.vector_store %arg6[%swap3A_559], %select_n3A_558 {strides = array<i32>} : memref<576xi32, #tpu.memory_space<vmem>>, vector<16xi32>,
    %get3A_561 = arith.constant 0 : i32
    %get3A_562 = arith.index_cast %get3A_561 : i32 to index
    %get3A_563 = arith.constant 128 : index
    %get3A_564 = tpu.vector_load %arg4[%get3A_562, %get3A_563] {strides = array<i32>} : memref<12x576xf32, #tpu.memory_space<vmem>>, vector<16xf32>,
    %get3A_565 = arith.constant 1 : i32
    %get3A_566 = arith.index_cast %get3A_565 : i32 to index
    %get3A_567 = arith.constant 128 : index
    %get3A_568 = tpu.vector_load %arg4[%get3A_566, %get3A_567] {strides = array<i32>} : memref<12x576xf32, #tpu.memory_space<vmem>>, vector<16xf32>,
    %add3A_569 = arith.addf %get3A_564, %get3A_568 : vector<16xf32>
    %get3A_570 = arith.constant 2 : i32
    %get3A_571 = arith.index_cast %get3A_570 : i32 to index
    %get3A_572 = arith.constant 128 : index
    %get3A_573 = tpu.vector_load %arg4[%get3A_571, %get3A_572] {strides = array<i32>} : memref<12x576xf32, #tpu.memory_space<vmem>>, vector<16xf32>,
    %add3A_574 = arith.addf %add3A_569, %get3A_573 : vector<16xf32>
    %get3A_575 = arith.constant 3 : i32
    %get3A_576 = arith.index_cast %get3A_575 : i32 to index
    %get3A_577 = arith.constant 128 : index
    %get3A_578 = tpu.vector_load %arg4[%get3A_576, %get3A_577] {strides = array<i32>} : memref<12x576xf32, #tpu.memory_space<vmem>>, vector<16xf32>,
    %add3A_579 = arith.addf %add3A_574, %get3A_578 : vector<16xf32>
    %get3A_580 = arith.constant 4 : i32
    %get3A_581 = arith.index_cast %get3A_580 : i32 to index
    %get3A_582 = arith.constant 128 : index
    %get3A_583 = tpu.vector_load %arg4[%get3A_581, %get3A_582] {strides = array<i32>} : memref<12x576xf32, #tpu.memory_space<vmem>>, vector<16xf32>,
    %add3A_584 = arith.addf %add3A_579, %get3A_583 : vector<16xf32>
    %get3A_585 = arith.constant 5 : i32
    %get3A_586 = arith.index_cast %get3A_585 : i32 to index
    %get3A_587 = arith.constant 128 : index
    %get3A_588 = tpu.vector_load %arg4[%get3A_586, %get3A_587] {strides = array<i32>} : memref<12x576xf32, #tpu.memory_space<vmem>>, vector<16xf32>,
    %add3A_589 = arith.addf %add3A_584, %get3A_588 : vector<16xf32>
    %get3A_590 = arith.constant 6 : i32
    %get3A_591 = arith.index_cast %get3A_590 : i32 to index
    %get3A_592 = arith.constant 128 : index
    %get3A_593 = tpu.vector_load %arg4[%get3A_591, %get3A_592] {strides = array<i32>} : memref<12x576xf32, #tpu.memory_space<vmem>>, vector<16xf32>,
    %add3A_594 = arith.addf %add3A_589, %get3A_593 : vector<16xf32>
    %get3A_595 = arith.constant 7 : i32
    %get3A_596 = arith.index_cast %get3A_595 : i32 to index
    %get3A_597 = arith.constant 128 : index
    %get3A_598 = tpu.vector_load %arg4[%get3A_596, %get3A_597] {strides = array<i32>} : memref<12x576xf32, #tpu.memory_space<vmem>>, vector<16xf32>,
    %add3A_599 = arith.addf %add3A_594, %get3A_598 : vector<16xf32>
    %get3A_600 = arith.constant 8 : i32
    %get3A_601 = arith.index_cast %get3A_600 : i32 to index
    %get3A_602 = arith.constant 128 : index
    %get3A_603 = tpu.vector_load %arg4[%get3A_601, %get3A_602] {strides = array<i32>} : memref<12x576xf32, #tpu.memory_space<vmem>>, vector<16xf32>,
    %add3A_604 = arith.addf %add3A_599, %get3A_603 : vector<16xf32>
    %get3A_605 = arith.constant 9 : i32
    %get3A_606 = arith.index_cast %get3A_605 : i32 to index
    %get3A_607 = arith.constant 128 : index
    %get3A_608 = tpu.vector_load %arg4[%get3A_606, %get3A_607] {strides = array<i32>} : memref<12x576xf32, #tpu.memory_space<vmem>>, vector<16xf32>,
    %add3A_609 = arith.addf %add3A_604, %get3A_608 : vector<16xf32>
    %get3A_610 = arith.constant 10 : i32
    %get3A_611 = arith.index_cast %get3A_610 : i32 to index
    %get3A_612 = arith.constant 128 : index
    %get3A_613 = tpu.vector_load %arg4[%get3A_611, %get3A_612] {strides = array<i32>} : memref<12x576xf32, #tpu.memory_space<vmem>>, vector<16xf32>,
    %add3A_614 = arith.addf %add3A_609, %get3A_613 : vector<16xf32>
    %get3A_615 = arith.constant 11 : i32
    %get3A_616 = arith.index_cast %get3A_615 : i32 to index
    %get3A_617 = arith.constant 128 : index
    %get3A_618 = tpu.vector_load %arg4[%get3A_616, %get3A_617] {strides = array<i32>} : memref<12x576xf32, #tpu.memory_space<vmem>>, vector<16xf32>,
    %add3A_619 = arith.addf %add3A_614, %get3A_618 : vector<16xf32>
    %swap3A_620 = arith.constant 128 : index
    %swap3A_621 = tpu.vector_load %arg5[%swap3A_620] {strides = array<i32>} : memref<576xf32, #tpu.memory_space<vmem>>, vector<16xf32>,
    tpu.vector_store %arg5[%swap3A_620], %add3A_619 {strides = array<i32>} : memref<576xf32, #tpu.memory_space<vmem>>, vector<16xf32>,
    %bitcast_convert_type3A_622 = tpu.bitcast %add3A_619 : vector<16xf32> -> vector<16xi32>
    %ge3A_623 = arith.constant 0 : i32
    %ge3A_624 = vector.broadcast %ge3A_623 : i32 to vector<16xi32>
    %ge3A_625 = arith.cmpi sge, %bitcast_convert_type3A_622, %ge3A_624 : vector<16xi32>
    %xor3A_626 = arith.constant 2147483647 : i32
    %xor3A_627 = vector.broadcast %xor3A_626 : i32 to vector<16xi32>
    %xor3A_628 = arith.xori %bitcast_convert_type3A_622, %xor3A_627 : vector<16xi32>
    %select_n3A_629 = arith.select %ge3A_625, %bitcast_convert_type3A_622, %xor3A_628 : vector<16xi1>, vector<16xi32>
    %swap3A_630 = arith.constant 128 : index
    %swap3A_631 = tpu.vector_load %arg6[%swap3A_630] {strides = array<i32>} : memref<576xi32, #tpu.memory_space<vmem>>, vector<16xi32>,
    tpu.vector_store %arg6[%swap3A_630], %select_n3A_629 {strides = array<i32>} : memref<576xi32, #tpu.memory_space<vmem>>, vector<16xi32>,
    %get3A_632 = arith.constant 0 : i32
    %get3A_633 = arith.index_cast %get3A_632 : i32 to index
    %get3A_634 = arith.constant 144 : index
    %get3A_635 = tpu.vector_load %arg4[%get3A_633, %get3A_634] {strides = array<i32>} : memref<12x576xf32, #tpu.memory_space<vmem>>, vector<16xf32>,
    %get3A_636 = arith.constant 1 : i32
    %get3A_637 = arith.index_cast %get3A_636 : i32 to index
    %get3A_638 = arith.constant 144 : index
    %get3A_639 = tpu.vector_load %arg4[%get3A_637, %get3A_638] {strides = array<i32>} : memref<12x576xf32, #tpu.memory_space<vmem>>, vector<16xf32>,
    %add3A_640 = arith.addf %get3A_635, %get3A_639 : vector<16xf32>
    %get3A_641 = arith.constant 2 : i32
    %get3A_642 = arith.index_cast %get3A_641 : i32 to index
    %get3A_643 = arith.constant 144 : index
    %get3A_644 = tpu.vector_load %arg4[%get3A_642, %get3A_643] {strides = array<i32>} : memref<12x576xf32, #tpu.memory_space<vmem>>, vector<16xf32>,
    %add3A_645 = arith.addf %add3A_640, %get3A_644 : vector<16xf32>
    %get3A_646 = arith.constant 3 : i32
    %get3A_647 = arith.index_cast %get3A_646 : i32 to index
    %get3A_648 = arith.constant 144 : index
    %get3A_649 = tpu.vector_load %arg4[%get3A_647, %get3A_648] {strides = array<i32>} : memref<12x576xf32, #tpu.memory_space<vmem>>, vector<16xf32>,
    %add3A_650 = arith.addf %add3A_645, %get3A_649 : vector<16xf32>
    %get3A_651 = arith.constant 4 : i32
    %get3A_652 = arith.index_cast %get3A_651 : i32 to index
    %get3A_653 = arith.constant 144 : index
    %get3A_654 = tpu.vector_load %arg4[%get3A_652, %get3A_653] {strides = array<i32>} : memref<12x576xf32, #tpu.memory_space<vmem>>, vector<16xf32>,
    %add3A_655 = arith.addf %add3A_650, %get3A_654 : vector<16xf32>
    %get3A_656 = arith.constant 5 : i32
    %get3A_657 = arith.index_cast %get3A_656 : i32 to index
    %get3A_658 = arith.constant 144 : index
    %get3A_659 = tpu.vector_load %arg4[%get3A_657, %get3A_658] {strides = array<i32>} : memref<12x576xf32, #tpu.memory_space<vmem>>, vector<16xf32>,
    %add3A_660 = arith.addf %add3A_655, %get3A_659 : vector<16xf32>
    %get3A_661 = arith.constant 6 : i32
    %get3A_662 = arith.index_cast %get3A_661 : i32 to index
    %get3A_663 = arith.constant 144 : index
    %get3A_664 = tpu.vector_load %arg4[%get3A_662, %get3A_663] {strides = array<i32>} : memref<12x576xf32, #tpu.memory_space<vmem>>, vector<16xf32>,
    %add3A_665 = arith.addf %add3A_660, %get3A_664 : vector<16xf32>
    %get3A_666 = arith.constant 7 : i32
    %get3A_667 = arith.index_cast %get3A_666 : i32 to index
    %get3A_668 = arith.constant 144 : index
    %get3A_669 = tpu.vector_load %arg4[%get3A_667, %get3A_668] {strides = array<i32>} : memref<12x576xf32, #tpu.memory_space<vmem>>, vector<16xf32>,
    %add3A_670 = arith.addf %add3A_665, %get3A_669 : vector<16xf32>
    %get3A_671 = arith.constant 8 : i32
    %get3A_672 = arith.index_cast %get3A_671 : i32 to index
    %get3A_673 = arith.constant 144 : index
    %get3A_674 = tpu.vector_load %arg4[%get3A_672, %get3A_673] {strides = array<i32>} : memref<12x576xf32, #tpu.memory_space<vmem>>, vector<16xf32>,
    %add3A_675 = arith.addf %add3A_670, %get3A_674 : vector<16xf32>
    %get3A_676 = arith.constant 9 : i32
    %get3A_677 = arith.index_cast %get3A_676 : i32 to index
    %get3A_678 = arith.constant 144 : index
    %get3A_679 = tpu.vector_load %arg4[%get3A_677, %get3A_678] {strides = array<i32>} : memref<12x576xf32, #tpu.memory_space<vmem>>, vector<16xf32>,
    %add3A_680 = arith.addf %add3A_675, %get3A_679 : vector<16xf32>
    %get3A_681 = arith.constant 10 : i32
    %get3A_682 = arith.index_cast %get3A_681 : i32 to index
    %get3A_683 = arith.constant 144 : index
    %get3A_684 = tpu.vector_load %arg4[%get3A_682, %get3A_683] {strides = array<i32>} : memref<12x576xf32, #tpu.memory_space<vmem>>, vector<16xf32>,
    %add3A_685 = arith.addf %add3A_680, %get3A_684 : vector<16xf32>
    %get3A_686 = arith.constant 11 : i32
    %get3A_687 = arith.index_cast %get3A_686 : i32 to index
    %get3A_688 = arith.constant 144 : index
    %get3A_689 = tpu.vector_load %arg4[%get3A_687, %get3A_688] {strides = array<i32>} : memref<12x576xf32, #tpu.memory_space<vmem>>, vector<16xf32>,
    %add3A_690 = arith.addf %add3A_685, %get3A_689 : vector<16xf32>
    %swap3A_691 = arith.constant 144 : index
    %swap3A_692 = tpu.vector_load %arg5[%swap3A_691] {strides = array<i32>} : memref<576xf32, #tpu.memory_space<vmem>>, vector<16xf32>,
    tpu.vector_store %arg5[%swap3A_691], %add3A_690 {strides = array<i32>} : memref<576xf32, #tpu.memory_space<vmem>>, vector<16xf32>,
    %bitcast_convert_type3A_693 = tpu.bitcast %add3A_690 : vector<16xf32> -> vector<16xi32>
    %ge3A_694 = arith.constant 0 : i32
    %ge3A_695 = vector.broadcast %ge3A_694 : i32 to vector<16xi32>
    %ge3A_696 = arith.cmpi sge, %bitcast_convert_type3A_693, %ge3A_695 : vector<16xi32>
    %xor3A_697 = arith.constant 2147483647 : i32
    %xor3A_698 = vector.broadcast %xor3A_697 : i32 to vector<16xi32>
    %xor3A_699 = arith.xori %bitcast_convert_type3A_693, %xor3A_698 : vector<16xi32>
    %select_n3A_700 = arith.select %ge3A_696, %bitcast_convert_type3A_693, %xor3A_699 : vector<16xi1>, vector<16xi32>
    %swap3A_701 = arith.constant 144 : index
    %swap3A_702 = tpu.vector_load %arg6[%swap3A_701] {strides = array<i32>} : memref<576xi32, #tpu.memory_space<vmem>>, vector<16xi32>,
    tpu.vector_store %arg6[%swap3A_701], %select_n3A_700 {strides = array<i32>} : memref<576xi32, #tpu.memory_space<vmem>>, vector<16xi32>,
    %get3A_703 = arith.constant 0 : i32
    %get3A_704 = arith.index_cast %get3A_703 : i32 to index
    %get3A_705 = arith.constant 160 : index
    %get3A_706 = tpu.vector_load %arg4[%get3A_704, %get3A_705] {strides = array<i32>} : memref<12x576xf32, #tpu.memory_space<vmem>>, vector<16xf32>,
    %get3A_707 = arith.constant 1 : i32
    %get3A_708 = arith.index_cast %get3A_707 : i32 to index
    %get3A_709 = arith.constant 160 : index
    %get3A_710 = tpu.vector_load %arg4[%get3A_708, %get3A_709] {strides = array<i32>} : memref<12x576xf32, #tpu.memory_space<vmem>>, vector<16xf32>,
    %add3A_711 = arith.addf %get3A_706, %get3A_710 : vector<16xf32>
    %get3A_712 = arith.constant 2 : i32
    %get3A_713 = arith.index_cast %get3A_712 : i32 to index
    %get3A_714 = arith.constant 160 : index
    %get3A_715 = tpu.vector_load %arg4[%get3A_713, %get3A_714] {strides = array<i32>} : memref<12x576xf32, #tpu.memory_space<vmem>>, vector<16xf32>,
    %add3A_716 = arith.addf %add3A_711, %get3A_715 : vector<16xf32>
    %get3A_717 = arith.constant 3 : i32
    %get3A_718 = arith.index_cast %get3A_717 : i32 to index
    %get3A_719 = arith.constant 160 : index
    %get3A_720 = tpu.vector_load %arg4[%get3A_718, %get3A_719] {strides = array<i32>} : memref<12x576xf32, #tpu.memory_space<vmem>>, vector<16xf32>,
    %add3A_721 = arith.addf %add3A_716, %get3A_720 : vector<16xf32>
    %get3A_722 = arith.constant 4 : i32
    %get3A_723 = arith.index_cast %get3A_722 : i32 to index
    %get3A_724 = arith.constant 160 : index
    %get3A_725 = tpu.vector_load %arg4[%get3A_723, %get3A_724] {strides = array<i32>} : memref<12x576xf32, #tpu.memory_space<vmem>>, vector<16xf32>,
    %add3A_726 = arith.addf %add3A_721, %get3A_725 : vector<16xf32>
    %get3A_727 = arith.constant 5 : i32
    %get3A_728 = arith.index_cast %get3A_727 : i32 to index
    %get3A_729 = arith.constant 160 : index
    %get3A_730 = tpu.vector_load %arg4[%get3A_728, %get3A_729] {strides = array<i32>} : memref<12x576xf32, #tpu.memory_space<vmem>>, vector<16xf32>,
    %add3A_731 = arith.addf %add3A_726, %get3A_730 : vector<16xf32>
    %get3A_732 = arith.constant 6 : i32
    %get3A_733 = arith.index_cast %get3A_732 : i32 to index
    %get3A_734 = arith.constant 160 : index
    %get3A_735 = tpu.vector_load %arg4[%get3A_733, %get3A_734] {strides = array<i32>} : memref<12x576xf32, #tpu.memory_space<vmem>>, vector<16xf32>,
    %add3A_736 = arith.addf %add3A_731, %get3A_735 : vector<16xf32>
    %get3A_737 = arith.constant 7 : i32
    %get3A_738 = arith.index_cast %get3A_737 : i32 to index
    %get3A_739 = arith.constant 160 : index
    %get3A_740 = tpu.vector_load %arg4[%get3A_738, %get3A_739] {strides = array<i32>} : memref<12x576xf32, #tpu.memory_space<vmem>>, vector<16xf32>,
    %add3A_741 = arith.addf %add3A_736, %get3A_740 : vector<16xf32>
    %get3A_742 = arith.constant 8 : i32
    %get3A_743 = arith.index_cast %get3A_742 : i32 to index
    %get3A_744 = arith.constant 160 : index
    %get3A_745 = tpu.vector_load %arg4[%get3A_743, %get3A_744] {strides = array<i32>} : memref<12x576xf32, #tpu.memory_space<vmem>>, vector<16xf32>,
    %add3A_746 = arith.addf %add3A_741, %get3A_745 : vector<16xf32>
    %get3A_747 = arith.constant 9 : i32
    %get3A_748 = arith.index_cast %get3A_747 : i32 to index
    %get3A_749 = arith.constant 160 : index
    %get3A_750 = tpu.vector_load %arg4[%get3A_748, %get3A_749] {strides = array<i32>} : memref<12x576xf32, #tpu.memory_space<vmem>>, vector<16xf32>,
    %add3A_751 = arith.addf %add3A_746, %get3A_750 : vector<16xf32>
    %get3A_752 = arith.constant 10 : i32
    %get3A_753 = arith.index_cast %get3A_752 : i32 to index
    %get3A_754 = arith.constant 160 : index
    %get3A_755 = tpu.vector_load %arg4[%get3A_753, %get3A_754] {strides = array<i32>} : memref<12x576xf32, #tpu.memory_space<vmem>>, vector<16xf32>,
    %add3A_756 = arith.addf %add3A_751, %get3A_755 : vector<16xf32>
    %get3A_757 = arith.constant 11 : i32
    %get3A_758 = arith.index_cast %get3A_757 : i32 to index
    %get3A_759 = arith.constant 160 : index
    %get3A_760 = tpu.vector_load %arg4[%get3A_758, %get3A_759] {strides = array<i32>} : memref<12x576xf32, #tpu.memory_space<vmem>>, vector<16xf32>,
    %add3A_761 = arith.addf %add3A_756, %get3A_760 : vector<16xf32>
    %swap3A_762 = arith.constant 160 : index
    %swap3A_763 = tpu.vector_load %arg5[%swap3A_762] {strides = array<i32>} : memref<576xf32, #tpu.memory_space<vmem>>, vector<16xf32>,
    tpu.vector_store %arg5[%swap3A_762], %add3A_761 {strides = array<i32>} : memref<576xf32, #tpu.memory_space<vmem>>, vector<16xf32>,
    %bitcast_convert_type3A_764 = tpu.bitcast %add3A_761 : vector<16xf32> -> vector<16xi32>
    %ge3A_765 = arith.constant 0 : i32
    %ge3A_766 = vector.broadcast %ge3A_765 : i32 to vector<16xi32>
    %ge3A_767 = arith.cmpi sge, %bitcast_convert_type3A_764, %ge3A_766 : vector<16xi32>
    %xor3A_768 = arith.constant 2147483647 : i32
    %xor3A_769 = vector.broadcast %xor3A_768 : i32 to vector<16xi32>
    %xor3A_770 = arith.xori %bitcast_convert_type3A_764, %xor3A_769 : vector<16xi32>
    %select_n3A_771 = arith.select %ge3A_767, %bitcast_convert_type3A_764, %xor3A_770 : vector<16xi1>, vector<16xi32>
    %swap3A_772 = arith.constant 160 : index
    %swap3A_773 = tpu.vector_load %arg6[%swap3A_772] {strides = array<i32>} : memref<576xi32, #tpu.memory_space<vmem>>, vector<16xi32>,
    tpu.vector_store %arg6[%swap3A_772], %select_n3A_771 {strides = array<i32>} : memref<576xi32, #tpu.memory_space<vmem>>, vector<16xi32>,
    %get3A_774 = arith.constant 0 : i32
    %get3A_775 = arith.index_cast %get3A_774 : i32 to index
    %get3A_776 = arith.constant 176 : index
    %get3A_777 = tpu.vector_load %arg4[%get3A_775, %get3A_776] {strides = array<i32>} : memref<12x576xf32, #tpu.memory_space<vmem>>, vector<16xf32>,
    %get3A_778 = arith.constant 1 : i32
    %get3A_779 = arith.index_cast %get3A_778 : i32 to index
    %get3A_780 = arith.constant 176 : index
    %get3A_781 = tpu.vector_load %arg4[%get3A_779, %get3A_780] {strides = array<i32>} : memref<12x576xf32, #tpu.memory_space<vmem>>, vector<16xf32>,
    %add3A_782 = arith.addf %get3A_777, %get3A_781 : vector<16xf32>
    %get3A_783 = arith.constant 2 : i32
    %get3A_784 = arith.index_cast %get3A_783 : i32 to index
    %get3A_785 = arith.constant 176 : index
    %get3A_786 = tpu.vector_load %arg4[%get3A_784, %get3A_785] {strides = array<i32>} : memref<12x576xf32, #tpu.memory_space<vmem>>, vector<16xf32>,
    %add3A_787 = arith.addf %add3A_782, %get3A_786 : vector<16xf32>
    %get3A_788 = arith.constant 3 : i32
    %get3A_789 = arith.index_cast %get3A_788 : i32 to index
    %get3A_790 = arith.constant 176 : index
    %get3A_791 = tpu.vector_load %arg4[%get3A_789, %get3A_790] {strides = array<i32>} : memref<12x576xf32, #tpu.memory_space<vmem>>, vector<16xf32>,
    %add3A_792 = arith.addf %add3A_787, %get3A_791 : vector<16xf32>
    %get3A_793 = arith.constant 4 : i32
    %get3A_794 = arith.index_cast %get3A_793 : i32 to index
    %get3A_795 = arith.constant 176 : index
    %get3A_796 = tpu.vector_load %arg4[%get3A_794, %get3A_795] {strides = array<i32>} : memref<12x576xf32, #tpu.memory_space<vmem>>, vector<16xf32>,
    %add3A_797 = arith.addf %add3A_792, %get3A_796 : vector<16xf32>
    %get3A_798 = arith.constant 5 : i32
    %get3A_799 = arith.index_cast %get3A_798 : i32 to index
    %get3A_800 = arith.constant 176 : index
    %get3A_801 = tpu.vector_load %arg4[%get3A_799, %get3A_800] {strides = array<i32>} : memref<12x576xf32, #tpu.memory_space<vmem>>, vector<16xf32>,
    %add3A_802 = arith.addf %add3A_797, %get3A_801 : vector<16xf32>
    %get3A_803 = arith.constant 6 : i32
    %get3A_804 = arith.index_cast %get3A_803 : i32 to index
    %get3A_805 = arith.constant 176 : index
    %get3A_806 = tpu.vector_load %arg4[%get3A_804, %get3A_805] {strides = array<i32>} : memref<12x576xf32, #tpu.memory_space<vmem>>, vector<16xf32>,
    %add3A_807 = arith.addf %add3A_802, %get3A_806 : vector<16xf32>
    %get3A_808 = arith.constant 7 : i32
    %get3A_809 = arith.index_cast %get3A_808 : i32 to index
    %get3A_810 = arith.constant 176 : index
    %get3A_811 = tpu.vector_load %arg4[%get3A_809, %get3A_810] {strides = array<i32>} : memref<12x576xf32, #tpu.memory_space<vmem>>, vector<16xf32>,
    %add3A_812 = arith.addf %add3A_807, %get3A_811 : vector<16xf32>
    %get3A_813 = arith.constant 8 : i32
    %get3A_814 = arith.index_cast %get3A_813 : i32 to index
    %get3A_815 = arith.constant 176 : index
    %get3A_816 = tpu.vector_load %arg4[%get3A_814, %get3A_815] {strides = array<i32>} : memref<12x576xf32, #tpu.memory_space<vmem>>, vector<16xf32>,
    %add3A_817 = arith.addf %add3A_812, %get3A_816 : vector<16xf32>
    %get3A_818 = arith.constant 9 : i32
    %get3A_819 = arith.index_cast %get3A_818 : i32 to index
    %get3A_820 = arith.constant 176 : index
    %get3A_821 = tpu.vector_load %arg4[%get3A_819, %get3A_820] {strides = array<i32>} : memref<12x576xf32, #tpu.memory_space<vmem>>, vector<16xf32>,
    %add3A_822 = arith.addf %add3A_817, %get3A_821 : vector<16xf32>
    %get3A_823 = arith.constant 10 : i32
    %get3A_824 = arith.index_cast %get3A_823 : i32 to index
    %get3A_825 = arith.constant 176 : index
    %get3A_826 = tpu.vector_load %arg4[%get3A_824, %get3A_825] {strides = array<i32>} : memref<12x576xf32, #tpu.memory_space<vmem>>, vector<16xf32>,
    %add3A_827 = arith.addf %add3A_822, %get3A_826 : vector<16xf32>
    %get3A_828 = arith.constant 11 : i32
    %get3A_829 = arith.index_cast %get3A_828 : i32 to index
    %get3A_830 = arith.constant 176 : index
    %get3A_831 = tpu.vector_load %arg4[%get3A_829, %get3A_830] {strides = array<i32>} : memref<12x576xf32, #tpu.memory_space<vmem>>, vector<16xf32>,
    %add3A_832 = arith.addf %add3A_827, %get3A_831 : vector<16xf32>
    %swap3A_833 = arith.constant 176 : index
    %swap3A_834 = tpu.vector_load %arg5[%swap3A_833] {strides = array<i32>} : memref<576xf32, #tpu.memory_space<vmem>>, vector<16xf32>,
    tpu.vector_store %arg5[%swap3A_833], %add3A_832 {strides = array<i32>} : memref<576xf32, #tpu.memory_space<vmem>>, vector<16xf32>,
    %bitcast_convert_type3A_835 = tpu.bitcast %add3A_832 : vector<16xf32> -> vector<16xi32>
    %ge3A_836 = arith.constant 0 : i32
    %ge3A_837 = vector.broadcast %ge3A_836 : i32 to vector<16xi32>
    %ge3A_838 = arith.cmpi sge, %bitcast_convert_type3A_835, %ge3A_837 : vector<16xi32>
    %xor3A_839 = arith.constant 2147483647 : i32
    %xor3A_840 = vector.broadcast %xor3A_839 : i32 to vector<16xi32>
    %xor3A_841 = arith.xori %bitcast_convert_type3A_835, %xor3A_840 : vector<16xi32>
    %select_n3A_842 = arith.select %ge3A_838, %bitcast_convert_type3A_835, %xor3A_841 : vector<16xi1>, vector<16xi32>
    %swap3A_843 = arith.constant 176 : index
    %swap3A_844 = tpu.vector_load %arg6[%swap3A_843] {strides = array<i32>} : memref<576xi32, #tpu.memory_space<vmem>>, vector<16xi32>,
    tpu.vector_store %arg6[%swap3A_843], %select_n3A_842 {strides = array<i32>} : memref<576xi32, #tpu.memory_space<vmem>>, vector<16xi32>,
    %get3A_845 = arith.constant 0 : i32
    %get3A_846 = arith.index_cast %get3A_845 : i32 to index
    %get3A_847 = arith.constant 192 : index
    %get3A_848 = tpu.vector_load %arg4[%get3A_846, %get3A_847] {strides = array<i32>} : memref<12x576xf32, #tpu.memory_space<vmem>>, vector<16xf32>,
    %get3A_849 = arith.constant 1 : i32
    %get3A_850 = arith.index_cast %get3A_849 : i32 to index
    %get3A_851 = arith.constant 192 : index
    %get3A_852 = tpu.vector_load %arg4[%get3A_850, %get3A_851] {strides = array<i32>} : memref<12x576xf32, #tpu.memory_space<vmem>>, vector<16xf32>,
    %add3A_853 = arith.addf %get3A_848, %get3A_852 : vector<16xf32>
    %get3A_854 = arith.constant 2 : i32
    %get3A_855 = arith.index_cast %get3A_854 : i32 to index
    %get3A_856 = arith.constant 192 : index
    %get3A_857 = tpu.vector_load %arg4[%get3A_855, %get3A_856] {strides = array<i32>} : memref<12x576xf32, #tpu.memory_space<vmem>>, vector<16xf32>,
    %add3A_858 = arith.addf %add3A_853, %get3A_857 : vector<16xf32>
    %get3A_859 = arith.constant 3 : i32
    %get3A_860 = arith.index_cast %get3A_859 : i32 to index
    %get3A_861 = arith.constant 192 : index
    %get3A_862 = tpu.vector_load %arg4[%get3A_860, %get3A_861] {strides = array<i32>} : memref<12x576xf32, #tpu.memory_space<vmem>>, vector<16xf32>,
    %add3A_863 = arith.addf %add3A_858, %get3A_862 : vector<16xf32>
    %get3A_864 = arith.constant 4 : i32
    %get3A_865 = arith.index_cast %get3A_864 : i32 to index
    %get3A_866 = arith.constant 192 : index
    %get3A_867 = tpu.vector_load %arg4[%get3A_865, %get3A_866] {strides = array<i32>} : memref<12x576xf32, #tpu.memory_space<vmem>>, vector<16xf32>,
    %add3A_868 = arith.addf %add3A_863, %get3A_867 : vector<16xf32>
    %get3A_869 = arith.constant 5 : i32
    %get3A_870 = arith.index_cast %get3A_869 : i32 to index
    %get3A_871 = arith.constant 192 : index
    %get3A_872 = tpu.vector_load %arg4[%get3A_870, %get3A_871] {strides = array<i32>} : memref<12x576xf32, #tpu.memory_space<vmem>>, vector<16xf32>,
    %add3A_873 = arith.addf %add3A_868, %get3A_872 : vector<16xf32>
    %get3A_874 = arith.constant 6 : i32
    %get3A_875 = arith.index_cast %get3A_874 : i32 to index
    %get3A_876 = arith.constant 192 : index
    %get3A_877 = tpu.vector_load %arg4[%get3A_875, %get3A_876] {strides = array<i32>} : memref<12x576xf32, #tpu.memory_space<vmem>>, vector<16xf32>,
    %add3A_878 = arith.addf %add3A_873, %get3A_877 : vector<16xf32>
    %get3A_879 = arith.constant 7 : i32
    %get3A_880 = arith.index_cast %get3A_879 : i32 to index
    %get3A_881 = arith.constant 192 : index
    %get3A_882 = tpu.vector_load %arg4[%get3A_880, %get3A_881] {strides = array<i32>} : memref<12x576xf32, #tpu.memory_space<vmem>>, vector<16xf32>,
    %add3A_883 = arith.addf %add3A_878, %get3A_882 : vector<16xf32>
    %get3A_884 = arith.constant 8 : i32
    %get3A_885 = arith.index_cast %get3A_884 : i32 to index
    %get3A_886 = arith.constant 192 : index
    %get3A_887 = tpu.vector_load %arg4[%get3A_885, %get3A_886] {strides = array<i32>} : memref<12x576xf32, #tpu.memory_space<vmem>>, vector<16xf32>,
    %add3A_888 = arith.addf %add3A_883, %get3A_887 : vector<16xf32>
    %get3A_889 = arith.constant 9 : i32
    %get3A_890 = arith.index_cast %get3A_889 : i32 to index
    %get3A_891 = arith.constant 192 : index
    %get3A_892 = tpu.vector_load %arg4[%get3A_890, %get3A_891] {strides = array<i32>} : memref<12x576xf32, #tpu.memory_space<vmem>>, vector<16xf32>,
    %add3A_893 = arith.addf %add3A_888, %get3A_892 : vector<16xf32>
    %get3A_894 = arith.constant 10 : i32
    %get3A_895 = arith.index_cast %get3A_894 : i32 to index
    %get3A_896 = arith.constant 192 : index
    %get3A_897 = tpu.vector_load %arg4[%get3A_895, %get3A_896] {strides = array<i32>} : memref<12x576xf32, #tpu.memory_space<vmem>>, vector<16xf32>,
    %add3A_898 = arith.addf %add3A_893, %get3A_897 : vector<16xf32>
    %get3A_899 = arith.constant 11 : i32
    %get3A_900 = arith.index_cast %get3A_899 : i32 to index
    %get3A_901 = arith.constant 192 : index
    %get3A_902 = tpu.vector_load %arg4[%get3A_900, %get3A_901] {strides = array<i32>} : memref<12x576xf32, #tpu.memory_space<vmem>>, vector<16xf32>,
    %add3A_903 = arith.addf %add3A_898, %get3A_902 : vector<16xf32>
    %swap3A_904 = arith.constant 192 : index
    %swap3A_905 = tpu.vector_load %arg5[%swap3A_904] {strides = array<i32>} : memref<576xf32, #tpu.memory_space<vmem>>, vector<16xf32>,
    tpu.vector_store %arg5[%swap3A_904], %add3A_903 {strides = array<i32>} : memref<576xf32, #tpu.memory_space<vmem>>, vector<16xf32>,
    %bitcast_convert_type3A_906 = tpu.bitcast %add3A_903 : vector<16xf32> -> vector<16xi32>
    %ge3A_907 = arith.constant 0 : i32
    %ge3A_908 = vector.broadcast %ge3A_907 : i32 to vector<16xi32>
    %ge3A_909 = arith.cmpi sge, %bitcast_convert_type3A_906, %ge3A_908 : vector<16xi32>
    %xor3A_910 = arith.constant 2147483647 : i32
    %xor3A_911 = vector.broadcast %xor3A_910 : i32 to vector<16xi32>
    %xor3A_912 = arith.xori %bitcast_convert_type3A_906, %xor3A_911 : vector<16xi32>
    %select_n3A_913 = arith.select %ge3A_909, %bitcast_convert_type3A_906, %xor3A_912 : vector<16xi1>, vector<16xi32>
    %swap3A_914 = arith.constant 192 : index
    %swap3A_915 = tpu.vector_load %arg6[%swap3A_914] {strides = array<i32>} : memref<576xi32, #tpu.memory_space<vmem>>, vector<16xi32>,
    tpu.vector_store %arg6[%swap3A_914], %select_n3A_913 {strides = array<i32>} : memref<576xi32, #tpu.memory_space<vmem>>, vector<16xi32>,
    %get3A_916 = arith.constant 0 : i32
    %get3A_917 = arith.index_cast %get3A_916 : i32 to index
    %get3A_918 = arith.constant 208 : index
    %get3A_919 = tpu.vector_load %arg4[%get3A_917, %get3A_918] {strides = array<i32>} : memref<12x576xf32, #tpu.memory_space<vmem>>, vector<16xf32>,
    %get3A_920 = arith.constant 1 : i32
    %get3A_921 = arith.index_cast %get3A_920 : i32 to index
    %get3A_922 = arith.constant 208 : index
    %get3A_923 = tpu.vector_load %arg4[%get3A_921, %get3A_922] {strides = array<i32>} : memref<12x576xf32, #tpu.memory_space<vmem>>, vector<16xf32>,
    %add3A_924 = arith.addf %get3A_919, %get3A_923 : vector<16xf32>
    %get3A_925 = arith.constant 2 : i32
    %get3A_926 = arith.index_cast %get3A_925 : i32 to index
    %get3A_927 = arith.constant 208 : index
    %get3A_928 = tpu.vector_load %arg4[%get3A_926, %get3A_927] {strides = array<i32>} : memref<12x576xf32, #tpu.memory_space<vmem>>, vector<16xf32>,
    %add3A_929 = arith.addf %add3A_924, %get3A_928 : vector<16xf32>
    %get3A_930 = arith.constant 3 : i32
    %get3A_931 = arith.index_cast %get3A_930 : i32 to index
    %get3A_932 = arith.constant 208 : index
    %get3A_933 = tpu.vector_load %arg4[%get3A_931, %get3A_932] {strides = array<i32>} : memref<12x576xf32, #tpu.memory_space<vmem>>, vector<16xf32>,
    %add3A_934 = arith.addf %add3A_929, %get3A_933 : vector<16xf32>
    %get3A_935 = arith.constant 4 : i32
    %get3A_936 = arith.index_cast %get3A_935 : i32 to index
    %get3A_937 = arith.constant 208 : index
    %get3A_938 = tpu.vector_load %arg4[%get3A_936, %get3A_937] {strides = array<i32>} : memref<12x576xf32, #tpu.memory_space<vmem>>, vector<16xf32>,
    %add3A_939 = arith.addf %add3A_934, %get3A_938 : vector<16xf32>
    %get3A_940 = arith.constant 5 : i32
    %get3A_941 = arith.index_cast %get3A_940 : i32 to index
    %get3A_942 = arith.constant 208 : index
    %get3A_943 = tpu.vector_load %arg4[%get3A_941, %get3A_942] {strides = array<i32>} : memref<12x576xf32, #tpu.memory_space<vmem>>, vector<16xf32>,
    %add3A_944 = arith.addf %add3A_939, %get3A_943 : vector<16xf32>
    %get3A_945 = arith.constant 6 : i32
    %get3A_946 = arith.index_cast %get3A_945 : i32 to index
    %get3A_947 = arith.constant 208 : index
    %get3A_948 = tpu.vector_load %arg4[%get3A_946, %get3A_947] {strides = array<i32>} : memref<12x576xf32, #tpu.memory_space<vmem>>, vector<16xf32>,
    %add3A_949 = arith.addf %add3A_944, %get3A_948 : vector<16xf32>
    %get3A_950 = arith.constant 7 : i32
    %get3A_951 = arith.index_cast %get3A_950 : i32 to index
    %get3A_952 = arith.constant 208 : index
    %get3A_953 = tpu.vector_load %arg4[%get3A_951, %get3A_952] {strides = array<i32>} : memref<12x576xf32, #tpu.memory_space<vmem>>, vector<16xf32>,
    %add3A_954 = arith.addf %add3A_949, %get3A_953 : vector<16xf32>
    %get3A_955 = arith.constant 8 : i32
    %get3A_956 = arith.index_cast %get3A_955 : i32 to index
    %get3A_957 = arith.constant 208 : index
    %get3A_958 = tpu.vector_load %arg4[%get3A_956, %get3A_957] {strides = array<i32>} : memref<12x576xf32, #tpu.memory_space<vmem>>, vector<16xf32>,
    %add3A_959 = arith.addf %add3A_954, %get3A_958 : vector<16xf32>
    %get3A_960 = arith.constant 9 : i32
    %get3A_961 = arith.index_cast %get3A_960 : i32 to index
    %get3A_962 = arith.constant 208 : index
    %get3A_963 = tpu.vector_load %arg4[%get3A_961, %get3A_962] {strides = array<i32>} : memref<12x576xf32, #tpu.memory_space<vmem>>, vector<16xf32>,
    %add3A_964 = arith.addf %add3A_959, %get3A_963 : vector<16xf32>
    %get3A_965 = arith.constant 10 : i32
    %get3A_966 = arith.index_cast %get3A_965 : i32 to index
    %get3A_967 = arith.constant 208 : index
    %get3A_968 = tpu.vector_load %arg4[%get3A_966, %get3A_967] {strides = array<i32>} : memref<12x576xf32, #tpu.memory_space<vmem>>, vector<16xf32>,
    %add3A_969 = arith.addf %add3A_964, %get3A_968 : vector<16xf32>
    %get3A_970 = arith.constant 11 : i32
    %get3A_971 = arith.index_cast %get3A_970 : i32 to index
    %get3A_972 = arith.constant 208 : index
    %get3A_973 = tpu.vector_load %arg4[%get3A_971, %get3A_972] {strides = array<i32>} : memref<12x576xf32, #tpu.memory_space<vmem>>, vector<16xf32>,
    %add3A_974 = arith.addf %add3A_969, %get3A_973 : vector<16xf32>
    %swap3A_975 = arith.constant 208 : index
    %swap3A_976 = tpu.vector_load %arg5[%swap3A_975] {strides = array<i32>} : memref<576xf32, #tpu.memory_space<vmem>>, vector<16xf32>,
    tpu.vector_store %arg5[%swap3A_975], %add3A_974 {strides = array<i32>} : memref<576xf32, #tpu.memory_space<vmem>>, vector<16xf32>,
    %bitcast_convert_type3A_977 = tpu.bitcast %add3A_974 : vector<16xf32> -> vector<16xi32>
    %ge3A_978 = arith.constant 0 : i32
    %ge3A_979 = vector.broadcast %ge3A_978 : i32 to vector<16xi32>
    %ge3A_980 = arith.cmpi sge, %bitcast_convert_type3A_977, %ge3A_979 : vector<16xi32>
    %xor3A_981 = arith.constant 2147483647 : i32
    %xor3A_982 = vector.broadcast %xor3A_981 : i32 to vector<16xi32>
    %xor3A_983 = arith.xori %bitcast_convert_type3A_977, %xor3A_982 : vector<16xi32>
    %select_n3A_984 = arith.select %ge3A_980, %bitcast_convert_type3A_977, %xor3A_983 : vector<16xi1>, vector<16xi32>
    %swap3A_985 = arith.constant 208 : index
    %swap3A_986 = tpu.vector_load %arg6[%swap3A_985] {strides = array<i32>} : memref<576xi32, #tpu.memory_space<vmem>>, vector<16xi32>,
    tpu.vector_store %arg6[%swap3A_985], %select_n3A_984 {strides = array<i32>} : memref<576xi32, #tpu.memory_space<vmem>>, vector<16xi32>,
    %get3A_987 = arith.constant 0 : i32
    %get3A_988 = arith.index_cast %get3A_987 : i32 to index
    %get3A_989 = arith.constant 224 : index
    %get3A_990 = tpu.vector_load %arg4[%get3A_988, %get3A_989] {strides = array<i32>} : memref<12x576xf32, #tpu.memory_space<vmem>>, vector<16xf32>,
    %get3A_991 = arith.constant 1 : i32
    %get3A_992 = arith.index_cast %get3A_991 : i32 to index
    %get3A_993 = arith.constant 224 : index
    %get3A_994 = tpu.vector_load %arg4[%get3A_992, %get3A_993] {strides = array<i32>} : memref<12x576xf32, #tpu.memory_space<vmem>>, vector<16xf32>,
    %add3A_995 = arith.addf %get3A_990, %get3A_994 : vector<16xf32>
    %get3A_996 = arith.constant 2 : i32
    %get3A_997 = arith.index_cast %get3A_996 : i32 to index
    %get3A_998 = arith.constant 224 : index
    %get3A_999 = tpu.vector_load %arg4[%get3A_997, %get3A_998] {strides = array<i32>} : memref<12x576xf32, #tpu.memory_space<vmem>>, vector<16xf32>,
    %add3A_1000 = arith.addf %add3A_995, %get3A_999 : vector<16xf32>
    %get3A_1001 = arith.constant 3 : i32
    %get3A_1002 = arith.index_cast %get3A_1001 : i32 to index
    %get3A_1003 = arith.constant 224 : index
    %get3A_1004 = tpu.vector_load %arg4[%get3A_1002, %get3A_1003] {strides = array<i32>} : memref<12x576xf32, #tpu.memory_space<vmem>>, vector<16xf32>,
    %add3A_1005 = arith.addf %add3A_1000, %get3A_1004 : vector<16xf32>
    %get3A_1006 = arith.constant 4 : i32
    %get3A_1007 = arith.index_cast %get3A_1006 : i32 to index
    %get3A_1008 = arith.constant 224 : index
    %get3A_1009 = tpu.vector_load %arg4[%get3A_1007, %get3A_1008] {strides = array<i32>} : memref<12x576xf32, #tpu.memory_space<vmem>>, vector<16xf32>,
    %add3A_1010 = arith.addf %add3A_1005, %get3A_1009 : vector<16xf32>
    %get3A_1011 = arith.constant 5 : i32
    %get3A_1012 = arith.index_cast %get3A_1011 : i32 to index
    %get3A_1013 = arith.constant 224 : index
    %get3A_1014 = tpu.vector_load %arg4[%get3A_1012, %get3A_1013] {strides = array<i32>} : memref<12x576xf32, #tpu.memory_space<vmem>>, vector<16xf32>,
    %add3A_1015 = arith.addf %add3A_1010, %get3A_1014 : vector<16xf32>
    %get3A_1016 = arith.constant 6 : i32
    %get3A_1017 = arith.index_cast %get3A_1016 : i32 to index
    %get3A_1018 = arith.constant 224 : index
    %get3A_1019 = tpu.vector_load %arg4[%get3A_1017, %get3A_1018] {strides = array<i32>} : memref<12x576xf32, #tpu.memory_space<vmem>>, vector<16xf32>,
    %add3A_1020 = arith.addf %add3A_1015, %get3A_1019 : vector<16xf32>
    %get3A_1021 = arith.constant 7 : i32
    %get3A_1022 = arith.index_cast %get3A_1021 : i32 to index
    %get3A_1023 = arith.constant 224 : index
    %get3A_1024 = tpu.vector_load %arg4[%get3A_1022, %get3A_1023] {strides = array<i32>} : memref<12x576xf32, #tpu.memory_space<vmem>>, vector<16xf32>,
    %add3A_1025 = arith.addf %add3A_1020, %get3A_1024 : vector<16xf32>
    %get3A_1026 = arith.constant 8 : i32
    %get3A_1027 = arith.index_cast %get3A_1026 : i32 to index
    %get3A_1028 = arith.constant 224 : index
    %get3A_1029 = tpu.vector_load %arg4[%get3A_1027, %get3A_1028] {strides = array<i32>} : memref<12x576xf32, #tpu.memory_space<vmem>>, vector<16xf32>,
    %add3A_1030 = arith.addf %add3A_1025, %get3A_1029 : vector<16xf32>
    %get3A_1031 = arith.constant 9 : i32
    %get3A_1032 = arith.index_cast %get3A_1031 : i32 to index
    %get3A_1033 = arith.constant 224 : index
    %get3A_1034 = tpu.vector_load %arg4[%get3A_1032, %get3A_1033] {strides = array<i32>} : memref<12x576xf32, #tpu.memory_space<vmem>>, vector<16xf32>,
    %add3A_1035 = arith.addf %add3A_1030, %get3A_1034 : vector<16xf32>
    %get3A_1036 = arith.constant 10 : i32
    %get3A_1037 = arith.index_cast %get3A_1036 : i32 to index
    %get3A_1038 = arith.constant 224 : index
    %get3A_1039 = tpu.vector_load %arg4[%get3A_1037, %get3A_1038] {strides = array<i32>} : memref<12x576xf32, #tpu.memory_space<vmem>>, vector<16xf32>,
    %add3A_1040 = arith.addf %add3A_1035, %get3A_1039 : vector<16xf32>
    %get3A_1041 = arith.constant 11 : i32
    %get3A_1042 = arith.index_cast %get3A_1041 : i32 to index
    %get3A_1043 = arith.constant 224 : index
    %get3A_1044 = tpu.vector_load %arg4[%get3A_1042, %get3A_1043] {strides = array<i32>} : memref<12x576xf32, #tpu.memory_space<vmem>>, vector<16xf32>,
    %add3A_1045 = arith.addf %add3A_1040, %get3A_1044 : vector<16xf32>
    %swap3A_1046 = arith.constant 224 : index
    %swap3A_1047 = tpu.vector_load %arg5[%swap3A_1046] {strides = array<i32>} : memref<576xf32, #tpu.memory_space<vmem>>, vector<16xf32>,
    tpu.vector_store %arg5[%swap3A_1046], %add3A_1045 {strides = array<i32>} : memref<576xf32, #tpu.memory_space<vmem>>, vector<16xf32>,
    %bitcast_convert_type3A_1048 = tpu.bitcast %add3A_1045 : vector<16xf32> -> vector<16xi32>
    %ge3A_1049 = arith.constant 0 : i32
    %ge3A_1050 = vector.broadcast %ge3A_1049 : i32 to vector<16xi32>
    %ge3A_1051 = arith.cmpi sge, %bitcast_convert_type3A_1048, %ge3A_1050 : vector<16xi32>
    %xor3A_1052 = arith.constant 2147483647 : i32
    %xor3A_1053 = vector.broadcast %xor3A_1052 : i32 to vector<16xi32>
    %xor3A_1054 = arith.xori %bitcast_convert_type3A_1048, %xor3A_1053 : vector<16xi32>
    %select_n3A_1055 = arith.select %ge3A_1051, %bitcast_convert_type3A_1048, %xor3A_1054 : vector<16xi1>, vector<16xi32>
    %swap3A_1056 = arith.constant 224 : index
    %swap3A_1057 = tpu.vector_load %arg6[%swap3A_1056] {strides = array<i32>} : memref<576xi32, #tpu.memory_space<vmem>>, vector<16xi32>,
    tpu.vector_store %arg6[%swap3A_1056], %select_n3A_1055 {strides = array<i32>} : memref<576xi32, #tpu.memory_space<vmem>>, vector<16xi32>,
    %get3A_1058 = arith.constant 0 : i32
    %get3A_1059 = arith.index_cast %get3A_1058 : i32 to index
    %get3A_1060 = arith.constant 240 : index
    %get3A_1061 = tpu.vector_load %arg4[%get3A_1059, %get3A_1060] {strides = array<i32>} : memref<12x576xf32, #tpu.memory_space<vmem>>, vector<16xf32>,
    %get3A_1062 = arith.constant 1 : i32
    %get3A_1063 = arith.index_cast %get3A_1062 : i32 to index
    %get3A_1064 = arith.constant 240 : index
    %get3A_1065 = tpu.vector_load %arg4[%get3A_1063, %get3A_1064] {strides = array<i32>} : memref<12x576xf32, #tpu.memory_space<vmem>>, vector<16xf32>,
    %add3A_1066 = arith.addf %get3A_1061, %get3A_1065 : vector<16xf32>
    %get3A_1067 = arith.constant 2 : i32
    %get3A_1068 = arith.index_cast %get3A_1067 : i32 to index
    %get3A_1069 = arith.constant 240 : index
    %get3A_1070 = tpu.vector_load %arg4[%get3A_1068, %get3A_1069] {strides = array<i32>} : memref<12x576xf32, #tpu.memory_space<vmem>>, vector<16xf32>,
    %add3A_1071 = arith.addf %add3A_1066, %get3A_1070 : vector<16xf32>
    %get3A_1072 = arith.constant 3 : i32
    %get3A_1073 = arith.index_cast %get3A_1072 : i32 to index
    %get3A_1074 = arith.constant 240 : index
    %get3A_1075 = tpu.vector_load %arg4[%get3A_1073, %get3A_1074] {strides = array<i32>} : memref<12x576xf32, #tpu.memory_space<vmem>>, vector<16xf32>,
    %add3A_1076 = arith.addf %add3A_1071, %get3A_1075 : vector<16xf32>
    %get3A_1077 = arith.constant 4 : i32
    %get3A_1078 = arith.index_cast %get3A_1077 : i32 to index
    %get3A_1079 = arith.constant 240 : index
    %get3A_1080 = tpu.vector_load %arg4[%get3A_1078, %get3A_1079] {strides = array<i32>} : memref<12x576xf32, #tpu.memory_space<vmem>>, vector<16xf32>,
    %add3A_1081 = arith.addf %add3A_1076, %get3A_1080 : vector<16xf32>
    %get3A_1082 = arith.constant 5 : i32
    %get3A_1083 = arith.index_cast %get3A_1082 : i32 to index
    %get3A_1084 = arith.constant 240 : index
    %get3A_1085 = tpu.vector_load %arg4[%get3A_1083, %get3A_1084] {strides = array<i32>} : memref<12x576xf32, #tpu.memory_space<vmem>>, vector<16xf32>,
    %add3A_1086 = arith.addf %add3A_1081, %get3A_1085 : vector<16xf32>
    %get3A_1087 = arith.constant 6 : i32
    %get3A_1088 = arith.index_cast %get3A_1087 : i32 to index
    %get3A_1089 = arith.constant 240 : index
    %get3A_1090 = tpu.vector_load %arg4[%get3A_1088, %get3A_1089] {strides = array<i32>} : memref<12x576xf32, #tpu.memory_space<vmem>>, vector<16xf32>,
    %add3A_1091 = arith.addf %add3A_1086, %get3A_1090 : vector<16xf32>
    %get3A_1092 = arith.constant 7 : i32
    %get3A_1093 = arith.index_cast %get3A_1092 : i32 to index
    %get3A_1094 = arith.constant 240 : index
    %get3A_1095 = tpu.vector_load %arg4[%get3A_1093, %get3A_1094] {strides = array<i32>} : memref<12x576xf32, #tpu.memory_space<vmem>>, vector<16xf32>,
    %add3A_1096 = arith.addf %add3A_1091, %get3A_1095 : vector<16xf32>
    %get3A_1097 = arith.constant 8 : i32
    %get3A_1098 = arith.index_cast %get3A_1097 : i32 to index
    %get3A_1099 = arith.constant 240 : index
    %get3A_1100 = tpu.vector_load %arg4[%get3A_1098, %get3A_1099] {strides = array<i32>} : memref<12x576xf32, #tpu.memory_space<vmem>>, vector<16xf32>,
    %add3A_1101 = arith.addf %add3A_1096, %get3A_1100 : vector<16xf32>
    %get3A_1102 = arith.constant 9 : i32
    %get3A_1103 = arith.index_cast %get3A_1102 : i32 to index
    %get3A_1104 = arith.constant 240 : index
    %get3A_1105 = tpu.vector_load %arg4[%get3A_1103, %get3A_1104] {strides = array<i32>} : memref<12x576xf32, #tpu.memory_space<vmem>>, vector<16xf32>,
    %add3A_1106 = arith.addf %add3A_1101, %get3A_1105 : vector<16xf32>
    %get3A_1107 = arith.constant 10 : i32
    %get3A_1108 = arith.index_cast %get3A_1107 : i32 to index
    %get3A_1109 = arith.constant 240 : index
    %get3A_1110 = tpu.vector_load %arg4[%get3A_1108, %get3A_1109] {strides = array<i32>} : memref<12x576xf32, #tpu.memory_space<vmem>>, vector<16xf32>,
    %add3A_1111 = arith.addf %add3A_1106, %get3A_1110 : vector<16xf32>
    %get3A_1112 = arith.constant 11 : i32
    %get3A_1113 = arith.index_cast %get3A_1112 : i32 to index
    %get3A_1114 = arith.constant 240 : index
    %get3A_1115 = tpu.vector_load %arg4[%get3A_1113, %get3A_1114] {strides = array<i32>} : memref<12x576xf32, #tpu.memory_space<vmem>>, vector<16xf32>,
    %add3A_1116 = arith.addf %add3A_1111, %get3A_1115 : vector<16xf32>
    %swap3A_1117 = arith.constant 240 : index
    %swap3A_1118 = tpu.vector_load %arg5[%swap3A_1117] {strides = array<i32>} : memref<576xf32, #tpu.memory_space<vmem>>, vector<16xf32>,
    tpu.vector_store %arg5[%swap3A_1117], %add3A_1116 {strides = array<i32>} : memref<576xf32, #tpu.memory_space<vmem>>, vector<16xf32>,
    %bitcast_convert_type3A_1119 = tpu.bitcast %add3A_1116 : vector<16xf32> -> vector<16xi32>
    %ge3A_1120 = arith.constant 0 : i32
    %ge3A_1121 = vector.broadcast %ge3A_1120 : i32 to vector<16xi32>
    %ge3A_1122 = arith.cmpi sge, %bitcast_convert_type3A_1119, %ge3A_1121 : vector<16xi32>
    %xor3A_1123 = arith.constant 2147483647 : i32
    %xor3A_1124 = vector.broadcast %xor3A_1123 : i32 to vector<16xi32>
    %xor3A_1125 = arith.xori %bitcast_convert_type3A_1119, %xor3A_1124 : vector<16xi32>
    %select_n3A_1126 = arith.select %ge3A_1122, %bitcast_convert_type3A_1119, %xor3A_1125 : vector<16xi1>, vector<16xi32>
    %swap3A_1127 = arith.constant 240 : index
    %swap3A_1128 = tpu.vector_load %arg6[%swap3A_1127] {strides = array<i32>} : memref<576xi32, #tpu.memory_space<vmem>>, vector<16xi32>,
    tpu.vector_store %arg6[%swap3A_1127], %select_n3A_1126 {strides = array<i32>} : memref<576xi32, #tpu.memory_space<vmem>>, vector<16xi32>,
    %get3A_1129 = arith.constant 0 : i32
    %get3A_1130 = arith.index_cast %get3A_1129 : i32 to index
    %get3A_1131 = arith.constant 256 : index
    %get3A_1132 = tpu.vector_load %arg4[%get3A_1130, %get3A_1131] {strides = array<i32>} : memref<12x576xf32, #tpu.memory_space<vmem>>, vector<16xf32>,
    %get3A_1133 = arith.constant 1 : i32
    %get3A_1134 = arith.index_cast %get3A_1133 : i32 to index
    %get3A_1135 = arith.constant 256 : index
    %get3A_1136 = tpu.vector_load %arg4[%get3A_1134, %get3A_1135] {strides = array<i32>} : memref<12x576xf32, #tpu.memory_space<vmem>>, vector<16xf32>,
    %add3A_1137 = arith.addf %get3A_1132, %get3A_1136 : vector<16xf32>
    %get3A_1138 = arith.constant 2 : i32
    %get3A_1139 = arith.index_cast %get3A_1138 : i32 to index
    %get3A_1140 = arith.constant 256 : index
    %get3A_1141 = tpu.vector_load %arg4[%get3A_1139, %get3A_1140] {strides = array<i32>} : memref<12x576xf32, #tpu.memory_space<vmem>>, vector<16xf32>,
    %add3A_1142 = arith.addf %add3A_1137, %get3A_1141 : vector<16xf32>
    %get3A_1143 = arith.constant 3 : i32
    %get3A_1144 = arith.index_cast %get3A_1143 : i32 to index
    %get3A_1145 = arith.constant 256 : index
    %get3A_1146 = tpu.vector_load %arg4[%get3A_1144, %get3A_1145] {strides = array<i32>} : memref<12x576xf32, #tpu.memory_space<vmem>>, vector<16xf32>,
    %add3A_1147 = arith.addf %add3A_1142, %get3A_1146 : vector<16xf32>
    %get3A_1148 = arith.constant 4 : i32
    %get3A_1149 = arith.index_cast %get3A_1148 : i32 to index
    %get3A_1150 = arith.constant 256 : index
    %get3A_1151 = tpu.vector_load %arg4[%get3A_1149, %get3A_1150] {strides = array<i32>} : memref<12x576xf32, #tpu.memory_space<vmem>>, vector<16xf32>,
    %add3A_1152 = arith.addf %add3A_1147, %get3A_1151 : vector<16xf32>
    %get3A_1153 = arith.constant 5 : i32
    %get3A_1154 = arith.index_cast %get3A_1153 : i32 to index
    %get3A_1155 = arith.constant 256 : index
    %get3A_1156 = tpu.vector_load %arg4[%get3A_1154, %get3A_1155] {strides = array<i32>} : memref<12x576xf32, #tpu.memory_space<vmem>>, vector<16xf32>,
    %add3A_1157 = arith.addf %add3A_1152, %get3A_1156 : vector<16xf32>
    %get3A_1158 = arith.constant 6 : i32
    %get3A_1159 = arith.index_cast %get3A_1158 : i32 to index
    %get3A_1160 = arith.constant 256 : index
    %get3A_1161 = tpu.vector_load %arg4[%get3A_1159, %get3A_1160] {strides = array<i32>} : memref<12x576xf32, #tpu.memory_space<vmem>>, vector<16xf32>,
    %add3A_1162 = arith.addf %add3A_1157, %get3A_1161 : vector<16xf32>
    %get3A_1163 = arith.constant 7 : i32
    %get3A_1164 = arith.index_cast %get3A_1163 : i32 to index
    %get3A_1165 = arith.constant 256 : index
    %get3A_1166 = tpu.vector_load %arg4[%get3A_1164, %get3A_1165] {strides = array<i32>} : memref<12x576xf32, #tpu.memory_space<vmem>>, vector<16xf32>,
    %add3A_1167 = arith.addf %add3A_1162, %get3A_1166 : vector<16xf32>
    %get3A_1168 = arith.constant 8 : i32
    %get3A_1169 = arith.index_cast %get3A_1168 : i32 to index
    %get3A_1170 = arith.constant 256 : index
    %get3A_1171 = tpu.vector_load %arg4[%get3A_1169, %get3A_1170] {strides = array<i32>} : memref<12x576xf32, #tpu.memory_space<vmem>>, vector<16xf32>,
    %add3A_1172 = arith.addf %add3A_1167, %get3A_1171 : vector<16xf32>
    %get3A_1173 = arith.constant 9 : i32
    %get3A_1174 = arith.index_cast %get3A_1173 : i32 to index
    %get3A_1175 = arith.constant 256 : index
    %get3A_1176 = tpu.vector_load %arg4[%get3A_1174, %get3A_1175] {strides = array<i32>} : memref<12x576xf32, #tpu.memory_space<vmem>>, vector<16xf32>,
    %add3A_1177 = arith.addf %add3A_1172, %get3A_1176 : vector<16xf32>
    %get3A_1178 = arith.constant 10 : i32
    %get3A_1179 = arith.index_cast %get3A_1178 : i32 to index
    %get3A_1180 = arith.constant 256 : index
    %get3A_1181 = tpu.vector_load %arg4[%get3A_1179, %get3A_1180] {strides = array<i32>} : memref<12x576xf32, #tpu.memory_space<vmem>>, vector<16xf32>,
    %add3A_1182 = arith.addf %add3A_1177, %get3A_1181 : vector<16xf32>
    %get3A_1183 = arith.constant 11 : i32
    %get3A_1184 = arith.index_cast %get3A_1183 : i32 to index
    %get3A_1185 = arith.constant 256 : index
    %get3A_1186 = tpu.vector_load %arg4[%get3A_1184, %get3A_1185] {strides = array<i32>} : memref<12x576xf32, #tpu.memory_space<vmem>>, vector<16xf32>,
    %add3A_1187 = arith.addf %add3A_1182, %get3A_1186 : vector<16xf32>
    %swap3A_1188 = arith.constant 256 : index
    %swap3A_1189 = tpu.vector_load %arg5[%swap3A_1188] {strides = array<i32>} : memref<576xf32, #tpu.memory_space<vmem>>, vector<16xf32>,
    tpu.vector_store %arg5[%swap3A_1188], %add3A_1187 {strides = array<i32>} : memref<576xf32, #tpu.memory_space<vmem>>, vector<16xf32>,
    %bitcast_convert_type3A_1190 = tpu.bitcast %add3A_1187 : vector<16xf32> -> vector<16xi32>
    %ge3A_1191 = arith.constant 0 : i32
    %ge3A_1192 = vector.broadcast %ge3A_1191 : i32 to vector<16xi32>
    %ge3A_1193 = arith.cmpi sge, %bitcast_convert_type3A_1190, %ge3A_1192 : vector<16xi32>
    %xor3A_1194 = arith.constant 2147483647 : i32
    %xor3A_1195 = vector.broadcast %xor3A_1194 : i32 to vector<16xi32>
    %xor3A_1196 = arith.xori %bitcast_convert_type3A_1190, %xor3A_1195 : vector<16xi32>
    %select_n3A_1197 = arith.select %ge3A_1193, %bitcast_convert_type3A_1190, %xor3A_1196 : vector<16xi1>, vector<16xi32>
    %swap3A_1198 = arith.constant 256 : index
    %swap3A_1199 = tpu.vector_load %arg6[%swap3A_1198] {strides = array<i32>} : memref<576xi32, #tpu.memory_space<vmem>>, vector<16xi32>,
    tpu.vector_store %arg6[%swap3A_1198], %select_n3A_1197 {strides = array<i32>} : memref<576xi32, #tpu.memory_space<vmem>>, vector<16xi32>,
    %get3A_1200 = arith.constant 0 : i32
    %get3A_1201 = arith.index_cast %get3A_1200 : i32 to index
    %get3A_1202 = arith.constant 272 : index
    %get3A_1203 = tpu.vector_load %arg4[%get3A_1201, %get3A_1202] {strides = array<i32>} : memref<12x576xf32, #tpu.memory_space<vmem>>, vector<16xf32>,
    %get3A_1204 = arith.constant 1 : i32
    %get3A_1205 = arith.index_cast %get3A_1204 : i32 to index
    %get3A_1206 = arith.constant 272 : index
    %get3A_1207 = tpu.vector_load %arg4[%get3A_1205, %get3A_1206] {strides = array<i32>} : memref<12x576xf32, #tpu.memory_space<vmem>>, vector<16xf32>,
    %add3A_1208 = arith.addf %get3A_1203, %get3A_1207 : vector<16xf32>
    %get3A_1209 = arith.constant 2 : i32
    %get3A_1210 = arith.index_cast %get3A_1209 : i32 to index
    %get3A_1211 = arith.constant 272 : index
    %get3A_1212 = tpu.vector_load %arg4[%get3A_1210, %get3A_1211] {strides = array<i32>} : memref<12x576xf32, #tpu.memory_space<vmem>>, vector<16xf32>,
    %add3A_1213 = arith.addf %add3A_1208, %get3A_1212 : vector<16xf32>
    %get3A_1214 = arith.constant 3 : i32
    %get3A_1215 = arith.index_cast %get3A_1214 : i32 to index
    %get3A_1216 = arith.constant 272 : index
    %get3A_1217 = tpu.vector_load %arg4[%get3A_1215, %get3A_1216] {strides = array<i32>} : memref<12x576xf32, #tpu.memory_space<vmem>>, vector<16xf32>,
    %add3A_1218 = arith.addf %add3A_1213, %get3A_1217 : vector<16xf32>
    %get3A_1219 = arith.constant 4 : i32
    %get3A_1220 = arith.index_cast %get3A_1219 : i32 to index
    %get3A_1221 = arith.constant 272 : index
    %get3A_1222 = tpu.vector_load %arg4[%get3A_1220, %get3A_1221] {strides = array<i32>} : memref<12x576xf32, #tpu.memory_space<vmem>>, vector<16xf32>,
    %add3A_1223 = arith.addf %add3A_1218, %get3A_1222 : vector<16xf32>
    %get3A_1224 = arith.constant 5 : i32
    %get3A_1225 = arith.index_cast %get3A_1224 : i32 to index
    %get3A_1226 = arith.constant 272 : index
    %get3A_1227 = tpu.vector_load %arg4[%get3A_1225, %get3A_1226] {strides = array<i32>} : memref<12x576xf32, #tpu.memory_space<vmem>>, vector<16xf32>,
    %add3A_1228 = arith.addf %add3A_1223, %get3A_1227 : vector<16xf32>
    %get3A_1229 = arith.constant 6 : i32
    %get3A_1230 = arith.index_cast %get3A_1229 : i32 to index
    %get3A_1231 = arith.constant 272 : index
    %get3A_1232 = tpu.vector_load %arg4[%get3A_1230, %get3A_1231] {strides = array<i32>} : memref<12x576xf32, #tpu.memory_space<vmem>>, vector<16xf32>,
    %add3A_1233 = arith.addf %add3A_1228, %get3A_1232 : vector<16xf32>
    %get3A_1234 = arith.constant 7 : i32
    %get3A_1235 = arith.index_cast %get3A_1234 : i32 to index
    %get3A_1236 = arith.constant 272 : index
    %get3A_1237 = tpu.vector_load %arg4[%get3A_1235, %get3A_1236] {strides = array<i32>} : memref<12x576xf32, #tpu.memory_space<vmem>>, vector<16xf32>,
    %add3A_1238 = arith.addf %add3A_1233, %get3A_1237 : vector<16xf32>
    %get3A_1239 = arith.constant 8 : i32
    %get3A_1240 = arith.index_cast %get3A_1239 : i32 to index
    %get3A_1241 = arith.constant 272 : index
    %get3A_1242 = tpu.vector_load %arg4[%get3A_1240, %get3A_1241] {strides = array<i32>} : memref<12x576xf32, #tpu.memory_space<vmem>>, vector<16xf32>,
    %add3A_1243 = arith.addf %add3A_1238, %get3A_1242 : vector<16xf32>
    %get3A_1244 = arith.constant 9 : i32
    %get3A_1245 = arith.index_cast %get3A_1244 : i32 to index
    %get3A_1246 = arith.constant 272 : index
    %get3A_1247 = tpu.vector_load %arg4[%get3A_1245, %get3A_1246] {strides = array<i32>} : memref<12x576xf32, #tpu.memory_space<vmem>>, vector<16xf32>,
    %add3A_1248 = arith.addf %add3A_1243, %get3A_1247 : vector<16xf32>
    %get3A_1249 = arith.constant 10 : i32
    %get3A_1250 = arith.index_cast %get3A_1249 : i32 to index
    %get3A_1251 = arith.constant 272 : index
    %get3A_1252 = tpu.vector_load %arg4[%get3A_1250, %get3A_1251] {strides = array<i32>} : memref<12x576xf32, #tpu.memory_space<vmem>>, vector<16xf32>,
    %add3A_1253 = arith.addf %add3A_1248, %get3A_1252 : vector<16xf32>
    %get3A_1254 = arith.constant 11 : i32
    %get3A_1255 = arith.index_cast %get3A_1254 : i32 to index
    %get3A_1256 = arith.constant 272 : index
    %get3A_1257 = tpu.vector_load %arg4[%get3A_1255, %get3A_1256] {strides = array<i32>} : memref<12x576xf32, #tpu.memory_space<vmem>>, vector<16xf32>,
    %add3A_1258 = arith.addf %add3A_1253, %get3A_1257 : vector<16xf32>
    %swap3A_1259 = arith.constant 272 : index
    %swap3A_1260 = tpu.vector_load %arg5[%swap3A_1259] {strides = array<i32>} : memref<576xf32, #tpu.memory_space<vmem>>, vector<16xf32>,
    tpu.vector_store %arg5[%swap3A_1259], %add3A_1258 {strides = array<i32>} : memref<576xf32, #tpu.memory_space<vmem>>, vector<16xf32>,
    %bitcast_convert_type3A_1261 = tpu.bitcast %add3A_1258 : vector<16xf32> -> vector<16xi32>
    %ge3A_1262 = arith.constant 0 : i32
    %ge3A_1263 = vector.broadcast %ge3A_1262 : i32 to vector<16xi32>
    %ge3A_1264 = arith.cmpi sge, %bitcast_convert_type3A_1261, %ge3A_1263 : vector<16xi32>
    %xor3A_1265 = arith.constant 2147483647 : i32
    %xor3A_1266 = vector.broadcast %xor3A_1265 : i32 to vector<16xi32>
    %xor3A_1267 = arith.xori %bitcast_convert_type3A_1261, %xor3A_1266 : vector<16xi32>
    %select_n3A_1268 = arith.select %ge3A_1264, %bitcast_convert_type3A_1261, %xor3A_1267 : vector<16xi1>, vector<16xi32>
    %swap3A_1269 = arith.constant 272 : index
    %swap3A_1270 = tpu.vector_load %arg6[%swap3A_1269] {strides = array<i32>} : memref<576xi32, #tpu.memory_space<vmem>>, vector<16xi32>,
    tpu.vector_store %arg6[%swap3A_1269], %select_n3A_1268 {strides = array<i32>} : memref<576xi32, #tpu.memory_space<vmem>>, vector<16xi32>,
    %get3A_1271 = arith.constant 0 : i32
    %get3A_1272 = arith.index_cast %get3A_1271 : i32 to index
    %get3A_1273 = arith.constant 288 : index
    %get3A_1274 = tpu.vector_load %arg4[%get3A_1272, %get3A_1273] {strides = array<i32>} : memref<12x576xf32, #tpu.memory_space<vmem>>, vector<16xf32>,
    %get3A_1275 = arith.constant 1 : i32
    %get3A_1276 = arith.index_cast %get3A_1275 : i32 to index
    %get3A_1277 = arith.constant 288 : index
    %get3A_1278 = tpu.vector_load %arg4[%get3A_1276, %get3A_1277] {strides = array<i32>} : memref<12x576xf32, #tpu.memory_space<vmem>>, vector<16xf32>,
    %add3A_1279 = arith.addf %get3A_1274, %get3A_1278 : vector<16xf32>
    %get3A_1280 = arith.constant 2 : i32
    %get3A_1281 = arith.index_cast %get3A_1280 : i32 to index
    %get3A_1282 = arith.constant 288 : index
    %get3A_1283 = tpu.vector_load %arg4[%get3A_1281, %get3A_1282] {strides = array<i32>} : memref<12x576xf32, #tpu.memory_space<vmem>>, vector<16xf32>,
    %add3A_1284 = arith.addf %add3A_1279, %get3A_1283 : vector<16xf32>
    %get3A_1285 = arith.constant 3 : i32
    %get3A_1286 = arith.index_cast %get3A_1285 : i32 to index
    %get3A_1287 = arith.constant 288 : index
    %get3A_1288 = tpu.vector_load %arg4[%get3A_1286, %get3A_1287] {strides = array<i32>} : memref<12x576xf32, #tpu.memory_space<vmem>>, vector<16xf32>,
    %add3A_1289 = arith.addf %add3A_1284, %get3A_1288 : vector<16xf32>
    %get3A_1290 = arith.constant 4 : i32
    %get3A_1291 = arith.index_cast %get3A_1290 : i32 to index
    %get3A_1292 = arith.constant 288 : index
    %get3A_1293 = tpu.vector_load %arg4[%get3A_1291, %get3A_1292] {strides = array<i32>} : memref<12x576xf32, #tpu.memory_space<vmem>>, vector<16xf32>,
    %add3A_1294 = arith.addf %add3A_1289, %get3A_1293 : vector<16xf32>
    %get3A_1295 = arith.constant 5 : i32
    %get3A_1296 = arith.index_cast %get3A_1295 : i32 to index
    %get3A_1297 = arith.constant 288 : index
    %get3A_1298 = tpu.vector_load %arg4[%get3A_1296, %get3A_1297] {strides = array<i32>} : memref<12x576xf32, #tpu.memory_space<vmem>>, vector<16xf32>,
    %add3A_1299 = arith.addf %add3A_1294, %get3A_1298 : vector<16xf32>
    %get3A_1300 = arith.constant 6 : i32
    %get3A_1301 = arith.index_cast %get3A_1300 : i32 to index
    %get3A_1302 = arith.constant 288 : index
    %get3A_1303 = tpu.vector_load %arg4[%get3A_1301, %get3A_1302] {strides = array<i32>} : memref<12x576xf32, #tpu.memory_space<vmem>>, vector<16xf32>,
    %add3A_1304 = arith.addf %add3A_1299, %get3A_1303 : vector<16xf32>
    %get3A_1305 = arith.constant 7 : i32
    %get3A_1306 = arith.index_cast %get3A_1305 : i32 to index
    %get3A_1307 = arith.constant 288 : index
    %get3A_1308 = tpu.vector_load %arg4[%get3A_1306, %get3A_1307] {strides = array<i32>} : memref<12x576xf32, #tpu.memory_space<vmem>>, vector<16xf32>,
    %add3A_1309 = arith.addf %add3A_1304, %get3A_1308 : vector<16xf32>
    %get3A_1310 = arith.constant 8 : i32
    %get3A_1311 = arith.index_cast %get3A_1310 : i32 to index
    %get3A_1312 = arith.constant 288 : index
    %get3A_1313 = tpu.vector_load %arg4[%get3A_1311, %get3A_1312] {strides = array<i32>} : memref<12x576xf32, #tpu.memory_space<vmem>>, vector<16xf32>,
    %add3A_1314 = arith.addf %add3A_1309, %get3A_1313 : vector<16xf32>
    %get3A_1315 = arith.constant 9 : i32
    %get3A_1316 = arith.index_cast %get3A_1315 : i32 to index
    %get3A_1317 = arith.constant 288 : index
    %get3A_1318 = tpu.vector_load %arg4[%get3A_1316, %get3A_1317] {strides = array<i32>} : memref<12x576xf32, #tpu.memory_space<vmem>>, vector<16xf32>,
    %add3A_1319 = arith.addf %add3A_1314, %get3A_1318 : vector<16xf32>
    %get3A_1320 = arith.constant 10 : i32
    %get3A_1321 = arith.index_cast %get3A_1320 : i32 to index
    %get3A_1322 = arith.constant 288 : index
    %get3A_1323 = tpu.vector_load %arg4[%get3A_1321, %get3A_1322] {strides = array<i32>} : memref<12x576xf32, #tpu.memory_space<vmem>>, vector<16xf32>,
    %add3A_1324 = arith.addf %add3A_1319, %get3A_1323 : vector<16xf32>
    %get3A_1325 = arith.constant 11 : i32
    %get3A_1326 = arith.index_cast %get3A_1325 : i32 to index
    %get3A_1327 = arith.constant 288 : index
    %get3A_1328 = tpu.vector_load %arg4[%get3A_1326, %get3A_1327] {strides = array<i32>} : memref<12x576xf32, #tpu.memory_space<vmem>>, vector<16xf32>,
    %add3A_1329 = arith.addf %add3A_1324, %get3A_1328 : vector<16xf32>
    %swap3A_1330 = arith.constant 288 : index
    %swap3A_1331 = tpu.vector_load %arg5[%swap3A_1330] {strides = array<i32>} : memref<576xf32, #tpu.memory_space<vmem>>, vector<16xf32>,
    tpu.vector_store %arg5[%swap3A_1330], %add3A_1329 {strides = array<i32>} : memref<576xf32, #tpu.memory_space<vmem>>, vector<16xf32>,
    %bitcast_convert_type3A_1332 = tpu.bitcast %add3A_1329 : vector<16xf32> -> vector<16xi32>
    %ge3A_1333 = arith.constant 0 : i32
    %ge3A_1334 = vector.broadcast %ge3A_1333 : i32 to vector<16xi32>
    %ge3A_1335 = arith.cmpi sge, %bitcast_convert_type3A_1332, %ge3A_1334 : vector<16xi32>
    %xor3A_1336 = arith.constant 2147483647 : i32
    %xor3A_1337 = vector.broadcast %xor3A_1336 : i32 to vector<16xi32>
    %xor3A_1338 = arith.xori %bitcast_convert_type3A_1332, %xor3A_1337 : vector<16xi32>
    %select_n3A_1339 = arith.select %ge3A_1335, %bitcast_convert_type3A_1332, %xor3A_1338 : vector<16xi1>, vector<16xi32>
    %swap3A_1340 = arith.constant 288 : index
    %swap3A_1341 = tpu.vector_load %arg6[%swap3A_1340] {strides = array<i32>} : memref<576xi32, #tpu.memory_space<vmem>>, vector<16xi32>,
    tpu.vector_store %arg6[%swap3A_1340], %select_n3A_1339 {strides = array<i32>} : memref<576xi32, #tpu.memory_space<vmem>>, vector<16xi32>,
    %get3A_1342 = arith.constant 0 : i32
    %get3A_1343 = arith.index_cast %get3A_1342 : i32 to index
    %get3A_1344 = arith.constant 304 : index
    %get3A_1345 = tpu.vector_load %arg4[%get3A_1343, %get3A_1344] {strides = array<i32>} : memref<12x576xf32, #tpu.memory_space<vmem>>, vector<16xf32>,
    %get3A_1346 = arith.constant 1 : i32
    %get3A_1347 = arith.index_cast %get3A_1346 : i32 to index
    %get3A_1348 = arith.constant 304 : index
    %get3A_1349 = tpu.vector_load %arg4[%get3A_1347, %get3A_1348] {strides = array<i32>} : memref<12x576xf32, #tpu.memory_space<vmem>>, vector<16xf32>,
    %add3A_1350 = arith.addf %get3A_1345, %get3A_1349 : vector<16xf32>
    %get3A_1351 = arith.constant 2 : i32
    %get3A_1352 = arith.index_cast %get3A_1351 : i32 to index
    %get3A_1353 = arith.constant 304 : index
    %get3A_1354 = tpu.vector_load %arg4[%get3A_1352, %get3A_1353] {strides = array<i32>} : memref<12x576xf32, #tpu.memory_space<vmem>>, vector<16xf32>,
    %add3A_1355 = arith.addf %add3A_1350, %get3A_1354 : vector<16xf32>
    %get3A_1356 = arith.constant 3 : i32
    %get3A_1357 = arith.index_cast %get3A_1356 : i32 to index
    %get3A_1358 = arith.constant 304 : index
    %get3A_1359 = tpu.vector_load %arg4[%get3A_1357, %get3A_1358] {strides = array<i32>} : memref<12x576xf32, #tpu.memory_space<vmem>>, vector<16xf32>,
    %add3A_1360 = arith.addf %add3A_1355, %get3A_1359 : vector<16xf32>
    %get3A_1361 = arith.constant 4 : i32
    %get3A_1362 = arith.index_cast %get3A_1361 : i32 to index
    %get3A_1363 = arith.constant 304 : index
    %get3A_1364 = tpu.vector_load %arg4[%get3A_1362, %get3A_1363] {strides = array<i32>} : memref<12x576xf32, #tpu.memory_space<vmem>>, vector<16xf32>,
    %add3A_1365 = arith.addf %add3A_1360, %get3A_1364 : vector<16xf32>
    %get3A_1366 = arith.constant 5 : i32
    %get3A_1367 = arith.index_cast %get3A_1366 : i32 to index
    %get3A_1368 = arith.constant 304 : index
    %get3A_1369 = tpu.vector_load %arg4[%get3A_1367, %get3A_1368] {strides = array<i32>} : memref<12x576xf32, #tpu.memory_space<vmem>>, vector<16xf32>,
    %add3A_1370 = arith.addf %add3A_1365, %get3A_1369 : vector<16xf32>
    %get3A_1371 = arith.constant 6 : i32
    %get3A_1372 = arith.index_cast %get3A_1371 : i32 to index
    %get3A_1373 = arith.constant 304 : index
    %get3A_1374 = tpu.vector_load %arg4[%get3A_1372, %get3A_1373] {strides = array<i32>} : memref<12x576xf32, #tpu.memory_space<vmem>>, vector<16xf32>,
    %add3A_1375 = arith.addf %add3A_1370, %get3A_1374 : vector<16xf32>
    %get3A_1376 = arith.constant 7 : i32
    %get3A_1377 = arith.index_cast %get3A_1376 : i32 to index
    %get3A_1378 = arith.constant 304 : index
    %get3A_1379 = tpu.vector_load %arg4[%get3A_1377, %get3A_1378] {strides = array<i32>} : memref<12x576xf32, #tpu.memory_space<vmem>>, vector<16xf32>,
    %add3A_1380 = arith.addf %add3A_1375, %get3A_1379 : vector<16xf32>
    %get3A_1381 = arith.constant 8 : i32
    %get3A_1382 = arith.index_cast %get3A_1381 : i32 to index
    %get3A_1383 = arith.constant 304 : index
    %get3A_1384 = tpu.vector_load %arg4[%get3A_1382, %get3A_1383] {strides = array<i32>} : memref<12x576xf32, #tpu.memory_space<vmem>>, vector<16xf32>,
    %add3A_1385 = arith.addf %add3A_1380, %get3A_1384 : vector<16xf32>
    %get3A_1386 = arith.constant 9 : i32
    %get3A_1387 = arith.index_cast %get3A_1386 : i32 to index
    %get3A_1388 = arith.constant 304 : index
    %get3A_1389 = tpu.vector_load %arg4[%get3A_1387, %get3A_1388] {strides = array<i32>} : memref<12x576xf32, #tpu.memory_space<vmem>>, vector<16xf32>,
    %add3A_1390 = arith.addf %add3A_1385, %get3A_1389 : vector<16xf32>
    %get3A_1391 = arith.constant 10 : i32
    %get3A_1392 = arith.index_cast %get3A_1391 : i32 to index
    %get3A_1393 = arith.constant 304 : index
    %get3A_1394 = tpu.vector_load %arg4[%get3A_1392, %get3A_1393] {strides = array<i32>} : memref<12x576xf32, #tpu.memory_space<vmem>>, vector<16xf32>,
    %add3A_1395 = arith.addf %add3A_1390, %get3A_1394 : vector<16xf32>
    %get3A_1396 = arith.constant 11 : i32
    %get3A_1397 = arith.index_cast %get3A_1396 : i32 to index
    %get3A_1398 = arith.constant 304 : index
    %get3A_1399 = tpu.vector_load %arg4[%get3A_1397, %get3A_1398] {strides = array<i32>} : memref<12x576xf32, #tpu.memory_space<vmem>>, vector<16xf32>,
    %add3A_1400 = arith.addf %add3A_1395, %get3A_1399 : vector<16xf32>
    %swap3A_1401 = arith.constant 304 : index
    %swap3A_1402 = tpu.vector_load %arg5[%swap3A_1401] {strides = array<i32>} : memref<576xf32, #tpu.memory_space<vmem>>, vector<16xf32>,
    tpu.vector_store %arg5[%swap3A_1401], %add3A_1400 {strides = array<i32>} : memref<576xf32, #tpu.memory_space<vmem>>, vector<16xf32>,
    %bitcast_convert_type3A_1403 = tpu.bitcast %add3A_1400 : vector<16xf32> -> vector<16xi32>
    %ge3A_1404 = arith.constant 0 : i32
    %ge3A_1405 = vector.broadcast %ge3A_1404 : i32 to vector<16xi32>
    %ge3A_1406 = arith.cmpi sge, %bitcast_convert_type3A_1403, %ge3A_1405 : vector<16xi32>
    %xor3A_1407 = arith.constant 2147483647 : i32
    %xor3A_1408 = vector.broadcast %xor3A_1407 : i32 to vector<16xi32>
    %xor3A_1409 = arith.xori %bitcast_convert_type3A_1403, %xor3A_1408 : vector<16xi32>
    %select_n3A_1410 = arith.select %ge3A_1406, %bitcast_convert_type3A_1403, %xor3A_1409 : vector<16xi1>, vector<16xi32>
    %swap3A_1411 = arith.constant 304 : index
    %swap3A_1412 = tpu.vector_load %arg6[%swap3A_1411] {strides = array<i32>} : memref<576xi32, #tpu.memory_space<vmem>>, vector<16xi32>,
    tpu.vector_store %arg6[%swap3A_1411], %select_n3A_1410 {strides = array<i32>} : memref<576xi32, #tpu.memory_space<vmem>>, vector<16xi32>,
    %get3A_1413 = arith.constant 0 : i32
    %get3A_1414 = arith.index_cast %get3A_1413 : i32 to index
    %get3A_1415 = arith.constant 320 : index
    %get3A_1416 = tpu.vector_load %arg4[%get3A_1414, %get3A_1415] {strides = array<i32>} : memref<12x576xf32, #tpu.memory_space<vmem>>, vector<16xf32>,
    %get3A_1417 = arith.constant 1 : i32
    %get3A_1418 = arith.index_cast %get3A_1417 : i32 to index
    %get3A_1419 = arith.constant 320 : index
    %get3A_1420 = tpu.vector_load %arg4[%get3A_1418, %get3A_1419] {strides = array<i32>} : memref<12x576xf32, #tpu.memory_space<vmem>>, vector<16xf32>,
    %add3A_1421 = arith.addf %get3A_1416, %get3A_1420 : vector<16xf32>
    %get3A_1422 = arith.constant 2 : i32
    %get3A_1423 = arith.index_cast %get3A_1422 : i32 to index
    %get3A_1424 = arith.constant 320 : index
    %get3A_1425 = tpu.vector_load %arg4[%get3A_1423, %get3A_1424] {strides = array<i32>} : memref<12x576xf32, #tpu.memory_space<vmem>>, vector<16xf32>,
    %add3A_1426 = arith.addf %add3A_1421, %get3A_1425 : vector<16xf32>
    %get3A_1427 = arith.constant 3 : i32
    %get3A_1428 = arith.index_cast %get3A_1427 : i32 to index
    %get3A_1429 = arith.constant 320 : index
    %get3A_1430 = tpu.vector_load %arg4[%get3A_1428, %get3A_1429] {strides = array<i32>} : memref<12x576xf32, #tpu.memory_space<vmem>>, vector<16xf32>,
    %add3A_1431 = arith.addf %add3A_1426, %get3A_1430 : vector<16xf32>
    %get3A_1432 = arith.constant 4 : i32
    %get3A_1433 = arith.index_cast %get3A_1432 : i32 to index
    %get3A_1434 = arith.constant 320 : index
    %get3A_1435 = tpu.vector_load %arg4[%get3A_1433, %get3A_1434] {strides = array<i32>} : memref<12x576xf32, #tpu.memory_space<vmem>>, vector<16xf32>,
    %add3A_1436 = arith.addf %add3A_1431, %get3A_1435 : vector<16xf32>
    %get3A_1437 = arith.constant 5 : i32
    %get3A_1438 = arith.index_cast %get3A_1437 : i32 to index
    %get3A_1439 = arith.constant 320 : index
    %get3A_1440 = tpu.vector_load %arg4[%get3A_1438, %get3A_1439] {strides = array<i32>} : memref<12x576xf32, #tpu.memory_space<vmem>>, vector<16xf32>,
    %add3A_1441 = arith.addf %add3A_1436, %get3A_1440 : vector<16xf32>
    %get3A_1442 = arith.constant 6 : i32
    %get3A_1443 = arith.index_cast %get3A_1442 : i32 to index
    %get3A_1444 = arith.constant 320 : index
    %get3A_1445 = tpu.vector_load %arg4[%get3A_1443, %get3A_1444] {strides = array<i32>} : memref<12x576xf32, #tpu.memory_space<vmem>>, vector<16xf32>,
    %add3A_1446 = arith.addf %add3A_1441, %get3A_1445 : vector<16xf32>
    %get3A_1447 = arith.constant 7 : i32
    %get3A_1448 = arith.index_cast %get3A_1447 : i32 to index
    %get3A_1449 = arith.constant 320 : index
    %get3A_1450 = tpu.vector_load %arg4[%get3A_1448, %get3A_1449] {strides = array<i32>} : memref<12x576xf32, #tpu.memory_space<vmem>>, vector<16xf32>,
    %add3A_1451 = arith.addf %add3A_1446, %get3A_1450 : vector<16xf32>
    %get3A_1452 = arith.constant 8 : i32
    %get3A_1453 = arith.index_cast %get3A_1452 : i32 to index
    %get3A_1454 = arith.constant 320 : index
    %get3A_1455 = tpu.vector_load %arg4[%get3A_1453, %get3A_1454] {strides = array<i32>} : memref<12x576xf32, #tpu.memory_space<vmem>>, vector<16xf32>,
    %add3A_1456 = arith.addf %add3A_1451, %get3A_1455 : vector<16xf32>
    %get3A_1457 = arith.constant 9 : i32
    %get3A_1458 = arith.index_cast %get3A_1457 : i32 to index
    %get3A_1459 = arith.constant 320 : index
    %get3A_1460 = tpu.vector_load %arg4[%get3A_1458, %get3A_1459] {strides = array<i32>} : memref<12x576xf32, #tpu.memory_space<vmem>>, vector<16xf32>,
    %add3A_1461 = arith.addf %add3A_1456, %get3A_1460 : vector<16xf32>
    %get3A_1462 = arith.constant 10 : i32
    %get3A_1463 = arith.index_cast %get3A_1462 : i32 to index
    %get3A_1464 = arith.constant 320 : index
    %get3A_1465 = tpu.vector_load %arg4[%get3A_1463, %get3A_1464] {strides = array<i32>} : memref<12x576xf32, #tpu.memory_space<vmem>>, vector<16xf32>,
    %add3A_1466 = arith.addf %add3A_1461, %get3A_1465 : vector<16xf32>
    %get3A_1467 = arith.constant 11 : i32
    %get3A_1468 = arith.index_cast %get3A_1467 : i32 to index
    %get3A_1469 = arith.constant 320 : index
    %get3A_1470 = tpu.vector_load %arg4[%get3A_1468, %get3A_1469] {strides = array<i32>} : memref<12x576xf32, #tpu.memory_space<vmem>>, vector<16xf32>,
    %add3A_1471 = arith.addf %add3A_1466, %get3A_1470 : vector<16xf32>
    %swap3A_1472 = arith.constant 320 : index
    %swap3A_1473 = tpu.vector_load %arg5[%swap3A_1472] {strides = array<i32>} : memref<576xf32, #tpu.memory_space<vmem>>, vector<16xf32>,
    tpu.vector_store %arg5[%swap3A_1472], %add3A_1471 {strides = array<i32>} : memref<576xf32, #tpu.memory_space<vmem>>, vector<16xf32>,
    %bitcast_convert_type3A_1474 = tpu.bitcast %add3A_1471 : vector<16xf32> -> vector<16xi32>
    %ge3A_1475 = arith.constant 0 : i32
    %ge3A_1476 = vector.broadcast %ge3A_1475 : i32 to vector<16xi32>
    %ge3A_1477 = arith.cmpi sge, %bitcast_convert_type3A_1474, %ge3A_1476 : vector<16xi32>
    %xor3A_1478 = arith.constant 2147483647 : i32
    %xor3A_1479 = vector.broadcast %xor3A_1478 : i32 to vector<16xi32>
    %xor3A_1480 = arith.xori %bitcast_convert_type3A_1474, %xor3A_1479 : vector<16xi32>
    %select_n3A_1481 = arith.select %ge3A_1477, %bitcast_convert_type3A_1474, %xor3A_1480 : vector<16xi1>, vector<16xi32>
    %swap3A_1482 = arith.constant 320 : index
    %swap3A_1483 = tpu.vector_load %arg6[%swap3A_1482] {strides = array<i32>} : memref<576xi32, #tpu.memory_space<vmem>>, vector<16xi32>,
    tpu.vector_store %arg6[%swap3A_1482], %select_n3A_1481 {strides = array<i32>} : memref<576xi32, #tpu.memory_space<vmem>>, vector<16xi32>,
    %get3A_1484 = arith.constant 0 : i32
    %get3A_1485 = arith.index_cast %get3A_1484 : i32 to index
    %get3A_1486 = arith.constant 336 : index
    %get3A_1487 = tpu.vector_load %arg4[%get3A_1485, %get3A_1486] {strides = array<i32>} : memref<12x576xf32, #tpu.memory_space<vmem>>, vector<16xf32>,
    %get3A_1488 = arith.constant 1 : i32
    %get3A_1489 = arith.index_cast %get3A_1488 : i32 to index
    %get3A_1490 = arith.constant 336 : index
    %get3A_1491 = tpu.vector_load %arg4[%get3A_1489, %get3A_1490] {strides = array<i32>} : memref<12x576xf32, #tpu.memory_space<vmem>>, vector<16xf32>,
    %add3A_1492 = arith.addf %get3A_1487, %get3A_1491 : vector<16xf32>
    %get3A_1493 = arith.constant 2 : i32
    %get3A_1494 = arith.index_cast %get3A_1493 : i32 to index
    %get3A_1495 = arith.constant 336 : index
    %get3A_1496 = tpu.vector_load %arg4[%get3A_1494, %get3A_1495] {strides = array<i32>} : memref<12x576xf32, #tpu.memory_space<vmem>>, vector<16xf32>,
    %add3A_1497 = arith.addf %add3A_1492, %get3A_1496 : vector<16xf32>
    %get3A_1498 = arith.constant 3 : i32
    %get3A_1499 = arith.index_cast %get3A_1498 : i32 to index
    %get3A_1500 = arith.constant 336 : index
    %get3A_1501 = tpu.vector_load %arg4[%get3A_1499, %get3A_1500] {strides = array<i32>} : memref<12x576xf32, #tpu.memory_space<vmem>>, vector<16xf32>,
    %add3A_1502 = arith.addf %add3A_1497, %get3A_1501 : vector<16xf32>
    %get3A_1503 = arith.constant 4 : i32
    %get3A_1504 = arith.index_cast %get3A_1503 : i32 to index
    %get3A_1505 = arith.constant 336 : index
    %get3A_1506 = tpu.vector_load %arg4[%get3A_1504, %get3A_1505] {strides = array<i32>} : memref<12x576xf32, #tpu.memory_space<vmem>>, vector<16xf32>,
    %add3A_1507 = arith.addf %add3A_1502, %get3A_1506 : vector<16xf32>
    %get3A_1508 = arith.constant 5 : i32
    %get3A_1509 = arith.index_cast %get3A_1508 : i32 to index
    %get3A_1510 = arith.constant 336 : index
    %get3A_1511 = tpu.vector_load %arg4[%get3A_1509, %get3A_1510] {strides = array<i32>} : memref<12x576xf32, #tpu.memory_space<vmem>>, vector<16xf32>,
    %add3A_1512 = arith.addf %add3A_1507, %get3A_1511 : vector<16xf32>
    %get3A_1513 = arith.constant 6 : i32
    %get3A_1514 = arith.index_cast %get3A_1513 : i32 to index
    %get3A_1515 = arith.constant 336 : index
    %get3A_1516 = tpu.vector_load %arg4[%get3A_1514, %get3A_1515] {strides = array<i32>} : memref<12x576xf32, #tpu.memory_space<vmem>>, vector<16xf32>,
    %add3A_1517 = arith.addf %add3A_1512, %get3A_1516 : vector<16xf32>
    %get3A_1518 = arith.constant 7 : i32
    %get3A_1519 = arith.index_cast %get3A_1518 : i32 to index
    %get3A_1520 = arith.constant 336 : index
    %get3A_1521 = tpu.vector_load %arg4[%get3A_1519, %get3A_1520] {strides = array<i32>} : memref<12x576xf32, #tpu.memory_space<vmem>>, vector<16xf32>,
    %add3A_1522 = arith.addf %add3A_1517, %get3A_1521 : vector<16xf32>
    %get3A_1523 = arith.constant 8 : i32
    %get3A_1524 = arith.index_cast %get3A_1523 : i32 to index
    %get3A_1525 = arith.constant 336 : index
    %get3A_1526 = tpu.vector_load %arg4[%get3A_1524, %get3A_1525] {strides = array<i32>} : memref<12x576xf32, #tpu.memory_space<vmem>>, vector<16xf32>,
    %add3A_1527 = arith.addf %add3A_1522, %get3A_1526 : vector<16xf32>
    %get3A_1528 = arith.constant 9 : i32
    %get3A_1529 = arith.index_cast %get3A_1528 : i32 to index
    %get3A_1530 = arith.constant 336 : index
    %get3A_1531 = tpu.vector_load %arg4[%get3A_1529, %get3A_1530] {strides = array<i32>} : memref<12x576xf32, #tpu.memory_space<vmem>>, vector<16xf32>,
    %add3A_1532 = arith.addf %add3A_1527, %get3A_1531 : vector<16xf32>
    %get3A_1533 = arith.constant 10 : i32
    %get3A_1534 = arith.index_cast %get3A_1533 : i32 to index
    %get3A_1535 = arith.constant 336 : index
    %get3A_1536 = tpu.vector_load %arg4[%get3A_1534, %get3A_1535] {strides = array<i32>} : memref<12x576xf32, #tpu.memory_space<vmem>>, vector<16xf32>,
    %add3A_1537 = arith.addf %add3A_1532, %get3A_1536 : vector<16xf32>
    %get3A_1538 = arith.constant 11 : i32
    %get3A_1539 = arith.index_cast %get3A_1538 : i32 to index
    %get3A_1540 = arith.constant 336 : index
    %get3A_1541 = tpu.vector_load %arg4[%get3A_1539, %get3A_1540] {strides = array<i32>} : memref<12x576xf32, #tpu.memory_space<vmem>>, vector<16xf32>,
    %add3A_1542 = arith.addf %add3A_1537, %get3A_1541 : vector<16xf32>
    %swap3A_1543 = arith.constant 336 : index
    %swap3A_1544 = tpu.vector_load %arg5[%swap3A_1543] {strides = array<i32>} : memref<576xf32, #tpu.memory_space<vmem>>, vector<16xf32>,
    tpu.vector_store %arg5[%swap3A_1543], %add3A_1542 {strides = array<i32>} : memref<576xf32, #tpu.memory_space<vmem>>, vector<16xf32>,
    %bitcast_convert_type3A_1545 = tpu.bitcast %add3A_1542 : vector<16xf32> -> vector<16xi32>
    %ge3A_1546 = arith.constant 0 : i32
    %ge3A_1547 = vector.broadcast %ge3A_1546 : i32 to vector<16xi32>
    %ge3A_1548 = arith.cmpi sge, %bitcast_convert_type3A_1545, %ge3A_1547 : vector<16xi32>
    %xor3A_1549 = arith.constant 2147483647 : i32
    %xor3A_1550 = vector.broadcast %xor3A_1549 : i32 to vector<16xi32>
    %xor3A_1551 = arith.xori %bitcast_convert_type3A_1545, %xor3A_1550 : vector<16xi32>
    %select_n3A_1552 = arith.select %ge3A_1548, %bitcast_convert_type3A_1545, %xor3A_1551 : vector<16xi1>, vector<16xi32>
    %swap3A_1553 = arith.constant 336 : index
    %swap3A_1554 = tpu.vector_load %arg6[%swap3A_1553] {strides = array<i32>} : memref<576xi32, #tpu.memory_space<vmem>>, vector<16xi32>,
    tpu.vector_store %arg6[%swap3A_1553], %select_n3A_1552 {strides = array<i32>} : memref<576xi32, #tpu.memory_space<vmem>>, vector<16xi32>,
    %get3A_1555 = arith.constant 0 : i32
    %get3A_1556 = arith.index_cast %get3A_1555 : i32 to index
    %get3A_1557 = arith.constant 352 : index
    %get3A_1558 = tpu.vector_load %arg4[%get3A_1556, %get3A_1557] {strides = array<i32>} : memref<12x576xf32, #tpu.memory_space<vmem>>, vector<16xf32>,
    %get3A_1559 = arith.constant 1 : i32
    %get3A_1560 = arith.index_cast %get3A_1559 : i32 to index
    %get3A_1561 = arith.constant 352 : index
    %get3A_1562 = tpu.vector_load %arg4[%get3A_1560, %get3A_1561] {strides = array<i32>} : memref<12x576xf32, #tpu.memory_space<vmem>>, vector<16xf32>,
    %add3A_1563 = arith.addf %get3A_1558, %get3A_1562 : vector<16xf32>
    %get3A_1564 = arith.constant 2 : i32
    %get3A_1565 = arith.index_cast %get3A_1564 : i32 to index
    %get3A_1566 = arith.constant 352 : index
    %get3A_1567 = tpu.vector_load %arg4[%get3A_1565, %get3A_1566] {strides = array<i32>} : memref<12x576xf32, #tpu.memory_space<vmem>>, vector<16xf32>,
    %add3A_1568 = arith.addf %add3A_1563, %get3A_1567 : vector<16xf32>
    %get3A_1569 = arith.constant 3 : i32
    %get3A_1570 = arith.index_cast %get3A_1569 : i32 to index
    %get3A_1571 = arith.constant 352 : index
    %get3A_1572 = tpu.vector_load %arg4[%get3A_1570, %get3A_1571] {strides = array<i32>} : memref<12x576xf32, #tpu.memory_space<vmem>>, vector<16xf32>,
    %add3A_1573 = arith.addf %add3A_1568, %get3A_1572 : vector<16xf32>
    %get3A_1574 = arith.constant 4 : i32
    %get3A_1575 = arith.index_cast %get3A_1574 : i32 to index
    %get3A_1576 = arith.constant 352 : index
    %get3A_1577 = tpu.vector_load %arg4[%get3A_1575, %get3A_1576] {strides = array<i32>} : memref<12x576xf32, #tpu.memory_space<vmem>>, vector<16xf32>,
    %add3A_1578 = arith.addf %add3A_1573, %get3A_1577 : vector<16xf32>
    %get3A_1579 = arith.constant 5 : i32
    %get3A_1580 = arith.index_cast %get3A_1579 : i32 to index
    %get3A_1581 = arith.constant 352 : index
    %get3A_1582 = tpu.vector_load %arg4[%get3A_1580, %get3A_1581] {strides = array<i32>} : memref<12x576xf32, #tpu.memory_space<vmem>>, vector<16xf32>,
    %add3A_1583 = arith.addf %add3A_1578, %get3A_1582 : vector<16xf32>
    %get3A_1584 = arith.constant 6 : i32
    %get3A_1585 = arith.index_cast %get3A_1584 : i32 to index
    %get3A_1586 = arith.constant 352 : index
    %get3A_1587 = tpu.vector_load %arg4[%get3A_1585, %get3A_1586] {strides = array<i32>} : memref<12x576xf32, #tpu.memory_space<vmem>>, vector<16xf32>,
    %add3A_1588 = arith.addf %add3A_1583, %get3A_1587 : vector<16xf32>
    %get3A_1589 = arith.constant 7 : i32
    %get3A_1590 = arith.index_cast %get3A_1589 : i32 to index
    %get3A_1591 = arith.constant 352 : index
    %get3A_1592 = tpu.vector_load %arg4[%get3A_1590, %get3A_1591] {strides = array<i32>} : memref<12x576xf32, #tpu.memory_space<vmem>>, vector<16xf32>,
    %add3A_1593 = arith.addf %add3A_1588, %get3A_1592 : vector<16xf32>
    %get3A_1594 = arith.constant 8 : i32
    %get3A_1595 = arith.index_cast %get3A_1594 : i32 to index
    %get3A_1596 = arith.constant 352 : index
    %get3A_1597 = tpu.vector_load %arg4[%get3A_1595, %get3A_1596] {strides = array<i32>} : memref<12x576xf32, #tpu.memory_space<vmem>>, vector<16xf32>,
    %add3A_1598 = arith.addf %add3A_1593, %get3A_1597 : vector<16xf32>
    %get3A_1599 = arith.constant 9 : i32
    %get3A_1600 = arith.index_cast %get3A_1599 : i32 to index
    %get3A_1601 = arith.constant 352 : index
    %get3A_1602 = tpu.vector_load %arg4[%get3A_1600, %get3A_1601] {strides = array<i32>} : memref<12x576xf32, #tpu.memory_space<vmem>>, vector<16xf32>,
    %add3A_1603 = arith.addf %add3A_1598, %get3A_1602 : vector<16xf32>
    %get3A_1604 = arith.constant 10 : i32
    %get3A_1605 = arith.index_cast %get3A_1604 : i32 to index
    %get3A_1606 = arith.constant 352 : index
    %get3A_1607 = tpu.vector_load %arg4[%get3A_1605, %get3A_1606] {strides = array<i32>} : memref<12x576xf32, #tpu.memory_space<vmem>>, vector<16xf32>,
    %add3A_1608 = arith.addf %add3A_1603, %get3A_1607 : vector<16xf32>
    %get3A_1609 = arith.constant 11 : i32
    %get3A_1610 = arith.index_cast %get3A_1609 : i32 to index
    %get3A_1611 = arith.constant 352 : index
    %get3A_1612 = tpu.vector_load %arg4[%get3A_1610, %get3A_1611] {strides = array<i32>} : memref<12x576xf32, #tpu.memory_space<vmem>>, vector<16xf32>,
    %add3A_1613 = arith.addf %add3A_1608, %get3A_1612 : vector<16xf32>
    %swap3A_1614 = arith.constant 352 : index
    %swap3A_1615 = tpu.vector_load %arg5[%swap3A_1614] {strides = array<i32>} : memref<576xf32, #tpu.memory_space<vmem>>, vector<16xf32>,
    tpu.vector_store %arg5[%swap3A_1614], %add3A_1613 {strides = array<i32>} : memref<576xf32, #tpu.memory_space<vmem>>, vector<16xf32>,
    %bitcast_convert_type3A_1616 = tpu.bitcast %add3A_1613 : vector<16xf32> -> vector<16xi32>
    %ge3A_1617 = arith.constant 0 : i32
    %ge3A_1618 = vector.broadcast %ge3A_1617 : i32 to vector<16xi32>
    %ge3A_1619 = arith.cmpi sge, %bitcast_convert_type3A_1616, %ge3A_1618 : vector<16xi32>
    %xor3A_1620 = arith.constant 2147483647 : i32
    %xor3A_1621 = vector.broadcast %xor3A_1620 : i32 to vector<16xi32>
    %xor3A_1622 = arith.xori %bitcast_convert_type3A_1616, %xor3A_1621 : vector<16xi32>
    %select_n3A_1623 = arith.select %ge3A_1619, %bitcast_convert_type3A_1616, %xor3A_1622 : vector<16xi1>, vector<16xi32>
    %swap3A_1624 = arith.constant 352 : index
    %swap3A_1625 = tpu.vector_load %arg6[%swap3A_1624] {strides = array<i32>} : memref<576xi32, #tpu.memory_space<vmem>>, vector<16xi32>,
    tpu.vector_store %arg6[%swap3A_1624], %select_n3A_1623 {strides = array<i32>} : memref<576xi32, #tpu.memory_space<vmem>>, vector<16xi32>,
    %get3A_1626 = arith.constant 0 : i32
    %get3A_1627 = arith.index_cast %get3A_1626 : i32 to index
    %get3A_1628 = arith.constant 368 : index
    %get3A_1629 = tpu.vector_load %arg4[%get3A_1627, %get3A_1628] {strides = array<i32>} : memref<12x576xf32, #tpu.memory_space<vmem>>, vector<16xf32>,
    %get3A_1630 = arith.constant 1 : i32
    %get3A_1631 = arith.index_cast %get3A_1630 : i32 to index
    %get3A_1632 = arith.constant 368 : index
    %get3A_1633 = tpu.vector_load %arg4[%get3A_1631, %get3A_1632] {strides = array<i32>} : memref<12x576xf32, #tpu.memory_space<vmem>>, vector<16xf32>,
    %add3A_1634 = arith.addf %get3A_1629, %get3A_1633 : vector<16xf32>
    %get3A_1635 = arith.constant 2 : i32
    %get3A_1636 = arith.index_cast %get3A_1635 : i32 to index
    %get3A_1637 = arith.constant 368 : index
    %get3A_1638 = tpu.vector_load %arg4[%get3A_1636, %get3A_1637] {strides = array<i32>} : memref<12x576xf32, #tpu.memory_space<vmem>>, vector<16xf32>,
    %add3A_1639 = arith.addf %add3A_1634, %get3A_1638 : vector<16xf32>
    %get3A_1640 = arith.constant 3 : i32
    %get3A_1641 = arith.index_cast %get3A_1640 : i32 to index
    %get3A_1642 = arith.constant 368 : index
    %get3A_1643 = tpu.vector_load %arg4[%get3A_1641, %get3A_1642] {strides = array<i32>} : memref<12x576xf32, #tpu.memory_space<vmem>>, vector<16xf32>,
    %add3A_1644 = arith.addf %add3A_1639, %get3A_1643 : vector<16xf32>
    %get3A_1645 = arith.constant 4 : i32
    %get3A_1646 = arith.index_cast %get3A_1645 : i32 to index
    %get3A_1647 = arith.constant 368 : index
    %get3A_1648 = tpu.vector_load %arg4[%get3A_1646, %get3A_1647] {strides = array<i32>} : memref<12x576xf32, #tpu.memory_space<vmem>>, vector<16xf32>,
    %add3A_1649 = arith.addf %add3A_1644, %get3A_1648 : vector<16xf32>
    %get3A_1650 = arith.constant 5 : i32
    %get3A_1651 = arith.index_cast %get3A_1650 : i32 to index
    %get3A_1652 = arith.constant 368 : index
    %get3A_1653 = tpu.vector_load %arg4[%get3A_1651, %get3A_1652] {strides = array<i32>} : memref<12x576xf32, #tpu.memory_space<vmem>>, vector<16xf32>,
    %add3A_1654 = arith.addf %add3A_1649, %get3A_1653 : vector<16xf32>
    %get3A_1655 = arith.constant 6 : i32
    %get3A_1656 = arith.index_cast %get3A_1655 : i32 to index
    %get3A_1657 = arith.constant 368 : index
    %get3A_1658 = tpu.vector_load %arg4[%get3A_1656, %get3A_1657] {strides = array<i32>} : memref<12x576xf32, #tpu.memory_space<vmem>>, vector<16xf32>,
    %add3A_1659 = arith.addf %add3A_1654, %get3A_1658 : vector<16xf32>
    %get3A_1660 = arith.constant 7 : i32
    %get3A_1661 = arith.index_cast %get3A_1660 : i32 to index
    %get3A_1662 = arith.constant 368 : index
    %get3A_1663 = tpu.vector_load %arg4[%get3A_1661, %get3A_1662] {strides = array<i32>} : memref<12x576xf32, #tpu.memory_space<vmem>>, vector<16xf32>,
    %add3A_1664 = arith.addf %add3A_1659, %get3A_1663 : vector<16xf32>
    %get3A_1665 = arith.constant 8 : i32
    %get3A_1666 = arith.index_cast %get3A_1665 : i32 to index
    %get3A_1667 = arith.constant 368 : index
    %get3A_1668 = tpu.vector_load %arg4[%get3A_1666, %get3A_1667] {strides = array<i32>} : memref<12x576xf32, #tpu.memory_space<vmem>>, vector<16xf32>,
    %add3A_1669 = arith.addf %add3A_1664, %get3A_1668 : vector<16xf32>
    %get3A_1670 = arith.constant 9 : i32
    %get3A_1671 = arith.index_cast %get3A_1670 : i32 to index
    %get3A_1672 = arith.constant 368 : index
    %get3A_1673 = tpu.vector_load %arg4[%get3A_1671, %get3A_1672] {strides = array<i32>} : memref<12x576xf32, #tpu.memory_space<vmem>>, vector<16xf32>,
    %add3A_1674 = arith.addf %add3A_1669, %get3A_1673 : vector<16xf32>
    %get3A_1675 = arith.constant 10 : i32
    %get3A_1676 = arith.index_cast %get3A_1675 : i32 to index
    %get3A_1677 = arith.constant 368 : index
    %get3A_1678 = tpu.vector_load %arg4[%get3A_1676, %get3A_1677] {strides = array<i32>} : memref<12x576xf32, #tpu.memory_space<vmem>>, vector<16xf32>,
    %add3A_1679 = arith.addf %add3A_1674, %get3A_1678 : vector<16xf32>
    %get3A_1680 = arith.constant 11 : i32
    %get3A_1681 = arith.index_cast %get3A_1680 : i32 to index
    %get3A_1682 = arith.constant 368 : index
    %get3A_1683 = tpu.vector_load %arg4[%get3A_1681, %get3A_1682] {strides = array<i32>} : memref<12x576xf32, #tpu.memory_space<vmem>>, vector<16xf32>,
    %add3A_1684 = arith.addf %add3A_1679, %get3A_1683 : vector<16xf32>
    %swap3A_1685 = arith.constant 368 : index
    %swap3A_1686 = tpu.vector_load %arg5[%swap3A_1685] {strides = array<i32>} : memref<576xf32, #tpu.memory_space<vmem>>, vector<16xf32>,
    tpu.vector_store %arg5[%swap3A_1685], %add3A_1684 {strides = array<i32>} : memref<576xf32, #tpu.memory_space<vmem>>, vector<16xf32>,
    %bitcast_convert_type3A_1687 = tpu.bitcast %add3A_1684 : vector<16xf32> -> vector<16xi32>
    %ge3A_1688 = arith.constant 0 : i32
    %ge3A_1689 = vector.broadcast %ge3A_1688 : i32 to vector<16xi32>
    %ge3A_1690 = arith.cmpi sge, %bitcast_convert_type3A_1687, %ge3A_1689 : vector<16xi32>
    %xor3A_1691 = arith.constant 2147483647 : i32
    %xor3A_1692 = vector.broadcast %xor3A_1691 : i32 to vector<16xi32>
    %xor3A_1693 = arith.xori %bitcast_convert_type3A_1687, %xor3A_1692 : vector<16xi32>
    %select_n3A_1694 = arith.select %ge3A_1690, %bitcast_convert_type3A_1687, %xor3A_1693 : vector<16xi1>, vector<16xi32>
    %swap3A_1695 = arith.constant 368 : index
    %swap3A_1696 = tpu.vector_load %arg6[%swap3A_1695] {strides = array<i32>} : memref<576xi32, #tpu.memory_space<vmem>>, vector<16xi32>,
    tpu.vector_store %arg6[%swap3A_1695], %select_n3A_1694 {strides = array<i32>} : memref<576xi32, #tpu.memory_space<vmem>>, vector<16xi32>,
    %get3A_1697 = arith.constant 0 : i32
    %get3A_1698 = arith.index_cast %get3A_1697 : i32 to index
    %get3A_1699 = arith.constant 384 : index
    %get3A_1700 = tpu.vector_load %arg4[%get3A_1698, %get3A_1699] {strides = array<i32>} : memref<12x576xf32, #tpu.memory_space<vmem>>, vector<16xf32>,
    %get3A_1701 = arith.constant 1 : i32
    %get3A_1702 = arith.index_cast %get3A_1701 : i32 to index
    %get3A_1703 = arith.constant 384 : index
    %get3A_1704 = tpu.vector_load %arg4[%get3A_1702, %get3A_1703] {strides = array<i32>} : memref<12x576xf32, #tpu.memory_space<vmem>>, vector<16xf32>,
    %add3A_1705 = arith.addf %get3A_1700, %get3A_1704 : vector<16xf32>
    %get3A_1706 = arith.constant 2 : i32
    %get3A_1707 = arith.index_cast %get3A_1706 : i32 to index
    %get3A_1708 = arith.constant 384 : index
    %get3A_1709 = tpu.vector_load %arg4[%get3A_1707, %get3A_1708] {strides = array<i32>} : memref<12x576xf32, #tpu.memory_space<vmem>>, vector<16xf32>,
    %add3A_1710 = arith.addf %add3A_1705, %get3A_1709 : vector<16xf32>
    %get3A_1711 = arith.constant 3 : i32
    %get3A_1712 = arith.index_cast %get3A_1711 : i32 to index
    %get3A_1713 = arith.constant 384 : index
    %get3A_1714 = tpu.vector_load %arg4[%get3A_1712, %get3A_1713] {strides = array<i32>} : memref<12x576xf32, #tpu.memory_space<vmem>>, vector<16xf32>,
    %add3A_1715 = arith.addf %add3A_1710, %get3A_1714 : vector<16xf32>
    %get3A_1716 = arith.constant 4 : i32
    %get3A_1717 = arith.index_cast %get3A_1716 : i32 to index
    %get3A_1718 = arith.constant 384 : index
    %get3A_1719 = tpu.vector_load %arg4[%get3A_1717, %get3A_1718] {strides = array<i32>} : memref<12x576xf32, #tpu.memory_space<vmem>>, vector<16xf32>,
    %add3A_1720 = arith.addf %add3A_1715, %get3A_1719 : vector<16xf32>
    %get3A_1721 = arith.constant 5 : i32
    %get3A_1722 = arith.index_cast %get3A_1721 : i32 to index
    %get3A_1723 = arith.constant 384 : index
    %get3A_1724 = tpu.vector_load %arg4[%get3A_1722, %get3A_1723] {strides = array<i32>} : memref<12x576xf32, #tpu.memory_space<vmem>>, vector<16xf32>,
    %add3A_1725 = arith.addf %add3A_1720, %get3A_1724 : vector<16xf32>
    %get3A_1726 = arith.constant 6 : i32
    %get3A_1727 = arith.index_cast %get3A_1726 : i32 to index
    %get3A_1728 = arith.constant 384 : index
    %get3A_1729 = tpu.vector_load %arg4[%get3A_1727, %get3A_1728] {strides = array<i32>} : memref<12x576xf32, #tpu.memory_space<vmem>>, vector<16xf32>,
    %add3A_1730 = arith.addf %add3A_1725, %get3A_1729 : vector<16xf32>
    %get3A_1731 = arith.constant 7 : i32
    %get3A_1732 = arith.index_cast %get3A_1731 : i32 to index
    %get3A_1733 = arith.constant 384 : index
    %get3A_1734 = tpu.vector_load %arg4[%get3A_1732, %get3A_1733] {strides = array<i32>} : memref<12x576xf32, #tpu.memory_space<vmem>>, vector<16xf32>,
    %add3A_1735 = arith.addf %add3A_1730, %get3A_1734 : vector<16xf32>
    %get3A_1736 = arith.constant 8 : i32
    %get3A_1737 = arith.index_cast %get3A_1736 : i32 to index
    %get3A_1738 = arith.constant 384 : index
    %get3A_1739 = tpu.vector_load %arg4[%get3A_1737, %get3A_1738] {strides = array<i32>} : memref<12x576xf32, #tpu.memory_space<vmem>>, vector<16xf32>,
    %add3A_1740 = arith.addf %add3A_1735, %get3A_1739 : vector<16xf32>
    %get3A_1741 = arith.constant 9 : i32
    %get3A_1742 = arith.index_cast %get3A_1741 : i32 to index
    %get3A_1743 = arith.constant 384 : index
    %get3A_1744 = tpu.vector_load %arg4[%get3A_1742, %get3A_1743] {strides = array<i32>} : memref<12x576xf32, #tpu.memory_space<vmem>>, vector<16xf32>,
    %add3A_1745 = arith.addf %add3A_1740, %get3A_1744 : vector<16xf32>
    %get3A_1746 = arith.constant 10 : i32
    %get3A_1747 = arith.index_cast %get3A_1746 : i32 to index
    %get3A_1748 = arith.constant 384 : index
    %get3A_1749 = tpu.vector_load %arg4[%get3A_1747, %get3A_1748] {strides = array<i32>} : memref<12x576xf32, #tpu.memory_space<vmem>>, vector<16xf32>,
    %add3A_1750 = arith.addf %add3A_1745, %get3A_1749 : vector<16xf32>
    %get3A_1751 = arith.constant 11 : i32
    %get3A_1752 = arith.index_cast %get3A_1751 : i32 to index
    %get3A_1753 = arith.constant 384 : index
    %get3A_1754 = tpu.vector_load %arg4[%get3A_1752, %get3A_1753] {strides = array<i32>} : memref<12x576xf32, #tpu.memory_space<vmem>>, vector<16xf32>,
    %add3A_1755 = arith.addf %add3A_1750, %get3A_1754 : vector<16xf32>
    %swap3A_1756 = arith.constant 384 : index
    %swap3A_1757 = tpu.vector_load %arg5[%swap3A_1756] {strides = array<i32>} : memref<576xf32, #tpu.memory_space<vmem>>, vector<16xf32>,
    tpu.vector_store %arg5[%swap3A_1756], %add3A_1755 {strides = array<i32>} : memref<576xf32, #tpu.memory_space<vmem>>, vector<16xf32>,
    %bitcast_convert_type3A_1758 = tpu.bitcast %add3A_1755 : vector<16xf32> -> vector<16xi32>
    %ge3A_1759 = arith.constant 0 : i32
    %ge3A_1760 = vector.broadcast %ge3A_1759 : i32 to vector<16xi32>
    %ge3A_1761 = arith.cmpi sge, %bitcast_convert_type3A_1758, %ge3A_1760 : vector<16xi32>
    %xor3A_1762 = arith.constant 2147483647 : i32
    %xor3A_1763 = vector.broadcast %xor3A_1762 : i32 to vector<16xi32>
    %xor3A_1764 = arith.xori %bitcast_convert_type3A_1758, %xor3A_1763 : vector<16xi32>
    %select_n3A_1765 = arith.select %ge3A_1761, %bitcast_convert_type3A_1758, %xor3A_1764 : vector<16xi1>, vector<16xi32>
    %swap3A_1766 = arith.constant 384 : index
    %swap3A_1767 = tpu.vector_load %arg6[%swap3A_1766] {strides = array<i32>} : memref<576xi32, #tpu.memory_space<vmem>>, vector<16xi32>,
    tpu.vector_store %arg6[%swap3A_1766], %select_n3A_1765 {strides = array<i32>} : memref<576xi32, #tpu.memory_space<vmem>>, vector<16xi32>,
    %get3A_1768 = arith.constant 0 : i32
    %get3A_1769 = arith.index_cast %get3A_1768 : i32 to index
    %get3A_1770 = arith.constant 400 : index
    %get3A_1771 = tpu.vector_load %arg4[%get3A_1769, %get3A_1770] {strides = array<i32>} : memref<12x576xf32, #tpu.memory_space<vmem>>, vector<16xf32>,
    %get3A_1772 = arith.constant 1 : i32
    %get3A_1773 = arith.index_cast %get3A_1772 : i32 to index
    %get3A_1774 = arith.constant 400 : index
    %get3A_1775 = tpu.vector_load %arg4[%get3A_1773, %get3A_1774] {strides = array<i32>} : memref<12x576xf32, #tpu.memory_space<vmem>>, vector<16xf32>,
    %add3A_1776 = arith.addf %get3A_1771, %get3A_1775 : vector<16xf32>
    %get3A_1777 = arith.constant 2 : i32
    %get3A_1778 = arith.index_cast %get3A_1777 : i32 to index
    %get3A_1779 = arith.constant 400 : index
    %get3A_1780 = tpu.vector_load %arg4[%get3A_1778, %get3A_1779] {strides = array<i32>} : memref<12x576xf32, #tpu.memory_space<vmem>>, vector<16xf32>,
    %add3A_1781 = arith.addf %add3A_1776, %get3A_1780 : vector<16xf32>
    %get3A_1782 = arith.constant 3 : i32
    %get3A_1783 = arith.index_cast %get3A_1782 : i32 to index
    %get3A_1784 = arith.constant 400 : index
    %get3A_1785 = tpu.vector_load %arg4[%get3A_1783, %get3A_1784] {strides = array<i32>} : memref<12x576xf32, #tpu.memory_space<vmem>>, vector<16xf32>,
    %add3A_1786 = arith.addf %add3A_1781, %get3A_1785 : vector<16xf32>
    %get3A_1787 = arith.constant 4 : i32
    %get3A_1788 = arith.index_cast %get3A_1787 : i32 to index
    %get3A_1789 = arith.constant 400 : index
    %get3A_1790 = tpu.vector_load %arg4[%get3A_1788, %get3A_1789] {strides = array<i32>} : memref<12x576xf32, #tpu.memory_space<vmem>>, vector<16xf32>,
    %add3A_1791 = arith.addf %add3A_1786, %get3A_1790 : vector<16xf32>
    %get3A_1792 = arith.constant 5 : i32
    %get3A_1793 = arith.index_cast %get3A_1792 : i32 to index
    %get3A_1794 = arith.constant 400 : index
    %get3A_1795 = tpu.vector_load %arg4[%get3A_1793, %get3A_1794] {strides = array<i32>} : memref<12x576xf32, #tpu.memory_space<vmem>>, vector<16xf32>,
    %add3A_1796 = arith.addf %add3A_1791, %get3A_1795 : vector<16xf32>
    %get3A_1797 = arith.constant 6 : i32
    %get3A_1798 = arith.index_cast %get3A_1797 : i32 to index
    %get3A_1799 = arith.constant 400 : index
    %get3A_1800 = tpu.vector_load %arg4[%get3A_1798, %get3A_1799] {strides = array<i32>} : memref<12x576xf32, #tpu.memory_space<vmem>>, vector<16xf32>,
    %add3A_1801 = arith.addf %add3A_1796, %get3A_1800 : vector<16xf32>
    %get3A_1802 = arith.constant 7 : i32
    %get3A_1803 = arith.index_cast %get3A_1802 : i32 to index
    %get3A_1804 = arith.constant 400 : index
    %get3A_1805 = tpu.vector_load %arg4[%get3A_1803, %get3A_1804] {strides = array<i32>} : memref<12x576xf32, #tpu.memory_space<vmem>>, vector<16xf32>,
    %add3A_1806 = arith.addf %add3A_1801, %get3A_1805 : vector<16xf32>
    %get3A_1807 = arith.constant 8 : i32
    %get3A_1808 = arith.index_cast %get3A_1807 : i32 to index
    %get3A_1809 = arith.constant 400 : index
    %get3A_1810 = tpu.vector_load %arg4[%get3A_1808, %get3A_1809] {strides = array<i32>} : memref<12x576xf32, #tpu.memory_space<vmem>>, vector<16xf32>,
    %add3A_1811 = arith.addf %add3A_1806, %get3A_1810 : vector<16xf32>
    %get3A_1812 = arith.constant 9 : i32
    %get3A_1813 = arith.index_cast %get3A_1812 : i32 to index
    %get3A_1814 = arith.constant 400 : index
    %get3A_1815 = tpu.vector_load %arg4[%get3A_1813, %get3A_1814] {strides = array<i32>} : memref<12x576xf32, #tpu.memory_space<vmem>>, vector<16xf32>,
    %add3A_1816 = arith.addf %add3A_1811, %get3A_1815 : vector<16xf32>
    %get3A_1817 = arith.constant 10 : i32
    %get3A_1818 = arith.index_cast %get3A_1817 : i32 to index
    %get3A_1819 = arith.constant 400 : index
    %get3A_1820 = tpu.vector_load %arg4[%get3A_1818, %get3A_1819] {strides = array<i32>} : memref<12x576xf32, #tpu.memory_space<vmem>>, vector<16xf32>,
    %add3A_1821 = arith.addf %add3A_1816, %get3A_1820 : vector<16xf32>
    %get3A_1822 = arith.constant 11 : i32
    %get3A_1823 = arith.index_cast %get3A_1822 : i32 to index
    %get3A_1824 = arith.constant 400 : index
    %get3A_1825 = tpu.vector_load %arg4[%get3A_1823, %get3A_1824] {strides = array<i32>} : memref<12x576xf32, #tpu.memory_space<vmem>>, vector<16xf32>,
    %add3A_1826 = arith.addf %add3A_1821, %get3A_1825 : vector<16xf32>
    %swap3A_1827 = arith.constant 400 : index
    %swap3A_1828 = tpu.vector_load %arg5[%swap3A_1827] {strides = array<i32>} : memref<576xf32, #tpu.memory_space<vmem>>, vector<16xf32>,
    tpu.vector_store %arg5[%swap3A_1827], %add3A_1826 {strides = array<i32>} : memref<576xf32, #tpu.memory_space<vmem>>, vector<16xf32>,
    %bitcast_convert_type3A_1829 = tpu.bitcast %add3A_1826 : vector<16xf32> -> vector<16xi32>
    %ge3A_1830 = arith.constant 0 : i32
    %ge3A_1831 = vector.broadcast %ge3A_1830 : i32 to vector<16xi32>
    %ge3A_1832 = arith.cmpi sge, %bitcast_convert_type3A_1829, %ge3A_1831 : vector<16xi32>
    %xor3A_1833 = arith.constant 2147483647 : i32
    %xor3A_1834 = vector.broadcast %xor3A_1833 : i32 to vector<16xi32>
    %xor3A_1835 = arith.xori %bitcast_convert_type3A_1829, %xor3A_1834 : vector<16xi32>
    %select_n3A_1836 = arith.select %ge3A_1832, %bitcast_convert_type3A_1829, %xor3A_1835 : vector<16xi1>, vector<16xi32>
    %swap3A_1837 = arith.constant 400 : index
    %swap3A_1838 = tpu.vector_load %arg6[%swap3A_1837] {strides = array<i32>} : memref<576xi32, #tpu.memory_space<vmem>>, vector<16xi32>,
    tpu.vector_store %arg6[%swap3A_1837], %select_n3A_1836 {strides = array<i32>} : memref<576xi32, #tpu.memory_space<vmem>>, vector<16xi32>,
    %get3A_1839 = arith.constant 0 : i32
    %get3A_1840 = arith.index_cast %get3A_1839 : i32 to index
    %get3A_1841 = arith.constant 416 : index
    %get3A_1842 = tpu.vector_load %arg4[%get3A_1840, %get3A_1841] {strides = array<i32>} : memref<12x576xf32, #tpu.memory_space<vmem>>, vector<16xf32>,
    %get3A_1843 = arith.constant 1 : i32
    %get3A_1844 = arith.index_cast %get3A_1843 : i32 to index
    %get3A_1845 = arith.constant 416 : index
    %get3A_1846 = tpu.vector_load %arg4[%get3A_1844, %get3A_1845] {strides = array<i32>} : memref<12x576xf32, #tpu.memory_space<vmem>>, vector<16xf32>,
    %add3A_1847 = arith.addf %get3A_1842, %get3A_1846 : vector<16xf32>
    %get3A_1848 = arith.constant 2 : i32
    %get3A_1849 = arith.index_cast %get3A_1848 : i32 to index
    %get3A_1850 = arith.constant 416 : index
    %get3A_1851 = tpu.vector_load %arg4[%get3A_1849, %get3A_1850] {strides = array<i32>} : memref<12x576xf32, #tpu.memory_space<vmem>>, vector<16xf32>,
    %add3A_1852 = arith.addf %add3A_1847, %get3A_1851 : vector<16xf32>
    %get3A_1853 = arith.constant 3 : i32
    %get3A_1854 = arith.index_cast %get3A_1853 : i32 to index
    %get3A_1855 = arith.constant 416 : index
    %get3A_1856 = tpu.vector_load %arg4[%get3A_1854, %get3A_1855] {strides = array<i32>} : memref<12x576xf32, #tpu.memory_space<vmem>>, vector<16xf32>,
    %add3A_1857 = arith.addf %add3A_1852, %get3A_1856 : vector<16xf32>
    %get3A_1858 = arith.constant 4 : i32
    %get3A_1859 = arith.index_cast %get3A_1858 : i32 to index
    %get3A_1860 = arith.constant 416 : index
    %get3A_1861 = tpu.vector_load %arg4[%get3A_1859, %get3A_1860] {strides = array<i32>} : memref<12x576xf32, #tpu.memory_space<vmem>>, vector<16xf32>,
    %add3A_1862 = arith.addf %add3A_1857, %get3A_1861 : vector<16xf32>
    %get3A_1863 = arith.constant 5 : i32
    %get3A_1864 = arith.index_cast %get3A_1863 : i32 to index
    %get3A_1865 = arith.constant 416 : index
    %get3A_1866 = tpu.vector_load %arg4[%get3A_1864, %get3A_1865] {strides = array<i32>} : memref<12x576xf32, #tpu.memory_space<vmem>>, vector<16xf32>,
    %add3A_1867 = arith.addf %add3A_1862, %get3A_1866 : vector<16xf32>
    %get3A_1868 = arith.constant 6 : i32
    %get3A_1869 = arith.index_cast %get3A_1868 : i32 to index
    %get3A_1870 = arith.constant 416 : index
    %get3A_1871 = tpu.vector_load %arg4[%get3A_1869, %get3A_1870] {strides = array<i32>} : memref<12x576xf32, #tpu.memory_space<vmem>>, vector<16xf32>,
    %add3A_1872 = arith.addf %add3A_1867, %get3A_1871 : vector<16xf32>
    %get3A_1873 = arith.constant 7 : i32
    %get3A_1874 = arith.index_cast %get3A_1873 : i32 to index
    %get3A_1875 = arith.constant 416 : index
    %get3A_1876 = tpu.vector_load %arg4[%get3A_1874, %get3A_1875] {strides = array<i32>} : memref<12x576xf32, #tpu.memory_space<vmem>>, vector<16xf32>,
    %add3A_1877 = arith.addf %add3A_1872, %get3A_1876 : vector<16xf32>
    %get3A_1878 = arith.constant 8 : i32
    %get3A_1879 = arith.index_cast %get3A_1878 : i32 to index
    %get3A_1880 = arith.constant 416 : index
    %get3A_1881 = tpu.vector_load %arg4[%get3A_1879, %get3A_1880] {strides = array<i32>} : memref<12x576xf32, #tpu.memory_space<vmem>>, vector<16xf32>,
    %add3A_1882 = arith.addf %add3A_1877, %get3A_1881 : vector<16xf32>
    %get3A_1883 = arith.constant 9 : i32
    %get3A_1884 = arith.index_cast %get3A_1883 : i32 to index
    %get3A_1885 = arith.constant 416 : index
    %get3A_1886 = tpu.vector_load %arg4[%get3A_1884, %get3A_1885] {strides = array<i32>} : memref<12x576xf32, #tpu.memory_space<vmem>>, vector<16xf32>,
    %add3A_1887 = arith.addf %add3A_1882, %get3A_1886 : vector<16xf32>
    %get3A_1888 = arith.constant 10 : i32
    %get3A_1889 = arith.index_cast %get3A_1888 : i32 to index
    %get3A_1890 = arith.constant 416 : index
    %get3A_1891 = tpu.vector_load %arg4[%get3A_1889, %get3A_1890] {strides = array<i32>} : memref<12x576xf32, #tpu.memory_space<vmem>>, vector<16xf32>,
    %add3A_1892 = arith.addf %add3A_1887, %get3A_1891 : vector<16xf32>
    %get3A_1893 = arith.constant 11 : i32
    %get3A_1894 = arith.index_cast %get3A_1893 : i32 to index
    %get3A_1895 = arith.constant 416 : index
    %get3A_1896 = tpu.vector_load %arg4[%get3A_1894, %get3A_1895] {strides = array<i32>} : memref<12x576xf32, #tpu.memory_space<vmem>>, vector<16xf32>,
    %add3A_1897 = arith.addf %add3A_1892, %get3A_1896 : vector<16xf32>
    %swap3A_1898 = arith.constant 416 : index
    %swap3A_1899 = tpu.vector_load %arg5[%swap3A_1898] {strides = array<i32>} : memref<576xf32, #tpu.memory_space<vmem>>, vector<16xf32>,
    tpu.vector_store %arg5[%swap3A_1898], %add3A_1897 {strides = array<i32>} : memref<576xf32, #tpu.memory_space<vmem>>, vector<16xf32>,
    %bitcast_convert_type3A_1900 = tpu.bitcast %add3A_1897 : vector<16xf32> -> vector<16xi32>
    %ge3A_1901 = arith.constant 0 : i32
    %ge3A_1902 = vector.broadcast %ge3A_1901 : i32 to vector<16xi32>
    %ge3A_1903 = arith.cmpi sge, %bitcast_convert_type3A_1900, %ge3A_1902 : vector<16xi32>
    %xor3A_1904 = arith.constant 2147483647 : i32
    %xor3A_1905 = vector.broadcast %xor3A_1904 : i32 to vector<16xi32>
    %xor3A_1906 = arith.xori %bitcast_convert_type3A_1900, %xor3A_1905 : vector<16xi32>
    %select_n3A_1907 = arith.select %ge3A_1903, %bitcast_convert_type3A_1900, %xor3A_1906 : vector<16xi1>, vector<16xi32>
    %swap3A_1908 = arith.constant 416 : index
    %swap3A_1909 = tpu.vector_load %arg6[%swap3A_1908] {strides = array<i32>} : memref<576xi32, #tpu.memory_space<vmem>>, vector<16xi32>,
    tpu.vector_store %arg6[%swap3A_1908], %select_n3A_1907 {strides = array<i32>} : memref<576xi32, #tpu.memory_space<vmem>>, vector<16xi32>,
    %get3A_1910 = arith.constant 0 : i32
    %get3A_1911 = arith.index_cast %get3A_1910 : i32 to index
    %get3A_1912 = arith.constant 432 : index
    %get3A_1913 = tpu.vector_load %arg4[%get3A_1911, %get3A_1912] {strides = array<i32>} : memref<12x576xf32, #tpu.memory_space<vmem>>, vector<16xf32>,
    %get3A_1914 = arith.constant 1 : i32
    %get3A_1915 = arith.index_cast %get3A_1914 : i32 to index
    %get3A_1916 = arith.constant 432 : index
    %get3A_1917 = tpu.vector_load %arg4[%get3A_1915, %get3A_1916] {strides = array<i32>} : memref<12x576xf32, #tpu.memory_space<vmem>>, vector<16xf32>,
    %add3A_1918 = arith.addf %get3A_1913, %get3A_1917 : vector<16xf32>
    %get3A_1919 = arith.constant 2 : i32
    %get3A_1920 = arith.index_cast %get3A_1919 : i32 to index
    %get3A_1921 = arith.constant 432 : index
    %get3A_1922 = tpu.vector_load %arg4[%get3A_1920, %get3A_1921] {strides = array<i32>} : memref<12x576xf32, #tpu.memory_space<vmem>>, vector<16xf32>,
    %add3A_1923 = arith.addf %add3A_1918, %get3A_1922 : vector<16xf32>
    %get3A_1924 = arith.constant 3 : i32
    %get3A_1925 = arith.index_cast %get3A_1924 : i32 to index
    %get3A_1926 = arith.constant 432 : index
    %get3A_1927 = tpu.vector_load %arg4[%get3A_1925, %get3A_1926] {strides = array<i32>} : memref<12x576xf32, #tpu.memory_space<vmem>>, vector<16xf32>,
    %add3A_1928 = arith.addf %add3A_1923, %get3A_1927 : vector<16xf32>
    %get3A_1929 = arith.constant 4 : i32
    %get3A_1930 = arith.index_cast %get3A_1929 : i32 to index
    %get3A_1931 = arith.constant 432 : index
    %get3A_1932 = tpu.vector_load %arg4[%get3A_1930, %get3A_1931] {strides = array<i32>} : memref<12x576xf32, #tpu.memory_space<vmem>>, vector<16xf32>,
    %add3A_1933 = arith.addf %add3A_1928, %get3A_1932 : vector<16xf32>
    %get3A_1934 = arith.constant 5 : i32
    %get3A_1935 = arith.index_cast %get3A_1934 : i32 to index
    %get3A_1936 = arith.constant 432 : index
    %get3A_1937 = tpu.vector_load %arg4[%get3A_1935, %get3A_1936] {strides = array<i32>} : memref<12x576xf32, #tpu.memory_space<vmem>>, vector<16xf32>,
    %add3A_1938 = arith.addf %add3A_1933, %get3A_1937 : vector<16xf32>
    %get3A_1939 = arith.constant 6 : i32
    %get3A_1940 = arith.index_cast %get3A_1939 : i32 to index
    %get3A_1941 = arith.constant 432 : index
    %get3A_1942 = tpu.vector_load %arg4[%get3A_1940, %get3A_1941] {strides = array<i32>} : memref<12x576xf32, #tpu.memory_space<vmem>>, vector<16xf32>,
    %add3A_1943 = arith.addf %add3A_1938, %get3A_1942 : vector<16xf32>
    %get3A_1944 = arith.constant 7 : i32
    %get3A_1945 = arith.index_cast %get3A_1944 : i32 to index
    %get3A_1946 = arith.constant 432 : index
    %get3A_1947 = tpu.vector_load %arg4[%get3A_1945, %get3A_1946] {strides = array<i32>} : memref<12x576xf32, #tpu.memory_space<vmem>>, vector<16xf32>,
    %add3A_1948 = arith.addf %add3A_1943, %get3A_1947 : vector<16xf32>
    %get3A_1949 = arith.constant 8 : i32
    %get3A_1950 = arith.index_cast %get3A_1949 : i32 to index
    %get3A_1951 = arith.constant 432 : index
    %get3A_1952 = tpu.vector_load %arg4[%get3A_1950, %get3A_1951] {strides = array<i32>} : memref<12x576xf32, #tpu.memory_space<vmem>>, vector<16xf32>,
    %add3A_1953 = arith.addf %add3A_1948, %get3A_1952 : vector<16xf32>
    %get3A_1954 = arith.constant 9 : i32
    %get3A_1955 = arith.index_cast %get3A_1954 : i32 to index
    %get3A_1956 = arith.constant 432 : index
    %get3A_1957 = tpu.vector_load %arg4[%get3A_1955, %get3A_1956] {strides = array<i32>} : memref<12x576xf32, #tpu.memory_space<vmem>>, vector<16xf32>,
    %add3A_1958 = arith.addf %add3A_1953, %get3A_1957 : vector<16xf32>
    %get3A_1959 = arith.constant 10 : i32
    %get3A_1960 = arith.index_cast %get3A_1959 : i32 to index
    %get3A_1961 = arith.constant 432 : index
    %get3A_1962 = tpu.vector_load %arg4[%get3A_1960, %get3A_1961] {strides = array<i32>} : memref<12x576xf32, #tpu.memory_space<vmem>>, vector<16xf32>,
    %add3A_1963 = arith.addf %add3A_1958, %get3A_1962 : vector<16xf32>
    %get3A_1964 = arith.constant 11 : i32
    %get3A_1965 = arith.index_cast %get3A_1964 : i32 to index
    %get3A_1966 = arith.constant 432 : index
    %get3A_1967 = tpu.vector_load %arg4[%get3A_1965, %get3A_1966] {strides = array<i32>} : memref<12x576xf32, #tpu.memory_space<vmem>>, vector<16xf32>,
    %add3A_1968 = arith.addf %add3A_1963, %get3A_1967 : vector<16xf32>
    %swap3A_1969 = arith.constant 432 : index
    %swap3A_1970 = tpu.vector_load %arg5[%swap3A_1969] {strides = array<i32>} : memref<576xf32, #tpu.memory_space<vmem>>, vector<16xf32>,
    tpu.vector_store %arg5[%swap3A_1969], %add3A_1968 {strides = array<i32>} : memref<576xf32, #tpu.memory_space<vmem>>, vector<16xf32>,
    %bitcast_convert_type3A_1971 = tpu.bitcast %add3A_1968 : vector<16xf32> -> vector<16xi32>
    %ge3A_1972 = arith.constant 0 : i32
    %ge3A_1973 = vector.broadcast %ge3A_1972 : i32 to vector<16xi32>
    %ge3A_1974 = arith.cmpi sge, %bitcast_convert_type3A_1971, %ge3A_1973 : vector<16xi32>
    %xor3A_1975 = arith.constant 2147483647 : i32
    %xor3A_1976 = vector.broadcast %xor3A_1975 : i32 to vector<16xi32>
    %xor3A_1977 = arith.xori %bitcast_convert_type3A_1971, %xor3A_1976 : vector<16xi32>
    %select_n3A_1978 = arith.select %ge3A_1974, %bitcast_convert_type3A_1971, %xor3A_1977 : vector<16xi1>, vector<16xi32>
    %swap3A_1979 = arith.constant 432 : index
    %swap3A_1980 = tpu.vector_load %arg6[%swap3A_1979] {strides = array<i32>} : memref<576xi32, #tpu.memory_space<vmem>>, vector<16xi32>,
    tpu.vector_store %arg6[%swap3A_1979], %select_n3A_1978 {strides = array<i32>} : memref<576xi32, #tpu.memory_space<vmem>>, vector<16xi32>,
    %get3A_1981 = arith.constant 0 : i32
    %get3A_1982 = arith.index_cast %get3A_1981 : i32 to index
    %get3A_1983 = arith.constant 448 : index
    %get3A_1984 = tpu.vector_load %arg4[%get3A_1982, %get3A_1983] {strides = array<i32>} : memref<12x576xf32, #tpu.memory_space<vmem>>, vector<16xf32>,
    %get3A_1985 = arith.constant 1 : i32
    %get3A_1986 = arith.index_cast %get3A_1985 : i32 to index
    %get3A_1987 = arith.constant 448 : index
    %get3A_1988 = tpu.vector_load %arg4[%get3A_1986, %get3A_1987] {strides = array<i32>} : memref<12x576xf32, #tpu.memory_space<vmem>>, vector<16xf32>,
    %add3A_1989 = arith.addf %get3A_1984, %get3A_1988 : vector<16xf32>
    %get3A_1990 = arith.constant 2 : i32
    %get3A_1991 = arith.index_cast %get3A_1990 : i32 to index
    %get3A_1992 = arith.constant 448 : index
    %get3A_1993 = tpu.vector_load %arg4[%get3A_1991, %get3A_1992] {strides = array<i32>} : memref<12x576xf32, #tpu.memory_space<vmem>>, vector<16xf32>,
    %add3A_1994 = arith.addf %add3A_1989, %get3A_1993 : vector<16xf32>
    %get3A_1995 = arith.constant 3 : i32
    %get3A_1996 = arith.index_cast %get3A_1995 : i32 to index
    %get3A_1997 = arith.constant 448 : index
    %get3A_1998 = tpu.vector_load %arg4[%get3A_1996, %get3A_1997] {strides = array<i32>} : memref<12x576xf32, #tpu.memory_space<vmem>>, vector<16xf32>,
    %add3A_1999 = arith.addf %add3A_1994, %get3A_1998 : vector<16xf32>
    %get3A_2000 = arith.constant 4 : i32
    %get3A_2001 = arith.index_cast %get3A_2000 : i32 to index
    %get3A_2002 = arith.constant 448 : index
    %get3A_2003 = tpu.vector_load %arg4[%get3A_2001, %get3A_2002] {strides = array<i32>} : memref<12x576xf32, #tpu.memory_space<vmem>>, vector<16xf32>,
    %add3A_2004 = arith.addf %add3A_1999, %get3A_2003 : vector<16xf32>
    %get3A_2005 = arith.constant 5 : i32
    %get3A_2006 = arith.index_cast %get3A_2005 : i32 to index
    %get3A_2007 = arith.constant 448 : index
    %get3A_2008 = tpu.vector_load %arg4[%get3A_2006, %get3A_2007] {strides = array<i32>} : memref<12x576xf32, #tpu.memory_space<vmem>>, vector<16xf32>,
    %add3A_2009 = arith.addf %add3A_2004, %get3A_2008 : vector<16xf32>
    %get3A_2010 = arith.constant 6 : i32
    %get3A_2011 = arith.index_cast %get3A_2010 : i32 to index
    %get3A_2012 = arith.constant 448 : index
    %get3A_2013 = tpu.vector_load %arg4[%get3A_2011, %get3A_2012] {strides = array<i32>} : memref<12x576xf32, #tpu.memory_space<vmem>>, vector<16xf32>,
    %add3A_2014 = arith.addf %add3A_2009, %get3A_2013 : vector<16xf32>
    %get3A_2015 = arith.constant 7 : i32
    %get3A_2016 = arith.index_cast %get3A_2015 : i32 to index
    %get3A_2017 = arith.constant 448 : index
    %get3A_2018 = tpu.vector_load %arg4[%get3A_2016, %get3A_2017] {strides = array<i32>} : memref<12x576xf32, #tpu.memory_space<vmem>>, vector<16xf32>,
    %add3A_2019 = arith.addf %add3A_2014, %get3A_2018 : vector<16xf32>
    %get3A_2020 = arith.constant 8 : i32
    %get3A_2021 = arith.index_cast %get3A_2020 : i32 to index
    %get3A_2022 = arith.constant 448 : index
    %get3A_2023 = tpu.vector_load %arg4[%get3A_2021, %get3A_2022] {strides = array<i32>} : memref<12x576xf32, #tpu.memory_space<vmem>>, vector<16xf32>,
    %add3A_2024 = arith.addf %add3A_2019, %get3A_2023 : vector<16xf32>
    %get3A_2025 = arith.constant 9 : i32
    %get3A_2026 = arith.index_cast %get3A_2025 : i32 to index
    %get3A_2027 = arith.constant 448 : index
    %get3A_2028 = tpu.vector_load %arg4[%get3A_2026, %get3A_2027] {strides = array<i32>} : memref<12x576xf32, #tpu.memory_space<vmem>>, vector<16xf32>,
    %add3A_2029 = arith.addf %add3A_2024, %get3A_2028 : vector<16xf32>
    %get3A_2030 = arith.constant 10 : i32
    %get3A_2031 = arith.index_cast %get3A_2030 : i32 to index
    %get3A_2032 = arith.constant 448 : index
    %get3A_2033 = tpu.vector_load %arg4[%get3A_2031, %get3A_2032] {strides = array<i32>} : memref<12x576xf32, #tpu.memory_space<vmem>>, vector<16xf32>,
    %add3A_2034 = arith.addf %add3A_2029, %get3A_2033 : vector<16xf32>
    %get3A_2035 = arith.constant 11 : i32
    %get3A_2036 = arith.index_cast %get3A_2035 : i32 to index
    %get3A_2037 = arith.constant 448 : index
    %get3A_2038 = tpu.vector_load %arg4[%get3A_2036, %get3A_2037] {strides = array<i32>} : memref<12x576xf32, #tpu.memory_space<vmem>>, vector<16xf32>,
    %add3A_2039 = arith.addf %add3A_2034, %get3A_2038 : vector<16xf32>
    %swap3A_2040 = arith.constant 448 : index
    %swap3A_2041 = tpu.vector_load %arg5[%swap3A_2040] {strides = array<i32>} : memref<576xf32, #tpu.memory_space<vmem>>, vector<16xf32>,
    tpu.vector_store %arg5[%swap3A_2040], %add3A_2039 {strides = array<i32>} : memref<576xf32, #tpu.memory_space<vmem>>, vector<16xf32>,
    %bitcast_convert_type3A_2042 = tpu.bitcast %add3A_2039 : vector<16xf32> -> vector<16xi32>
    %ge3A_2043 = arith.constant 0 : i32
    %ge3A_2044 = vector.broadcast %ge3A_2043 : i32 to vector<16xi32>
    %ge3A_2045 = arith.cmpi sge, %bitcast_convert_type3A_2042, %ge3A_2044 : vector<16xi32>
    %xor3A_2046 = arith.constant 2147483647 : i32
    %xor3A_2047 = vector.broadcast %xor3A_2046 : i32 to vector<16xi32>
    %xor3A_2048 = arith.xori %bitcast_convert_type3A_2042, %xor3A_2047 : vector<16xi32>
    %select_n3A_2049 = arith.select %ge3A_2045, %bitcast_convert_type3A_2042, %xor3A_2048 : vector<16xi1>, vector<16xi32>
    %swap3A_2050 = arith.constant 448 : index
    %swap3A_2051 = tpu.vector_load %arg6[%swap3A_2050] {strides = array<i32>} : memref<576xi32, #tpu.memory_space<vmem>>, vector<16xi32>,
    tpu.vector_store %arg6[%swap3A_2050], %select_n3A_2049 {strides = array<i32>} : memref<576xi32, #tpu.memory_space<vmem>>, vector<16xi32>,
    %get3A_2052 = arith.constant 0 : i32
    %get3A_2053 = arith.index_cast %get3A_2052 : i32 to index
    %get3A_2054 = arith.constant 464 : index
    %get3A_2055 = tpu.vector_load %arg4[%get3A_2053, %get3A_2054] {strides = array<i32>} : memref<12x576xf32, #tpu.memory_space<vmem>>, vector<16xf32>,
    %get3A_2056 = arith.constant 1 : i32
    %get3A_2057 = arith.index_cast %get3A_2056 : i32 to index
    %get3A_2058 = arith.constant 464 : index
    %get3A_2059 = tpu.vector_load %arg4[%get3A_2057, %get3A_2058] {strides = array<i32>} : memref<12x576xf32, #tpu.memory_space<vmem>>, vector<16xf32>,
    %add3A_2060 = arith.addf %get3A_2055, %get3A_2059 : vector<16xf32>
    %get3A_2061 = arith.constant 2 : i32
    %get3A_2062 = arith.index_cast %get3A_2061 : i32 to index
    %get3A_2063 = arith.constant 464 : index
    %get3A_2064 = tpu.vector_load %arg4[%get3A_2062, %get3A_2063] {strides = array<i32>} : memref<12x576xf32, #tpu.memory_space<vmem>>, vector<16xf32>,
    %add3A_2065 = arith.addf %add3A_2060, %get3A_2064 : vector<16xf32>
    %get3A_2066 = arith.constant 3 : i32
    %get3A_2067 = arith.index_cast %get3A_2066 : i32 to index
    %get3A_2068 = arith.constant 464 : index
    %get3A_2069 = tpu.vector_load %arg4[%get3A_2067, %get3A_2068] {strides = array<i32>} : memref<12x576xf32, #tpu.memory_space<vmem>>, vector<16xf32>,
    %add3A_2070 = arith.addf %add3A_2065, %get3A_2069 : vector<16xf32>
    %get3A_2071 = arith.constant 4 : i32
    %get3A_2072 = arith.index_cast %get3A_2071 : i32 to index
    %get3A_2073 = arith.constant 464 : index
    %get3A_2074 = tpu.vector_load %arg4[%get3A_2072, %get3A_2073] {strides = array<i32>} : memref<12x576xf32, #tpu.memory_space<vmem>>, vector<16xf32>,
    %add3A_2075 = arith.addf %add3A_2070, %get3A_2074 : vector<16xf32>
    %get3A_2076 = arith.constant 5 : i32
    %get3A_2077 = arith.index_cast %get3A_2076 : i32 to index
    %get3A_2078 = arith.constant 464 : index
    %get3A_2079 = tpu.vector_load %arg4[%get3A_2077, %get3A_2078] {strides = array<i32>} : memref<12x576xf32, #tpu.memory_space<vmem>>, vector<16xf32>,
    %add3A_2080 = arith.addf %add3A_2075, %get3A_2079 : vector<16xf32>
    %get3A_2081 = arith.constant 6 : i32
    %get3A_2082 = arith.index_cast %get3A_2081 : i32 to index
    %get3A_2083 = arith.constant 464 : index
    %get3A_2084 = tpu.vector_load %arg4[%get3A_2082, %get3A_2083] {strides = array<i32>} : memref<12x576xf32, #tpu.memory_space<vmem>>, vector<16xf32>,
    %add3A_2085 = arith.addf %add3A_2080, %get3A_2084 : vector<16xf32>
    %get3A_2086 = arith.constant 7 : i32
    %get3A_2087 = arith.index_cast %get3A_2086 : i32 to index
    %get3A_2088 = arith.constant 464 : index
    %get3A_2089 = tpu.vector_load %arg4[%get3A_2087, %get3A_2088] {strides = array<i32>} : memref<12x576xf32, #tpu.memory_space<vmem>>, vector<16xf32>,
    %add3A_2090 = arith.addf %add3A_2085, %get3A_2089 : vector<16xf32>
    %get3A_2091 = arith.constant 8 : i32
    %get3A_2092 = arith.index_cast %get3A_2091 : i32 to index
    %get3A_2093 = arith.constant 464 : index
    %get3A_2094 = tpu.vector_load %arg4[%get3A_2092, %get3A_2093] {strides = array<i32>} : memref<12x576xf32, #tpu.memory_space<vmem>>, vector<16xf32>,
    %add3A_2095 = arith.addf %add3A_2090, %get3A_2094 : vector<16xf32>
    %get3A_2096 = arith.constant 9 : i32
    %get3A_2097 = arith.index_cast %get3A_2096 : i32 to index
    %get3A_2098 = arith.constant 464 : index
    %get3A_2099 = tpu.vector_load %arg4[%get3A_2097, %get3A_2098] {strides = array<i32>} : memref<12x576xf32, #tpu.memory_space<vmem>>, vector<16xf32>,
    %add3A_2100 = arith.addf %add3A_2095, %get3A_2099 : vector<16xf32>
    %get3A_2101 = arith.constant 10 : i32
    %get3A_2102 = arith.index_cast %get3A_2101 : i32 to index
    %get3A_2103 = arith.constant 464 : index
    %get3A_2104 = tpu.vector_load %arg4[%get3A_2102, %get3A_2103] {strides = array<i32>} : memref<12x576xf32, #tpu.memory_space<vmem>>, vector<16xf32>,
    %add3A_2105 = arith.addf %add3A_2100, %get3A_2104 : vector<16xf32>
    %get3A_2106 = arith.constant 11 : i32
    %get3A_2107 = arith.index_cast %get3A_2106 : i32 to index
    %get3A_2108 = arith.constant 464 : index
    %get3A_2109 = tpu.vector_load %arg4[%get3A_2107, %get3A_2108] {strides = array<i32>} : memref<12x576xf32, #tpu.memory_space<vmem>>, vector<16xf32>,
    %add3A_2110 = arith.addf %add3A_2105, %get3A_2109 : vector<16xf32>
    %swap3A_2111 = arith.constant 464 : index
    %swap3A_2112 = tpu.vector_load %arg5[%swap3A_2111] {strides = array<i32>} : memref<576xf32, #tpu.memory_space<vmem>>, vector<16xf32>,
    tpu.vector_store %arg5[%swap3A_2111], %add3A_2110 {strides = array<i32>} : memref<576xf32, #tpu.memory_space<vmem>>, vector<16xf32>,
    %bitcast_convert_type3A_2113 = tpu.bitcast %add3A_2110 : vector<16xf32> -> vector<16xi32>
    %ge3A_2114 = arith.constant 0 : i32
    %ge3A_2115 = vector.broadcast %ge3A_2114 : i32 to vector<16xi32>
    %ge3A_2116 = arith.cmpi sge, %bitcast_convert_type3A_2113, %ge3A_2115 : vector<16xi32>
    %xor3A_2117 = arith.constant 2147483647 : i32
    %xor3A_2118 = vector.broadcast %xor3A_2117 : i32 to vector<16xi32>
    %xor3A_2119 = arith.xori %bitcast_convert_type3A_2113, %xor3A_2118 : vector<16xi32>
    %select_n3A_2120 = arith.select %ge3A_2116, %bitcast_convert_type3A_2113, %xor3A_2119 : vector<16xi1>, vector<16xi32>
    %swap3A_2121 = arith.constant 464 : index
    %swap3A_2122 = tpu.vector_load %arg6[%swap3A_2121] {strides = array<i32>} : memref<576xi32, #tpu.memory_space<vmem>>, vector<16xi32>,
    tpu.vector_store %arg6[%swap3A_2121], %select_n3A_2120 {strides = array<i32>} : memref<576xi32, #tpu.memory_space<vmem>>, vector<16xi32>,
    %get3A_2123 = arith.constant 0 : i32
    %get3A_2124 = arith.index_cast %get3A_2123 : i32 to index
    %get3A_2125 = arith.constant 480 : index
    %get3A_2126 = tpu.vector_load %arg4[%get3A_2124, %get3A_2125] {strides = array<i32>} : memref<12x576xf32, #tpu.memory_space<vmem>>, vector<16xf32>,
    %get3A_2127 = arith.constant 1 : i32
    %get3A_2128 = arith.index_cast %get3A_2127 : i32 to index
    %get3A_2129 = arith.constant 480 : index
    %get3A_2130 = tpu.vector_load %arg4[%get3A_2128, %get3A_2129] {strides = array<i32>} : memref<12x576xf32, #tpu.memory_space<vmem>>, vector<16xf32>,
    %add3A_2131 = arith.addf %get3A_2126, %get3A_2130 : vector<16xf32>
    %get3A_2132 = arith.constant 2 : i32
    %get3A_2133 = arith.index_cast %get3A_2132 : i32 to index
    %get3A_2134 = arith.constant 480 : index
    %get3A_2135 = tpu.vector_load %arg4[%get3A_2133, %get3A_2134] {strides = array<i32>} : memref<12x576xf32, #tpu.memory_space<vmem>>, vector<16xf32>,
    %add3A_2136 = arith.addf %add3A_2131, %get3A_2135 : vector<16xf32>
    %get3A_2137 = arith.constant 3 : i32
    %get3A_2138 = arith.index_cast %get3A_2137 : i32 to index
    %get3A_2139 = arith.constant 480 : index
    %get3A_2140 = tpu.vector_load %arg4[%get3A_2138, %get3A_2139] {strides = array<i32>} : memref<12x576xf32, #tpu.memory_space<vmem>>, vector<16xf32>,
    %add3A_2141 = arith.addf %add3A_2136, %get3A_2140 : vector<16xf32>
    %get3A_2142 = arith.constant 4 : i32
    %get3A_2143 = arith.index_cast %get3A_2142 : i32 to index
    %get3A_2144 = arith.constant 480 : index
    %get3A_2145 = tpu.vector_load %arg4[%get3A_2143, %get3A_2144] {strides = array<i32>} : memref<12x576xf32, #tpu.memory_space<vmem>>, vector<16xf32>,
    %add3A_2146 = arith.addf %add3A_2141, %get3A_2145 : vector<16xf32>
    %get3A_2147 = arith.constant 5 : i32
    %get3A_2148 = arith.index_cast %get3A_2147 : i32 to index
    %get3A_2149 = arith.constant 480 : index
    %get3A_2150 = tpu.vector_load %arg4[%get3A_2148, %get3A_2149] {strides = array<i32>} : memref<12x576xf32, #tpu.memory_space<vmem>>, vector<16xf32>,
    %add3A_2151 = arith.addf %add3A_2146, %get3A_2150 : vector<16xf32>
    %get3A_2152 = arith.constant 6 : i32
    %get3A_2153 = arith.index_cast %get3A_2152 : i32 to index
    %get3A_2154 = arith.constant 480 : index
    %get3A_2155 = tpu.vector_load %arg4[%get3A_2153, %get3A_2154] {strides = array<i32>} : memref<12x576xf32, #tpu.memory_space<vmem>>, vector<16xf32>,
    %add3A_2156 = arith.addf %add3A_2151, %get3A_2155 : vector<16xf32>
    %get3A_2157 = arith.constant 7 : i32
    %get3A_2158 = arith.index_cast %get3A_2157 : i32 to index
    %get3A_2159 = arith.constant 480 : index
    %get3A_2160 = tpu.vector_load %arg4[%get3A_2158, %get3A_2159] {strides = array<i32>} : memref<12x576xf32, #tpu.memory_space<vmem>>, vector<16xf32>,
    %add3A_2161 = arith.addf %add3A_2156, %get3A_2160 : vector<16xf32>
    %get3A_2162 = arith.constant 8 : i32
    %get3A_2163 = arith.index_cast %get3A_2162 : i32 to index
    %get3A_2164 = arith.constant 480 : index
    %get3A_2165 = tpu.vector_load %arg4[%get3A_2163, %get3A_2164] {strides = array<i32>} : memref<12x576xf32, #tpu.memory_space<vmem>>, vector<16xf32>,
    %add3A_2166 = arith.addf %add3A_2161, %get3A_2165 : vector<16xf32>
    %get3A_2167 = arith.constant 9 : i32
    %get3A_2168 = arith.index_cast %get3A_2167 : i32 to index
    %get3A_2169 = arith.constant 480 : index
    %get3A_2170 = tpu.vector_load %arg4[%get3A_2168, %get3A_2169] {strides = array<i32>} : memref<12x576xf32, #tpu.memory_space<vmem>>, vector<16xf32>,
    %add3A_2171 = arith.addf %add3A_2166, %get3A_2170 : vector<16xf32>
    %get3A_2172 = arith.constant 10 : i32
    %get3A_2173 = arith.index_cast %get3A_2172 : i32 to index
    %get3A_2174 = arith.constant 480 : index
    %get3A_2175 = tpu.vector_load %arg4[%get3A_2173, %get3A_2174] {strides = array<i32>} : memref<12x576xf32, #tpu.memory_space<vmem>>, vector<16xf32>,
    %add3A_2176 = arith.addf %add3A_2171, %get3A_2175 : vector<16xf32>
    %get3A_2177 = arith.constant 11 : i32
    %get3A_2178 = arith.index_cast %get3A_2177 : i32 to index
    %get3A_2179 = arith.constant 480 : index
    %get3A_2180 = tpu.vector_load %arg4[%get3A_2178, %get3A_2179] {strides = array<i32>} : memref<12x576xf32, #tpu.memory_space<vmem>>, vector<16xf32>,
    %add3A_2181 = arith.addf %add3A_2176, %get3A_2180 : vector<16xf32>
    %swap3A_2182 = arith.constant 480 : index
    %swap3A_2183 = tpu.vector_load %arg5[%swap3A_2182] {strides = array<i32>} : memref<576xf32, #tpu.memory_space<vmem>>, vector<16xf32>,
    tpu.vector_store %arg5[%swap3A_2182], %add3A_2181 {strides = array<i32>} : memref<576xf32, #tpu.memory_space<vmem>>, vector<16xf32>,
    %bitcast_convert_type3A_2184 = tpu.bitcast %add3A_2181 : vector<16xf32> -> vector<16xi32>
    %ge3A_2185 = arith.constant 0 : i32
    %ge3A_2186 = vector.broadcast %ge3A_2185 : i32 to vector<16xi32>
    %ge3A_2187 = arith.cmpi sge, %bitcast_convert_type3A_2184, %ge3A_2186 : vector<16xi32>
    %xor3A_2188 = arith.constant 2147483647 : i32
    %xor3A_2189 = vector.broadcast %xor3A_2188 : i32 to vector<16xi32>
    %xor3A_2190 = arith.xori %bitcast_convert_type3A_2184, %xor3A_2189 : vector<16xi32>
    %select_n3A_2191 = arith.select %ge3A_2187, %bitcast_convert_type3A_2184, %xor3A_2190 : vector<16xi1>, vector<16xi32>
    %swap3A_2192 = arith.constant 480 : index
    %swap3A_2193 = tpu.vector_load %arg6[%swap3A_2192] {strides = array<i32>} : memref<576xi32, #tpu.memory_space<vmem>>, vector<16xi32>,
    tpu.vector_store %arg6[%swap3A_2192], %select_n3A_2191 {strides = array<i32>} : memref<576xi32, #tpu.memory_space<vmem>>, vector<16xi32>,
    %get3A_2194 = arith.constant 0 : i32
    %get3A_2195 = arith.index_cast %get3A_2194 : i32 to index
    %get3A_2196 = arith.constant 496 : index
    %get3A_2197 = tpu.vector_load %arg4[%get3A_2195, %get3A_2196] {strides = array<i32>} : memref<12x576xf32, #tpu.memory_space<vmem>>, vector<16xf32>,
    %get3A_2198 = arith.constant 1 : i32
    %get3A_2199 = arith.index_cast %get3A_2198 : i32 to index
    %get3A_2200 = arith.constant 496 : index
    %get3A_2201 = tpu.vector_load %arg4[%get3A_2199, %get3A_2200] {strides = array<i32>} : memref<12x576xf32, #tpu.memory_space<vmem>>, vector<16xf32>,
    %add3A_2202 = arith.addf %get3A_2197, %get3A_2201 : vector<16xf32>
    %get3A_2203 = arith.constant 2 : i32
    %get3A_2204 = arith.index_cast %get3A_2203 : i32 to index
    %get3A_2205 = arith.constant 496 : index
    %get3A_2206 = tpu.vector_load %arg4[%get3A_2204, %get3A_2205] {strides = array<i32>} : memref<12x576xf32, #tpu.memory_space<vmem>>, vector<16xf32>,
    %add3A_2207 = arith.addf %add3A_2202, %get3A_2206 : vector<16xf32>
    %get3A_2208 = arith.constant 3 : i32
    %get3A_2209 = arith.index_cast %get3A_2208 : i32 to index
    %get3A_2210 = arith.constant 496 : index
    %get3A_2211 = tpu.vector_load %arg4[%get3A_2209, %get3A_2210] {strides = array<i32>} : memref<12x576xf32, #tpu.memory_space<vmem>>, vector<16xf32>,
    %add3A_2212 = arith.addf %add3A_2207, %get3A_2211 : vector<16xf32>
    %get3A_2213 = arith.constant 4 : i32
    %get3A_2214 = arith.index_cast %get3A_2213 : i32 to index
    %get3A_2215 = arith.constant 496 : index
    %get3A_2216 = tpu.vector_load %arg4[%get3A_2214, %get3A_2215] {strides = array<i32>} : memref<12x576xf32, #tpu.memory_space<vmem>>, vector<16xf32>,
    %add3A_2217 = arith.addf %add3A_2212, %get3A_2216 : vector<16xf32>
    %get3A_2218 = arith.constant 5 : i32
    %get3A_2219 = arith.index_cast %get3A_2218 : i32 to index
    %get3A_2220 = arith.constant 496 : index
    %get3A_2221 = tpu.vector_load %arg4[%get3A_2219, %get3A_2220] {strides = array<i32>} : memref<12x576xf32, #tpu.memory_space<vmem>>, vector<16xf32>,
    %add3A_2222 = arith.addf %add3A_2217, %get3A_2221 : vector<16xf32>
    %get3A_2223 = arith.constant 6 : i32
    %get3A_2224 = arith.index_cast %get3A_2223 : i32 to index
    %get3A_2225 = arith.constant 496 : index
    %get3A_2226 = tpu.vector_load %arg4[%get3A_2224, %get3A_2225] {strides = array<i32>} : memref<12x576xf32, #tpu.memory_space<vmem>>, vector<16xf32>,
    %add3A_2227 = arith.addf %add3A_2222, %get3A_2226 : vector<16xf32>
    %get3A_2228 = arith.constant 7 : i32
    %get3A_2229 = arith.index_cast %get3A_2228 : i32 to index
    %get3A_2230 = arith.constant 496 : index
    %get3A_2231 = tpu.vector_load %arg4[%get3A_2229, %get3A_2230] {strides = array<i32>} : memref<12x576xf32, #tpu.memory_space<vmem>>, vector<16xf32>,
    %add3A_2232 = arith.addf %add3A_2227, %get3A_2231 : vector<16xf32>
    %get3A_2233 = arith.constant 8 : i32
    %get3A_2234 = arith.index_cast %get3A_2233 : i32 to index
    %get3A_2235 = arith.constant 496 : index
    %get3A_2236 = tpu.vector_load %arg4[%get3A_2234, %get3A_2235] {strides = array<i32>} : memref<12x576xf32, #tpu.memory_space<vmem>>, vector<16xf32>,
    %add3A_2237 = arith.addf %add3A_2232, %get3A_2236 : vector<16xf32>
    %get3A_2238 = arith.constant 9 : i32
    %get3A_2239 = arith.index_cast %get3A_2238 : i32 to index
    %get3A_2240 = arith.constant 496 : index
    %get3A_2241 = tpu.vector_load %arg4[%get3A_2239, %get3A_2240] {strides = array<i32>} : memref<12x576xf32, #tpu.memory_space<vmem>>, vector<16xf32>,
    %add3A_2242 = arith.addf %add3A_2237, %get3A_2241 : vector<16xf32>
    %get3A_2243 = arith.constant 10 : i32
    %get3A_2244 = arith.index_cast %get3A_2243 : i32 to index
    %get3A_2245 = arith.constant 496 : index
    %get3A_2246 = tpu.vector_load %arg4[%get3A_2244, %get3A_2245] {strides = array<i32>} : memref<12x576xf32, #tpu.memory_space<vmem>>, vector<16xf32>,
    %add3A_2247 = arith.addf %add3A_2242, %get3A_2246 : vector<16xf32>
    %get3A_2248 = arith.constant 11 : i32
    %get3A_2249 = arith.index_cast %get3A_2248 : i32 to index
    %get3A_2250 = arith.constant 496 : index
    %get3A_2251 = tpu.vector_load %arg4[%get3A_2249, %get3A_2250] {strides = array<i32>} : memref<12x576xf32, #tpu.memory_space<vmem>>, vector<16xf32>,
    %add3A_2252 = arith.addf %add3A_2247, %get3A_2251 : vector<16xf32>
    %swap3A_2253 = arith.constant 496 : index
    %swap3A_2254 = tpu.vector_load %arg5[%swap3A_2253] {strides = array<i32>} : memref<576xf32, #tpu.memory_space<vmem>>, vector<16xf32>,
    tpu.vector_store %arg5[%swap3A_2253], %add3A_2252 {strides = array<i32>} : memref<576xf32, #tpu.memory_space<vmem>>, vector<16xf32>,
    %bitcast_convert_type3A_2255 = tpu.bitcast %add3A_2252 : vector<16xf32> -> vector<16xi32>
    %ge3A_2256 = arith.constant 0 : i32
    %ge3A_2257 = vector.broadcast %ge3A_2256 : i32 to vector<16xi32>
    %ge3A_2258 = arith.cmpi sge, %bitcast_convert_type3A_2255, %ge3A_2257 : vector<16xi32>
    %xor3A_2259 = arith.constant 2147483647 : i32
    %xor3A_2260 = vector.broadcast %xor3A_2259 : i32 to vector<16xi32>
    %xor3A_2261 = arith.xori %bitcast_convert_type3A_2255, %xor3A_2260 : vector<16xi32>
    %select_n3A_2262 = arith.select %ge3A_2258, %bitcast_convert_type3A_2255, %xor3A_2261 : vector<16xi1>, vector<16xi32>
    %swap3A_2263 = arith.constant 496 : index
    %swap3A_2264 = tpu.vector_load %arg6[%swap3A_2263] {strides = array<i32>} : memref<576xi32, #tpu.memory_space<vmem>>, vector<16xi32>,
    tpu.vector_store %arg6[%swap3A_2263], %select_n3A_2262 {strides = array<i32>} : memref<576xi32, #tpu.memory_space<vmem>>, vector<16xi32>,
    %get3A_2265 = arith.constant 0 : i32
    %get3A_2266 = arith.index_cast %get3A_2265 : i32 to index
    %get3A_2267 = arith.constant 512 : index
    %get3A_2268 = tpu.vector_load %arg4[%get3A_2266, %get3A_2267] {strides = array<i32>} : memref<12x576xf32, #tpu.memory_space<vmem>>, vector<16xf32>,
    %get3A_2269 = arith.constant 1 : i32
    %get3A_2270 = arith.index_cast %get3A_2269 : i32 to index
    %get3A_2271 = arith.constant 512 : index
    %get3A_2272 = tpu.vector_load %arg4[%get3A_2270, %get3A_2271] {strides = array<i32>} : memref<12x576xf32, #tpu.memory_space<vmem>>, vector<16xf32>,
    %add3A_2273 = arith.addf %get3A_2268, %get3A_2272 : vector<16xf32>
    %get3A_2274 = arith.constant 2 : i32
    %get3A_2275 = arith.index_cast %get3A_2274 : i32 to index
    %get3A_2276 = arith.constant 512 : index
    %get3A_2277 = tpu.vector_load %arg4[%get3A_2275, %get3A_2276] {strides = array<i32>} : memref<12x576xf32, #tpu.memory_space<vmem>>, vector<16xf32>,
    %add3A_2278 = arith.addf %add3A_2273, %get3A_2277 : vector<16xf32>
    %get3A_2279 = arith.constant 3 : i32
    %get3A_2280 = arith.index_cast %get3A_2279 : i32 to index
    %get3A_2281 = arith.constant 512 : index
    %get3A_2282 = tpu.vector_load %arg4[%get3A_2280, %get3A_2281] {strides = array<i32>} : memref<12x576xf32, #tpu.memory_space<vmem>>, vector<16xf32>,
    %add3A_2283 = arith.addf %add3A_2278, %get3A_2282 : vector<16xf32>
    %get3A_2284 = arith.constant 4 : i32
    %get3A_2285 = arith.index_cast %get3A_2284 : i32 to index
    %get3A_2286 = arith.constant 512 : index
    %get3A_2287 = tpu.vector_load %arg4[%get3A_2285, %get3A_2286] {strides = array<i32>} : memref<12x576xf32, #tpu.memory_space<vmem>>, vector<16xf32>,
    %add3A_2288 = arith.addf %add3A_2283, %get3A_2287 : vector<16xf32>
    %get3A_2289 = arith.constant 5 : i32
    %get3A_2290 = arith.index_cast %get3A_2289 : i32 to index
    %get3A_2291 = arith.constant 512 : index
    %get3A_2292 = tpu.vector_load %arg4[%get3A_2290, %get3A_2291] {strides = array<i32>} : memref<12x576xf32, #tpu.memory_space<vmem>>, vector<16xf32>,
    %add3A_2293 = arith.addf %add3A_2288, %get3A_2292 : vector<16xf32>
    %get3A_2294 = arith.constant 6 : i32
    %get3A_2295 = arith.index_cast %get3A_2294 : i32 to index
    %get3A_2296 = arith.constant 512 : index
    %get3A_2297 = tpu.vector_load %arg4[%get3A_2295, %get3A_2296] {strides = array<i32>} : memref<12x576xf32, #tpu.memory_space<vmem>>, vector<16xf32>,
    %add3A_2298 = arith.addf %add3A_2293, %get3A_2297 : vector<16xf32>
    %get3A_2299 = arith.constant 7 : i32
    %get3A_2300 = arith.index_cast %get3A_2299 : i32 to index
    %get3A_2301 = arith.constant 512 : index
    %get3A_2302 = tpu.vector_load %arg4[%get3A_2300, %get3A_2301] {strides = array<i32>} : memref<12x576xf32, #tpu.memory_space<vmem>>, vector<16xf32>,
    %add3A_2303 = arith.addf %add3A_2298, %get3A_2302 : vector<16xf32>
    %get3A_2304 = arith.constant 8 : i32
    %get3A_2305 = arith.index_cast %get3A_2304 : i32 to index
    %get3A_2306 = arith.constant 512 : index
    %get3A_2307 = tpu.vector_load %arg4[%get3A_2305, %get3A_2306] {strides = array<i32>} : memref<12x576xf32, #tpu.memory_space<vmem>>, vector<16xf32>,
    %add3A_2308 = arith.addf %add3A_2303, %get3A_2307 : vector<16xf32>
    %get3A_2309 = arith.constant 9 : i32
    %get3A_2310 = arith.index_cast %get3A_2309 : i32 to index
    %get3A_2311 = arith.constant 512 : index
    %get3A_2312 = tpu.vector_load %arg4[%get3A_2310, %get3A_2311] {strides = array<i32>} : memref<12x576xf32, #tpu.memory_space<vmem>>, vector<16xf32>,
    %add3A_2313 = arith.addf %add3A_2308, %get3A_2312 : vector<16xf32>
    %get3A_2314 = arith.constant 10 : i32
    %get3A_2315 = arith.index_cast %get3A_2314 : i32 to index
    %get3A_2316 = arith.constant 512 : index
    %get3A_2317 = tpu.vector_load %arg4[%get3A_2315, %get3A_2316] {strides = array<i32>} : memref<12x576xf32, #tpu.memory_space<vmem>>, vector<16xf32>,
    %add3A_2318 = arith.addf %add3A_2313, %get3A_2317 : vector<16xf32>
    %get3A_2319 = arith.constant 11 : i32
    %get3A_2320 = arith.index_cast %get3A_2319 : i32 to index
    %get3A_2321 = arith.constant 512 : index
    %get3A_2322 = tpu.vector_load %arg4[%get3A_2320, %get3A_2321] {strides = array<i32>} : memref<12x576xf32, #tpu.memory_space<vmem>>, vector<16xf32>,
    %add3A_2323 = arith.addf %add3A_2318, %get3A_2322 : vector<16xf32>
    %swap3A_2324 = arith.constant 512 : index
    %swap3A_2325 = tpu.vector_load %arg5[%swap3A_2324] {strides = array<i32>} : memref<576xf32, #tpu.memory_space<vmem>>, vector<16xf32>,
    tpu.vector_store %arg5[%swap3A_2324], %add3A_2323 {strides = array<i32>} : memref<576xf32, #tpu.memory_space<vmem>>, vector<16xf32>,
    %bitcast_convert_type3A_2326 = tpu.bitcast %add3A_2323 : vector<16xf32> -> vector<16xi32>
    %ge3A_2327 = arith.constant 0 : i32
    %ge3A_2328 = vector.broadcast %ge3A_2327 : i32 to vector<16xi32>
    %ge3A_2329 = arith.cmpi sge, %bitcast_convert_type3A_2326, %ge3A_2328 : vector<16xi32>
    %xor3A_2330 = arith.constant 2147483647 : i32
    %xor3A_2331 = vector.broadcast %xor3A_2330 : i32 to vector<16xi32>
    %xor3A_2332 = arith.xori %bitcast_convert_type3A_2326, %xor3A_2331 : vector<16xi32>
    %select_n3A_2333 = arith.select %ge3A_2329, %bitcast_convert_type3A_2326, %xor3A_2332 : vector<16xi1>, vector<16xi32>
    %swap3A_2334 = arith.constant 512 : index
    %swap3A_2335 = tpu.vector_load %arg6[%swap3A_2334] {strides = array<i32>} : memref<576xi32, #tpu.memory_space<vmem>>, vector<16xi32>,
    tpu.vector_store %arg6[%swap3A_2334], %select_n3A_2333 {strides = array<i32>} : memref<576xi32, #tpu.memory_space<vmem>>, vector<16xi32>,
    %get3A_2336 = arith.constant 0 : i32
    %get3A_2337 = arith.index_cast %get3A_2336 : i32 to index
    %get3A_2338 = arith.constant 528 : index
    %get3A_2339 = tpu.vector_load %arg4[%get3A_2337, %get3A_2338] {strides = array<i32>} : memref<12x576xf32, #tpu.memory_space<vmem>>, vector<16xf32>,
    %get3A_2340 = arith.constant 1 : i32
    %get3A_2341 = arith.index_cast %get3A_2340 : i32 to index
    %get3A_2342 = arith.constant 528 : index
    %get3A_2343 = tpu.vector_load %arg4[%get3A_2341, %get3A_2342] {strides = array<i32>} : memref<12x576xf32, #tpu.memory_space<vmem>>, vector<16xf32>,
    %add3A_2344 = arith.addf %get3A_2339, %get3A_2343 : vector<16xf32>
    %get3A_2345 = arith.constant 2 : i32
    %get3A_2346 = arith.index_cast %get3A_2345 : i32 to index
    %get3A_2347 = arith.constant 528 : index
    %get3A_2348 = tpu.vector_load %arg4[%get3A_2346, %get3A_2347] {strides = array<i32>} : memref<12x576xf32, #tpu.memory_space<vmem>>, vector<16xf32>,
    %add3A_2349 = arith.addf %add3A_2344, %get3A_2348 : vector<16xf32>
    %get3A_2350 = arith.constant 3 : i32
    %get3A_2351 = arith.index_cast %get3A_2350 : i32 to index
    %get3A_2352 = arith.constant 528 : index
    %get3A_2353 = tpu.vector_load %arg4[%get3A_2351, %get3A_2352] {strides = array<i32>} : memref<12x576xf32, #tpu.memory_space<vmem>>, vector<16xf32>,
    %add3A_2354 = arith.addf %add3A_2349, %get3A_2353 : vector<16xf32>
    %get3A_2355 = arith.constant 4 : i32
    %get3A_2356 = arith.index_cast %get3A_2355 : i32 to index
    %get3A_2357 = arith.constant 528 : index
    %get3A_2358 = tpu.vector_load %arg4[%get3A_2356, %get3A_2357] {strides = array<i32>} : memref<12x576xf32, #tpu.memory_space<vmem>>, vector<16xf32>,
    %add3A_2359 = arith.addf %add3A_2354, %get3A_2358 : vector<16xf32>
    %get3A_2360 = arith.constant 5 : i32
    %get3A_2361 = arith.index_cast %get3A_2360 : i32 to index
    %get3A_2362 = arith.constant 528 : index
    %get3A_2363 = tpu.vector_load %arg4[%get3A_2361, %get3A_2362] {strides = array<i32>} : memref<12x576xf32, #tpu.memory_space<vmem>>, vector<16xf32>,
    %add3A_2364 = arith.addf %add3A_2359, %get3A_2363 : vector<16xf32>
    %get3A_2365 = arith.constant 6 : i32
    %get3A_2366 = arith.index_cast %get3A_2365 : i32 to index
    %get3A_2367 = arith.constant 528 : index
    %get3A_2368 = tpu.vector_load %arg4[%get3A_2366, %get3A_2367] {strides = array<i32>} : memref<12x576xf32, #tpu.memory_space<vmem>>, vector<16xf32>,
    %add3A_2369 = arith.addf %add3A_2364, %get3A_2368 : vector<16xf32>
    %get3A_2370 = arith.constant 7 : i32
    %get3A_2371 = arith.index_cast %get3A_2370 : i32 to index
    %get3A_2372 = arith.constant 528 : index
    %get3A_2373 = tpu.vector_load %arg4[%get3A_2371, %get3A_2372] {strides = array<i32>} : memref<12x576xf32, #tpu.memory_space<vmem>>, vector<16xf32>,
    %add3A_2374 = arith.addf %add3A_2369, %get3A_2373 : vector<16xf32>
    %get3A_2375 = arith.constant 8 : i32
    %get3A_2376 = arith.index_cast %get3A_2375 : i32 to index
    %get3A_2377 = arith.constant 528 : index
    %get3A_2378 = tpu.vector_load %arg4[%get3A_2376, %get3A_2377] {strides = array<i32>} : memref<12x576xf32, #tpu.memory_space<vmem>>, vector<16xf32>,
    %add3A_2379 = arith.addf %add3A_2374, %get3A_2378 : vector<16xf32>
    %get3A_2380 = arith.constant 9 : i32
    %get3A_2381 = arith.index_cast %get3A_2380 : i32 to index
    %get3A_2382 = arith.constant 528 : index
    %get3A_2383 = tpu.vector_load %arg4[%get3A_2381, %get3A_2382] {strides = array<i32>} : memref<12x576xf32, #tpu.memory_space<vmem>>, vector<16xf32>,
    %add3A_2384 = arith.addf %add3A_2379, %get3A_2383 : vector<16xf32>
    %get3A_2385 = arith.constant 10 : i32
    %get3A_2386 = arith.index_cast %get3A_2385 : i32 to index
    %get3A_2387 = arith.constant 528 : index
    %get3A_2388 = tpu.vector_load %arg4[%get3A_2386, %get3A_2387] {strides = array<i32>} : memref<12x576xf32, #tpu.memory_space<vmem>>, vector<16xf32>,
    %add3A_2389 = arith.addf %add3A_2384, %get3A_2388 : vector<16xf32>
    %get3A_2390 = arith.constant 11 : i32
    %get3A_2391 = arith.index_cast %get3A_2390 : i32 to index
    %get3A_2392 = arith.constant 528 : index
    %get3A_2393 = tpu.vector_load %arg4[%get3A_2391, %get3A_2392] {strides = array<i32>} : memref<12x576xf32, #tpu.memory_space<vmem>>, vector<16xf32>,
    %add3A_2394 = arith.addf %add3A_2389, %get3A_2393 : vector<16xf32>
    %swap3A_2395 = arith.constant 528 : index
    %swap3A_2396 = tpu.vector_load %arg5[%swap3A_2395] {strides = array<i32>} : memref<576xf32, #tpu.memory_space<vmem>>, vector<16xf32>,
    tpu.vector_store %arg5[%swap3A_2395], %add3A_2394 {strides = array<i32>} : memref<576xf32, #tpu.memory_space<vmem>>, vector<16xf32>,
    %bitcast_convert_type3A_2397 = tpu.bitcast %add3A_2394 : vector<16xf32> -> vector<16xi32>
    %ge3A_2398 = arith.constant 0 : i32
    %ge3A_2399 = vector.broadcast %ge3A_2398 : i32 to vector<16xi32>
    %ge3A_2400 = arith.cmpi sge, %bitcast_convert_type3A_2397, %ge3A_2399 : vector<16xi32>
    %xor3A_2401 = arith.constant 2147483647 : i32
    %xor3A_2402 = vector.broadcast %xor3A_2401 : i32 to vector<16xi32>
    %xor3A_2403 = arith.xori %bitcast_convert_type3A_2397, %xor3A_2402 : vector<16xi32>
    %select_n3A_2404 = arith.select %ge3A_2400, %bitcast_convert_type3A_2397, %xor3A_2403 : vector<16xi1>, vector<16xi32>
    %swap3A_2405 = arith.constant 528 : index
    %swap3A_2406 = tpu.vector_load %arg6[%swap3A_2405] {strides = array<i32>} : memref<576xi32, #tpu.memory_space<vmem>>, vector<16xi32>,
    tpu.vector_store %arg6[%swap3A_2405], %select_n3A_2404 {strides = array<i32>} : memref<576xi32, #tpu.memory_space<vmem>>, vector<16xi32>,
    %get3A_2407 = arith.constant 0 : i32
    %get3A_2408 = arith.index_cast %get3A_2407 : i32 to index
    %get3A_2409 = arith.constant 544 : index
    %get3A_2410 = tpu.vector_load %arg4[%get3A_2408, %get3A_2409] {strides = array<i32>} : memref<12x576xf32, #tpu.memory_space<vmem>>, vector<16xf32>,
    %get3A_2411 = arith.constant 1 : i32
    %get3A_2412 = arith.index_cast %get3A_2411 : i32 to index
    %get3A_2413 = arith.constant 544 : index
    %get3A_2414 = tpu.vector_load %arg4[%get3A_2412, %get3A_2413] {strides = array<i32>} : memref<12x576xf32, #tpu.memory_space<vmem>>, vector<16xf32>,
    %add3A_2415 = arith.addf %get3A_2410, %get3A_2414 : vector<16xf32>
    %get3A_2416 = arith.constant 2 : i32
    %get3A_2417 = arith.index_cast %get3A_2416 : i32 to index
    %get3A_2418 = arith.constant 544 : index
    %get3A_2419 = tpu.vector_load %arg4[%get3A_2417, %get3A_2418] {strides = array<i32>} : memref<12x576xf32, #tpu.memory_space<vmem>>, vector<16xf32>,
    %add3A_2420 = arith.addf %add3A_2415, %get3A_2419 : vector<16xf32>
    %get3A_2421 = arith.constant 3 : i32
    %get3A_2422 = arith.index_cast %get3A_2421 : i32 to index
    %get3A_2423 = arith.constant 544 : index
    %get3A_2424 = tpu.vector_load %arg4[%get3A_2422, %get3A_2423] {strides = array<i32>} : memref<12x576xf32, #tpu.memory_space<vmem>>, vector<16xf32>,
    %add3A_2425 = arith.addf %add3A_2420, %get3A_2424 : vector<16xf32>
    %get3A_2426 = arith.constant 4 : i32
    %get3A_2427 = arith.index_cast %get3A_2426 : i32 to index
    %get3A_2428 = arith.constant 544 : index
    %get3A_2429 = tpu.vector_load %arg4[%get3A_2427, %get3A_2428] {strides = array<i32>} : memref<12x576xf32, #tpu.memory_space<vmem>>, vector<16xf32>,
    %add3A_2430 = arith.addf %add3A_2425, %get3A_2429 : vector<16xf32>
    %get3A_2431 = arith.constant 5 : i32
    %get3A_2432 = arith.index_cast %get3A_2431 : i32 to index
    %get3A_2433 = arith.constant 544 : index
    %get3A_2434 = tpu.vector_load %arg4[%get3A_2432, %get3A_2433] {strides = array<i32>} : memref<12x576xf32, #tpu.memory_space<vmem>>, vector<16xf32>,
    %add3A_2435 = arith.addf %add3A_2430, %get3A_2434 : vector<16xf32>
    %get3A_2436 = arith.constant 6 : i32
    %get3A_2437 = arith.index_cast %get3A_2436 : i32 to index
    %get3A_2438 = arith.constant 544 : index
    %get3A_2439 = tpu.vector_load %arg4[%get3A_2437, %get3A_2438] {strides = array<i32>} : memref<12x576xf32, #tpu.memory_space<vmem>>, vector<16xf32>,
    %add3A_2440 = arith.addf %add3A_2435, %get3A_2439 : vector<16xf32>
    %get3A_2441 = arith.constant 7 : i32
    %get3A_2442 = arith.index_cast %get3A_2441 : i32 to index
    %get3A_2443 = arith.constant 544 : index
    %get3A_2444 = tpu.vector_load %arg4[%get3A_2442, %get3A_2443] {strides = array<i32>} : memref<12x576xf32, #tpu.memory_space<vmem>>, vector<16xf32>,
    %add3A_2445 = arith.addf %add3A_2440, %get3A_2444 : vector<16xf32>
    %get3A_2446 = arith.constant 8 : i32
    %get3A_2447 = arith.index_cast %get3A_2446 : i32 to index
    %get3A_2448 = arith.constant 544 : index
    %get3A_2449 = tpu.vector_load %arg4[%get3A_2447, %get3A_2448] {strides = array<i32>} : memref<12x576xf32, #tpu.memory_space<vmem>>, vector<16xf32>,
    %add3A_2450 = arith.addf %add3A_2445, %get3A_2449 : vector<16xf32>
    %get3A_2451 = arith.constant 9 : i32
    %get3A_2452 = arith.index_cast %get3A_2451 : i32 to index
    %get3A_2453 = arith.constant 544 : index
    %get3A_2454 = tpu.vector_load %arg4[%get3A_2452, %get3A_2453] {strides = array<i32>} : memref<12x576xf32, #tpu.memory_space<vmem>>, vector<16xf32>,
    %add3A_2455 = arith.addf %add3A_2450, %get3A_2454 : vector<16xf32>
    %get3A_2456 = arith.constant 10 : i32
    %get3A_2457 = arith.index_cast %get3A_2456 : i32 to index
    %get3A_2458 = arith.constant 544 : index
    %get3A_2459 = tpu.vector_load %arg4[%get3A_2457, %get3A_2458] {strides = array<i32>} : memref<12x576xf32, #tpu.memory_space<vmem>>, vector<16xf32>,
    %add3A_2460 = arith.addf %add3A_2455, %get3A_2459 : vector<16xf32>
    %get3A_2461 = arith.constant 11 : i32
    %get3A_2462 = arith.index_cast %get3A_2461 : i32 to index
    %get3A_2463 = arith.constant 544 : index
    %get3A_2464 = tpu.vector_load %arg4[%get3A_2462, %get3A_2463] {strides = array<i32>} : memref<12x576xf32, #tpu.memory_space<vmem>>, vector<16xf32>,
    %add3A_2465 = arith.addf %add3A_2460, %get3A_2464 : vector<16xf32>
    %swap3A_2466 = arith.constant 544 : index
    %swap3A_2467 = tpu.vector_load %arg5[%swap3A_2466] {strides = array<i32>} : memref<576xf32, #tpu.memory_space<vmem>>, vector<16xf32>,
    tpu.vector_store %arg5[%swap3A_2466], %add3A_2465 {strides = array<i32>} : memref<576xf32, #tpu.memory_space<vmem>>, vector<16xf32>,
    %bitcast_convert_type3A_2468 = tpu.bitcast %add3A_2465 : vector<16xf32> -> vector<16xi32>
    %ge3A_2469 = arith.constant 0 : i32
    %ge3A_2470 = vector.broadcast %ge3A_2469 : i32 to vector<16xi32>
    %ge3A_2471 = arith.cmpi sge, %bitcast_convert_type3A_2468, %ge3A_2470 : vector<16xi32>
    %xor3A_2472 = arith.constant 2147483647 : i32
    %xor3A_2473 = vector.broadcast %xor3A_2472 : i32 to vector<16xi32>
    %xor3A_2474 = arith.xori %bitcast_convert_type3A_2468, %xor3A_2473 : vector<16xi32>
    %select_n3A_2475 = arith.select %ge3A_2471, %bitcast_convert_type3A_2468, %xor3A_2474 : vector<16xi1>, vector<16xi32>
    %swap3A_2476 = arith.constant 544 : index
    %swap3A_2477 = tpu.vector_load %arg6[%swap3A_2476] {strides = array<i32>} : memref<576xi32, #tpu.memory_space<vmem>>, vector<16xi32>,
    tpu.vector_store %arg6[%swap3A_2476], %select_n3A_2475 {strides = array<i32>} : memref<576xi32, #tpu.memory_space<vmem>>, vector<16xi32>,
    %get3A_2478 = arith.constant 0 : i32
    %get3A_2479 = arith.index_cast %get3A_2478 : i32 to index
    %get3A_2480 = arith.constant 560 : index
    %get3A_2481 = tpu.vector_load %arg4[%get3A_2479, %get3A_2480] {strides = array<i32>} : memref<12x576xf32, #tpu.memory_space<vmem>>, vector<16xf32>,
    %get3A_2482 = arith.constant 1 : i32
    %get3A_2483 = arith.index_cast %get3A_2482 : i32 to index
    %get3A_2484 = arith.constant 560 : index
    %get3A_2485 = tpu.vector_load %arg4[%get3A_2483, %get3A_2484] {strides = array<i32>} : memref<12x576xf32, #tpu.memory_space<vmem>>, vector<16xf32>,
    %add3A_2486 = arith.addf %get3A_2481, %get3A_2485 : vector<16xf32>
    %get3A_2487 = arith.constant 2 : i32
    %get3A_2488 = arith.index_cast %get3A_2487 : i32 to index
    %get3A_2489 = arith.constant 560 : index
    %get3A_2490 = tpu.vector_load %arg4[%get3A_2488, %get3A_2489] {strides = array<i32>} : memref<12x576xf32, #tpu.memory_space<vmem>>, vector<16xf32>,
    %add3A_2491 = arith.addf %add3A_2486, %get3A_2490 : vector<16xf32>
    %get3A_2492 = arith.constant 3 : i32
    %get3A_2493 = arith.index_cast %get3A_2492 : i32 to index
    %get3A_2494 = arith.constant 560 : index
    %get3A_2495 = tpu.vector_load %arg4[%get3A_2493, %get3A_2494] {strides = array<i32>} : memref<12x576xf32, #tpu.memory_space<vmem>>, vector<16xf32>,
    %add3A_2496 = arith.addf %add3A_2491, %get3A_2495 : vector<16xf32>
    %get3A_2497 = arith.constant 4 : i32
    %get3A_2498 = arith.index_cast %get3A_2497 : i32 to index
    %get3A_2499 = arith.constant 560 : index
    %get3A_2500 = tpu.vector_load %arg4[%get3A_2498, %get3A_2499] {strides = array<i32>} : memref<12x576xf32, #tpu.memory_space<vmem>>, vector<16xf32>,
    %add3A_2501 = arith.addf %add3A_2496, %get3A_2500 : vector<16xf32>
    %get3A_2502 = arith.constant 5 : i32
    %get3A_2503 = arith.index_cast %get3A_2502 : i32 to index
    %get3A_2504 = arith.constant 560 : index
    %get3A_2505 = tpu.vector_load %arg4[%get3A_2503, %get3A_2504] {strides = array<i32>} : memref<12x576xf32, #tpu.memory_space<vmem>>, vector<16xf32>,
    %add3A_2506 = arith.addf %add3A_2501, %get3A_2505 : vector<16xf32>
    %get3A_2507 = arith.constant 6 : i32
    %get3A_2508 = arith.index_cast %get3A_2507 : i32 to index
    %get3A_2509 = arith.constant 560 : index
    %get3A_2510 = tpu.vector_load %arg4[%get3A_2508, %get3A_2509] {strides = array<i32>} : memref<12x576xf32, #tpu.memory_space<vmem>>, vector<16xf32>,
    %add3A_2511 = arith.addf %add3A_2506, %get3A_2510 : vector<16xf32>
    %get3A_2512 = arith.constant 7 : i32
    %get3A_2513 = arith.index_cast %get3A_2512 : i32 to index
    %get3A_2514 = arith.constant 560 : index
    %get3A_2515 = tpu.vector_load %arg4[%get3A_2513, %get3A_2514] {strides = array<i32>} : memref<12x576xf32, #tpu.memory_space<vmem>>, vector<16xf32>,
    %add3A_2516 = arith.addf %add3A_2511, %get3A_2515 : vector<16xf32>
    %get3A_2517 = arith.constant 8 : i32
    %get3A_2518 = arith.index_cast %get3A_2517 : i32 to index
    %get3A_2519 = arith.constant 560 : index
    %get3A_2520 = tpu.vector_load %arg4[%get3A_2518, %get3A_2519] {strides = array<i32>} : memref<12x576xf32, #tpu.memory_space<vmem>>, vector<16xf32>,
    %add3A_2521 = arith.addf %add3A_2516, %get3A_2520 : vector<16xf32>
    %get3A_2522 = arith.constant 9 : i32
    %get3A_2523 = arith.index_cast %get3A_2522 : i32 to index
    %get3A_2524 = arith.constant 560 : index
    %get3A_2525 = tpu.vector_load %arg4[%get3A_2523, %get3A_2524] {strides = array<i32>} : memref<12x576xf32, #tpu.memory_space<vmem>>, vector<16xf32>,
    %add3A_2526 = arith.addf %add3A_2521, %get3A_2525 : vector<16xf32>
    %get3A_2527 = arith.constant 10 : i32
    %get3A_2528 = arith.index_cast %get3A_2527 : i32 to index
    %get3A_2529 = arith.constant 560 : index
    %get3A_2530 = tpu.vector_load %arg4[%get3A_2528, %get3A_2529] {strides = array<i32>} : memref<12x576xf32, #tpu.memory_space<vmem>>, vector<16xf32>,
    %add3A_2531 = arith.addf %add3A_2526, %get3A_2530 : vector<16xf32>
    %get3A_2532 = arith.constant 11 : i32
    %get3A_2533 = arith.index_cast %get3A_2532 : i32 to index
    %get3A_2534 = arith.constant 560 : index
    %get3A_2535 = tpu.vector_load %arg4[%get3A_2533, %get3A_2534] {strides = array<i32>} : memref<12x576xf32, #tpu.memory_space<vmem>>, vector<16xf32>,
    %add3A_2536 = arith.addf %add3A_2531, %get3A_2535 : vector<16xf32>
    %swap3A_2537 = arith.constant 560 : index
    %swap3A_2538 = tpu.vector_load %arg5[%swap3A_2537] {strides = array<i32>} : memref<576xf32, #tpu.memory_space<vmem>>, vector<16xf32>,
    tpu.vector_store %arg5[%swap3A_2537], %add3A_2536 {strides = array<i32>} : memref<576xf32, #tpu.memory_space<vmem>>, vector<16xf32>,
    %bitcast_convert_type3A_2539 = tpu.bitcast %add3A_2536 : vector<16xf32> -> vector<16xi32>
    %ge3A_2540 = arith.constant 0 : i32
    %ge3A_2541 = vector.broadcast %ge3A_2540 : i32 to vector<16xi32>
    %ge3A_2542 = arith.cmpi sge, %bitcast_convert_type3A_2539, %ge3A_2541 : vector<16xi32>
    %xor3A_2543 = arith.constant 2147483647 : i32
    %xor3A_2544 = vector.broadcast %xor3A_2543 : i32 to vector<16xi32>
    %xor3A_2545 = arith.xori %bitcast_convert_type3A_2539, %xor3A_2544 : vector<16xi32>
    %select_n3A_2546 = arith.select %ge3A_2542, %bitcast_convert_type3A_2539, %xor3A_2545 : vector<16xi1>, vector<16xi32>
    %swap3A_2547 = arith.constant 560 : index
    %swap3A_2548 = tpu.vector_load %arg6[%swap3A_2547] {strides = array<i32>} : memref<576xi32, #tpu.memory_space<vmem>>, vector<16xi32>,
    tpu.vector_store %arg6[%swap3A_2547], %select_n3A_2546 {strides = array<i32>} : memref<576xi32, #tpu.memory_space<vmem>>, vector<16xi32>,
    %broadcast_in_dim3A = arith.constant 0 : i32
    %broadcast_in_dim3A_2549 = vector.broadcast %broadcast_in_dim3A : i32 to vector<16xi32>
    %scan3A = arith.constant 0 : i32
    %scan3A_2550 = arith.constant 32 : i32
    %scan3A_2551 = arith.addi %scan3A, %scan3A_2550 : i32
    %scan3A_2552 = arith.constant 1 : i32
    %scan3A_2553 = scf.for %scan3A_2924 = %scan3A to %scan3A_2551 step %scan3A_2552 iter_args(%scan3A_2925 = %broadcast_in_dim3A_2549) -> (vector<16xi32>)  : i32 {
      %broadcast_in_dim3A_2926 = arith.constant 1 : i32
      %broadcast_in_dim3A_2927 = vector.broadcast %broadcast_in_dim3A_2926 : i32 to vector<16xi32>
      %sub3A = arith.constant 31 : i32
      %sub3A_2928 = arith.subi %sub3A, %scan3A_2924 : i32
      %shift_left3A = vector.broadcast %sub3A_2928 : i32 to vector<16xi32>
      %shift_left3A_2929 = arith.shli %broadcast_in_dim3A_2927, %shift_left3A : vector<16xi32>
      %or3A = arith.ori %scan3A_2925, %shift_left3A_2929 : vector<16xi32>
      %xor3A_2930 = arith.constant -2147483648 : i32
      %xor3A_2931 = vector.broadcast %xor3A_2930 : i32 to vector<16xi32>
      %xor3A_2932 = arith.xori %or3A, %xor3A_2931 : vector<16xi32>
      %broadcast_in_dim3A_2933 = arith.constant 0 : i32
      %broadcast_in_dim3A_2934 = vector.broadcast %broadcast_in_dim3A_2933 : i32 to vector<16xi32>
      %get3A_2935 = arith.constant 0 : index
      %get3A_2936 = tpu.vector_load %arg6[%get3A_2935] {strides = array<i32>} : memref<576xi32, #tpu.memory_space<vmem>>, vector<16xi32>,
      %ge3A_2937 = arith.cmpi sge, %get3A_2936, %xor3A_2932 : vector<16xi32>
      %all_reduce_population_count3A = tpu.all_reduce %ge3A_2937 {dim = 0 : i64, kind = #tpu.reduction_kind<sum>} : vector<16xi1> -> vector<16xi32>
      %add3A_2938 = arith.addi %broadcast_in_dim3A_2934, %all_reduce_population_count3A : vector<16xi32>
      %get3A_2939 = arith.constant 16 : index
      %get3A_2940 = tpu.vector_load %arg6[%get3A_2939] {strides = array<i32>} : memref<576xi32, #tpu.memory_space<vmem>>, vector<16xi32>,
      %ge3A_2941 = arith.cmpi sge, %get3A_2940, %xor3A_2932 : vector<16xi32>
      %all_reduce_population_count3A_2942 = tpu.all_reduce %ge3A_2941 {dim = 0 : i64, kind = #tpu.reduction_kind<sum>} : vector<16xi1> -> vector<16xi32>
      %add3A_2943 = arith.addi %add3A_2938, %all_reduce_population_count3A_2942 : vector<16xi32>
      %get3A_2944 = arith.constant 32 : index
      %get3A_2945 = tpu.vector_load %arg6[%get3A_2944] {strides = array<i32>} : memref<576xi32, #tpu.memory_space<vmem>>, vector<16xi32>,
      %ge3A_2946 = arith.cmpi sge, %get3A_2945, %xor3A_2932 : vector<16xi32>
      %all_reduce_population_count3A_2947 = tpu.all_reduce %ge3A_2946 {dim = 0 : i64, kind = #tpu.reduction_kind<sum>} : vector<16xi1> -> vector<16xi32>
      %add3A_2948 = arith.addi %add3A_2943, %all_reduce_population_count3A_2947 : vector<16xi32>
      %get3A_2949 = arith.constant 48 : index
      %get3A_2950 = tpu.vector_load %arg6[%get3A_2949] {strides = array<i32>} : memref<576xi32, #tpu.memory_space<vmem>>, vector<16xi32>,
      %ge3A_2951 = arith.cmpi sge, %get3A_2950, %xor3A_2932 : vector<16xi32>
      %all_reduce_population_count3A_2952 = tpu.all_reduce %ge3A_2951 {dim = 0 : i64, kind = #tpu.reduction_kind<sum>} : vector<16xi1> -> vector<16xi32>
      %add3A_2953 = arith.addi %add3A_2948, %all_reduce_population_count3A_2952 : vector<16xi32>
      %get3A_2954 = arith.constant 64 : index
      %get3A_2955 = tpu.vector_load %arg6[%get3A_2954] {strides = array<i32>} : memref<576xi32, #tpu.memory_space<vmem>>, vector<16xi32>,
      %ge3A_2956 = arith.cmpi sge, %get3A_2955, %xor3A_2932 : vector<16xi32>
      %all_reduce_population_count3A_2957 = tpu.all_reduce %ge3A_2956 {dim = 0 : i64, kind = #tpu.reduction_kind<sum>} : vector<16xi1> -> vector<16xi32>
      %add3A_2958 = arith.addi %add3A_2953, %all_reduce_population_count3A_2957 : vector<16xi32>
      %get3A_2959 = arith.constant 80 : index
      %get3A_2960 = tpu.vector_load %arg6[%get3A_2959] {strides = array<i32>} : memref<576xi32, #tpu.memory_space<vmem>>, vector<16xi32>,
      %ge3A_2961 = arith.cmpi sge, %get3A_2960, %xor3A_2932 : vector<16xi32>
      %all_reduce_population_count3A_2962 = tpu.all_reduce %ge3A_2961 {dim = 0 : i64, kind = #tpu.reduction_kind<sum>} : vector<16xi1> -> vector<16xi32>
      %add3A_2963 = arith.addi %add3A_2958, %all_reduce_population_count3A_2962 : vector<16xi32>
      %get3A_2964 = arith.constant 96 : index
      %get3A_2965 = tpu.vector_load %arg6[%get3A_2964] {strides = array<i32>} : memref<576xi32, #tpu.memory_space<vmem>>, vector<16xi32>,
      %ge3A_2966 = arith.cmpi sge, %get3A_2965, %xor3A_2932 : vector<16xi32>
      %all_reduce_population_count3A_2967 = tpu.all_reduce %ge3A_2966 {dim = 0 : i64, kind = #tpu.reduction_kind<sum>} : vector<16xi1> -> vector<16xi32>
      %add3A_2968 = arith.addi %add3A_2963, %all_reduce_population_count3A_2967 : vector<16xi32>
      %get3A_2969 = arith.constant 112 : index
      %get3A_2970 = tpu.vector_load %arg6[%get3A_2969] {strides = array<i32>} : memref<576xi32, #tpu.memory_space<vmem>>, vector<16xi32>,
      %ge3A_2971 = arith.cmpi sge, %get3A_2970, %xor3A_2932 : vector<16xi32>
      %all_reduce_population_count3A_2972 = tpu.all_reduce %ge3A_2971 {dim = 0 : i64, kind = #tpu.reduction_kind<sum>} : vector<16xi1> -> vector<16xi32>
      %add3A_2973 = arith.addi %add3A_2968, %all_reduce_population_count3A_2972 : vector<16xi32>
      %get3A_2974 = arith.constant 128 : index
      %get3A_2975 = tpu.vector_load %arg6[%get3A_2974] {strides = array<i32>} : memref<576xi32, #tpu.memory_space<vmem>>, vector<16xi32>,
      %ge3A_2976 = arith.cmpi sge, %get3A_2975, %xor3A_2932 : vector<16xi32>
      %all_reduce_population_count3A_2977 = tpu.all_reduce %ge3A_2976 {dim = 0 : i64, kind = #tpu.reduction_kind<sum>} : vector<16xi1> -> vector<16xi32>
      %add3A_2978 = arith.addi %add3A_2973, %all_reduce_population_count3A_2977 : vector<16xi32>
      %get3A_2979 = arith.constant 144 : index
      %get3A_2980 = tpu.vector_load %arg6[%get3A_2979] {strides = array<i32>} : memref<576xi32, #tpu.memory_space<vmem>>, vector<16xi32>,
      %ge3A_2981 = arith.cmpi sge, %get3A_2980, %xor3A_2932 : vector<16xi32>
      %all_reduce_population_count3A_2982 = tpu.all_reduce %ge3A_2981 {dim = 0 : i64, kind = #tpu.reduction_kind<sum>} : vector<16xi1> -> vector<16xi32>
      %add3A_2983 = arith.addi %add3A_2978, %all_reduce_population_count3A_2982 : vector<16xi32>
      %get3A_2984 = arith.constant 160 : index
      %get3A_2985 = tpu.vector_load %arg6[%get3A_2984] {strides = array<i32>} : memref<576xi32, #tpu.memory_space<vmem>>, vector<16xi32>,
      %ge3A_2986 = arith.cmpi sge, %get3A_2985, %xor3A_2932 : vector<16xi32>
      %all_reduce_population_count3A_2987 = tpu.all_reduce %ge3A_2986 {dim = 0 : i64, kind = #tpu.reduction_kind<sum>} : vector<16xi1> -> vector<16xi32>
      %add3A_2988 = arith.addi %add3A_2983, %all_reduce_population_count3A_2987 : vector<16xi32>
      %get3A_2989 = arith.constant 176 : index
      %get3A_2990 = tpu.vector_load %arg6[%get3A_2989] {strides = array<i32>} : memref<576xi32, #tpu.memory_space<vmem>>, vector<16xi32>,
      %ge3A_2991 = arith.cmpi sge, %get3A_2990, %xor3A_2932 : vector<16xi32>
      %all_reduce_population_count3A_2992 = tpu.all_reduce %ge3A_2991 {dim = 0 : i64, kind = #tpu.reduction_kind<sum>} : vector<16xi1> -> vector<16xi32>
      %add3A_2993 = arith.addi %add3A_2988, %all_reduce_population_count3A_2992 : vector<16xi32>
      %get3A_2994 = arith.constant 192 : index
      %get3A_2995 = tpu.vector_load %arg6[%get3A_2994] {strides = array<i32>} : memref<576xi32, #tpu.memory_space<vmem>>, vector<16xi32>,
      %ge3A_2996 = arith.cmpi sge, %get3A_2995, %xor3A_2932 : vector<16xi32>
      %all_reduce_population_count3A_2997 = tpu.all_reduce %ge3A_2996 {dim = 0 : i64, kind = #tpu.reduction_kind<sum>} : vector<16xi1> -> vector<16xi32>
      %add3A_2998 = arith.addi %add3A_2993, %all_reduce_population_count3A_2997 : vector<16xi32>
      %get3A_2999 = arith.constant 208 : index
      %get3A_3000 = tpu.vector_load %arg6[%get3A_2999] {strides = array<i32>} : memref<576xi32, #tpu.memory_space<vmem>>, vector<16xi32>,
      %ge3A_3001 = arith.cmpi sge, %get3A_3000, %xor3A_2932 : vector<16xi32>
      %all_reduce_population_count3A_3002 = tpu.all_reduce %ge3A_3001 {dim = 0 : i64, kind = #tpu.reduction_kind<sum>} : vector<16xi1> -> vector<16xi32>
      %add3A_3003 = arith.addi %add3A_2998, %all_reduce_population_count3A_3002 : vector<16xi32>
      %get3A_3004 = arith.constant 224 : index
      %get3A_3005 = tpu.vector_load %arg6[%get3A_3004] {strides = array<i32>} : memref<576xi32, #tpu.memory_space<vmem>>, vector<16xi32>,
      %ge3A_3006 = arith.cmpi sge, %get3A_3005, %xor3A_2932 : vector<16xi32>
      %all_reduce_population_count3A_3007 = tpu.all_reduce %ge3A_3006 {dim = 0 : i64, kind = #tpu.reduction_kind<sum>} : vector<16xi1> -> vector<16xi32>
      %add3A_3008 = arith.addi %add3A_3003, %all_reduce_population_count3A_3007 : vector<16xi32>
      %get3A_3009 = arith.constant 240 : index
      %get3A_3010 = tpu.vector_load %arg6[%get3A_3009] {strides = array<i32>} : memref<576xi32, #tpu.memory_space<vmem>>, vector<16xi32>,
      %ge3A_3011 = arith.cmpi sge, %get3A_3010, %xor3A_2932 : vector<16xi32>
      %all_reduce_population_count3A_3012 = tpu.all_reduce %ge3A_3011 {dim = 0 : i64, kind = #tpu.reduction_kind<sum>} : vector<16xi1> -> vector<16xi32>
      %add3A_3013 = arith.addi %add3A_3008, %all_reduce_population_count3A_3012 : vector<16xi32>
      %get3A_3014 = arith.constant 256 : index
      %get3A_3015 = tpu.vector_load %arg6[%get3A_3014] {strides = array<i32>} : memref<576xi32, #tpu.memory_space<vmem>>, vector<16xi32>,
      %ge3A_3016 = arith.cmpi sge, %get3A_3015, %xor3A_2932 : vector<16xi32>
      %all_reduce_population_count3A_3017 = tpu.all_reduce %ge3A_3016 {dim = 0 : i64, kind = #tpu.reduction_kind<sum>} : vector<16xi1> -> vector<16xi32>
      %add3A_3018 = arith.addi %add3A_3013, %all_reduce_population_count3A_3017 : vector<16xi32>
      %get3A_3019 = arith.constant 272 : index
      %get3A_3020 = tpu.vector_load %arg6[%get3A_3019] {strides = array<i32>} : memref<576xi32, #tpu.memory_space<vmem>>, vector<16xi32>,
      %ge3A_3021 = arith.cmpi sge, %get3A_3020, %xor3A_2932 : vector<16xi32>
      %all_reduce_population_count3A_3022 = tpu.all_reduce %ge3A_3021 {dim = 0 : i64, kind = #tpu.reduction_kind<sum>} : vector<16xi1> -> vector<16xi32>
      %add3A_3023 = arith.addi %add3A_3018, %all_reduce_population_count3A_3022 : vector<16xi32>
      %get3A_3024 = arith.constant 288 : index
      %get3A_3025 = tpu.vector_load %arg6[%get3A_3024] {strides = array<i32>} : memref<576xi32, #tpu.memory_space<vmem>>, vector<16xi32>,
      %ge3A_3026 = arith.cmpi sge, %get3A_3025, %xor3A_2932 : vector<16xi32>
      %all_reduce_population_count3A_3027 = tpu.all_reduce %ge3A_3026 {dim = 0 : i64, kind = #tpu.reduction_kind<sum>} : vector<16xi1> -> vector<16xi32>
      %add3A_3028 = arith.addi %add3A_3023, %all_reduce_population_count3A_3027 : vector<16xi32>
      %get3A_3029 = arith.constant 304 : index
      %get3A_3030 = tpu.vector_load %arg6[%get3A_3029] {strides = array<i32>} : memref<576xi32, #tpu.memory_space<vmem>>, vector<16xi32>,
      %ge3A_3031 = arith.cmpi sge, %get3A_3030, %xor3A_2932 : vector<16xi32>
      %all_reduce_population_count3A_3032 = tpu.all_reduce %ge3A_3031 {dim = 0 : i64, kind = #tpu.reduction_kind<sum>} : vector<16xi1> -> vector<16xi32>
      %add3A_3033 = arith.addi %add3A_3028, %all_reduce_population_count3A_3032 : vector<16xi32>
      %get3A_3034 = arith.constant 320 : index
      %get3A_3035 = tpu.vector_load %arg6[%get3A_3034] {strides = array<i32>} : memref<576xi32, #tpu.memory_space<vmem>>, vector<16xi32>,
      %ge3A_3036 = arith.cmpi sge, %get3A_3035, %xor3A_2932 : vector<16xi32>
      %all_reduce_population_count3A_3037 = tpu.all_reduce %ge3A_3036 {dim = 0 : i64, kind = #tpu.reduction_kind<sum>} : vector<16xi1> -> vector<16xi32>
      %add3A_3038 = arith.addi %add3A_3033, %all_reduce_population_count3A_3037 : vector<16xi32>
      %get3A_3039 = arith.constant 336 : index
      %get3A_3040 = tpu.vector_load %arg6[%get3A_3039] {strides = array<i32>} : memref<576xi32, #tpu.memory_space<vmem>>, vector<16xi32>,
      %ge3A_3041 = arith.cmpi sge, %get3A_3040, %xor3A_2932 : vector<16xi32>
      %all_reduce_population_count3A_3042 = tpu.all_reduce %ge3A_3041 {dim = 0 : i64, kind = #tpu.reduction_kind<sum>} : vector<16xi1> -> vector<16xi32>
      %add3A_3043 = arith.addi %add3A_3038, %all_reduce_population_count3A_3042 : vector<16xi32>
      %get3A_3044 = arith.constant 352 : index
      %get3A_3045 = tpu.vector_load %arg6[%get3A_3044] {strides = array<i32>} : memref<576xi32, #tpu.memory_space<vmem>>, vector<16xi32>,
      %ge3A_3046 = arith.cmpi sge, %get3A_3045, %xor3A_2932 : vector<16xi32>
      %all_reduce_population_count3A_3047 = tpu.all_reduce %ge3A_3046 {dim = 0 : i64, kind = #tpu.reduction_kind<sum>} : vector<16xi1> -> vector<16xi32>
      %add3A_3048 = arith.addi %add3A_3043, %all_reduce_population_count3A_3047 : vector<16xi32>
      %get3A_3049 = arith.constant 368 : index
      %get3A_3050 = tpu.vector_load %arg6[%get3A_3049] {strides = array<i32>} : memref<576xi32, #tpu.memory_space<vmem>>, vector<16xi32>,
      %ge3A_3051 = arith.cmpi sge, %get3A_3050, %xor3A_2932 : vector<16xi32>
      %all_reduce_population_count3A_3052 = tpu.all_reduce %ge3A_3051 {dim = 0 : i64, kind = #tpu.reduction_kind<sum>} : vector<16xi1> -> vector<16xi32>
      %add3A_3053 = arith.addi %add3A_3048, %all_reduce_population_count3A_3052 : vector<16xi32>
      %get3A_3054 = arith.constant 384 : index
      %get3A_3055 = tpu.vector_load %arg6[%get3A_3054] {strides = array<i32>} : memref<576xi32, #tpu.memory_space<vmem>>, vector<16xi32>,
      %ge3A_3056 = arith.cmpi sge, %get3A_3055, %xor3A_2932 : vector<16xi32>
      %all_reduce_population_count3A_3057 = tpu.all_reduce %ge3A_3056 {dim = 0 : i64, kind = #tpu.reduction_kind<sum>} : vector<16xi1> -> vector<16xi32>
      %add3A_3058 = arith.addi %add3A_3053, %all_reduce_population_count3A_3057 : vector<16xi32>
      %get3A_3059 = arith.constant 400 : index
      %get3A_3060 = tpu.vector_load %arg6[%get3A_3059] {strides = array<i32>} : memref<576xi32, #tpu.memory_space<vmem>>, vector<16xi32>,
      %ge3A_3061 = arith.cmpi sge, %get3A_3060, %xor3A_2932 : vector<16xi32>
      %all_reduce_population_count3A_3062 = tpu.all_reduce %ge3A_3061 {dim = 0 : i64, kind = #tpu.reduction_kind<sum>} : vector<16xi1> -> vector<16xi32>
      %add3A_3063 = arith.addi %add3A_3058, %all_reduce_population_count3A_3062 : vector<16xi32>
      %get3A_3064 = arith.constant 416 : index
      %get3A_3065 = tpu.vector_load %arg6[%get3A_3064] {strides = array<i32>} : memref<576xi32, #tpu.memory_space<vmem>>, vector<16xi32>,
      %ge3A_3066 = arith.cmpi sge, %get3A_3065, %xor3A_2932 : vector<16xi32>
      %all_reduce_population_count3A_3067 = tpu.all_reduce %ge3A_3066 {dim = 0 : i64, kind = #tpu.reduction_kind<sum>} : vector<16xi1> -> vector<16xi32>
      %add3A_3068 = arith.addi %add3A_3063, %all_reduce_population_count3A_3067 : vector<16xi32>
      %get3A_3069 = arith.constant 432 : index
      %get3A_3070 = tpu.vector_load %arg6[%get3A_3069] {strides = array<i32>} : memref<576xi32, #tpu.memory_space<vmem>>, vector<16xi32>,
      %ge3A_3071 = arith.cmpi sge, %get3A_3070, %xor3A_2932 : vector<16xi32>
      %all_reduce_population_count3A_3072 = tpu.all_reduce %ge3A_3071 {dim = 0 : i64, kind = #tpu.reduction_kind<sum>} : vector<16xi1> -> vector<16xi32>
      %add3A_3073 = arith.addi %add3A_3068, %all_reduce_population_count3A_3072 : vector<16xi32>
      %get3A_3074 = arith.constant 448 : index
      %get3A_3075 = tpu.vector_load %arg6[%get3A_3074] {strides = array<i32>} : memref<576xi32, #tpu.memory_space<vmem>>, vector<16xi32>,
      %ge3A_3076 = arith.cmpi sge, %get3A_3075, %xor3A_2932 : vector<16xi32>
      %all_reduce_population_count3A_3077 = tpu.all_reduce %ge3A_3076 {dim = 0 : i64, kind = #tpu.reduction_kind<sum>} : vector<16xi1> -> vector<16xi32>
      %add3A_3078 = arith.addi %add3A_3073, %all_reduce_population_count3A_3077 : vector<16xi32>
      %get3A_3079 = arith.constant 464 : index
      %get3A_3080 = tpu.vector_load %arg6[%get3A_3079] {strides = array<i32>} : memref<576xi32, #tpu.memory_space<vmem>>, vector<16xi32>,
      %ge3A_3081 = arith.cmpi sge, %get3A_3080, %xor3A_2932 : vector<16xi32>
      %all_reduce_population_count3A_3082 = tpu.all_reduce %ge3A_3081 {dim = 0 : i64, kind = #tpu.reduction_kind<sum>} : vector<16xi1> -> vector<16xi32>
      %add3A_3083 = arith.addi %add3A_3078, %all_reduce_population_count3A_3082 : vector<16xi32>
      %get3A_3084 = arith.constant 480 : index
      %get3A_3085 = tpu.vector_load %arg6[%get3A_3084] {strides = array<i32>} : memref<576xi32, #tpu.memory_space<vmem>>, vector<16xi32>,
      %ge3A_3086 = arith.cmpi sge, %get3A_3085, %xor3A_2932 : vector<16xi32>
      %all_reduce_population_count3A_3087 = tpu.all_reduce %ge3A_3086 {dim = 0 : i64, kind = #tpu.reduction_kind<sum>} : vector<16xi1> -> vector<16xi32>
      %add3A_3088 = arith.addi %add3A_3083, %all_reduce_population_count3A_3087 : vector<16xi32>
      %get3A_3089 = arith.constant 496 : index
      %get3A_3090 = tpu.vector_load %arg6[%get3A_3089] {strides = array<i32>} : memref<576xi32, #tpu.memory_space<vmem>>, vector<16xi32>,
      %ge3A_3091 = arith.cmpi sge, %get3A_3090, %xor3A_2932 : vector<16xi32>
      %all_reduce_population_count3A_3092 = tpu.all_reduce %ge3A_3091 {dim = 0 : i64, kind = #tpu.reduction_kind<sum>} : vector<16xi1> -> vector<16xi32>
      %add3A_3093 = arith.addi %add3A_3088, %all_reduce_population_count3A_3092 : vector<16xi32>
      %get3A_3094 = arith.constant 512 : index
      %get3A_3095 = tpu.vector_load %arg6[%get3A_3094] {strides = array<i32>} : memref<576xi32, #tpu.memory_space<vmem>>, vector<16xi32>,
      %ge3A_3096 = arith.cmpi sge, %get3A_3095, %xor3A_2932 : vector<16xi32>
      %all_reduce_population_count3A_3097 = tpu.all_reduce %ge3A_3096 {dim = 0 : i64, kind = #tpu.reduction_kind<sum>} : vector<16xi1> -> vector<16xi32>
      %add3A_3098 = arith.addi %add3A_3093, %all_reduce_population_count3A_3097 : vector<16xi32>
      %get3A_3099 = arith.constant 528 : index
      %get3A_3100 = tpu.vector_load %arg6[%get3A_3099] {strides = array<i32>} : memref<576xi32, #tpu.memory_space<vmem>>, vector<16xi32>,
      %ge3A_3101 = arith.cmpi sge, %get3A_3100, %xor3A_2932 : vector<16xi32>
      %all_reduce_population_count3A_3102 = tpu.all_reduce %ge3A_3101 {dim = 0 : i64, kind = #tpu.reduction_kind<sum>} : vector<16xi1> -> vector<16xi32>
      %add3A_3103 = arith.addi %add3A_3098, %all_reduce_population_count3A_3102 : vector<16xi32>
      %get3A_3104 = arith.constant 544 : index
      %get3A_3105 = tpu.vector_load %arg6[%get3A_3104] {strides = array<i32>} : memref<576xi32, #tpu.memory_space<vmem>>, vector<16xi32>,
      %ge3A_3106 = arith.cmpi sge, %get3A_3105, %xor3A_2932 : vector<16xi32>
      %all_reduce_population_count3A_3107 = tpu.all_reduce %ge3A_3106 {dim = 0 : i64, kind = #tpu.reduction_kind<sum>} : vector<16xi1> -> vector<16xi32>
      %add3A_3108 = arith.addi %add3A_3103, %all_reduce_population_count3A_3107 : vector<16xi32>
      %get3A_3109 = arith.constant 560 : index
      %get3A_3110 = tpu.vector_load %arg6[%get3A_3109] {strides = array<i32>} : memref<576xi32, #tpu.memory_space<vmem>>, vector<16xi32>,
      %ge3A_3111 = arith.cmpi sge, %get3A_3110, %xor3A_2932 : vector<16xi32>
      %all_reduce_population_count3A_3112 = tpu.all_reduce %ge3A_3111 {dim = 0 : i64, kind = #tpu.reduction_kind<sum>} : vector<16xi1> -> vector<16xi32>
      %add3A_3113 = arith.addi %add3A_3108, %all_reduce_population_count3A_3112 : vector<16xi32>
      %ge3A_3114 = arith.constant 288 : i32
      %ge3A_3115 = vector.broadcast %ge3A_3114 : i32 to vector<16xi32>
      %ge3A_3116 = arith.cmpi sge, %add3A_3113, %ge3A_3115 : vector<16xi32>
      %select_n3A_3117 = arith.select %ge3A_3116, %or3A, %scan3A_2925 : vector<16xi1>, vector<16xi32>
      scf.yield %select_n3A_3117 : vector<16xi32>
    }
    %scan3A_2554 = arith.constant 32 : i32
    %xor3A_2555 = arith.constant -2147483648 : i32
    %xor3A_2556 = vector.broadcast %xor3A_2555 : i32 to vector<16xi32>
    %xor3A_2557 = arith.xori %scan3A_2553, %xor3A_2556 : vector<16xi32>
    %ge3A_2558 = arith.constant 0 : i32
    %ge3A_2559 = vector.broadcast %ge3A_2558 : i32 to vector<16xi32>
    %ge3A_2560 = arith.cmpi sge, %xor3A_2557, %ge3A_2559 : vector<16xi32>
    %xor3A_2561 = arith.constant 2147483647 : i32
    %xor3A_2562 = vector.broadcast %xor3A_2561 : i32 to vector<16xi32>
    %xor3A_2563 = arith.xori %xor3A_2557, %xor3A_2562 : vector<16xi32>
    %select_n3A_2564 = arith.select %ge3A_2560, %xor3A_2557, %xor3A_2563 : vector<16xi1>, vector<16xi32>
    %bitcast_convert_type3A_2565 = tpu.bitcast %select_n3A_2564 : vector<16xi32> -> vector<16xf32>
    %get3A_2566 = arith.constant 0 : index
    %get3A_2567 = tpu.vector_load %arg5[%get3A_2566] {strides = array<i32>} : memref<576xf32, #tpu.memory_space<vmem>>, vector<16xf32>,
    %gt3A = arith.cmpf ogt, %get3A_2567, %bitcast_convert_type3A_2565 : vector<16xf32>
    %jit3A = arith.constant 1.000000e+00 : f32
    %jit3A_2568 = arith.constant 0.000000e+00 : f32
    %broadcast_in_dim3A_2569 = vector.broadcast %jit3A : f32 to vector<16xf32>
    %broadcast_in_dim3A_2570 = vector.broadcast %jit3A_2568 : f32 to vector<16xf32>
    %select_n3A_2571 = arith.select %gt3A, %broadcast_in_dim3A_2569, %broadcast_in_dim3A_2570 : vector<16xi1>, vector<16xf32>
    %swap3A_2572 = arith.constant 0 : index
    %swap3A_2573 = tpu.vector_load %arg7[%swap3A_2572] {strides = array<i32>} : memref<576xf32, #tpu.memory_space<vmem>>, vector<16xf32>,
    tpu.vector_store %arg7[%swap3A_2572], %select_n3A_2571 {strides = array<i32>} : memref<576xf32, #tpu.memory_space<vmem>>, vector<16xf32>,
    %get3A_2574 = arith.constant 16 : index
    %get3A_2575 = tpu.vector_load %arg5[%get3A_2574] {strides = array<i32>} : memref<576xf32, #tpu.memory_space<vmem>>, vector<16xf32>,
    %gt3A_2576 = arith.cmpf ogt, %get3A_2575, %bitcast_convert_type3A_2565 : vector<16xf32>
    %jit3A_2577 = arith.constant 1.000000e+00 : f32
    %jit3A_2578 = arith.constant 0.000000e+00 : f32
    %broadcast_in_dim3A_2579 = vector.broadcast %jit3A_2577 : f32 to vector<16xf32>
    %broadcast_in_dim3A_2580 = vector.broadcast %jit3A_2578 : f32 to vector<16xf32>
    %select_n3A_2581 = arith.select %gt3A_2576, %broadcast_in_dim3A_2579, %broadcast_in_dim3A_2580 : vector<16xi1>, vector<16xf32>
    %swap3A_2582 = arith.constant 16 : index
    %swap3A_2583 = tpu.vector_load %arg7[%swap3A_2582] {strides = array<i32>} : memref<576xf32, #tpu.memory_space<vmem>>, vector<16xf32>,
    tpu.vector_store %arg7[%swap3A_2582], %select_n3A_2581 {strides = array<i32>} : memref<576xf32, #tpu.memory_space<vmem>>, vector<16xf32>,
    %get3A_2584 = arith.constant 32 : index
    %get3A_2585 = tpu.vector_load %arg5[%get3A_2584] {strides = array<i32>} : memref<576xf32, #tpu.memory_space<vmem>>, vector<16xf32>,
    %gt3A_2586 = arith.cmpf ogt, %get3A_2585, %bitcast_convert_type3A_2565 : vector<16xf32>
    %jit3A_2587 = arith.constant 1.000000e+00 : f32
    %jit3A_2588 = arith.constant 0.000000e+00 : f32
    %broadcast_in_dim3A_2589 = vector.broadcast %jit3A_2587 : f32 to vector<16xf32>
    %broadcast_in_dim3A_2590 = vector.broadcast %jit3A_2588 : f32 to vector<16xf32>
    %select_n3A_2591 = arith.select %gt3A_2586, %broadcast_in_dim3A_2589, %broadcast_in_dim3A_2590 : vector<16xi1>, vector<16xf32>
    %swap3A_2592 = arith.constant 32 : index
    %swap3A_2593 = tpu.vector_load %arg7[%swap3A_2592] {strides = array<i32>} : memref<576xf32, #tpu.memory_space<vmem>>, vector<16xf32>,
    tpu.vector_store %arg7[%swap3A_2592], %select_n3A_2591 {strides = array<i32>} : memref<576xf32, #tpu.memory_space<vmem>>, vector<16xf32>,
    %get3A_2594 = arith.constant 48 : index
    %get3A_2595 = tpu.vector_load %arg5[%get3A_2594] {strides = array<i32>} : memref<576xf32, #tpu.memory_space<vmem>>, vector<16xf32>,
    %gt3A_2596 = arith.cmpf ogt, %get3A_2595, %bitcast_convert_type3A_2565 : vector<16xf32>
    %jit3A_2597 = arith.constant 1.000000e+00 : f32
    %jit3A_2598 = arith.constant 0.000000e+00 : f32
    %broadcast_in_dim3A_2599 = vector.broadcast %jit3A_2597 : f32 to vector<16xf32>
    %broadcast_in_dim3A_2600 = vector.broadcast %jit3A_2598 : f32 to vector<16xf32>
    %select_n3A_2601 = arith.select %gt3A_2596, %broadcast_in_dim3A_2599, %broadcast_in_dim3A_2600 : vector<16xi1>, vector<16xf32>
    %swap3A_2602 = arith.constant 48 : index
    %swap3A_2603 = tpu.vector_load %arg7[%swap3A_2602] {strides = array<i32>} : memref<576xf32, #tpu.memory_space<vmem>>, vector<16xf32>,
    tpu.vector_store %arg7[%swap3A_2602], %select_n3A_2601 {strides = array<i32>} : memref<576xf32, #tpu.memory_space<vmem>>, vector<16xf32>,
    %get3A_2604 = arith.constant 64 : index
    %get3A_2605 = tpu.vector_load %arg5[%get3A_2604] {strides = array<i32>} : memref<576xf32, #tpu.memory_space<vmem>>, vector<16xf32>,
    %gt3A_2606 = arith.cmpf ogt, %get3A_2605, %bitcast_convert_type3A_2565 : vector<16xf32>
    %jit3A_2607 = arith.constant 1.000000e+00 : f32
    %jit3A_2608 = arith.constant 0.000000e+00 : f32
    %broadcast_in_dim3A_2609 = vector.broadcast %jit3A_2607 : f32 to vector<16xf32>
    %broadcast_in_dim3A_2610 = vector.broadcast %jit3A_2608 : f32 to vector<16xf32>
    %select_n3A_2611 = arith.select %gt3A_2606, %broadcast_in_dim3A_2609, %broadcast_in_dim3A_2610 : vector<16xi1>, vector<16xf32>
    %swap3A_2612 = arith.constant 64 : index
    %swap3A_2613 = tpu.vector_load %arg7[%swap3A_2612] {strides = array<i32>} : memref<576xf32, #tpu.memory_space<vmem>>, vector<16xf32>,
    tpu.vector_store %arg7[%swap3A_2612], %select_n3A_2611 {strides = array<i32>} : memref<576xf32, #tpu.memory_space<vmem>>, vector<16xf32>,
    %get3A_2614 = arith.constant 80 : index
    %get3A_2615 = tpu.vector_load %arg5[%get3A_2614] {strides = array<i32>} : memref<576xf32, #tpu.memory_space<vmem>>, vector<16xf32>,
    %gt3A_2616 = arith.cmpf ogt, %get3A_2615, %bitcast_convert_type3A_2565 : vector<16xf32>
    %jit3A_2617 = arith.constant 1.000000e+00 : f32
    %jit3A_2618 = arith.constant 0.000000e+00 : f32
    %broadcast_in_dim3A_2619 = vector.broadcast %jit3A_2617 : f32 to vector<16xf32>
    %broadcast_in_dim3A_2620 = vector.broadcast %jit3A_2618 : f32 to vector<16xf32>
    %select_n3A_2621 = arith.select %gt3A_2616, %broadcast_in_dim3A_2619, %broadcast_in_dim3A_2620 : vector<16xi1>, vector<16xf32>
    %swap3A_2622 = arith.constant 80 : index
    %swap3A_2623 = tpu.vector_load %arg7[%swap3A_2622] {strides = array<i32>} : memref<576xf32, #tpu.memory_space<vmem>>, vector<16xf32>,
    tpu.vector_store %arg7[%swap3A_2622], %select_n3A_2621 {strides = array<i32>} : memref<576xf32, #tpu.memory_space<vmem>>, vector<16xf32>,
    %get3A_2624 = arith.constant 96 : index
    %get3A_2625 = tpu.vector_load %arg5[%get3A_2624] {strides = array<i32>} : memref<576xf32, #tpu.memory_space<vmem>>, vector<16xf32>,
    %gt3A_2626 = arith.cmpf ogt, %get3A_2625, %bitcast_convert_type3A_2565 : vector<16xf32>
    %jit3A_2627 = arith.constant 1.000000e+00 : f32
    %jit3A_2628 = arith.constant 0.000000e+00 : f32
    %broadcast_in_dim3A_2629 = vector.broadcast %jit3A_2627 : f32 to vector<16xf32>
    %broadcast_in_dim3A_2630 = vector.broadcast %jit3A_2628 : f32 to vector<16xf32>
    %select_n3A_2631 = arith.select %gt3A_2626, %broadcast_in_dim3A_2629, %broadcast_in_dim3A_2630 : vector<16xi1>, vector<16xf32>
    %swap3A_2632 = arith.constant 96 : index
    %swap3A_2633 = tpu.vector_load %arg7[%swap3A_2632] {strides = array<i32>} : memref<576xf32, #tpu.memory_space<vmem>>, vector<16xf32>,
    tpu.vector_store %arg7[%swap3A_2632], %select_n3A_2631 {strides = array<i32>} : memref<576xf32, #tpu.memory_space<vmem>>, vector<16xf32>,
    %get3A_2634 = arith.constant 112 : index
    %get3A_2635 = tpu.vector_load %arg5[%get3A_2634] {strides = array<i32>} : memref<576xf32, #tpu.memory_space<vmem>>, vector<16xf32>,
    %gt3A_2636 = arith.cmpf ogt, %get3A_2635, %bitcast_convert_type3A_2565 : vector<16xf32>
    %jit3A_2637 = arith.constant 1.000000e+00 : f32
    %jit3A_2638 = arith.constant 0.000000e+00 : f32
    %broadcast_in_dim3A_2639 = vector.broadcast %jit3A_2637 : f32 to vector<16xf32>
    %broadcast_in_dim3A_2640 = vector.broadcast %jit3A_2638 : f32 to vector<16xf32>
    %select_n3A_2641 = arith.select %gt3A_2636, %broadcast_in_dim3A_2639, %broadcast_in_dim3A_2640 : vector<16xi1>, vector<16xf32>
    %swap3A_2642 = arith.constant 112 : index
    %swap3A_2643 = tpu.vector_load %arg7[%swap3A_2642] {strides = array<i32>} : memref<576xf32, #tpu.memory_space<vmem>>, vector<16xf32>,
    tpu.vector_store %arg7[%swap3A_2642], %select_n3A_2641 {strides = array<i32>} : memref<576xf32, #tpu.memory_space<vmem>>, vector<16xf32>,
    %get3A_2644 = arith.constant 128 : index
    %get3A_2645 = tpu.vector_load %arg5[%get3A_2644] {strides = array<i32>} : memref<576xf32, #tpu.memory_space<vmem>>, vector<16xf32>,
    %gt3A_2646 = arith.cmpf ogt, %get3A_2645, %bitcast_convert_type3A_2565 : vector<16xf32>
    %jit3A_2647 = arith.constant 1.000000e+00 : f32
    %jit3A_2648 = arith.constant 0.000000e+00 : f32
    %broadcast_in_dim3A_2649 = vector.broadcast %jit3A_2647 : f32 to vector<16xf32>
    %broadcast_in_dim3A_2650 = vector.broadcast %jit3A_2648 : f32 to vector<16xf32>
    %select_n3A_2651 = arith.select %gt3A_2646, %broadcast_in_dim3A_2649, %broadcast_in_dim3A_2650 : vector<16xi1>, vector<16xf32>
    %swap3A_2652 = arith.constant 128 : index
    %swap3A_2653 = tpu.vector_load %arg7[%swap3A_2652] {strides = array<i32>} : memref<576xf32, #tpu.memory_space<vmem>>, vector<16xf32>,
    tpu.vector_store %arg7[%swap3A_2652], %select_n3A_2651 {strides = array<i32>} : memref<576xf32, #tpu.memory_space<vmem>>, vector<16xf32>,
    %get3A_2654 = arith.constant 144 : index
    %get3A_2655 = tpu.vector_load %arg5[%get3A_2654] {strides = array<i32>} : memref<576xf32, #tpu.memory_space<vmem>>, vector<16xf32>,
    %gt3A_2656 = arith.cmpf ogt, %get3A_2655, %bitcast_convert_type3A_2565 : vector<16xf32>
    %jit3A_2657 = arith.constant 1.000000e+00 : f32
    %jit3A_2658 = arith.constant 0.000000e+00 : f32
    %broadcast_in_dim3A_2659 = vector.broadcast %jit3A_2657 : f32 to vector<16xf32>
    %broadcast_in_dim3A_2660 = vector.broadcast %jit3A_2658 : f32 to vector<16xf32>
    %select_n3A_2661 = arith.select %gt3A_2656, %broadcast_in_dim3A_2659, %broadcast_in_dim3A_2660 : vector<16xi1>, vector<16xf32>
    %swap3A_2662 = arith.constant 144 : index
    %swap3A_2663 = tpu.vector_load %arg7[%swap3A_2662] {strides = array<i32>} : memref<576xf32, #tpu.memory_space<vmem>>, vector<16xf32>,
    tpu.vector_store %arg7[%swap3A_2662], %select_n3A_2661 {strides = array<i32>} : memref<576xf32, #tpu.memory_space<vmem>>, vector<16xf32>,
    %get3A_2664 = arith.constant 160 : index
    %get3A_2665 = tpu.vector_load %arg5[%get3A_2664] {strides = array<i32>} : memref<576xf32, #tpu.memory_space<vmem>>, vector<16xf32>,
    %gt3A_2666 = arith.cmpf ogt, %get3A_2665, %bitcast_convert_type3A_2565 : vector<16xf32>
    %jit3A_2667 = arith.constant 1.000000e+00 : f32
    %jit3A_2668 = arith.constant 0.000000e+00 : f32
    %broadcast_in_dim3A_2669 = vector.broadcast %jit3A_2667 : f32 to vector<16xf32>
    %broadcast_in_dim3A_2670 = vector.broadcast %jit3A_2668 : f32 to vector<16xf32>
    %select_n3A_2671 = arith.select %gt3A_2666, %broadcast_in_dim3A_2669, %broadcast_in_dim3A_2670 : vector<16xi1>, vector<16xf32>
    %swap3A_2672 = arith.constant 160 : index
    %swap3A_2673 = tpu.vector_load %arg7[%swap3A_2672] {strides = array<i32>} : memref<576xf32, #tpu.memory_space<vmem>>, vector<16xf32>,
    tpu.vector_store %arg7[%swap3A_2672], %select_n3A_2671 {strides = array<i32>} : memref<576xf32, #tpu.memory_space<vmem>>, vector<16xf32>,
    %get3A_2674 = arith.constant 176 : index
    %get3A_2675 = tpu.vector_load %arg5[%get3A_2674] {strides = array<i32>} : memref<576xf32, #tpu.memory_space<vmem>>, vector<16xf32>,
    %gt3A_2676 = arith.cmpf ogt, %get3A_2675, %bitcast_convert_type3A_2565 : vector<16xf32>
    %jit3A_2677 = arith.constant 1.000000e+00 : f32
    %jit3A_2678 = arith.constant 0.000000e+00 : f32
    %broadcast_in_dim3A_2679 = vector.broadcast %jit3A_2677 : f32 to vector<16xf32>
    %broadcast_in_dim3A_2680 = vector.broadcast %jit3A_2678 : f32 to vector<16xf32>
    %select_n3A_2681 = arith.select %gt3A_2676, %broadcast_in_dim3A_2679, %broadcast_in_dim3A_2680 : vector<16xi1>, vector<16xf32>
    %swap3A_2682 = arith.constant 176 : index
    %swap3A_2683 = tpu.vector_load %arg7[%swap3A_2682] {strides = array<i32>} : memref<576xf32, #tpu.memory_space<vmem>>, vector<16xf32>,
    tpu.vector_store %arg7[%swap3A_2682], %select_n3A_2681 {strides = array<i32>} : memref<576xf32, #tpu.memory_space<vmem>>, vector<16xf32>,
    %get3A_2684 = arith.constant 192 : index
    %get3A_2685 = tpu.vector_load %arg5[%get3A_2684] {strides = array<i32>} : memref<576xf32, #tpu.memory_space<vmem>>, vector<16xf32>,
    %gt3A_2686 = arith.cmpf ogt, %get3A_2685, %bitcast_convert_type3A_2565 : vector<16xf32>
    %jit3A_2687 = arith.constant 1.000000e+00 : f32
    %jit3A_2688 = arith.constant 0.000000e+00 : f32
    %broadcast_in_dim3A_2689 = vector.broadcast %jit3A_2687 : f32 to vector<16xf32>
    %broadcast_in_dim3A_2690 = vector.broadcast %jit3A_2688 : f32 to vector<16xf32>
    %select_n3A_2691 = arith.select %gt3A_2686, %broadcast_in_dim3A_2689, %broadcast_in_dim3A_2690 : vector<16xi1>, vector<16xf32>
    %swap3A_2692 = arith.constant 192 : index
    %swap3A_2693 = tpu.vector_load %arg7[%swap3A_2692] {strides = array<i32>} : memref<576xf32, #tpu.memory_space<vmem>>, vector<16xf32>,
    tpu.vector_store %arg7[%swap3A_2692], %select_n3A_2691 {strides = array<i32>} : memref<576xf32, #tpu.memory_space<vmem>>, vector<16xf32>,
    %get3A_2694 = arith.constant 208 : index
    %get3A_2695 = tpu.vector_load %arg5[%get3A_2694] {strides = array<i32>} : memref<576xf32, #tpu.memory_space<vmem>>, vector<16xf32>,
    %gt3A_2696 = arith.cmpf ogt, %get3A_2695, %bitcast_convert_type3A_2565 : vector<16xf32>
    %jit3A_2697 = arith.constant 1.000000e+00 : f32
    %jit3A_2698 = arith.constant 0.000000e+00 : f32
    %broadcast_in_dim3A_2699 = vector.broadcast %jit3A_2697 : f32 to vector<16xf32>
    %broadcast_in_dim3A_2700 = vector.broadcast %jit3A_2698 : f32 to vector<16xf32>
    %select_n3A_2701 = arith.select %gt3A_2696, %broadcast_in_dim3A_2699, %broadcast_in_dim3A_2700 : vector<16xi1>, vector<16xf32>
    %swap3A_2702 = arith.constant 208 : index
    %swap3A_2703 = tpu.vector_load %arg7[%swap3A_2702] {strides = array<i32>} : memref<576xf32, #tpu.memory_space<vmem>>, vector<16xf32>,
    tpu.vector_store %arg7[%swap3A_2702], %select_n3A_2701 {strides = array<i32>} : memref<576xf32, #tpu.memory_space<vmem>>, vector<16xf32>,
    %get3A_2704 = arith.constant 224 : index
    %get3A_2705 = tpu.vector_load %arg5[%get3A_2704] {strides = array<i32>} : memref<576xf32, #tpu.memory_space<vmem>>, vector<16xf32>,
    %gt3A_2706 = arith.cmpf ogt, %get3A_2705, %bitcast_convert_type3A_2565 : vector<16xf32>
    %jit3A_2707 = arith.constant 1.000000e+00 : f32
    %jit3A_2708 = arith.constant 0.000000e+00 : f32
    %broadcast_in_dim3A_2709 = vector.broadcast %jit3A_2707 : f32 to vector<16xf32>
    %broadcast_in_dim3A_2710 = vector.broadcast %jit3A_2708 : f32 to vector<16xf32>
    %select_n3A_2711 = arith.select %gt3A_2706, %broadcast_in_dim3A_2709, %broadcast_in_dim3A_2710 : vector<16xi1>, vector<16xf32>
    %swap3A_2712 = arith.constant 224 : index
    %swap3A_2713 = tpu.vector_load %arg7[%swap3A_2712] {strides = array<i32>} : memref<576xf32, #tpu.memory_space<vmem>>, vector<16xf32>,
    tpu.vector_store %arg7[%swap3A_2712], %select_n3A_2711 {strides = array<i32>} : memref<576xf32, #tpu.memory_space<vmem>>, vector<16xf32>,
    %get3A_2714 = arith.constant 240 : index
    %get3A_2715 = tpu.vector_load %arg5[%get3A_2714] {strides = array<i32>} : memref<576xf32, #tpu.memory_space<vmem>>, vector<16xf32>,
    %gt3A_2716 = arith.cmpf ogt, %get3A_2715, %bitcast_convert_type3A_2565 : vector<16xf32>
    %jit3A_2717 = arith.constant 1.000000e+00 : f32
    %jit3A_2718 = arith.constant 0.000000e+00 : f32
    %broadcast_in_dim3A_2719 = vector.broadcast %jit3A_2717 : f32 to vector<16xf32>
    %broadcast_in_dim3A_2720 = vector.broadcast %jit3A_2718 : f32 to vector<16xf32>
    %select_n3A_2721 = arith.select %gt3A_2716, %broadcast_in_dim3A_2719, %broadcast_in_dim3A_2720 : vector<16xi1>, vector<16xf32>
    %swap3A_2722 = arith.constant 240 : index
    %swap3A_2723 = tpu.vector_load %arg7[%swap3A_2722] {strides = array<i32>} : memref<576xf32, #tpu.memory_space<vmem>>, vector<16xf32>,
    tpu.vector_store %arg7[%swap3A_2722], %select_n3A_2721 {strides = array<i32>} : memref<576xf32, #tpu.memory_space<vmem>>, vector<16xf32>,
    %get3A_2724 = arith.constant 256 : index
    %get3A_2725 = tpu.vector_load %arg5[%get3A_2724] {strides = array<i32>} : memref<576xf32, #tpu.memory_space<vmem>>, vector<16xf32>,
    %gt3A_2726 = arith.cmpf ogt, %get3A_2725, %bitcast_convert_type3A_2565 : vector<16xf32>
    %jit3A_2727 = arith.constant 1.000000e+00 : f32
    %jit3A_2728 = arith.constant 0.000000e+00 : f32
    %broadcast_in_dim3A_2729 = vector.broadcast %jit3A_2727 : f32 to vector<16xf32>
    %broadcast_in_dim3A_2730 = vector.broadcast %jit3A_2728 : f32 to vector<16xf32>
    %select_n3A_2731 = arith.select %gt3A_2726, %broadcast_in_dim3A_2729, %broadcast_in_dim3A_2730 : vector<16xi1>, vector<16xf32>
    %swap3A_2732 = arith.constant 256 : index
    %swap3A_2733 = tpu.vector_load %arg7[%swap3A_2732] {strides = array<i32>} : memref<576xf32, #tpu.memory_space<vmem>>, vector<16xf32>,
    tpu.vector_store %arg7[%swap3A_2732], %select_n3A_2731 {strides = array<i32>} : memref<576xf32, #tpu.memory_space<vmem>>, vector<16xf32>,
    %get3A_2734 = arith.constant 272 : index
    %get3A_2735 = tpu.vector_load %arg5[%get3A_2734] {strides = array<i32>} : memref<576xf32, #tpu.memory_space<vmem>>, vector<16xf32>,
    %gt3A_2736 = arith.cmpf ogt, %get3A_2735, %bitcast_convert_type3A_2565 : vector<16xf32>
    %jit3A_2737 = arith.constant 1.000000e+00 : f32
    %jit3A_2738 = arith.constant 0.000000e+00 : f32
    %broadcast_in_dim3A_2739 = vector.broadcast %jit3A_2737 : f32 to vector<16xf32>
    %broadcast_in_dim3A_2740 = vector.broadcast %jit3A_2738 : f32 to vector<16xf32>
    %select_n3A_2741 = arith.select %gt3A_2736, %broadcast_in_dim3A_2739, %broadcast_in_dim3A_2740 : vector<16xi1>, vector<16xf32>
    %swap3A_2742 = arith.constant 272 : index
    %swap3A_2743 = tpu.vector_load %arg7[%swap3A_2742] {strides = array<i32>} : memref<576xf32, #tpu.memory_space<vmem>>, vector<16xf32>,
    tpu.vector_store %arg7[%swap3A_2742], %select_n3A_2741 {strides = array<i32>} : memref<576xf32, #tpu.memory_space<vmem>>, vector<16xf32>,
    %get3A_2744 = arith.constant 288 : index
    %get3A_2745 = tpu.vector_load %arg5[%get3A_2744] {strides = array<i32>} : memref<576xf32, #tpu.memory_space<vmem>>, vector<16xf32>,
    %gt3A_2746 = arith.cmpf ogt, %get3A_2745, %bitcast_convert_type3A_2565 : vector<16xf32>
    %jit3A_2747 = arith.constant 1.000000e+00 : f32
    %jit3A_2748 = arith.constant 0.000000e+00 : f32
    %broadcast_in_dim3A_2749 = vector.broadcast %jit3A_2747 : f32 to vector<16xf32>
    %broadcast_in_dim3A_2750 = vector.broadcast %jit3A_2748 : f32 to vector<16xf32>
    %select_n3A_2751 = arith.select %gt3A_2746, %broadcast_in_dim3A_2749, %broadcast_in_dim3A_2750 : vector<16xi1>, vector<16xf32>
    %swap3A_2752 = arith.constant 288 : index
    %swap3A_2753 = tpu.vector_load %arg7[%swap3A_2752] {strides = array<i32>} : memref<576xf32, #tpu.memory_space<vmem>>, vector<16xf32>,
    tpu.vector_store %arg7[%swap3A_2752], %select_n3A_2751 {strides = array<i32>} : memref<576xf32, #tpu.memory_space<vmem>>, vector<16xf32>,
    %get3A_2754 = arith.constant 304 : index
    %get3A_2755 = tpu.vector_load %arg5[%get3A_2754] {strides = array<i32>} : memref<576xf32, #tpu.memory_space<vmem>>, vector<16xf32>,
    %gt3A_2756 = arith.cmpf ogt, %get3A_2755, %bitcast_convert_type3A_2565 : vector<16xf32>
    %jit3A_2757 = arith.constant 1.000000e+00 : f32
    %jit3A_2758 = arith.constant 0.000000e+00 : f32
    %broadcast_in_dim3A_2759 = vector.broadcast %jit3A_2757 : f32 to vector<16xf32>
    %broadcast_in_dim3A_2760 = vector.broadcast %jit3A_2758 : f32 to vector<16xf32>
    %select_n3A_2761 = arith.select %gt3A_2756, %broadcast_in_dim3A_2759, %broadcast_in_dim3A_2760 : vector<16xi1>, vector<16xf32>
    %swap3A_2762 = arith.constant 304 : index
    %swap3A_2763 = tpu.vector_load %arg7[%swap3A_2762] {strides = array<i32>} : memref<576xf32, #tpu.memory_space<vmem>>, vector<16xf32>,
    tpu.vector_store %arg7[%swap3A_2762], %select_n3A_2761 {strides = array<i32>} : memref<576xf32, #tpu.memory_space<vmem>>, vector<16xf32>,
    %get3A_2764 = arith.constant 320 : index
    %get3A_2765 = tpu.vector_load %arg5[%get3A_2764] {strides = array<i32>} : memref<576xf32, #tpu.memory_space<vmem>>, vector<16xf32>,
    %gt3A_2766 = arith.cmpf ogt, %get3A_2765, %bitcast_convert_type3A_2565 : vector<16xf32>
    %jit3A_2767 = arith.constant 1.000000e+00 : f32
    %jit3A_2768 = arith.constant 0.000000e+00 : f32
    %broadcast_in_dim3A_2769 = vector.broadcast %jit3A_2767 : f32 to vector<16xf32>
    %broadcast_in_dim3A_2770 = vector.broadcast %jit3A_2768 : f32 to vector<16xf32>
    %select_n3A_2771 = arith.select %gt3A_2766, %broadcast_in_dim3A_2769, %broadcast_in_dim3A_2770 : vector<16xi1>, vector<16xf32>
    %swap3A_2772 = arith.constant 320 : index
    %swap3A_2773 = tpu.vector_load %arg7[%swap3A_2772] {strides = array<i32>} : memref<576xf32, #tpu.memory_space<vmem>>, vector<16xf32>,
    tpu.vector_store %arg7[%swap3A_2772], %select_n3A_2771 {strides = array<i32>} : memref<576xf32, #tpu.memory_space<vmem>>, vector<16xf32>,
    %get3A_2774 = arith.constant 336 : index
    %get3A_2775 = tpu.vector_load %arg5[%get3A_2774] {strides = array<i32>} : memref<576xf32, #tpu.memory_space<vmem>>, vector<16xf32>,
    %gt3A_2776 = arith.cmpf ogt, %get3A_2775, %bitcast_convert_type3A_2565 : vector<16xf32>
    %jit3A_2777 = arith.constant 1.000000e+00 : f32
    %jit3A_2778 = arith.constant 0.000000e+00 : f32
    %broadcast_in_dim3A_2779 = vector.broadcast %jit3A_2777 : f32 to vector<16xf32>
    %broadcast_in_dim3A_2780 = vector.broadcast %jit3A_2778 : f32 to vector<16xf32>
    %select_n3A_2781 = arith.select %gt3A_2776, %broadcast_in_dim3A_2779, %broadcast_in_dim3A_2780 : vector<16xi1>, vector<16xf32>
    %swap3A_2782 = arith.constant 336 : index
    %swap3A_2783 = tpu.vector_load %arg7[%swap3A_2782] {strides = array<i32>} : memref<576xf32, #tpu.memory_space<vmem>>, vector<16xf32>,
    tpu.vector_store %arg7[%swap3A_2782], %select_n3A_2781 {strides = array<i32>} : memref<576xf32, #tpu.memory_space<vmem>>, vector<16xf32>,
    %get3A_2784 = arith.constant 352 : index
    %get3A_2785 = tpu.vector_load %arg5[%get3A_2784] {strides = array<i32>} : memref<576xf32, #tpu.memory_space<vmem>>, vector<16xf32>,
    %gt3A_2786 = arith.cmpf ogt, %get3A_2785, %bitcast_convert_type3A_2565 : vector<16xf32>
    %jit3A_2787 = arith.constant 1.000000e+00 : f32
    %jit3A_2788 = arith.constant 0.000000e+00 : f32
    %broadcast_in_dim3A_2789 = vector.broadcast %jit3A_2787 : f32 to vector<16xf32>
    %broadcast_in_dim3A_2790 = vector.broadcast %jit3A_2788 : f32 to vector<16xf32>
    %select_n3A_2791 = arith.select %gt3A_2786, %broadcast_in_dim3A_2789, %broadcast_in_dim3A_2790 : vector<16xi1>, vector<16xf32>
    %swap3A_2792 = arith.constant 352 : index
    %swap3A_2793 = tpu.vector_load %arg7[%swap3A_2792] {strides = array<i32>} : memref<576xf32, #tpu.memory_space<vmem>>, vector<16xf32>,
    tpu.vector_store %arg7[%swap3A_2792], %select_n3A_2791 {strides = array<i32>} : memref<576xf32, #tpu.memory_space<vmem>>, vector<16xf32>,
    %get3A_2794 = arith.constant 368 : index
    %get3A_2795 = tpu.vector_load %arg5[%get3A_2794] {strides = array<i32>} : memref<576xf32, #tpu.memory_space<vmem>>, vector<16xf32>,
    %gt3A_2796 = arith.cmpf ogt, %get3A_2795, %bitcast_convert_type3A_2565 : vector<16xf32>
    %jit3A_2797 = arith.constant 1.000000e+00 : f32
    %jit3A_2798 = arith.constant 0.000000e+00 : f32
    %broadcast_in_dim3A_2799 = vector.broadcast %jit3A_2797 : f32 to vector<16xf32>
    %broadcast_in_dim3A_2800 = vector.broadcast %jit3A_2798 : f32 to vector<16xf32>
    %select_n3A_2801 = arith.select %gt3A_2796, %broadcast_in_dim3A_2799, %broadcast_in_dim3A_2800 : vector<16xi1>, vector<16xf32>
    %swap3A_2802 = arith.constant 368 : index
    %swap3A_2803 = tpu.vector_load %arg7[%swap3A_2802] {strides = array<i32>} : memref<576xf32, #tpu.memory_space<vmem>>, vector<16xf32>,
    tpu.vector_store %arg7[%swap3A_2802], %select_n3A_2801 {strides = array<i32>} : memref<576xf32, #tpu.memory_space<vmem>>, vector<16xf32>,
    %get3A_2804 = arith.constant 384 : index
    %get3A_2805 = tpu.vector_load %arg5[%get3A_2804] {strides = array<i32>} : memref<576xf32, #tpu.memory_space<vmem>>, vector<16xf32>,
    %gt3A_2806 = arith.cmpf ogt, %get3A_2805, %bitcast_convert_type3A_2565 : vector<16xf32>
    %jit3A_2807 = arith.constant 1.000000e+00 : f32
    %jit3A_2808 = arith.constant 0.000000e+00 : f32
    %broadcast_in_dim3A_2809 = vector.broadcast %jit3A_2807 : f32 to vector<16xf32>
    %broadcast_in_dim3A_2810 = vector.broadcast %jit3A_2808 : f32 to vector<16xf32>
    %select_n3A_2811 = arith.select %gt3A_2806, %broadcast_in_dim3A_2809, %broadcast_in_dim3A_2810 : vector<16xi1>, vector<16xf32>
    %swap3A_2812 = arith.constant 384 : index
    %swap3A_2813 = tpu.vector_load %arg7[%swap3A_2812] {strides = array<i32>} : memref<576xf32, #tpu.memory_space<vmem>>, vector<16xf32>,
    tpu.vector_store %arg7[%swap3A_2812], %select_n3A_2811 {strides = array<i32>} : memref<576xf32, #tpu.memory_space<vmem>>, vector<16xf32>,
    %get3A_2814 = arith.constant 400 : index
    %get3A_2815 = tpu.vector_load %arg5[%get3A_2814] {strides = array<i32>} : memref<576xf32, #tpu.memory_space<vmem>>, vector<16xf32>,
    %gt3A_2816 = arith.cmpf ogt, %get3A_2815, %bitcast_convert_type3A_2565 : vector<16xf32>
    %jit3A_2817 = arith.constant 1.000000e+00 : f32
    %jit3A_2818 = arith.constant 0.000000e+00 : f32
    %broadcast_in_dim3A_2819 = vector.broadcast %jit3A_2817 : f32 to vector<16xf32>
    %broadcast_in_dim3A_2820 = vector.broadcast %jit3A_2818 : f32 to vector<16xf32>
    %select_n3A_2821 = arith.select %gt3A_2816, %broadcast_in_dim3A_2819, %broadcast_in_dim3A_2820 : vector<16xi1>, vector<16xf32>
    %swap3A_2822 = arith.constant 400 : index
    %swap3A_2823 = tpu.vector_load %arg7[%swap3A_2822] {strides = array<i32>} : memref<576xf32, #tpu.memory_space<vmem>>, vector<16xf32>,
    tpu.vector_store %arg7[%swap3A_2822], %select_n3A_2821 {strides = array<i32>} : memref<576xf32, #tpu.memory_space<vmem>>, vector<16xf32>,
    %get3A_2824 = arith.constant 416 : index
    %get3A_2825 = tpu.vector_load %arg5[%get3A_2824] {strides = array<i32>} : memref<576xf32, #tpu.memory_space<vmem>>, vector<16xf32>,
    %gt3A_2826 = arith.cmpf ogt, %get3A_2825, %bitcast_convert_type3A_2565 : vector<16xf32>
    %jit3A_2827 = arith.constant 1.000000e+00 : f32
    %jit3A_2828 = arith.constant 0.000000e+00 : f32
    %broadcast_in_dim3A_2829 = vector.broadcast %jit3A_2827 : f32 to vector<16xf32>
    %broadcast_in_dim3A_2830 = vector.broadcast %jit3A_2828 : f32 to vector<16xf32>
    %select_n3A_2831 = arith.select %gt3A_2826, %broadcast_in_dim3A_2829, %broadcast_in_dim3A_2830 : vector<16xi1>, vector<16xf32>
    %swap3A_2832 = arith.constant 416 : index
    %swap3A_2833 = tpu.vector_load %arg7[%swap3A_2832] {strides = array<i32>} : memref<576xf32, #tpu.memory_space<vmem>>, vector<16xf32>,
    tpu.vector_store %arg7[%swap3A_2832], %select_n3A_2831 {strides = array<i32>} : memref<576xf32, #tpu.memory_space<vmem>>, vector<16xf32>,
    %get3A_2834 = arith.constant 432 : index
    %get3A_2835 = tpu.vector_load %arg5[%get3A_2834] {strides = array<i32>} : memref<576xf32, #tpu.memory_space<vmem>>, vector<16xf32>,
    %gt3A_2836 = arith.cmpf ogt, %get3A_2835, %bitcast_convert_type3A_2565 : vector<16xf32>
    %jit3A_2837 = arith.constant 1.000000e+00 : f32
    %jit3A_2838 = arith.constant 0.000000e+00 : f32
    %broadcast_in_dim3A_2839 = vector.broadcast %jit3A_2837 : f32 to vector<16xf32>
    %broadcast_in_dim3A_2840 = vector.broadcast %jit3A_2838 : f32 to vector<16xf32>
    %select_n3A_2841 = arith.select %gt3A_2836, %broadcast_in_dim3A_2839, %broadcast_in_dim3A_2840 : vector<16xi1>, vector<16xf32>
    %swap3A_2842 = arith.constant 432 : index
    %swap3A_2843 = tpu.vector_load %arg7[%swap3A_2842] {strides = array<i32>} : memref<576xf32, #tpu.memory_space<vmem>>, vector<16xf32>,
    tpu.vector_store %arg7[%swap3A_2842], %select_n3A_2841 {strides = array<i32>} : memref<576xf32, #tpu.memory_space<vmem>>, vector<16xf32>,
    %get3A_2844 = arith.constant 448 : index
    %get3A_2845 = tpu.vector_load %arg5[%get3A_2844] {strides = array<i32>} : memref<576xf32, #tpu.memory_space<vmem>>, vector<16xf32>,
    %gt3A_2846 = arith.cmpf ogt, %get3A_2845, %bitcast_convert_type3A_2565 : vector<16xf32>
    %jit3A_2847 = arith.constant 1.000000e+00 : f32
    %jit3A_2848 = arith.constant 0.000000e+00 : f32
    %broadcast_in_dim3A_2849 = vector.broadcast %jit3A_2847 : f32 to vector<16xf32>
    %broadcast_in_dim3A_2850 = vector.broadcast %jit3A_2848 : f32 to vector<16xf32>
    %select_n3A_2851 = arith.select %gt3A_2846, %broadcast_in_dim3A_2849, %broadcast_in_dim3A_2850 : vector<16xi1>, vector<16xf32>
    %swap3A_2852 = arith.constant 448 : index
    %swap3A_2853 = tpu.vector_load %arg7[%swap3A_2852] {strides = array<i32>} : memref<576xf32, #tpu.memory_space<vmem>>, vector<16xf32>,
    tpu.vector_store %arg7[%swap3A_2852], %select_n3A_2851 {strides = array<i32>} : memref<576xf32, #tpu.memory_space<vmem>>, vector<16xf32>,
    %get3A_2854 = arith.constant 464 : index
    %get3A_2855 = tpu.vector_load %arg5[%get3A_2854] {strides = array<i32>} : memref<576xf32, #tpu.memory_space<vmem>>, vector<16xf32>,
    %gt3A_2856 = arith.cmpf ogt, %get3A_2855, %bitcast_convert_type3A_2565 : vector<16xf32>
    %jit3A_2857 = arith.constant 1.000000e+00 : f32
    %jit3A_2858 = arith.constant 0.000000e+00 : f32
    %broadcast_in_dim3A_2859 = vector.broadcast %jit3A_2857 : f32 to vector<16xf32>
    %broadcast_in_dim3A_2860 = vector.broadcast %jit3A_2858 : f32 to vector<16xf32>
    %select_n3A_2861 = arith.select %gt3A_2856, %broadcast_in_dim3A_2859, %broadcast_in_dim3A_2860 : vector<16xi1>, vector<16xf32>
    %swap3A_2862 = arith.constant 464 : index
    %swap3A_2863 = tpu.vector_load %arg7[%swap3A_2862] {strides = array<i32>} : memref<576xf32, #tpu.memory_space<vmem>>, vector<16xf32>,
    tpu.vector_store %arg7[%swap3A_2862], %select_n3A_2861 {strides = array<i32>} : memref<576xf32, #tpu.memory_space<vmem>>, vector<16xf32>,
    %get3A_2864 = arith.constant 480 : index
    %get3A_2865 = tpu.vector_load %arg5[%get3A_2864] {strides = array<i32>} : memref<576xf32, #tpu.memory_space<vmem>>, vector<16xf32>,
    %gt3A_2866 = arith.cmpf ogt, %get3A_2865, %bitcast_convert_type3A_2565 : vector<16xf32>
    %jit3A_2867 = arith.constant 1.000000e+00 : f32
    %jit3A_2868 = arith.constant 0.000000e+00 : f32
    %broadcast_in_dim3A_2869 = vector.broadcast %jit3A_2867 : f32 to vector<16xf32>
    %broadcast_in_dim3A_2870 = vector.broadcast %jit3A_2868 : f32 to vector<16xf32>
    %select_n3A_2871 = arith.select %gt3A_2866, %broadcast_in_dim3A_2869, %broadcast_in_dim3A_2870 : vector<16xi1>, vector<16xf32>
    %swap3A_2872 = arith.constant 480 : index
    %swap3A_2873 = tpu.vector_load %arg7[%swap3A_2872] {strides = array<i32>} : memref<576xf32, #tpu.memory_space<vmem>>, vector<16xf32>,
    tpu.vector_store %arg7[%swap3A_2872], %select_n3A_2871 {strides = array<i32>} : memref<576xf32, #tpu.memory_space<vmem>>, vector<16xf32>,
    %get3A_2874 = arith.constant 496 : index
    %get3A_2875 = tpu.vector_load %arg5[%get3A_2874] {strides = array<i32>} : memref<576xf32, #tpu.memory_space<vmem>>, vector<16xf32>,
    %gt3A_2876 = arith.cmpf ogt, %get3A_2875, %bitcast_convert_type3A_2565 : vector<16xf32>
    %jit3A_2877 = arith.constant 1.000000e+00 : f32
    %jit3A_2878 = arith.constant 0.000000e+00 : f32
    %broadcast_in_dim3A_2879 = vector.broadcast %jit3A_2877 : f32 to vector<16xf32>
    %broadcast_in_dim3A_2880 = vector.broadcast %jit3A_2878 : f32 to vector<16xf32>
    %select_n3A_2881 = arith.select %gt3A_2876, %broadcast_in_dim3A_2879, %broadcast_in_dim3A_2880 : vector<16xi1>, vector<16xf32>
    %swap3A_2882 = arith.constant 496 : index
    %swap3A_2883 = tpu.vector_load %arg7[%swap3A_2882] {strides = array<i32>} : memref<576xf32, #tpu.memory_space<vmem>>, vector<16xf32>,
    tpu.vector_store %arg7[%swap3A_2882], %select_n3A_2881 {strides = array<i32>} : memref<576xf32, #tpu.memory_space<vmem>>, vector<16xf32>,
    %get3A_2884 = arith.constant 512 : index
    %get3A_2885 = tpu.vector_load %arg5[%get3A_2884] {strides = array<i32>} : memref<576xf32, #tpu.memory_space<vmem>>, vector<16xf32>,
    %gt3A_2886 = arith.cmpf ogt, %get3A_2885, %bitcast_convert_type3A_2565 : vector<16xf32>
    %jit3A_2887 = arith.constant 1.000000e+00 : f32
    %jit3A_2888 = arith.constant 0.000000e+00 : f32
    %broadcast_in_dim3A_2889 = vector.broadcast %jit3A_2887 : f32 to vector<16xf32>
    %broadcast_in_dim3A_2890 = vector.broadcast %jit3A_2888 : f32 to vector<16xf32>
    %select_n3A_2891 = arith.select %gt3A_2886, %broadcast_in_dim3A_2889, %broadcast_in_dim3A_2890 : vector<16xi1>, vector<16xf32>
    %swap3A_2892 = arith.constant 512 : index
    %swap3A_2893 = tpu.vector_load %arg7[%swap3A_2892] {strides = array<i32>} : memref<576xf32, #tpu.memory_space<vmem>>, vector<16xf32>,
    tpu.vector_store %arg7[%swap3A_2892], %select_n3A_2891 {strides = array<i32>} : memref<576xf32, #tpu.memory_space<vmem>>, vector<16xf32>,
    %get3A_2894 = arith.constant 528 : index
    %get3A_2895 = tpu.vector_load %arg5[%get3A_2894] {strides = array<i32>} : memref<576xf32, #tpu.memory_space<vmem>>, vector<16xf32>,
    %gt3A_2896 = arith.cmpf ogt, %get3A_2895, %bitcast_convert_type3A_2565 : vector<16xf32>
    %jit3A_2897 = arith.constant 1.000000e+00 : f32
    %jit3A_2898 = arith.constant 0.000000e+00 : f32
    %broadcast_in_dim3A_2899 = vector.broadcast %jit3A_2897 : f32 to vector<16xf32>
    %broadcast_in_dim3A_2900 = vector.broadcast %jit3A_2898 : f32 to vector<16xf32>
    %select_n3A_2901 = arith.select %gt3A_2896, %broadcast_in_dim3A_2899, %broadcast_in_dim3A_2900 : vector<16xi1>, vector<16xf32>
    %swap3A_2902 = arith.constant 528 : index
    %swap3A_2903 = tpu.vector_load %arg7[%swap3A_2902] {strides = array<i32>} : memref<576xf32, #tpu.memory_space<vmem>>, vector<16xf32>,
    tpu.vector_store %arg7[%swap3A_2902], %select_n3A_2901 {strides = array<i32>} : memref<576xf32, #tpu.memory_space<vmem>>, vector<16xf32>,
    %get3A_2904 = arith.constant 544 : index
    %get3A_2905 = tpu.vector_load %arg5[%get3A_2904] {strides = array<i32>} : memref<576xf32, #tpu.memory_space<vmem>>, vector<16xf32>,
    %gt3A_2906 = arith.cmpf ogt, %get3A_2905, %bitcast_convert_type3A_2565 : vector<16xf32>
    %jit3A_2907 = arith.constant 1.000000e+00 : f32
    %jit3A_2908 = arith.constant 0.000000e+00 : f32
    %broadcast_in_dim3A_2909 = vector.broadcast %jit3A_2907 : f32 to vector<16xf32>
    %broadcast_in_dim3A_2910 = vector.broadcast %jit3A_2908 : f32 to vector<16xf32>
    %select_n3A_2911 = arith.select %gt3A_2906, %broadcast_in_dim3A_2909, %broadcast_in_dim3A_2910 : vector<16xi1>, vector<16xf32>
    %swap3A_2912 = arith.constant 544 : index
    %swap3A_2913 = tpu.vector_load %arg7[%swap3A_2912] {strides = array<i32>} : memref<576xf32, #tpu.memory_space<vmem>>, vector<16xf32>,
    tpu.vector_store %arg7[%swap3A_2912], %select_n3A_2911 {strides = array<i32>} : memref<576xf32, #tpu.memory_space<vmem>>, vector<16xf32>,
    %get3A_2914 = arith.constant 560 : index
    %get3A_2915 = tpu.vector_load %arg5[%get3A_2914] {strides = array<i32>} : memref<576xf32, #tpu.memory_space<vmem>>, vector<16xf32>,
    %gt3A_2916 = arith.cmpf ogt, %get3A_2915, %bitcast_convert_type3A_2565 : vector<16xf32>
    %jit3A_2917 = arith.constant 1.000000e+00 : f32
    %jit3A_2918 = arith.constant 0.000000e+00 : f32
    %broadcast_in_dim3A_2919 = vector.broadcast %jit3A_2917 : f32 to vector<16xf32>
    %broadcast_in_dim3A_2920 = vector.broadcast %jit3A_2918 : f32 to vector<16xf32>
    %select_n3A_2921 = arith.select %gt3A_2916, %broadcast_in_dim3A_2919, %broadcast_in_dim3A_2920 : vector<16xi1>, vector<16xf32>
    %swap3A_2922 = arith.constant 560 : index
    %swap3A_2923 = tpu.vector_load %arg7[%swap3A_2922] {strides = array<i32>} : memref<576xf32, #tpu.memory_space<vmem>>, vector<16xf32>,
    tpu.vector_store %arg7[%swap3A_2922], %select_n3A_2921 {strides = array<i32>} : memref<576xf32, #tpu.memory_space<vmem>>, vector<16xf32>,
    "tpu.region"() ({
      %run_scoped3A = tpu.sem_alloc : memref<!tpu.dma_semaphore, #tpu.memory_space<semaphore_mem>>
      %dma_start3A = arith.constant 0 : i32
      %dma_start3A_2924 = tpu.memref_slice %arg3[%arg1, %dma_start3A] : memref<16x576xf32, #tpu.memory_space<hbm>> -> memref<1x576xf32, #tpu.memory_space<hbm>>
      %dma_start3A_2925 = tpu.memref_squeeze %dma_start3A_2924 : memref<1x576xf32, #tpu.memory_space<hbm>> -> memref<576xf32, #tpu.memory_space<hbm>>
      %dma_start3A_2926 = arith.constant 0 : i32
      %dma_start3A_2927 = tpu.memref_slice %arg3[%arg1, %dma_start3A_2926] : memref<16x576xf32, #tpu.memory_space<hbm>> -> memref<1x576xf32, #tpu.memory_space<hbm>>
      %dma_start3A_2928 = tpu.memref_squeeze %dma_start3A_2927 : memref<1x576xf32, #tpu.memory_space<hbm>> -> memref<576xf32, #tpu.memory_space<hbm>>
      tpu.enqueue_dma source(%arg7 : memref<576xf32, #tpu.memory_space<vmem>>) target(%dma_start3A_2928 : memref<576xf32, #tpu.memory_space<hbm>>) target_semaphore(%run_scoped3A : memref<!tpu.dma_semaphore, #tpu.memory_space<semaphore_mem>>)
      %dma_wait3A = arith.constant 0 : i32
      %dma_wait3A_2929 = tpu.memref_slice %arg3[%arg1, %dma_wait3A] : memref<16x576xf32, #tpu.memory_space<hbm>> -> memref<1x576xf32, #tpu.memory_space<hbm>>
      %dma_wait3A_2930 = tpu.memref_squeeze %dma_wait3A_2929 : memref<1x576xf32, #tpu.memory_space<hbm>> -> memref<576xf32, #tpu.memory_space<hbm>>
      %dma_wait3A_2931 = arith.constant 0 : i32
      %dma_wait3A_2932 = tpu.memref_slice %arg3[%arg1, %dma_wait3A_2931] : memref<16x576xf32, #tpu.memory_space<hbm>> -> memref<1x576xf32, #tpu.memory_space<hbm>>
      %dma_wait3A_2933 = tpu.memref_squeeze %dma_wait3A_2932 : memref<1x576xf32, #tpu.memory_space<hbm>> -> memref<576xf32, #tpu.memory_space<hbm>>
      tpu.wait_dma2 semaphore(%run_scoped3A : memref<!tpu.dma_semaphore, #tpu.memory_space<semaphore_mem>>) src(%arg7 : memref<576xf32, #tpu.memory_space<vmem>>) dst(%dma_wait3A_2933 : memref<576xf32, #tpu.memory_space<hbm>>)
      tpu.yield
    }) : () -> ()
    return
  }
}

module attributes {stable_mosaic.version = 14 : i64} {
  func.func @_tc_body_b(%arg0: i32, %arg1: memref<16x3x384x384xf32, #tpu.memory_space<any>>, %arg2: memref<16x576xf32, #tpu.memory_space<vmem>>, %arg3: memref<2x3x384x384xf32, #tpu.memory_space<vmem>>, %arg4: memref<2x3x384x384xf32, #tpu.memory_space<vmem>>, %arg5: memref<16x24x24xf32, #tpu.memory_space<vmem>>, %arg6: memref<24x384xf32, #tpu.memory_space<vmem>>, %arg7: memref<384x24xf32, #tpu.memory_space<vmem>>) attributes {dimension_semantics = [#tpu.dimension_semantics<arbitrary>], iteration_bounds = array<i64: 2>, scalar_prefetch = 0 : i64, scratch_operands = 3 : i64, tpu.core_type = #tpu.core_type<tc>, window_params = [{}, {pipeline_mode = #tpu.pipeline_mode<synchronous>, transform_indices = @transform_1, window_bounds = array<i64: 16, 576>}, {transform_indices = @transform_2, window_bounds = array<i64: 2, 3, 384, 384>}, {transform_indices = @transform_3, window_bounds = array<i64: 2, 3, 384, 384>}]} {
    %eq3A = arith.constant 0 : i32
    %eq3A_0 = arith.cmpi eq, %arg0, %eq3A : i32
    %convert_element_type3A = arith.extui %eq3A_0 : i1 to i32
    %cond3A = arith.constant 0 : i32
    %cond3A_1 = arith.cmpi ne, %convert_element_type3A, %cond3A : i32
    scf.if %cond3A_1 {
      %iota3A = tpu.iota {dimensions = array<i32: 1>} : vector<24x384xi32>
      %jit3A = arith.constant 16 : i32
      %div3A = vector.broadcast %jit3A : i32 to vector<24x384xi32>
      %div3A_70 = arith.divsi %iota3A, %div3A : vector<24x384xi32>
      %sign3A = arith.constant 0 : i32
      %sign3A_71 = vector.broadcast %sign3A : i32 to vector<24x384xi32>
      %sign3A_72 = arith.cmpi sgt, %iota3A, %sign3A_71 : vector<24x384xi32>
      %sign3A_73 = arith.extui %sign3A_72 : vector<24x384xi1> to vector<24x384xi32>
      %sign3A_74 = arith.constant 0 : i32
      %sign3A_75 = vector.broadcast %sign3A_74 : i32 to vector<24x384xi32>
      %sign3A_76 = arith.cmpi slt, %iota3A, %sign3A_75 : vector<24x384xi32>
      %sign3A_77 = arith.extui %sign3A_76 : vector<24x384xi1> to vector<24x384xi32>
      %sign3A_78 = arith.subi %sign3A_73, %sign3A_77 : vector<24x384xi32>
      %sign3A_79 = arith.constant 0 : i32
      %sign3A_80 = arith.cmpi sgt, %jit3A, %sign3A_79 : i32
      %sign3A_81 = arith.extui %sign3A_80 : i1 to i32
      %sign3A_82 = arith.constant 0 : i32
      %sign3A_83 = arith.cmpi slt, %jit3A, %sign3A_82 : i32
      %sign3A_84 = arith.extui %sign3A_83 : i1 to i32
      %sign3A_85 = arith.subi %sign3A_81, %sign3A_84 : i32
      %ne3A = vector.broadcast %sign3A_85 : i32 to vector<24x384xi32>
      %ne3A_86 = arith.cmpi ne, %sign3A_78, %ne3A : vector<24x384xi32>
      %rem3A = vector.broadcast %jit3A : i32 to vector<24x384xi32>
      %rem3A_87 = arith.remsi %iota3A, %rem3A : vector<24x384xi32>
      %ne3A_88 = arith.constant 0 : i32
      %ne3A_89 = vector.broadcast %ne3A_88 : i32 to vector<24x384xi32>
      %ne3A_90 = arith.cmpi ne, %rem3A_87, %ne3A_89 : vector<24x384xi32>
      %and3A = arith.andi %ne3A_86, %ne3A_90 : vector<24x384xi1>
      %sub3A = arith.constant 1 : i32
      %sub3A_91 = vector.broadcast %sub3A : i32 to vector<24x384xi32>
      %sub3A_92 = arith.subi %div3A_70, %sub3A_91 : vector<24x384xi32>
      %select_n3A = arith.select %and3A, %sub3A_92, %div3A_70 : vector<24x384xi1>, vector<24x384xi32>
      %iota3A_93 = tpu.iota {dimensions = array<i32: 0>} : vector<24x384xi32>
      %eq3A_94 = arith.cmpi eq, %select_n3A, %iota3A_93 : vector<24x384xi32>
      %jit3A_95 = arith.constant 1.000000e+00 : f32
      %jit3A_96 = arith.constant 0.000000e+00 : f32
      %broadcast_in_dim3A_97 = vector.broadcast %jit3A_95 : f32 to vector<24x384xf32>
      %broadcast_in_dim3A_98 = vector.broadcast %jit3A_96 : f32 to vector<24x384xf32>
      %select_n3A_99 = arith.select %eq3A_94, %broadcast_in_dim3A_97, %broadcast_in_dim3A_98 : vector<24x384xi1>, vector<24x384xf32>
      %swap3A_100 = arith.constant 0 : index
      %swap3A_101 = arith.constant 0 : index
      %swap3A_102 = vector.load %arg6[%swap3A_100, %swap3A_101] : memref<24x384xf32, #tpu.memory_space<vmem>>, vector<24x384xf32>
      tpu.vector_store %arg6[%swap3A_100, %swap3A_101], %select_n3A_99 {strides = array<i32>} : memref<24x384xf32, #tpu.memory_space<vmem>>, vector<24x384xf32>,
      %iota3A_103 = tpu.iota {dimensions = array<i32: 0>} : vector<384x24xi32>
      %jit3A_104 = arith.constant 16 : i32
      %div3A_105 = vector.broadcast %jit3A_104 : i32 to vector<384x24xi32>
      %div3A_106 = arith.divsi %iota3A_103, %div3A_105 : vector<384x24xi32>
      %sign3A_107 = arith.constant 0 : i32
      %sign3A_108 = vector.broadcast %sign3A_107 : i32 to vector<384x24xi32>
      %sign3A_109 = arith.cmpi sgt, %iota3A_103, %sign3A_108 : vector<384x24xi32>
      %sign3A_110 = arith.extui %sign3A_109 : vector<384x24xi1> to vector<384x24xi32>
      %sign3A_111 = arith.constant 0 : i32
      %sign3A_112 = vector.broadcast %sign3A_111 : i32 to vector<384x24xi32>
      %sign3A_113 = arith.cmpi slt, %iota3A_103, %sign3A_112 : vector<384x24xi32>
      %sign3A_114 = arith.extui %sign3A_113 : vector<384x24xi1> to vector<384x24xi32>
      %sign3A_115 = arith.subi %sign3A_110, %sign3A_114 : vector<384x24xi32>
      %sign3A_116 = arith.constant 0 : i32
      %sign3A_117 = arith.cmpi sgt, %jit3A_104, %sign3A_116 : i32
      %sign3A_118 = arith.extui %sign3A_117 : i1 to i32
      %sign3A_119 = arith.constant 0 : i32
      %sign3A_120 = arith.cmpi slt, %jit3A_104, %sign3A_119 : i32
      %sign3A_121 = arith.extui %sign3A_120 : i1 to i32
      %sign3A_122 = arith.subi %sign3A_118, %sign3A_121 : i32
      %ne3A_123 = vector.broadcast %sign3A_122 : i32 to vector<384x24xi32>
      %ne3A_124 = arith.cmpi ne, %sign3A_115, %ne3A_123 : vector<384x24xi32>
      %rem3A_125 = vector.broadcast %jit3A_104 : i32 to vector<384x24xi32>
      %rem3A_126 = arith.remsi %iota3A_103, %rem3A_125 : vector<384x24xi32>
      %ne3A_127 = arith.constant 0 : i32
      %ne3A_128 = vector.broadcast %ne3A_127 : i32 to vector<384x24xi32>
      %ne3A_129 = arith.cmpi ne, %rem3A_126, %ne3A_128 : vector<384x24xi32>
      %and3A_130 = arith.andi %ne3A_124, %ne3A_129 : vector<384x24xi1>
      %sub3A_131 = arith.constant 1 : i32
      %sub3A_132 = vector.broadcast %sub3A_131 : i32 to vector<384x24xi32>
      %sub3A_133 = arith.subi %div3A_106, %sub3A_132 : vector<384x24xi32>
      %select_n3A_134 = arith.select %and3A_130, %sub3A_133, %div3A_106 : vector<384x24xi1>, vector<384x24xi32>
      %iota3A_135 = tpu.iota {dimensions = array<i32: 1>} : vector<384x24xi32>
      %eq3A_136 = arith.cmpi eq, %select_n3A_134, %iota3A_135 : vector<384x24xi32>
      %jit3A_137 = arith.constant 1.000000e+00 : f32
      %jit3A_138 = arith.constant 0.000000e+00 : f32
      %broadcast_in_dim3A_139 = vector.broadcast %jit3A_137 : f32 to vector<384x24xf32>
      %broadcast_in_dim3A_140 = vector.broadcast %jit3A_138 : f32 to vector<384x24xf32>
      %select_n3A_141 = arith.select %eq3A_136, %broadcast_in_dim3A_139, %broadcast_in_dim3A_140 : vector<384x24xi1>, vector<384x24xf32>
      %swap3A_142 = arith.constant 0 : index
      %swap3A_143 = arith.constant 0 : index
      %swap3A_144 = vector.load %arg7[%swap3A_142, %swap3A_143] : memref<384x24xf32, #tpu.memory_space<vmem>>, vector<384x24xf32>
      tpu.vector_store %arg7[%swap3A_142, %swap3A_143], %select_n3A_141 {strides = array<i32>} : memref<384x24xf32, #tpu.memory_space<vmem>>, vector<384x24xf32>,
      %get3A_145 = arith.constant 0 : index
      %get3A_146 = arith.constant 0 : index
      %get3A_147 = vector.load %arg2[%get3A_145, %get3A_146] : memref<16x576xf32, #tpu.memory_space<vmem>>, vector<16x576xf32>
      %reshape3A = vector.shape_cast %get3A_147 : vector<16x576xf32> to vector<16x24x24xf32>
      %swap3A_148 = arith.constant 0 : index
      %swap3A_149 = arith.constant 0 : index
      %swap3A_150 = arith.constant 0 : index
      %swap3A_151 = vector.load %arg5[%swap3A_148, %swap3A_149, %swap3A_150] : memref<16x24x24xf32, #tpu.memory_space<vmem>>, vector<16x24x24xf32>
      tpu.vector_store %arg5[%swap3A_148, %swap3A_149, %swap3A_150], %reshape3A {strides = array<i32>} : memref<16x24x24xf32, #tpu.memory_space<vmem>>, vector<16x24x24xf32>,
    } else {
    }
    %mul3A = arith.constant 2 : i32
    %mul3A_2 = arith.muli %mul3A, %arg0 : i32
    %add3A = arith.constant 12 : i32
    %add3A_3 = arith.addi %add3A, %mul3A_2 : i32
    %add3A_4 = arith.constant 0 : i32
    %add3A_5 = arith.addi %add3A_3, %add3A_4 : i32
    %get3A = arith.index_cast %add3A_5 : i32 to index
    %get3A_6 = arith.constant 0 : index
    %get3A_7 = arith.constant 0 : index
    %get3A_8 = vector.load %arg5[%get3A, %get3A_6, %get3A_7] : memref<16x24x24xf32, #tpu.memory_space<vmem>>, vector<1x24x24xf32>
    %get3A_9 = vector.shape_cast %get3A_8 : vector<1x24x24xf32> to vector<24x24xf32>
    %get3A_10 = arith.constant 0 : index
    %get3A_11 = arith.constant 0 : index
    %get3A_12 = arith.constant 0 : index
    %get3A_13 = arith.constant 0 : index
    %get3A_14 = vector.load %arg3[%get3A_10, %get3A_11, %get3A_12, %get3A_13] : memref<2x3x384x384xf32, #tpu.memory_space<vmem>>, vector<1x3x384x384xf32>
    %get3A_15 = vector.shape_cast %get3A_14 : vector<1x3x384x384xf32> to vector<3x384x384xf32>
    %get3A_16 = arith.constant 0 : index
    %get3A_17 = arith.constant 0 : index
    %get3A_18 = vector.load %arg6[%get3A_16, %get3A_17] : memref<24x384xf32, #tpu.memory_space<vmem>>, vector<24x384xf32>
    %dot_general3A = arith.constant dense<0.000000e+00> : vector<24x384xf32>
    %dot_general3A_19 = tpu.matmul %get3A_9, %get3A_18, %dot_general3A {dimension_numbers = #tpu.dot_dimension_numbers<[1], [0], [0], [1], [0, 0, 1, 1], [], []>, transpose_lhs_hint = false} : vector<24x24xf32>, vector<24x384xf32>, vector<24x384xf32> -> vector<24x384xf32>
    %get3A_20 = arith.constant 0 : index
    %get3A_21 = arith.constant 0 : index
    %get3A_22 = vector.load %arg7[%get3A_20, %get3A_21] : memref<384x24xf32, #tpu.memory_space<vmem>>, vector<384x24xf32>
    %dot_general3A_23 = arith.constant dense<0.000000e+00> : vector<384x384xf32>
    %dot_general3A_24 = tpu.matmul %get3A_22, %dot_general3A_19, %dot_general3A_23 {dimension_numbers = #tpu.dot_dimension_numbers<[1], [0], [0], [1], [0, 0, 1, 1], [], []>, transpose_lhs_hint = false} : vector<384x24xf32>, vector<24x384xf32>, vector<384x384xf32> -> vector<384x384xf32>
    %broadcast_in_dim3A = vector.shape_cast %dot_general3A_24 : vector<384x384xf32> to vector<1x384x384xf32>
    %mul3A_25 = vector.broadcast %broadcast_in_dim3A : vector<1x384x384xf32> to vector<3x384x384xf32>
    %mul3A_26 = arith.mulf %get3A_15, %mul3A_25 : vector<3x384x384xf32>
    %swap3A = arith.constant 0 : index
    %swap3A_27 = arith.constant 0 : index
    %swap3A_28 = arith.constant 0 : index
    %swap3A_29 = arith.constant 0 : index
    %swap3A_30 = vector.load %arg4[%swap3A, %swap3A_27, %swap3A_28, %swap3A_29] : memref<2x3x384x384xf32, #tpu.memory_space<vmem>>, vector<1x3x384x384xf32>
    %swap3A_31 = vector.shape_cast %swap3A_30 : vector<1x3x384x384xf32> to vector<3x384x384xf32>
    %swap3A_32 = vector.shape_cast %mul3A_26 : vector<3x384x384xf32> to vector<1x3x384x384xf32>
    tpu.vector_store %arg4[%swap3A, %swap3A_27, %swap3A_28, %swap3A_29], %swap3A_32 {strides = array<i32>} : memref<2x3x384x384xf32, #tpu.memory_space<vmem>>, vector<1x3x384x384xf32>,
    %mul3A_33 = arith.constant 2 : i32
    %mul3A_34 = arith.muli %mul3A_33, %arg0 : i32
    %add3A_35 = arith.constant 12 : i32
    %add3A_36 = arith.addi %add3A_35, %mul3A_34 : i32
    %add3A_37 = arith.constant 1 : i32
    %add3A_38 = arith.addi %add3A_36, %add3A_37 : i32
    %get3A_39 = arith.index_cast %add3A_38 : i32 to index
    %get3A_40 = arith.constant 0 : index
    %get3A_41 = arith.constant 0 : index
    %get3A_42 = vector.load %arg5[%get3A_39, %get3A_40, %get3A_41] : memref<16x24x24xf32, #tpu.memory_space<vmem>>, vector<1x24x24xf32>
    %get3A_43 = vector.shape_cast %get3A_42 : vector<1x24x24xf32> to vector<24x24xf32>
    %get3A_44 = arith.constant 1 : index
    %get3A_45 = arith.constant 0 : index
    %get3A_46 = arith.constant 0 : index
    %get3A_47 = arith.constant 0 : index
    %get3A_48 = vector.load %arg3[%get3A_44, %get3A_45, %get3A_46, %get3A_47] : memref<2x3x384x384xf32, #tpu.memory_space<vmem>>, vector<1x3x384x384xf32>
    %get3A_49 = vector.shape_cast %get3A_48 : vector<1x3x384x384xf32> to vector<3x384x384xf32>
    %get3A_50 = arith.constant 0 : index
    %get3A_51 = arith.constant 0 : index
    %get3A_52 = vector.load %arg6[%get3A_50, %get3A_51] : memref<24x384xf32, #tpu.memory_space<vmem>>, vector<24x384xf32>
    %dot_general3A_53 = arith.constant dense<0.000000e+00> : vector<24x384xf32>
    %dot_general3A_54 = tpu.matmul %get3A_43, %get3A_52, %dot_general3A_53 {dimension_numbers = #tpu.dot_dimension_numbers<[1], [0], [0], [1], [0, 0, 1, 1], [], []>, transpose_lhs_hint = false} : vector<24x24xf32>, vector<24x384xf32>, vector<24x384xf32> -> vector<24x384xf32>
    %get3A_55 = arith.constant 0 : index
    %get3A_56 = arith.constant 0 : index
    %get3A_57 = vector.load %arg7[%get3A_55, %get3A_56] : memref<384x24xf32, #tpu.memory_space<vmem>>, vector<384x24xf32>
    %dot_general3A_58 = arith.constant dense<0.000000e+00> : vector<384x384xf32>
    %dot_general3A_59 = tpu.matmul %get3A_57, %dot_general3A_54, %dot_general3A_58 {dimension_numbers = #tpu.dot_dimension_numbers<[1], [0], [0], [1], [0, 0, 1, 1], [], []>, transpose_lhs_hint = false} : vector<384x24xf32>, vector<24x384xf32>, vector<384x384xf32> -> vector<384x384xf32>
    %broadcast_in_dim3A_60 = vector.shape_cast %dot_general3A_59 : vector<384x384xf32> to vector<1x384x384xf32>
    %mul3A_61 = vector.broadcast %broadcast_in_dim3A_60 : vector<1x384x384xf32> to vector<3x384x384xf32>
    %mul3A_62 = arith.mulf %get3A_49, %mul3A_61 : vector<3x384x384xf32>
    %swap3A_63 = arith.constant 1 : index
    %swap3A_64 = arith.constant 0 : index
    %swap3A_65 = arith.constant 0 : index
    %swap3A_66 = arith.constant 0 : index
    %swap3A_67 = vector.load %arg4[%swap3A_63, %swap3A_64, %swap3A_65, %swap3A_66] : memref<2x3x384x384xf32, #tpu.memory_space<vmem>>, vector<1x3x384x384xf32>
    %swap3A_68 = vector.shape_cast %swap3A_67 : vector<1x3x384x384xf32> to vector<3x384x384xf32>
    %swap3A_69 = vector.shape_cast %mul3A_62 : vector<3x384x384xf32> to vector<1x3x384x384xf32>
    tpu.vector_store %arg4[%swap3A_63, %swap3A_64, %swap3A_65, %swap3A_66], %swap3A_69 {strides = array<i32>} : memref<2x3x384x384xf32, #tpu.memory_space<vmem>>, vector<1x3x384x384xf32>,
    return
  }
  func.func @transform_1(%arg0: i32) -> (i32, i32) {
    %c0_i32 = arith.constant 0 : i32
    %c0_i32_0 = arith.constant 0 : i32
    %c0_i32_1 = arith.constant 0 : i32
    return %c0_i32, %c0_i32_0 : i32, i32
  }
  func.func @transform_2(%arg0: i32) -> (i32, i32, i32, i32) {
    %add3A = arith.constant 6 : i32
    %add3A_0 = arith.addi %arg0, %add3A : i32
    %c0_i32 = arith.constant 0 : i32
    %c0_i32_1 = arith.constant 0 : i32
    %c0_i32_2 = arith.constant 0 : i32
    %c0_i32_3 = arith.constant 0 : i32
    return %add3A_0, %c0_i32, %c0_i32_1, %c0_i32_2 : i32, i32, i32, i32
  }
  func.func @transform_3(%arg0: i32) -> (i32, i32, i32, i32) {
    %add3A = arith.constant 6 : i32
    %add3A_0 = arith.addi %arg0, %add3A : i32
    %c0_i32 = arith.constant 0 : i32
    %c0_i32_1 = arith.constant 0 : i32
    %c0_i32_2 = arith.constant 0 : i32
    %c0_i32_3 = arith.constant 0 : i32
    return %add3A_0, %c0_i32, %c0_i32_1, %c0_i32_2 : i32, i32, i32, i32
  }
}

module attributes {stable_mosaic.version = 14 : i64} {
  func.func @_tc_body_a(%arg0: i32, %arg1: memref<16x12x576xf32, #tpu.memory_space<vmem>>, %arg2: memref<4x3x384x384xf32, #tpu.memory_space<vmem>>, %arg3: memref<4x3x384x384xf32, #tpu.memory_space<vmem>>, %arg4: memref<16x24x24xf32, #tpu.memory_space<vmem>>, %arg5: memref<24x384xf32, #tpu.memory_space<vmem>>, %arg6: memref<384x24xf32, #tpu.memory_space<vmem>>) attributes {dimension_semantics = [#tpu.dimension_semantics<arbitrary>], iteration_bounds = array<i64: 3>, scalar_prefetch = 0 : i64, scratch_operands = 3 : i64, tpu.core_type = #tpu.core_type<tc>, window_params = [{pipeline_mode = #tpu.pipeline_mode<synchronous>, transform_indices = @transform_0, window_bounds = array<i64: 16, 12, 576>}, {transform_indices = @transform_1, window_bounds = array<i64: 4, 3, 384, 384>}, {transform_indices = @transform_2, window_bounds = array<i64: 4, 3, 384, 384>}]} {
    %eq3A = arith.constant 0 : i32
    %eq3A_0 = arith.cmpi eq, %arg0, %eq3A : i32
    %convert_element_type3A = arith.extui %eq3A_0 : i1 to i32
    %cond3A = arith.constant 0 : i32
    %cond3A_1 = arith.cmpi ne, %convert_element_type3A, %cond3A : i32
    scf.if %cond3A_1 {
      %iota3A = tpu.iota {dimensions = array<i32: 1>} : vector<24x384xi32>
      %jit3A = arith.constant 16 : i32
      %div3A = vector.broadcast %jit3A : i32 to vector<24x384xi32>
      %div3A_136 = arith.divsi %iota3A, %div3A : vector<24x384xi32>
      %sign3A = arith.constant 0 : i32
      %sign3A_137 = vector.broadcast %sign3A : i32 to vector<24x384xi32>
      %sign3A_138 = arith.cmpi sgt, %iota3A, %sign3A_137 : vector<24x384xi32>
      %sign3A_139 = arith.extui %sign3A_138 : vector<24x384xi1> to vector<24x384xi32>
      %sign3A_140 = arith.constant 0 : i32
      %sign3A_141 = vector.broadcast %sign3A_140 : i32 to vector<24x384xi32>
      %sign3A_142 = arith.cmpi slt, %iota3A, %sign3A_141 : vector<24x384xi32>
      %sign3A_143 = arith.extui %sign3A_142 : vector<24x384xi1> to vector<24x384xi32>
      %sign3A_144 = arith.subi %sign3A_139, %sign3A_143 : vector<24x384xi32>
      %sign3A_145 = arith.constant 0 : i32
      %sign3A_146 = arith.cmpi sgt, %jit3A, %sign3A_145 : i32
      %sign3A_147 = arith.extui %sign3A_146 : i1 to i32
      %sign3A_148 = arith.constant 0 : i32
      %sign3A_149 = arith.cmpi slt, %jit3A, %sign3A_148 : i32
      %sign3A_150 = arith.extui %sign3A_149 : i1 to i32
      %sign3A_151 = arith.subi %sign3A_147, %sign3A_150 : i32
      %ne3A = vector.broadcast %sign3A_151 : i32 to vector<24x384xi32>
      %ne3A_152 = arith.cmpi ne, %sign3A_144, %ne3A : vector<24x384xi32>
      %rem3A = vector.broadcast %jit3A : i32 to vector<24x384xi32>
      %rem3A_153 = arith.remsi %iota3A, %rem3A : vector<24x384xi32>
      %ne3A_154 = arith.constant 0 : i32
      %ne3A_155 = vector.broadcast %ne3A_154 : i32 to vector<24x384xi32>
      %ne3A_156 = arith.cmpi ne, %rem3A_153, %ne3A_155 : vector<24x384xi32>
      %and3A = arith.andi %ne3A_152, %ne3A_156 : vector<24x384xi1>
      %sub3A = arith.constant 1 : i32
      %sub3A_157 = vector.broadcast %sub3A : i32 to vector<24x384xi32>
      %sub3A_158 = arith.subi %div3A_136, %sub3A_157 : vector<24x384xi32>
      %select_n3A = arith.select %and3A, %sub3A_158, %div3A_136 : vector<24x384xi1>, vector<24x384xi32>
      %iota3A_159 = tpu.iota {dimensions = array<i32: 0>} : vector<24x384xi32>
      %eq3A_160 = arith.cmpi eq, %select_n3A, %iota3A_159 : vector<24x384xi32>
      %jit3A_161 = arith.constant 1.000000e+00 : f32
      %jit3A_162 = arith.constant 0.000000e+00 : f32
      %broadcast_in_dim3A_163 = vector.broadcast %jit3A_161 : f32 to vector<24x384xf32>
      %broadcast_in_dim3A_164 = vector.broadcast %jit3A_162 : f32 to vector<24x384xf32>
      %select_n3A_165 = arith.select %eq3A_160, %broadcast_in_dim3A_163, %broadcast_in_dim3A_164 : vector<24x384xi1>, vector<24x384xf32>
      %swap3A_166 = arith.constant 0 : index
      %swap3A_167 = arith.constant 0 : index
      %swap3A_168 = vector.load %arg5[%swap3A_166, %swap3A_167] : memref<24x384xf32, #tpu.memory_space<vmem>>, vector<24x384xf32>
      tpu.vector_store %arg5[%swap3A_166, %swap3A_167], %select_n3A_165 {strides = array<i32>} : memref<24x384xf32, #tpu.memory_space<vmem>>, vector<24x384xf32>,
      %iota3A_169 = tpu.iota {dimensions = array<i32: 0>} : vector<384x24xi32>
      %jit3A_170 = arith.constant 16 : i32
      %div3A_171 = vector.broadcast %jit3A_170 : i32 to vector<384x24xi32>
      %div3A_172 = arith.divsi %iota3A_169, %div3A_171 : vector<384x24xi32>
      %sign3A_173 = arith.constant 0 : i32
      %sign3A_174 = vector.broadcast %sign3A_173 : i32 to vector<384x24xi32>
      %sign3A_175 = arith.cmpi sgt, %iota3A_169, %sign3A_174 : vector<384x24xi32>
      %sign3A_176 = arith.extui %sign3A_175 : vector<384x24xi1> to vector<384x24xi32>
      %sign3A_177 = arith.constant 0 : i32
      %sign3A_178 = vector.broadcast %sign3A_177 : i32 to vector<384x24xi32>
      %sign3A_179 = arith.cmpi slt, %iota3A_169, %sign3A_178 : vector<384x24xi32>
      %sign3A_180 = arith.extui %sign3A_179 : vector<384x24xi1> to vector<384x24xi32>
      %sign3A_181 = arith.subi %sign3A_176, %sign3A_180 : vector<384x24xi32>
      %sign3A_182 = arith.constant 0 : i32
      %sign3A_183 = arith.cmpi sgt, %jit3A_170, %sign3A_182 : i32
      %sign3A_184 = arith.extui %sign3A_183 : i1 to i32
      %sign3A_185 = arith.constant 0 : i32
      %sign3A_186 = arith.cmpi slt, %jit3A_170, %sign3A_185 : i32
      %sign3A_187 = arith.extui %sign3A_186 : i1 to i32
      %sign3A_188 = arith.subi %sign3A_184, %sign3A_187 : i32
      %ne3A_189 = vector.broadcast %sign3A_188 : i32 to vector<384x24xi32>
      %ne3A_190 = arith.cmpi ne, %sign3A_181, %ne3A_189 : vector<384x24xi32>
      %rem3A_191 = vector.broadcast %jit3A_170 : i32 to vector<384x24xi32>
      %rem3A_192 = arith.remsi %iota3A_169, %rem3A_191 : vector<384x24xi32>
      %ne3A_193 = arith.constant 0 : i32
      %ne3A_194 = vector.broadcast %ne3A_193 : i32 to vector<384x24xi32>
      %ne3A_195 = arith.cmpi ne, %rem3A_192, %ne3A_194 : vector<384x24xi32>
      %and3A_196 = arith.andi %ne3A_190, %ne3A_195 : vector<384x24xi1>
      %sub3A_197 = arith.constant 1 : i32
      %sub3A_198 = vector.broadcast %sub3A_197 : i32 to vector<384x24xi32>
      %sub3A_199 = arith.subi %div3A_172, %sub3A_198 : vector<384x24xi32>
      %select_n3A_200 = arith.select %and3A_196, %sub3A_199, %div3A_172 : vector<384x24xi1>, vector<384x24xi32>
      %iota3A_201 = tpu.iota {dimensions = array<i32: 1>} : vector<384x24xi32>
      %eq3A_202 = arith.cmpi eq, %select_n3A_200, %iota3A_201 : vector<384x24xi32>
      %jit3A_203 = arith.constant 1.000000e+00 : f32
      %jit3A_204 = arith.constant 0.000000e+00 : f32
      %broadcast_in_dim3A_205 = vector.broadcast %jit3A_203 : f32 to vector<384x24xf32>
      %broadcast_in_dim3A_206 = vector.broadcast %jit3A_204 : f32 to vector<384x24xf32>
      %select_n3A_207 = arith.select %eq3A_202, %broadcast_in_dim3A_205, %broadcast_in_dim3A_206 : vector<384x24xi1>, vector<384x24xf32>
      %swap3A_208 = arith.constant 0 : index
      %swap3A_209 = arith.constant 0 : index
      %swap3A_210 = vector.load %arg6[%swap3A_208, %swap3A_209] : memref<384x24xf32, #tpu.memory_space<vmem>>, vector<384x24xf32>
      tpu.vector_store %arg6[%swap3A_208, %swap3A_209], %select_n3A_207 {strides = array<i32>} : memref<384x24xf32, #tpu.memory_space<vmem>>, vector<384x24xf32>,
      %get3A_211 = arith.constant 0 : index
      %get3A_212 = arith.constant 0 : index
      %get3A_213 = arith.constant 0 : index
      %get3A_214 = vector.load %arg1[%get3A_211, %get3A_212, %get3A_213] : memref<16x12x576xf32, #tpu.memory_space<vmem>>, vector<16x12x576xf32>
      %reduce_sum3A = arith.constant dense<0.000000e+00> : vector<16x576xf32>
      %reduce_sum3A_215 = vector.multi_reduction <add>, %get3A_214, %reduce_sum3A [1] : vector<16x12x576xf32> to vector<16x576xf32>
      %bitcast_convert_type3A = tpu.bitcast %reduce_sum3A_215 : vector<16x576xf32> -> vector<16x576xi32>
      %ge3A = arith.constant 0 : i32
      %ge3A_216 = vector.broadcast %ge3A : i32 to vector<16x576xi32>
      %ge3A_217 = arith.cmpi sge, %bitcast_convert_type3A, %ge3A_216 : vector<16x576xi32>
      %xor3A = arith.constant 2147483647 : i32
      %xor3A_218 = vector.broadcast %xor3A : i32 to vector<16x576xi32>
      %xor3A_219 = arith.xori %bitcast_convert_type3A, %xor3A_218 : vector<16x576xi32>
      %select_n3A_220 = arith.select %ge3A_217, %bitcast_convert_type3A, %xor3A_219 : vector<16x576xi1>, vector<16x576xi32>
      %broadcast_in_dim3A_221 = arith.constant 0 : i32
      %broadcast_in_dim3A_222 = vector.broadcast %broadcast_in_dim3A_221 : i32 to vector<16x1xi32>
      %or3A = arith.constant -2147483648 : i32
      %or3A_223 = vector.broadcast %or3A : i32 to vector<16x1xi32>
      %or3A_224 = arith.ori %broadcast_in_dim3A_222, %or3A_223 : vector<16x1xi32>
      %xor3A_225 = arith.constant -2147483648 : i32
      %xor3A_226 = vector.broadcast %xor3A_225 : i32 to vector<16x1xi32>
      %xor3A_227 = arith.xori %or3A_224, %xor3A_226 : vector<16x1xi32>
      %ge3A_228 = vector.broadcast %xor3A_227 : vector<16x1xi32> to vector<16x576xi32>
      %ge3A_229 = arith.cmpi sge, %select_n3A_220, %ge3A_228 : vector<16x576xi32>
      %convert_element_type3A_230 = arith.extui %ge3A_229 : vector<16x576xi1> to vector<16x576xi32>
      %reduce_sum3A_231 = arith.constant dense<0> : vector<16xi32>
      %reduce_sum3A_232 = vector.multi_reduction <add>, %convert_element_type3A_230, %reduce_sum3A_231 [1] : vector<16x576xi32> to vector<16xi32>
      %broadcast_in_dim3A_233 = vector.shape_cast %reduce_sum3A_232 : vector<16xi32> to vector<16x1xi32>
      %ge3A_234 = arith.constant 288 : i32
      %ge3A_235 = vector.broadcast %ge3A_234 : i32 to vector<16x1xi32>
      %ge3A_236 = arith.cmpi sge, %broadcast_in_dim3A_233, %ge3A_235 : vector<16x1xi32>
      %select_n3A_237 = arith.select %ge3A_236, %or3A_224, %broadcast_in_dim3A_222 : vector<16x1xi1>, vector<16x1xi32>
      %or3A_238 = arith.constant 1073741824 : i32
      %or3A_239 = vector.broadcast %or3A_238 : i32 to vector<16x1xi32>
      %or3A_240 = arith.ori %select_n3A_237, %or3A_239 : vector<16x1xi32>
      %xor3A_241 = arith.constant -2147483648 : i32
      %xor3A_242 = vector.broadcast %xor3A_241 : i32 to vector<16x1xi32>
      %xor3A_243 = arith.xori %or3A_240, %xor3A_242 : vector<16x1xi32>
      %ge3A_244 = vector.broadcast %xor3A_243 : vector<16x1xi32> to vector<16x576xi32>
      %ge3A_245 = arith.cmpi sge, %select_n3A_220, %ge3A_244 : vector<16x576xi32>
      %convert_element_type3A_246 = arith.extui %ge3A_245 : vector<16x576xi1> to vector<16x576xi32>
      %reduce_sum3A_247 = arith.constant dense<0> : vector<16xi32>
      %reduce_sum3A_248 = vector.multi_reduction <add>, %convert_element_type3A_246, %reduce_sum3A_247 [1] : vector<16x576xi32> to vector<16xi32>
      %broadcast_in_dim3A_249 = vector.shape_cast %reduce_sum3A_248 : vector<16xi32> to vector<16x1xi32>
      %ge3A_250 = arith.constant 288 : i32
      %ge3A_251 = vector.broadcast %ge3A_250 : i32 to vector<16x1xi32>
      %ge3A_252 = arith.cmpi sge, %broadcast_in_dim3A_249, %ge3A_251 : vector<16x1xi32>
      %select_n3A_253 = arith.select %ge3A_252, %or3A_240, %select_n3A_237 : vector<16x1xi1>, vector<16x1xi32>
      %or3A_254 = arith.constant 536870912 : i32
      %or3A_255 = vector.broadcast %or3A_254 : i32 to vector<16x1xi32>
      %or3A_256 = arith.ori %select_n3A_253, %or3A_255 : vector<16x1xi32>
      %xor3A_257 = arith.constant -2147483648 : i32
      %xor3A_258 = vector.broadcast %xor3A_257 : i32 to vector<16x1xi32>
      %xor3A_259 = arith.xori %or3A_256, %xor3A_258 : vector<16x1xi32>
      %ge3A_260 = vector.broadcast %xor3A_259 : vector<16x1xi32> to vector<16x576xi32>
      %ge3A_261 = arith.cmpi sge, %select_n3A_220, %ge3A_260 : vector<16x576xi32>
      %convert_element_type3A_262 = arith.extui %ge3A_261 : vector<16x576xi1> to vector<16x576xi32>
      %reduce_sum3A_263 = arith.constant dense<0> : vector<16xi32>
      %reduce_sum3A_264 = vector.multi_reduction <add>, %convert_element_type3A_262, %reduce_sum3A_263 [1] : vector<16x576xi32> to vector<16xi32>
      %broadcast_in_dim3A_265 = vector.shape_cast %reduce_sum3A_264 : vector<16xi32> to vector<16x1xi32>
      %ge3A_266 = arith.constant 288 : i32
      %ge3A_267 = vector.broadcast %ge3A_266 : i32 to vector<16x1xi32>
      %ge3A_268 = arith.cmpi sge, %broadcast_in_dim3A_265, %ge3A_267 : vector<16x1xi32>
      %select_n3A_269 = arith.select %ge3A_268, %or3A_256, %select_n3A_253 : vector<16x1xi1>, vector<16x1xi32>
      %or3A_270 = arith.constant 268435456 : i32
      %or3A_271 = vector.broadcast %or3A_270 : i32 to vector<16x1xi32>
      %or3A_272 = arith.ori %select_n3A_269, %or3A_271 : vector<16x1xi32>
      %xor3A_273 = arith.constant -2147483648 : i32
      %xor3A_274 = vector.broadcast %xor3A_273 : i32 to vector<16x1xi32>
      %xor3A_275 = arith.xori %or3A_272, %xor3A_274 : vector<16x1xi32>
      %ge3A_276 = vector.broadcast %xor3A_275 : vector<16x1xi32> to vector<16x576xi32>
      %ge3A_277 = arith.cmpi sge, %select_n3A_220, %ge3A_276 : vector<16x576xi32>
      %convert_element_type3A_278 = arith.extui %ge3A_277 : vector<16x576xi1> to vector<16x576xi32>
      %reduce_sum3A_279 = arith.constant dense<0> : vector<16xi32>
      %reduce_sum3A_280 = vector.multi_reduction <add>, %convert_element_type3A_278, %reduce_sum3A_279 [1] : vector<16x576xi32> to vector<16xi32>
      %broadcast_in_dim3A_281 = vector.shape_cast %reduce_sum3A_280 : vector<16xi32> to vector<16x1xi32>
      %ge3A_282 = arith.constant 288 : i32
      %ge3A_283 = vector.broadcast %ge3A_282 : i32 to vector<16x1xi32>
      %ge3A_284 = arith.cmpi sge, %broadcast_in_dim3A_281, %ge3A_283 : vector<16x1xi32>
      %select_n3A_285 = arith.select %ge3A_284, %or3A_272, %select_n3A_269 : vector<16x1xi1>, vector<16x1xi32>
      %or3A_286 = arith.constant 134217728 : i32
      %or3A_287 = vector.broadcast %or3A_286 : i32 to vector<16x1xi32>
      %or3A_288 = arith.ori %select_n3A_285, %or3A_287 : vector<16x1xi32>
      %xor3A_289 = arith.constant -2147483648 : i32
      %xor3A_290 = vector.broadcast %xor3A_289 : i32 to vector<16x1xi32>
      %xor3A_291 = arith.xori %or3A_288, %xor3A_290 : vector<16x1xi32>
      %ge3A_292 = vector.broadcast %xor3A_291 : vector<16x1xi32> to vector<16x576xi32>
      %ge3A_293 = arith.cmpi sge, %select_n3A_220, %ge3A_292 : vector<16x576xi32>
      %convert_element_type3A_294 = arith.extui %ge3A_293 : vector<16x576xi1> to vector<16x576xi32>
      %reduce_sum3A_295 = arith.constant dense<0> : vector<16xi32>
      %reduce_sum3A_296 = vector.multi_reduction <add>, %convert_element_type3A_294, %reduce_sum3A_295 [1] : vector<16x576xi32> to vector<16xi32>
      %broadcast_in_dim3A_297 = vector.shape_cast %reduce_sum3A_296 : vector<16xi32> to vector<16x1xi32>
      %ge3A_298 = arith.constant 288 : i32
      %ge3A_299 = vector.broadcast %ge3A_298 : i32 to vector<16x1xi32>
      %ge3A_300 = arith.cmpi sge, %broadcast_in_dim3A_297, %ge3A_299 : vector<16x1xi32>
      %select_n3A_301 = arith.select %ge3A_300, %or3A_288, %select_n3A_285 : vector<16x1xi1>, vector<16x1xi32>
      %or3A_302 = arith.constant 67108864 : i32
      %or3A_303 = vector.broadcast %or3A_302 : i32 to vector<16x1xi32>
      %or3A_304 = arith.ori %select_n3A_301, %or3A_303 : vector<16x1xi32>
      %xor3A_305 = arith.constant -2147483648 : i32
      %xor3A_306 = vector.broadcast %xor3A_305 : i32 to vector<16x1xi32>
      %xor3A_307 = arith.xori %or3A_304, %xor3A_306 : vector<16x1xi32>
      %ge3A_308 = vector.broadcast %xor3A_307 : vector<16x1xi32> to vector<16x576xi32>
      %ge3A_309 = arith.cmpi sge, %select_n3A_220, %ge3A_308 : vector<16x576xi32>
      %convert_element_type3A_310 = arith.extui %ge3A_309 : vector<16x576xi1> to vector<16x576xi32>
      %reduce_sum3A_311 = arith.constant dense<0> : vector<16xi32>
      %reduce_sum3A_312 = vector.multi_reduction <add>, %convert_element_type3A_310, %reduce_sum3A_311 [1] : vector<16x576xi32> to vector<16xi32>
      %broadcast_in_dim3A_313 = vector.shape_cast %reduce_sum3A_312 : vector<16xi32> to vector<16x1xi32>
      %ge3A_314 = arith.constant 288 : i32
      %ge3A_315 = vector.broadcast %ge3A_314 : i32 to vector<16x1xi32>
      %ge3A_316 = arith.cmpi sge, %broadcast_in_dim3A_313, %ge3A_315 : vector<16x1xi32>
      %select_n3A_317 = arith.select %ge3A_316, %or3A_304, %select_n3A_301 : vector<16x1xi1>, vector<16x1xi32>
      %or3A_318 = arith.constant 33554432 : i32
      %or3A_319 = vector.broadcast %or3A_318 : i32 to vector<16x1xi32>
      %or3A_320 = arith.ori %select_n3A_317, %or3A_319 : vector<16x1xi32>
      %xor3A_321 = arith.constant -2147483648 : i32
      %xor3A_322 = vector.broadcast %xor3A_321 : i32 to vector<16x1xi32>
      %xor3A_323 = arith.xori %or3A_320, %xor3A_322 : vector<16x1xi32>
      %ge3A_324 = vector.broadcast %xor3A_323 : vector<16x1xi32> to vector<16x576xi32>
      %ge3A_325 = arith.cmpi sge, %select_n3A_220, %ge3A_324 : vector<16x576xi32>
      %convert_element_type3A_326 = arith.extui %ge3A_325 : vector<16x576xi1> to vector<16x576xi32>
      %reduce_sum3A_327 = arith.constant dense<0> : vector<16xi32>
      %reduce_sum3A_328 = vector.multi_reduction <add>, %convert_element_type3A_326, %reduce_sum3A_327 [1] : vector<16x576xi32> to vector<16xi32>
      %broadcast_in_dim3A_329 = vector.shape_cast %reduce_sum3A_328 : vector<16xi32> to vector<16x1xi32>
      %ge3A_330 = arith.constant 288 : i32
      %ge3A_331 = vector.broadcast %ge3A_330 : i32 to vector<16x1xi32>
      %ge3A_332 = arith.cmpi sge, %broadcast_in_dim3A_329, %ge3A_331 : vector<16x1xi32>
      %select_n3A_333 = arith.select %ge3A_332, %or3A_320, %select_n3A_317 : vector<16x1xi1>, vector<16x1xi32>
      %or3A_334 = arith.constant 16777216 : i32
      %or3A_335 = vector.broadcast %or3A_334 : i32 to vector<16x1xi32>
      %or3A_336 = arith.ori %select_n3A_333, %or3A_335 : vector<16x1xi32>
      %xor3A_337 = arith.constant -2147483648 : i32
      %xor3A_338 = vector.broadcast %xor3A_337 : i32 to vector<16x1xi32>
      %xor3A_339 = arith.xori %or3A_336, %xor3A_338 : vector<16x1xi32>
      %ge3A_340 = vector.broadcast %xor3A_339 : vector<16x1xi32> to vector<16x576xi32>
      %ge3A_341 = arith.cmpi sge, %select_n3A_220, %ge3A_340 : vector<16x576xi32>
      %convert_element_type3A_342 = arith.extui %ge3A_341 : vector<16x576xi1> to vector<16x576xi32>
      %reduce_sum3A_343 = arith.constant dense<0> : vector<16xi32>
      %reduce_sum3A_344 = vector.multi_reduction <add>, %convert_element_type3A_342, %reduce_sum3A_343 [1] : vector<16x576xi32> to vector<16xi32>
      %broadcast_in_dim3A_345 = vector.shape_cast %reduce_sum3A_344 : vector<16xi32> to vector<16x1xi32>
      %ge3A_346 = arith.constant 288 : i32
      %ge3A_347 = vector.broadcast %ge3A_346 : i32 to vector<16x1xi32>
      %ge3A_348 = arith.cmpi sge, %broadcast_in_dim3A_345, %ge3A_347 : vector<16x1xi32>
      %select_n3A_349 = arith.select %ge3A_348, %or3A_336, %select_n3A_333 : vector<16x1xi1>, vector<16x1xi32>
      %or3A_350 = arith.constant 8388608 : i32
      %or3A_351 = vector.broadcast %or3A_350 : i32 to vector<16x1xi32>
      %or3A_352 = arith.ori %select_n3A_349, %or3A_351 : vector<16x1xi32>
      %xor3A_353 = arith.constant -2147483648 : i32
      %xor3A_354 = vector.broadcast %xor3A_353 : i32 to vector<16x1xi32>
      %xor3A_355 = arith.xori %or3A_352, %xor3A_354 : vector<16x1xi32>
      %ge3A_356 = vector.broadcast %xor3A_355 : vector<16x1xi32> to vector<16x576xi32>
      %ge3A_357 = arith.cmpi sge, %select_n3A_220, %ge3A_356 : vector<16x576xi32>
      %convert_element_type3A_358 = arith.extui %ge3A_357 : vector<16x576xi1> to vector<16x576xi32>
      %reduce_sum3A_359 = arith.constant dense<0> : vector<16xi32>
      %reduce_sum3A_360 = vector.multi_reduction <add>, %convert_element_type3A_358, %reduce_sum3A_359 [1] : vector<16x576xi32> to vector<16xi32>
      %broadcast_in_dim3A_361 = vector.shape_cast %reduce_sum3A_360 : vector<16xi32> to vector<16x1xi32>
      %ge3A_362 = arith.constant 288 : i32
      %ge3A_363 = vector.broadcast %ge3A_362 : i32 to vector<16x1xi32>
      %ge3A_364 = arith.cmpi sge, %broadcast_in_dim3A_361, %ge3A_363 : vector<16x1xi32>
      %select_n3A_365 = arith.select %ge3A_364, %or3A_352, %select_n3A_349 : vector<16x1xi1>, vector<16x1xi32>
      %or3A_366 = arith.constant 4194304 : i32
      %or3A_367 = vector.broadcast %or3A_366 : i32 to vector<16x1xi32>
      %or3A_368 = arith.ori %select_n3A_365, %or3A_367 : vector<16x1xi32>
      %xor3A_369 = arith.constant -2147483648 : i32
      %xor3A_370 = vector.broadcast %xor3A_369 : i32 to vector<16x1xi32>
      %xor3A_371 = arith.xori %or3A_368, %xor3A_370 : vector<16x1xi32>
      %ge3A_372 = vector.broadcast %xor3A_371 : vector<16x1xi32> to vector<16x576xi32>
      %ge3A_373 = arith.cmpi sge, %select_n3A_220, %ge3A_372 : vector<16x576xi32>
      %convert_element_type3A_374 = arith.extui %ge3A_373 : vector<16x576xi1> to vector<16x576xi32>
      %reduce_sum3A_375 = arith.constant dense<0> : vector<16xi32>
      %reduce_sum3A_376 = vector.multi_reduction <add>, %convert_element_type3A_374, %reduce_sum3A_375 [1] : vector<16x576xi32> to vector<16xi32>
      %broadcast_in_dim3A_377 = vector.shape_cast %reduce_sum3A_376 : vector<16xi32> to vector<16x1xi32>
      %ge3A_378 = arith.constant 288 : i32
      %ge3A_379 = vector.broadcast %ge3A_378 : i32 to vector<16x1xi32>
      %ge3A_380 = arith.cmpi sge, %broadcast_in_dim3A_377, %ge3A_379 : vector<16x1xi32>
      %select_n3A_381 = arith.select %ge3A_380, %or3A_368, %select_n3A_365 : vector<16x1xi1>, vector<16x1xi32>
      %or3A_382 = arith.constant 2097152 : i32
      %or3A_383 = vector.broadcast %or3A_382 : i32 to vector<16x1xi32>
      %or3A_384 = arith.ori %select_n3A_381, %or3A_383 : vector<16x1xi32>
      %xor3A_385 = arith.constant -2147483648 : i32
      %xor3A_386 = vector.broadcast %xor3A_385 : i32 to vector<16x1xi32>
      %xor3A_387 = arith.xori %or3A_384, %xor3A_386 : vector<16x1xi32>
      %ge3A_388 = vector.broadcast %xor3A_387 : vector<16x1xi32> to vector<16x576xi32>
      %ge3A_389 = arith.cmpi sge, %select_n3A_220, %ge3A_388 : vector<16x576xi32>
      %convert_element_type3A_390 = arith.extui %ge3A_389 : vector<16x576xi1> to vector<16x576xi32>
      %reduce_sum3A_391 = arith.constant dense<0> : vector<16xi32>
      %reduce_sum3A_392 = vector.multi_reduction <add>, %convert_element_type3A_390, %reduce_sum3A_391 [1] : vector<16x576xi32> to vector<16xi32>
      %broadcast_in_dim3A_393 = vector.shape_cast %reduce_sum3A_392 : vector<16xi32> to vector<16x1xi32>
      %ge3A_394 = arith.constant 288 : i32
      %ge3A_395 = vector.broadcast %ge3A_394 : i32 to vector<16x1xi32>
      %ge3A_396 = arith.cmpi sge, %broadcast_in_dim3A_393, %ge3A_395 : vector<16x1xi32>
      %select_n3A_397 = arith.select %ge3A_396, %or3A_384, %select_n3A_381 : vector<16x1xi1>, vector<16x1xi32>
      %or3A_398 = arith.constant 1048576 : i32
      %or3A_399 = vector.broadcast %or3A_398 : i32 to vector<16x1xi32>
      %or3A_400 = arith.ori %select_n3A_397, %or3A_399 : vector<16x1xi32>
      %xor3A_401 = arith.constant -2147483648 : i32
      %xor3A_402 = vector.broadcast %xor3A_401 : i32 to vector<16x1xi32>
      %xor3A_403 = arith.xori %or3A_400, %xor3A_402 : vector<16x1xi32>
      %ge3A_404 = vector.broadcast %xor3A_403 : vector<16x1xi32> to vector<16x576xi32>
      %ge3A_405 = arith.cmpi sge, %select_n3A_220, %ge3A_404 : vector<16x576xi32>
      %convert_element_type3A_406 = arith.extui %ge3A_405 : vector<16x576xi1> to vector<16x576xi32>
      %reduce_sum3A_407 = arith.constant dense<0> : vector<16xi32>
      %reduce_sum3A_408 = vector.multi_reduction <add>, %convert_element_type3A_406, %reduce_sum3A_407 [1] : vector<16x576xi32> to vector<16xi32>
      %broadcast_in_dim3A_409 = vector.shape_cast %reduce_sum3A_408 : vector<16xi32> to vector<16x1xi32>
      %ge3A_410 = arith.constant 288 : i32
      %ge3A_411 = vector.broadcast %ge3A_410 : i32 to vector<16x1xi32>
      %ge3A_412 = arith.cmpi sge, %broadcast_in_dim3A_409, %ge3A_411 : vector<16x1xi32>
      %select_n3A_413 = arith.select %ge3A_412, %or3A_400, %select_n3A_397 : vector<16x1xi1>, vector<16x1xi32>
      %or3A_414 = arith.constant 524288 : i32
      %or3A_415 = vector.broadcast %or3A_414 : i32 to vector<16x1xi32>
      %or3A_416 = arith.ori %select_n3A_413, %or3A_415 : vector<16x1xi32>
      %xor3A_417 = arith.constant -2147483648 : i32
      %xor3A_418 = vector.broadcast %xor3A_417 : i32 to vector<16x1xi32>
      %xor3A_419 = arith.xori %or3A_416, %xor3A_418 : vector<16x1xi32>
      %ge3A_420 = vector.broadcast %xor3A_419 : vector<16x1xi32> to vector<16x576xi32>
      %ge3A_421 = arith.cmpi sge, %select_n3A_220, %ge3A_420 : vector<16x576xi32>
      %convert_element_type3A_422 = arith.extui %ge3A_421 : vector<16x576xi1> to vector<16x576xi32>
      %reduce_sum3A_423 = arith.constant dense<0> : vector<16xi32>
      %reduce_sum3A_424 = vector.multi_reduction <add>, %convert_element_type3A_422, %reduce_sum3A_423 [1] : vector<16x576xi32> to vector<16xi32>
      %broadcast_in_dim3A_425 = vector.shape_cast %reduce_sum3A_424 : vector<16xi32> to vector<16x1xi32>
      %ge3A_426 = arith.constant 288 : i32
      %ge3A_427 = vector.broadcast %ge3A_426 : i32 to vector<16x1xi32>
      %ge3A_428 = arith.cmpi sge, %broadcast_in_dim3A_425, %ge3A_427 : vector<16x1xi32>
      %select_n3A_429 = arith.select %ge3A_428, %or3A_416, %select_n3A_413 : vector<16x1xi1>, vector<16x1xi32>
      %or3A_430 = arith.constant 262144 : i32
      %or3A_431 = vector.broadcast %or3A_430 : i32 to vector<16x1xi32>
      %or3A_432 = arith.ori %select_n3A_429, %or3A_431 : vector<16x1xi32>
      %xor3A_433 = arith.constant -2147483648 : i32
      %xor3A_434 = vector.broadcast %xor3A_433 : i32 to vector<16x1xi32>
      %xor3A_435 = arith.xori %or3A_432, %xor3A_434 : vector<16x1xi32>
      %ge3A_436 = vector.broadcast %xor3A_435 : vector<16x1xi32> to vector<16x576xi32>
      %ge3A_437 = arith.cmpi sge, %select_n3A_220, %ge3A_436 : vector<16x576xi32>
      %convert_element_type3A_438 = arith.extui %ge3A_437 : vector<16x576xi1> to vector<16x576xi32>
      %reduce_sum3A_439 = arith.constant dense<0> : vector<16xi32>
      %reduce_sum3A_440 = vector.multi_reduction <add>, %convert_element_type3A_438, %reduce_sum3A_439 [1] : vector<16x576xi32> to vector<16xi32>
      %broadcast_in_dim3A_441 = vector.shape_cast %reduce_sum3A_440 : vector<16xi32> to vector<16x1xi32>
      %ge3A_442 = arith.constant 288 : i32
      %ge3A_443 = vector.broadcast %ge3A_442 : i32 to vector<16x1xi32>
      %ge3A_444 = arith.cmpi sge, %broadcast_in_dim3A_441, %ge3A_443 : vector<16x1xi32>
      %select_n3A_445 = arith.select %ge3A_444, %or3A_432, %select_n3A_429 : vector<16x1xi1>, vector<16x1xi32>
      %or3A_446 = arith.constant 131072 : i32
      %or3A_447 = vector.broadcast %or3A_446 : i32 to vector<16x1xi32>
      %or3A_448 = arith.ori %select_n3A_445, %or3A_447 : vector<16x1xi32>
      %xor3A_449 = arith.constant -2147483648 : i32
      %xor3A_450 = vector.broadcast %xor3A_449 : i32 to vector<16x1xi32>
      %xor3A_451 = arith.xori %or3A_448, %xor3A_450 : vector<16x1xi32>
      %ge3A_452 = vector.broadcast %xor3A_451 : vector<16x1xi32> to vector<16x576xi32>
      %ge3A_453 = arith.cmpi sge, %select_n3A_220, %ge3A_452 : vector<16x576xi32>
      %convert_element_type3A_454 = arith.extui %ge3A_453 : vector<16x576xi1> to vector<16x576xi32>
      %reduce_sum3A_455 = arith.constant dense<0> : vector<16xi32>
      %reduce_sum3A_456 = vector.multi_reduction <add>, %convert_element_type3A_454, %reduce_sum3A_455 [1] : vector<16x576xi32> to vector<16xi32>
      %broadcast_in_dim3A_457 = vector.shape_cast %reduce_sum3A_456 : vector<16xi32> to vector<16x1xi32>
      %ge3A_458 = arith.constant 288 : i32
      %ge3A_459 = vector.broadcast %ge3A_458 : i32 to vector<16x1xi32>
      %ge3A_460 = arith.cmpi sge, %broadcast_in_dim3A_457, %ge3A_459 : vector<16x1xi32>
      %select_n3A_461 = arith.select %ge3A_460, %or3A_448, %select_n3A_445 : vector<16x1xi1>, vector<16x1xi32>
      %or3A_462 = arith.constant 65536 : i32
      %or3A_463 = vector.broadcast %or3A_462 : i32 to vector<16x1xi32>
      %or3A_464 = arith.ori %select_n3A_461, %or3A_463 : vector<16x1xi32>
      %xor3A_465 = arith.constant -2147483648 : i32
      %xor3A_466 = vector.broadcast %xor3A_465 : i32 to vector<16x1xi32>
      %xor3A_467 = arith.xori %or3A_464, %xor3A_466 : vector<16x1xi32>
      %ge3A_468 = vector.broadcast %xor3A_467 : vector<16x1xi32> to vector<16x576xi32>
      %ge3A_469 = arith.cmpi sge, %select_n3A_220, %ge3A_468 : vector<16x576xi32>
      %convert_element_type3A_470 = arith.extui %ge3A_469 : vector<16x576xi1> to vector<16x576xi32>
      %reduce_sum3A_471 = arith.constant dense<0> : vector<16xi32>
      %reduce_sum3A_472 = vector.multi_reduction <add>, %convert_element_type3A_470, %reduce_sum3A_471 [1] : vector<16x576xi32> to vector<16xi32>
      %broadcast_in_dim3A_473 = vector.shape_cast %reduce_sum3A_472 : vector<16xi32> to vector<16x1xi32>
      %ge3A_474 = arith.constant 288 : i32
      %ge3A_475 = vector.broadcast %ge3A_474 : i32 to vector<16x1xi32>
      %ge3A_476 = arith.cmpi sge, %broadcast_in_dim3A_473, %ge3A_475 : vector<16x1xi32>
      %select_n3A_477 = arith.select %ge3A_476, %or3A_464, %select_n3A_461 : vector<16x1xi1>, vector<16x1xi32>
      %or3A_478 = arith.constant 32768 : i32
      %or3A_479 = vector.broadcast %or3A_478 : i32 to vector<16x1xi32>
      %or3A_480 = arith.ori %select_n3A_477, %or3A_479 : vector<16x1xi32>
      %xor3A_481 = arith.constant -2147483648 : i32
      %xor3A_482 = vector.broadcast %xor3A_481 : i32 to vector<16x1xi32>
      %xor3A_483 = arith.xori %or3A_480, %xor3A_482 : vector<16x1xi32>
      %ge3A_484 = vector.broadcast %xor3A_483 : vector<16x1xi32> to vector<16x576xi32>
      %ge3A_485 = arith.cmpi sge, %select_n3A_220, %ge3A_484 : vector<16x576xi32>
      %convert_element_type3A_486 = arith.extui %ge3A_485 : vector<16x576xi1> to vector<16x576xi32>
      %reduce_sum3A_487 = arith.constant dense<0> : vector<16xi32>
      %reduce_sum3A_488 = vector.multi_reduction <add>, %convert_element_type3A_486, %reduce_sum3A_487 [1] : vector<16x576xi32> to vector<16xi32>
      %broadcast_in_dim3A_489 = vector.shape_cast %reduce_sum3A_488 : vector<16xi32> to vector<16x1xi32>
      %ge3A_490 = arith.constant 288 : i32
      %ge3A_491 = vector.broadcast %ge3A_490 : i32 to vector<16x1xi32>
      %ge3A_492 = arith.cmpi sge, %broadcast_in_dim3A_489, %ge3A_491 : vector<16x1xi32>
      %select_n3A_493 = arith.select %ge3A_492, %or3A_480, %select_n3A_477 : vector<16x1xi1>, vector<16x1xi32>
      %or3A_494 = arith.constant 16384 : i32
      %or3A_495 = vector.broadcast %or3A_494 : i32 to vector<16x1xi32>
      %or3A_496 = arith.ori %select_n3A_493, %or3A_495 : vector<16x1xi32>
      %xor3A_497 = arith.constant -2147483648 : i32
      %xor3A_498 = vector.broadcast %xor3A_497 : i32 to vector<16x1xi32>
      %xor3A_499 = arith.xori %or3A_496, %xor3A_498 : vector<16x1xi32>
      %ge3A_500 = vector.broadcast %xor3A_499 : vector<16x1xi32> to vector<16x576xi32>
      %ge3A_501 = arith.cmpi sge, %select_n3A_220, %ge3A_500 : vector<16x576xi32>
      %convert_element_type3A_502 = arith.extui %ge3A_501 : vector<16x576xi1> to vector<16x576xi32>
      %reduce_sum3A_503 = arith.constant dense<0> : vector<16xi32>
      %reduce_sum3A_504 = vector.multi_reduction <add>, %convert_element_type3A_502, %reduce_sum3A_503 [1] : vector<16x576xi32> to vector<16xi32>
      %broadcast_in_dim3A_505 = vector.shape_cast %reduce_sum3A_504 : vector<16xi32> to vector<16x1xi32>
      %ge3A_506 = arith.constant 288 : i32
      %ge3A_507 = vector.broadcast %ge3A_506 : i32 to vector<16x1xi32>
      %ge3A_508 = arith.cmpi sge, %broadcast_in_dim3A_505, %ge3A_507 : vector<16x1xi32>
      %select_n3A_509 = arith.select %ge3A_508, %or3A_496, %select_n3A_493 : vector<16x1xi1>, vector<16x1xi32>
      %or3A_510 = arith.constant 8192 : i32
      %or3A_511 = vector.broadcast %or3A_510 : i32 to vector<16x1xi32>
      %or3A_512 = arith.ori %select_n3A_509, %or3A_511 : vector<16x1xi32>
      %xor3A_513 = arith.constant -2147483648 : i32
      %xor3A_514 = vector.broadcast %xor3A_513 : i32 to vector<16x1xi32>
      %xor3A_515 = arith.xori %or3A_512, %xor3A_514 : vector<16x1xi32>
      %ge3A_516 = vector.broadcast %xor3A_515 : vector<16x1xi32> to vector<16x576xi32>
      %ge3A_517 = arith.cmpi sge, %select_n3A_220, %ge3A_516 : vector<16x576xi32>
      %convert_element_type3A_518 = arith.extui %ge3A_517 : vector<16x576xi1> to vector<16x576xi32>
      %reduce_sum3A_519 = arith.constant dense<0> : vector<16xi32>
      %reduce_sum3A_520 = vector.multi_reduction <add>, %convert_element_type3A_518, %reduce_sum3A_519 [1] : vector<16x576xi32> to vector<16xi32>
      %broadcast_in_dim3A_521 = vector.shape_cast %reduce_sum3A_520 : vector<16xi32> to vector<16x1xi32>
      %ge3A_522 = arith.constant 288 : i32
      %ge3A_523 = vector.broadcast %ge3A_522 : i32 to vector<16x1xi32>
      %ge3A_524 = arith.cmpi sge, %broadcast_in_dim3A_521, %ge3A_523 : vector<16x1xi32>
      %select_n3A_525 = arith.select %ge3A_524, %or3A_512, %select_n3A_509 : vector<16x1xi1>, vector<16x1xi32>
      %or3A_526 = arith.constant 4096 : i32
      %or3A_527 = vector.broadcast %or3A_526 : i32 to vector<16x1xi32>
      %or3A_528 = arith.ori %select_n3A_525, %or3A_527 : vector<16x1xi32>
      %xor3A_529 = arith.constant -2147483648 : i32
      %xor3A_530 = vector.broadcast %xor3A_529 : i32 to vector<16x1xi32>
      %xor3A_531 = arith.xori %or3A_528, %xor3A_530 : vector<16x1xi32>
      %ge3A_532 = vector.broadcast %xor3A_531 : vector<16x1xi32> to vector<16x576xi32>
      %ge3A_533 = arith.cmpi sge, %select_n3A_220, %ge3A_532 : vector<16x576xi32>
      %convert_element_type3A_534 = arith.extui %ge3A_533 : vector<16x576xi1> to vector<16x576xi32>
      %reduce_sum3A_535 = arith.constant dense<0> : vector<16xi32>
      %reduce_sum3A_536 = vector.multi_reduction <add>, %convert_element_type3A_534, %reduce_sum3A_535 [1] : vector<16x576xi32> to vector<16xi32>
      %broadcast_in_dim3A_537 = vector.shape_cast %reduce_sum3A_536 : vector<16xi32> to vector<16x1xi32>
      %ge3A_538 = arith.constant 288 : i32
      %ge3A_539 = vector.broadcast %ge3A_538 : i32 to vector<16x1xi32>
      %ge3A_540 = arith.cmpi sge, %broadcast_in_dim3A_537, %ge3A_539 : vector<16x1xi32>
      %select_n3A_541 = arith.select %ge3A_540, %or3A_528, %select_n3A_525 : vector<16x1xi1>, vector<16x1xi32>
      %or3A_542 = arith.constant 2048 : i32
      %or3A_543 = vector.broadcast %or3A_542 : i32 to vector<16x1xi32>
      %or3A_544 = arith.ori %select_n3A_541, %or3A_543 : vector<16x1xi32>
      %xor3A_545 = arith.constant -2147483648 : i32
      %xor3A_546 = vector.broadcast %xor3A_545 : i32 to vector<16x1xi32>
      %xor3A_547 = arith.xori %or3A_544, %xor3A_546 : vector<16x1xi32>
      %ge3A_548 = vector.broadcast %xor3A_547 : vector<16x1xi32> to vector<16x576xi32>
      %ge3A_549 = arith.cmpi sge, %select_n3A_220, %ge3A_548 : vector<16x576xi32>
      %convert_element_type3A_550 = arith.extui %ge3A_549 : vector<16x576xi1> to vector<16x576xi32>
      %reduce_sum3A_551 = arith.constant dense<0> : vector<16xi32>
      %reduce_sum3A_552 = vector.multi_reduction <add>, %convert_element_type3A_550, %reduce_sum3A_551 [1] : vector<16x576xi32> to vector<16xi32>
      %broadcast_in_dim3A_553 = vector.shape_cast %reduce_sum3A_552 : vector<16xi32> to vector<16x1xi32>
      %ge3A_554 = arith.constant 288 : i32
      %ge3A_555 = vector.broadcast %ge3A_554 : i32 to vector<16x1xi32>
      %ge3A_556 = arith.cmpi sge, %broadcast_in_dim3A_553, %ge3A_555 : vector<16x1xi32>
      %select_n3A_557 = arith.select %ge3A_556, %or3A_544, %select_n3A_541 : vector<16x1xi1>, vector<16x1xi32>
      %or3A_558 = arith.constant 1024 : i32
      %or3A_559 = vector.broadcast %or3A_558 : i32 to vector<16x1xi32>
      %or3A_560 = arith.ori %select_n3A_557, %or3A_559 : vector<16x1xi32>
      %xor3A_561 = arith.constant -2147483648 : i32
      %xor3A_562 = vector.broadcast %xor3A_561 : i32 to vector<16x1xi32>
      %xor3A_563 = arith.xori %or3A_560, %xor3A_562 : vector<16x1xi32>
      %ge3A_564 = vector.broadcast %xor3A_563 : vector<16x1xi32> to vector<16x576xi32>
      %ge3A_565 = arith.cmpi sge, %select_n3A_220, %ge3A_564 : vector<16x576xi32>
      %convert_element_type3A_566 = arith.extui %ge3A_565 : vector<16x576xi1> to vector<16x576xi32>
      %reduce_sum3A_567 = arith.constant dense<0> : vector<16xi32>
      %reduce_sum3A_568 = vector.multi_reduction <add>, %convert_element_type3A_566, %reduce_sum3A_567 [1] : vector<16x576xi32> to vector<16xi32>
      %broadcast_in_dim3A_569 = vector.shape_cast %reduce_sum3A_568 : vector<16xi32> to vector<16x1xi32>
      %ge3A_570 = arith.constant 288 : i32
      %ge3A_571 = vector.broadcast %ge3A_570 : i32 to vector<16x1xi32>
      %ge3A_572 = arith.cmpi sge, %broadcast_in_dim3A_569, %ge3A_571 : vector<16x1xi32>
      %select_n3A_573 = arith.select %ge3A_572, %or3A_560, %select_n3A_557 : vector<16x1xi1>, vector<16x1xi32>
      %or3A_574 = arith.constant 512 : i32
      %or3A_575 = vector.broadcast %or3A_574 : i32 to vector<16x1xi32>
      %or3A_576 = arith.ori %select_n3A_573, %or3A_575 : vector<16x1xi32>
      %xor3A_577 = arith.constant -2147483648 : i32
      %xor3A_578 = vector.broadcast %xor3A_577 : i32 to vector<16x1xi32>
      %xor3A_579 = arith.xori %or3A_576, %xor3A_578 : vector<16x1xi32>
      %ge3A_580 = vector.broadcast %xor3A_579 : vector<16x1xi32> to vector<16x576xi32>
      %ge3A_581 = arith.cmpi sge, %select_n3A_220, %ge3A_580 : vector<16x576xi32>
      %convert_element_type3A_582 = arith.extui %ge3A_581 : vector<16x576xi1> to vector<16x576xi32>
      %reduce_sum3A_583 = arith.constant dense<0> : vector<16xi32>
      %reduce_sum3A_584 = vector.multi_reduction <add>, %convert_element_type3A_582, %reduce_sum3A_583 [1] : vector<16x576xi32> to vector<16xi32>
      %broadcast_in_dim3A_585 = vector.shape_cast %reduce_sum3A_584 : vector<16xi32> to vector<16x1xi32>
      %ge3A_586 = arith.constant 288 : i32
      %ge3A_587 = vector.broadcast %ge3A_586 : i32 to vector<16x1xi32>
      %ge3A_588 = arith.cmpi sge, %broadcast_in_dim3A_585, %ge3A_587 : vector<16x1xi32>
      %select_n3A_589 = arith.select %ge3A_588, %or3A_576, %select_n3A_573 : vector<16x1xi1>, vector<16x1xi32>
      %or3A_590 = arith.constant 256 : i32
      %or3A_591 = vector.broadcast %or3A_590 : i32 to vector<16x1xi32>
      %or3A_592 = arith.ori %select_n3A_589, %or3A_591 : vector<16x1xi32>
      %xor3A_593 = arith.constant -2147483648 : i32
      %xor3A_594 = vector.broadcast %xor3A_593 : i32 to vector<16x1xi32>
      %xor3A_595 = arith.xori %or3A_592, %xor3A_594 : vector<16x1xi32>
      %ge3A_596 = vector.broadcast %xor3A_595 : vector<16x1xi32> to vector<16x576xi32>
      %ge3A_597 = arith.cmpi sge, %select_n3A_220, %ge3A_596 : vector<16x576xi32>
      %convert_element_type3A_598 = arith.extui %ge3A_597 : vector<16x576xi1> to vector<16x576xi32>
      %reduce_sum3A_599 = arith.constant dense<0> : vector<16xi32>
      %reduce_sum3A_600 = vector.multi_reduction <add>, %convert_element_type3A_598, %reduce_sum3A_599 [1] : vector<16x576xi32> to vector<16xi32>
      %broadcast_in_dim3A_601 = vector.shape_cast %reduce_sum3A_600 : vector<16xi32> to vector<16x1xi32>
      %ge3A_602 = arith.constant 288 : i32
      %ge3A_603 = vector.broadcast %ge3A_602 : i32 to vector<16x1xi32>
      %ge3A_604 = arith.cmpi sge, %broadcast_in_dim3A_601, %ge3A_603 : vector<16x1xi32>
      %select_n3A_605 = arith.select %ge3A_604, %or3A_592, %select_n3A_589 : vector<16x1xi1>, vector<16x1xi32>
      %or3A_606 = arith.constant 128 : i32
      %or3A_607 = vector.broadcast %or3A_606 : i32 to vector<16x1xi32>
      %or3A_608 = arith.ori %select_n3A_605, %or3A_607 : vector<16x1xi32>
      %xor3A_609 = arith.constant -2147483648 : i32
      %xor3A_610 = vector.broadcast %xor3A_609 : i32 to vector<16x1xi32>
      %xor3A_611 = arith.xori %or3A_608, %xor3A_610 : vector<16x1xi32>
      %ge3A_612 = vector.broadcast %xor3A_611 : vector<16x1xi32> to vector<16x576xi32>
      %ge3A_613 = arith.cmpi sge, %select_n3A_220, %ge3A_612 : vector<16x576xi32>
      %convert_element_type3A_614 = arith.extui %ge3A_613 : vector<16x576xi1> to vector<16x576xi32>
      %reduce_sum3A_615 = arith.constant dense<0> : vector<16xi32>
      %reduce_sum3A_616 = vector.multi_reduction <add>, %convert_element_type3A_614, %reduce_sum3A_615 [1] : vector<16x576xi32> to vector<16xi32>
      %broadcast_in_dim3A_617 = vector.shape_cast %reduce_sum3A_616 : vector<16xi32> to vector<16x1xi32>
      %ge3A_618 = arith.constant 288 : i32
      %ge3A_619 = vector.broadcast %ge3A_618 : i32 to vector<16x1xi32>
      %ge3A_620 = arith.cmpi sge, %broadcast_in_dim3A_617, %ge3A_619 : vector<16x1xi32>
      %select_n3A_621 = arith.select %ge3A_620, %or3A_608, %select_n3A_605 : vector<16x1xi1>, vector<16x1xi32>
      %or3A_622 = arith.constant 64 : i32
      %or3A_623 = vector.broadcast %or3A_622 : i32 to vector<16x1xi32>
      %or3A_624 = arith.ori %select_n3A_621, %or3A_623 : vector<16x1xi32>
      %xor3A_625 = arith.constant -2147483648 : i32
      %xor3A_626 = vector.broadcast %xor3A_625 : i32 to vector<16x1xi32>
      %xor3A_627 = arith.xori %or3A_624, %xor3A_626 : vector<16x1xi32>
      %ge3A_628 = vector.broadcast %xor3A_627 : vector<16x1xi32> to vector<16x576xi32>
      %ge3A_629 = arith.cmpi sge, %select_n3A_220, %ge3A_628 : vector<16x576xi32>
      %convert_element_type3A_630 = arith.extui %ge3A_629 : vector<16x576xi1> to vector<16x576xi32>
      %reduce_sum3A_631 = arith.constant dense<0> : vector<16xi32>
      %reduce_sum3A_632 = vector.multi_reduction <add>, %convert_element_type3A_630, %reduce_sum3A_631 [1] : vector<16x576xi32> to vector<16xi32>
      %broadcast_in_dim3A_633 = vector.shape_cast %reduce_sum3A_632 : vector<16xi32> to vector<16x1xi32>
      %ge3A_634 = arith.constant 288 : i32
      %ge3A_635 = vector.broadcast %ge3A_634 : i32 to vector<16x1xi32>
      %ge3A_636 = arith.cmpi sge, %broadcast_in_dim3A_633, %ge3A_635 : vector<16x1xi32>
      %select_n3A_637 = arith.select %ge3A_636, %or3A_624, %select_n3A_621 : vector<16x1xi1>, vector<16x1xi32>
      %or3A_638 = arith.constant 32 : i32
      %or3A_639 = vector.broadcast %or3A_638 : i32 to vector<16x1xi32>
      %or3A_640 = arith.ori %select_n3A_637, %or3A_639 : vector<16x1xi32>
      %xor3A_641 = arith.constant -2147483648 : i32
      %xor3A_642 = vector.broadcast %xor3A_641 : i32 to vector<16x1xi32>
      %xor3A_643 = arith.xori %or3A_640, %xor3A_642 : vector<16x1xi32>
      %ge3A_644 = vector.broadcast %xor3A_643 : vector<16x1xi32> to vector<16x576xi32>
      %ge3A_645 = arith.cmpi sge, %select_n3A_220, %ge3A_644 : vector<16x576xi32>
      %convert_element_type3A_646 = arith.extui %ge3A_645 : vector<16x576xi1> to vector<16x576xi32>
      %reduce_sum3A_647 = arith.constant dense<0> : vector<16xi32>
      %reduce_sum3A_648 = vector.multi_reduction <add>, %convert_element_type3A_646, %reduce_sum3A_647 [1] : vector<16x576xi32> to vector<16xi32>
      %broadcast_in_dim3A_649 = vector.shape_cast %reduce_sum3A_648 : vector<16xi32> to vector<16x1xi32>
      %ge3A_650 = arith.constant 288 : i32
      %ge3A_651 = vector.broadcast %ge3A_650 : i32 to vector<16x1xi32>
      %ge3A_652 = arith.cmpi sge, %broadcast_in_dim3A_649, %ge3A_651 : vector<16x1xi32>
      %select_n3A_653 = arith.select %ge3A_652, %or3A_640, %select_n3A_637 : vector<16x1xi1>, vector<16x1xi32>
      %or3A_654 = arith.constant 16 : i32
      %or3A_655 = vector.broadcast %or3A_654 : i32 to vector<16x1xi32>
      %or3A_656 = arith.ori %select_n3A_653, %or3A_655 : vector<16x1xi32>
      %xor3A_657 = arith.constant -2147483648 : i32
      %xor3A_658 = vector.broadcast %xor3A_657 : i32 to vector<16x1xi32>
      %xor3A_659 = arith.xori %or3A_656, %xor3A_658 : vector<16x1xi32>
      %ge3A_660 = vector.broadcast %xor3A_659 : vector<16x1xi32> to vector<16x576xi32>
      %ge3A_661 = arith.cmpi sge, %select_n3A_220, %ge3A_660 : vector<16x576xi32>
      %convert_element_type3A_662 = arith.extui %ge3A_661 : vector<16x576xi1> to vector<16x576xi32>
      %reduce_sum3A_663 = arith.constant dense<0> : vector<16xi32>
      %reduce_sum3A_664 = vector.multi_reduction <add>, %convert_element_type3A_662, %reduce_sum3A_663 [1] : vector<16x576xi32> to vector<16xi32>
      %broadcast_in_dim3A_665 = vector.shape_cast %reduce_sum3A_664 : vector<16xi32> to vector<16x1xi32>
      %ge3A_666 = arith.constant 288 : i32
      %ge3A_667 = vector.broadcast %ge3A_666 : i32 to vector<16x1xi32>
      %ge3A_668 = arith.cmpi sge, %broadcast_in_dim3A_665, %ge3A_667 : vector<16x1xi32>
      %select_n3A_669 = arith.select %ge3A_668, %or3A_656, %select_n3A_653 : vector<16x1xi1>, vector<16x1xi32>
      %or3A_670 = arith.constant 8 : i32
      %or3A_671 = vector.broadcast %or3A_670 : i32 to vector<16x1xi32>
      %or3A_672 = arith.ori %select_n3A_669, %or3A_671 : vector<16x1xi32>
      %xor3A_673 = arith.constant -2147483648 : i32
      %xor3A_674 = vector.broadcast %xor3A_673 : i32 to vector<16x1xi32>
      %xor3A_675 = arith.xori %or3A_672, %xor3A_674 : vector<16x1xi32>
      %ge3A_676 = vector.broadcast %xor3A_675 : vector<16x1xi32> to vector<16x576xi32>
      %ge3A_677 = arith.cmpi sge, %select_n3A_220, %ge3A_676 : vector<16x576xi32>
      %convert_element_type3A_678 = arith.extui %ge3A_677 : vector<16x576xi1> to vector<16x576xi32>
      %reduce_sum3A_679 = arith.constant dense<0> : vector<16xi32>
      %reduce_sum3A_680 = vector.multi_reduction <add>, %convert_element_type3A_678, %reduce_sum3A_679 [1] : vector<16x576xi32> to vector<16xi32>
      %broadcast_in_dim3A_681 = vector.shape_cast %reduce_sum3A_680 : vector<16xi32> to vector<16x1xi32>
      %ge3A_682 = arith.constant 288 : i32
      %ge3A_683 = vector.broadcast %ge3A_682 : i32 to vector<16x1xi32>
      %ge3A_684 = arith.cmpi sge, %broadcast_in_dim3A_681, %ge3A_683 : vector<16x1xi32>
      %select_n3A_685 = arith.select %ge3A_684, %or3A_672, %select_n3A_669 : vector<16x1xi1>, vector<16x1xi32>
      %or3A_686 = arith.constant 4 : i32
      %or3A_687 = vector.broadcast %or3A_686 : i32 to vector<16x1xi32>
      %or3A_688 = arith.ori %select_n3A_685, %or3A_687 : vector<16x1xi32>
      %xor3A_689 = arith.constant -2147483648 : i32
      %xor3A_690 = vector.broadcast %xor3A_689 : i32 to vector<16x1xi32>
      %xor3A_691 = arith.xori %or3A_688, %xor3A_690 : vector<16x1xi32>
      %ge3A_692 = vector.broadcast %xor3A_691 : vector<16x1xi32> to vector<16x576xi32>
      %ge3A_693 = arith.cmpi sge, %select_n3A_220, %ge3A_692 : vector<16x576xi32>
      %convert_element_type3A_694 = arith.extui %ge3A_693 : vector<16x576xi1> to vector<16x576xi32>
      %reduce_sum3A_695 = arith.constant dense<0> : vector<16xi32>
      %reduce_sum3A_696 = vector.multi_reduction <add>, %convert_element_type3A_694, %reduce_sum3A_695 [1] : vector<16x576xi32> to vector<16xi32>
      %broadcast_in_dim3A_697 = vector.shape_cast %reduce_sum3A_696 : vector<16xi32> to vector<16x1xi32>
      %ge3A_698 = arith.constant 288 : i32
      %ge3A_699 = vector.broadcast %ge3A_698 : i32 to vector<16x1xi32>
      %ge3A_700 = arith.cmpi sge, %broadcast_in_dim3A_697, %ge3A_699 : vector<16x1xi32>
      %select_n3A_701 = arith.select %ge3A_700, %or3A_688, %select_n3A_685 : vector<16x1xi1>, vector<16x1xi32>
      %or3A_702 = arith.constant 2 : i32
      %or3A_703 = vector.broadcast %or3A_702 : i32 to vector<16x1xi32>
      %or3A_704 = arith.ori %select_n3A_701, %or3A_703 : vector<16x1xi32>
      %xor3A_705 = arith.constant -2147483648 : i32
      %xor3A_706 = vector.broadcast %xor3A_705 : i32 to vector<16x1xi32>
      %xor3A_707 = arith.xori %or3A_704, %xor3A_706 : vector<16x1xi32>
      %ge3A_708 = vector.broadcast %xor3A_707 : vector<16x1xi32> to vector<16x576xi32>
      %ge3A_709 = arith.cmpi sge, %select_n3A_220, %ge3A_708 : vector<16x576xi32>
      %convert_element_type3A_710 = arith.extui %ge3A_709 : vector<16x576xi1> to vector<16x576xi32>
      %reduce_sum3A_711 = arith.constant dense<0> : vector<16xi32>
      %reduce_sum3A_712 = vector.multi_reduction <add>, %convert_element_type3A_710, %reduce_sum3A_711 [1] : vector<16x576xi32> to vector<16xi32>
      %broadcast_in_dim3A_713 = vector.shape_cast %reduce_sum3A_712 : vector<16xi32> to vector<16x1xi32>
      %ge3A_714 = arith.constant 288 : i32
      %ge3A_715 = vector.broadcast %ge3A_714 : i32 to vector<16x1xi32>
      %ge3A_716 = arith.cmpi sge, %broadcast_in_dim3A_713, %ge3A_715 : vector<16x1xi32>
      %select_n3A_717 = arith.select %ge3A_716, %or3A_704, %select_n3A_701 : vector<16x1xi1>, vector<16x1xi32>
      %or3A_718 = arith.constant 1 : i32
      %or3A_719 = vector.broadcast %or3A_718 : i32 to vector<16x1xi32>
      %or3A_720 = arith.ori %select_n3A_717, %or3A_719 : vector<16x1xi32>
      %xor3A_721 = arith.constant -2147483648 : i32
      %xor3A_722 = vector.broadcast %xor3A_721 : i32 to vector<16x1xi32>
      %xor3A_723 = arith.xori %or3A_720, %xor3A_722 : vector<16x1xi32>
      %ge3A_724 = vector.broadcast %xor3A_723 : vector<16x1xi32> to vector<16x576xi32>
      %ge3A_725 = arith.cmpi sge, %select_n3A_220, %ge3A_724 : vector<16x576xi32>
      %convert_element_type3A_726 = arith.extui %ge3A_725 : vector<16x576xi1> to vector<16x576xi32>
      %reduce_sum3A_727 = arith.constant dense<0> : vector<16xi32>
      %reduce_sum3A_728 = vector.multi_reduction <add>, %convert_element_type3A_726, %reduce_sum3A_727 [1] : vector<16x576xi32> to vector<16xi32>
      %broadcast_in_dim3A_729 = vector.shape_cast %reduce_sum3A_728 : vector<16xi32> to vector<16x1xi32>
      %ge3A_730 = arith.constant 288 : i32
      %ge3A_731 = vector.broadcast %ge3A_730 : i32 to vector<16x1xi32>
      %ge3A_732 = arith.cmpi sge, %broadcast_in_dim3A_729, %ge3A_731 : vector<16x1xi32>
      %select_n3A_733 = arith.select %ge3A_732, %or3A_720, %select_n3A_717 : vector<16x1xi1>, vector<16x1xi32>
      %xor3A_734 = arith.constant -2147483648 : i32
      %xor3A_735 = vector.broadcast %xor3A_734 : i32 to vector<16x1xi32>
      %xor3A_736 = arith.xori %select_n3A_733, %xor3A_735 : vector<16x1xi32>
      %ge3A_737 = arith.constant 0 : i32
      %ge3A_738 = vector.broadcast %ge3A_737 : i32 to vector<16x1xi32>
      %ge3A_739 = arith.cmpi sge, %xor3A_736, %ge3A_738 : vector<16x1xi32>
      %xor3A_740 = arith.constant 2147483647 : i32
      %xor3A_741 = vector.broadcast %xor3A_740 : i32 to vector<16x1xi32>
      %xor3A_742 = arith.xori %xor3A_736, %xor3A_741 : vector<16x1xi32>
      %select_n3A_743 = arith.select %ge3A_739, %xor3A_736, %xor3A_742 : vector<16x1xi1>, vector<16x1xi32>
      %bitcast_convert_type3A_744 = tpu.bitcast %select_n3A_743 : vector<16x1xi32> -> vector<16x1xf32>
      %gt3A = vector.broadcast %bitcast_convert_type3A_744 : vector<16x1xf32> to vector<16x576xf32>
      %gt3A_745 = arith.cmpf ogt, %reduce_sum3A_215, %gt3A : vector<16x576xf32>
      %jit3A_746 = arith.constant 1.000000e+00 : f32
      %jit3A_747 = arith.constant 0.000000e+00 : f32
      %broadcast_in_dim3A_748 = vector.broadcast %jit3A_746 : f32 to vector<16x576xf32>
      %broadcast_in_dim3A_749 = vector.broadcast %jit3A_747 : f32 to vector<16x576xf32>
      %select_n3A_750 = arith.select %gt3A_745, %broadcast_in_dim3A_748, %broadcast_in_dim3A_749 : vector<16x576xi1>, vector<16x576xf32>
      %reshape3A = vector.shape_cast %select_n3A_750 : vector<16x576xf32> to vector<16x24x24xf32>
      %swap3A_751 = arith.constant 0 : index
      %swap3A_752 = arith.constant 0 : index
      %swap3A_753 = arith.constant 0 : index
      %swap3A_754 = vector.load %arg4[%swap3A_751, %swap3A_752, %swap3A_753] : memref<16x24x24xf32, #tpu.memory_space<vmem>>, vector<16x24x24xf32>
      tpu.vector_store %arg4[%swap3A_751, %swap3A_752, %swap3A_753], %reshape3A {strides = array<i32>} : memref<16x24x24xf32, #tpu.memory_space<vmem>>, vector<16x24x24xf32>,
    } else {
    }
    %mul3A = arith.constant 4 : i32
    %mul3A_2 = arith.muli %mul3A, %arg0 : i32
    %add3A = arith.constant 0 : i32
    %add3A_3 = arith.addi %mul3A_2, %add3A : i32
    %get3A = arith.index_cast %add3A_3 : i32 to index
    %get3A_4 = arith.constant 0 : index
    %get3A_5 = arith.constant 0 : index
    %get3A_6 = vector.load %arg4[%get3A, %get3A_4, %get3A_5] : memref<16x24x24xf32, #tpu.memory_space<vmem>>, vector<1x24x24xf32>
    %get3A_7 = vector.shape_cast %get3A_6 : vector<1x24x24xf32> to vector<24x24xf32>
    %get3A_8 = arith.constant 0 : index
    %get3A_9 = arith.constant 0 : index
    %get3A_10 = arith.constant 0 : index
    %get3A_11 = arith.constant 0 : index
    %get3A_12 = vector.load %arg2[%get3A_8, %get3A_9, %get3A_10, %get3A_11] : memref<4x3x384x384xf32, #tpu.memory_space<vmem>>, vector<1x3x384x384xf32>
    %get3A_13 = vector.shape_cast %get3A_12 : vector<1x3x384x384xf32> to vector<3x384x384xf32>
    %get3A_14 = arith.constant 0 : index
    %get3A_15 = arith.constant 0 : index
    %get3A_16 = vector.load %arg5[%get3A_14, %get3A_15] : memref<24x384xf32, #tpu.memory_space<vmem>>, vector<24x384xf32>
    %dot_general3A = arith.constant dense<0.000000e+00> : vector<24x384xf32>
    %dot_general3A_17 = tpu.matmul %get3A_7, %get3A_16, %dot_general3A {dimension_numbers = #tpu.dot_dimension_numbers<[1], [0], [0], [1], [0, 0, 1, 1], [], []>, transpose_lhs_hint = false} : vector<24x24xf32>, vector<24x384xf32>, vector<24x384xf32> -> vector<24x384xf32>
    %get3A_18 = arith.constant 0 : index
    %get3A_19 = arith.constant 0 : index
    %get3A_20 = vector.load %arg6[%get3A_18, %get3A_19] : memref<384x24xf32, #tpu.memory_space<vmem>>, vector<384x24xf32>
    %dot_general3A_21 = arith.constant dense<0.000000e+00> : vector<384x384xf32>
    %dot_general3A_22 = tpu.matmul %get3A_20, %dot_general3A_17, %dot_general3A_21 {dimension_numbers = #tpu.dot_dimension_numbers<[1], [0], [0], [1], [0, 0, 1, 1], [], []>, transpose_lhs_hint = false} : vector<384x24xf32>, vector<24x384xf32>, vector<384x384xf32> -> vector<384x384xf32>
    %broadcast_in_dim3A = vector.shape_cast %dot_general3A_22 : vector<384x384xf32> to vector<1x384x384xf32>
    %mul3A_23 = vector.broadcast %broadcast_in_dim3A : vector<1x384x384xf32> to vector<3x384x384xf32>
    %mul3A_24 = arith.mulf %get3A_13, %mul3A_23 : vector<3x384x384xf32>
    %swap3A = arith.constant 0 : index
    %swap3A_25 = arith.constant 0 : index
    %swap3A_26 = arith.constant 0 : index
    %swap3A_27 = arith.constant 0 : index
    %swap3A_28 = vector.load %arg3[%swap3A, %swap3A_25, %swap3A_26, %swap3A_27] : memref<4x3x384x384xf32, #tpu.memory_space<vmem>>, vector<1x3x384x384xf32>
    %swap3A_29 = vector.shape_cast %swap3A_28 : vector<1x3x384x384xf32> to vector<3x384x384xf32>
    %swap3A_30 = vector.shape_cast %mul3A_24 : vector<3x384x384xf32> to vector<1x3x384x384xf32>
    tpu.vector_store %arg3[%swap3A, %swap3A_25, %swap3A_26, %swap3A_27], %swap3A_30 {strides = array<i32>} : memref<4x3x384x384xf32, #tpu.memory_space<vmem>>, vector<1x3x384x384xf32>,
    %mul3A_31 = arith.constant 4 : i32
    %mul3A_32 = arith.muli %mul3A_31, %arg0 : i32
    %add3A_33 = arith.constant 1 : i32
    %add3A_34 = arith.addi %mul3A_32, %add3A_33 : i32
    %get3A_35 = arith.index_cast %add3A_34 : i32 to index
    %get3A_36 = arith.constant 0 : index
    %get3A_37 = arith.constant 0 : index
    %get3A_38 = vector.load %arg4[%get3A_35, %get3A_36, %get3A_37] : memref<16x24x24xf32, #tpu.memory_space<vmem>>, vector<1x24x24xf32>
    %get3A_39 = vector.shape_cast %get3A_38 : vector<1x24x24xf32> to vector<24x24xf32>
    %get3A_40 = arith.constant 1 : index
    %get3A_41 = arith.constant 0 : index
    %get3A_42 = arith.constant 0 : index
    %get3A_43 = arith.constant 0 : index
    %get3A_44 = vector.load %arg2[%get3A_40, %get3A_41, %get3A_42, %get3A_43] : memref<4x3x384x384xf32, #tpu.memory_space<vmem>>, vector<1x3x384x384xf32>
    %get3A_45 = vector.shape_cast %get3A_44 : vector<1x3x384x384xf32> to vector<3x384x384xf32>
    %get3A_46 = arith.constant 0 : index
    %get3A_47 = arith.constant 0 : index
    %get3A_48 = vector.load %arg5[%get3A_46, %get3A_47] : memref<24x384xf32, #tpu.memory_space<vmem>>, vector<24x384xf32>
    %dot_general3A_49 = arith.constant dense<0.000000e+00> : vector<24x384xf32>
    %dot_general3A_50 = tpu.matmul %get3A_39, %get3A_48, %dot_general3A_49 {dimension_numbers = #tpu.dot_dimension_numbers<[1], [0], [0], [1], [0, 0, 1, 1], [], []>, transpose_lhs_hint = false} : vector<24x24xf32>, vector<24x384xf32>, vector<24x384xf32> -> vector<24x384xf32>
    %get3A_51 = arith.constant 0 : index
    %get3A_52 = arith.constant 0 : index
    %get3A_53 = vector.load %arg6[%get3A_51, %get3A_52] : memref<384x24xf32, #tpu.memory_space<vmem>>, vector<384x24xf32>
    %dot_general3A_54 = arith.constant dense<0.000000e+00> : vector<384x384xf32>
    %dot_general3A_55 = tpu.matmul %get3A_53, %dot_general3A_50, %dot_general3A_54 {dimension_numbers = #tpu.dot_dimension_numbers<[1], [0], [0], [1], [0, 0, 1, 1], [], []>, transpose_lhs_hint = false} : vector<384x24xf32>, vector<24x384xf32>, vector<384x384xf32> -> vector<384x384xf32>
    %broadcast_in_dim3A_56 = vector.shape_cast %dot_general3A_55 : vector<384x384xf32> to vector<1x384x384xf32>
    %mul3A_57 = vector.broadcast %broadcast_in_dim3A_56 : vector<1x384x384xf32> to vector<3x384x384xf32>
    %mul3A_58 = arith.mulf %get3A_45, %mul3A_57 : vector<3x384x384xf32>
    %swap3A_59 = arith.constant 1 : index
    %swap3A_60 = arith.constant 0 : index
    %swap3A_61 = arith.constant 0 : index
    %swap3A_62 = arith.constant 0 : index
    %swap3A_63 = vector.load %arg3[%swap3A_59, %swap3A_60, %swap3A_61, %swap3A_62] : memref<4x3x384x384xf32, #tpu.memory_space<vmem>>, vector<1x3x384x384xf32>
    %swap3A_64 = vector.shape_cast %swap3A_63 : vector<1x3x384x384xf32> to vector<3x384x384xf32>
    %swap3A_65 = vector.shape_cast %mul3A_58 : vector<3x384x384xf32> to vector<1x3x384x384xf32>
    tpu.vector_store %arg3[%swap3A_59, %swap3A_60, %swap3A_61, %swap3A_62], %swap3A_65 {strides = array<i32>} : memref<4x3x384x384xf32, #tpu.memory_space<vmem>>, vector<1x3x384x384xf32>,
    %mul3A_66 = arith.constant 4 : i32
    %mul3A_67 = arith.muli %mul3A_66, %arg0 : i32
    %add3A_68 = arith.constant 2 : i32
    %add3A_69 = arith.addi %mul3A_67, %add3A_68 : i32
    %get3A_70 = arith.index_cast %add3A_69 : i32 to index
    %get3A_71 = arith.constant 0 : index
    %get3A_72 = arith.constant 0 : index
    %get3A_73 = vector.load %arg4[%get3A_70, %get3A_71, %get3A_72] : memref<16x24x24xf32, #tpu.memory_space<vmem>>, vector<1x24x24xf32>
    %get3A_74 = vector.shape_cast %get3A_73 : vector<1x24x24xf32> to vector<24x24xf32>
    %get3A_75 = arith.constant 2 : index
    %get3A_76 = arith.constant 0 : index
    %get3A_77 = arith.constant 0 : index
    %get3A_78 = arith.constant 0 : index
    %get3A_79 = vector.load %arg2[%get3A_75, %get3A_76, %get3A_77, %get3A_78] : memref<4x3x384x384xf32, #tpu.memory_space<vmem>>, vector<1x3x384x384xf32>
    %get3A_80 = vector.shape_cast %get3A_79 : vector<1x3x384x384xf32> to vector<3x384x384xf32>
    %get3A_81 = arith.constant 0 : index
    %get3A_82 = arith.constant 0 : index
    %get3A_83 = vector.load %arg5[%get3A_81, %get3A_82] : memref<24x384xf32, #tpu.memory_space<vmem>>, vector<24x384xf32>
    %dot_general3A_84 = arith.constant dense<0.000000e+00> : vector<24x384xf32>
    %dot_general3A_85 = tpu.matmul %get3A_74, %get3A_83, %dot_general3A_84 {dimension_numbers = #tpu.dot_dimension_numbers<[1], [0], [0], [1], [0, 0, 1, 1], [], []>, transpose_lhs_hint = false} : vector<24x24xf32>, vector<24x384xf32>, vector<24x384xf32> -> vector<24x384xf32>
    %get3A_86 = arith.constant 0 : index
    %get3A_87 = arith.constant 0 : index
    %get3A_88 = vector.load %arg6[%get3A_86, %get3A_87] : memref<384x24xf32, #tpu.memory_space<vmem>>, vector<384x24xf32>
    %dot_general3A_89 = arith.constant dense<0.000000e+00> : vector<384x384xf32>
    %dot_general3A_90 = tpu.matmul %get3A_88, %dot_general3A_85, %dot_general3A_89 {dimension_numbers = #tpu.dot_dimension_numbers<[1], [0], [0], [1], [0, 0, 1, 1], [], []>, transpose_lhs_hint = false} : vector<384x24xf32>, vector<24x384xf32>, vector<384x384xf32> -> vector<384x384xf32>
    %broadcast_in_dim3A_91 = vector.shape_cast %dot_general3A_90 : vector<384x384xf32> to vector<1x384x384xf32>
    %mul3A_92 = vector.broadcast %broadcast_in_dim3A_91 : vector<1x384x384xf32> to vector<3x384x384xf32>
    %mul3A_93 = arith.mulf %get3A_80, %mul3A_92 : vector<3x384x384xf32>
    %swap3A_94 = arith.constant 2 : index
    %swap3A_95 = arith.constant 0 : index
    %swap3A_96 = arith.constant 0 : index
    %swap3A_97 = arith.constant 0 : index
    %swap3A_98 = vector.load %arg3[%swap3A_94, %swap3A_95, %swap3A_96, %swap3A_97] : memref<4x3x384x384xf32, #tpu.memory_space<vmem>>, vector<1x3x384x384xf32>
    %swap3A_99 = vector.shape_cast %swap3A_98 : vector<1x3x384x384xf32> to vector<3x384x384xf32>
    %swap3A_100 = vector.shape_cast %mul3A_93 : vector<3x384x384xf32> to vector<1x3x384x384xf32>
    tpu.vector_store %arg3[%swap3A_94, %swap3A_95, %swap3A_96, %swap3A_97], %swap3A_100 {strides = array<i32>} : memref<4x3x384x384xf32, #tpu.memory_space<vmem>>, vector<1x3x384x384xf32>,
    %mul3A_101 = arith.constant 4 : i32
    %mul3A_102 = arith.muli %mul3A_101, %arg0 : i32
    %add3A_103 = arith.constant 3 : i32
    %add3A_104 = arith.addi %mul3A_102, %add3A_103 : i32
    %get3A_105 = arith.index_cast %add3A_104 : i32 to index
    %get3A_106 = arith.constant 0 : index
    %get3A_107 = arith.constant 0 : index
    %get3A_108 = vector.load %arg4[%get3A_105, %get3A_106, %get3A_107] : memref<16x24x24xf32, #tpu.memory_space<vmem>>, vector<1x24x24xf32>
    %get3A_109 = vector.shape_cast %get3A_108 : vector<1x24x24xf32> to vector<24x24xf32>
    %get3A_110 = arith.constant 3 : index
    %get3A_111 = arith.constant 0 : index
    %get3A_112 = arith.constant 0 : index
    %get3A_113 = arith.constant 0 : index
    %get3A_114 = vector.load %arg2[%get3A_110, %get3A_111, %get3A_112, %get3A_113] : memref<4x3x384x384xf32, #tpu.memory_space<vmem>>, vector<1x3x384x384xf32>
    %get3A_115 = vector.shape_cast %get3A_114 : vector<1x3x384x384xf32> to vector<3x384x384xf32>
    %get3A_116 = arith.constant 0 : index
    %get3A_117 = arith.constant 0 : index
    %get3A_118 = vector.load %arg5[%get3A_116, %get3A_117] : memref<24x384xf32, #tpu.memory_space<vmem>>, vector<24x384xf32>
    %dot_general3A_119 = arith.constant dense<0.000000e+00> : vector<24x384xf32>
    %dot_general3A_120 = tpu.matmul %get3A_109, %get3A_118, %dot_general3A_119 {dimension_numbers = #tpu.dot_dimension_numbers<[1], [0], [0], [1], [0, 0, 1, 1], [], []>, transpose_lhs_hint = false} : vector<24x24xf32>, vector<24x384xf32>, vector<24x384xf32> -> vector<24x384xf32>
    %get3A_121 = arith.constant 0 : index
    %get3A_122 = arith.constant 0 : index
    %get3A_123 = vector.load %arg6[%get3A_121, %get3A_122] : memref<384x24xf32, #tpu.memory_space<vmem>>, vector<384x24xf32>
    %dot_general3A_124 = arith.constant dense<0.000000e+00> : vector<384x384xf32>
    %dot_general3A_125 = tpu.matmul %get3A_123, %dot_general3A_120, %dot_general3A_124 {dimension_numbers = #tpu.dot_dimension_numbers<[1], [0], [0], [1], [0, 0, 1, 1], [], []>, transpose_lhs_hint = false} : vector<384x24xf32>, vector<24x384xf32>, vector<384x384xf32> -> vector<384x384xf32>
    %broadcast_in_dim3A_126 = vector.shape_cast %dot_general3A_125 : vector<384x384xf32> to vector<1x384x384xf32>
    %mul3A_127 = vector.broadcast %broadcast_in_dim3A_126 : vector<1x384x384xf32> to vector<3x384x384xf32>
    %mul3A_128 = arith.mulf %get3A_115, %mul3A_127 : vector<3x384x384xf32>
    %swap3A_129 = arith.constant 3 : index
    %swap3A_130 = arith.constant 0 : index
    %swap3A_131 = arith.constant 0 : index
    %swap3A_132 = arith.constant 0 : index
    %swap3A_133 = vector.load %arg3[%swap3A_129, %swap3A_130, %swap3A_131, %swap3A_132] : memref<4x3x384x384xf32, #tpu.memory_space<vmem>>, vector<1x3x384x384xf32>
    %swap3A_134 = vector.shape_cast %swap3A_133 : vector<1x3x384x384xf32> to vector<3x384x384xf32>
    %swap3A_135 = vector.shape_cast %mul3A_128 : vector<3x384x384xf32> to vector<1x3x384x384xf32>
    tpu.vector_store %arg3[%swap3A_129, %swap3A_130, %swap3A_131, %swap3A_132], %swap3A_135 {strides = array<i32>} : memref<4x3x384x384xf32, #tpu.memory_space<vmem>>, vector<1x3x384x384xf32>,
    return
  }
  func.func @transform_0(%arg0: i32) -> (i32, i32, i32) {
    %c0_i32 = arith.constant 0 : i32
    %c0_i32_0 = arith.constant 0 : i32
    %c0_i32_1 = arith.constant 0 : i32
    %c0_i32_2 = arith.constant 0 : i32
    return %c0_i32, %c0_i32_0, %c0_i32_1 : i32, i32, i32
  }
  func.func @transform_1(%arg0: i32) -> (i32, i32, i32, i32) {
    %c0_i32 = arith.constant 0 : i32
    %c0_i32_0 = arith.constant 0 : i32
    %c0_i32_1 = arith.constant 0 : i32
    %c0_i32_2 = arith.constant 0 : i32
    return %arg0, %c0_i32, %c0_i32_0, %c0_i32_1 : i32, i32, i32, i32
  }
  func.func @transform_2(%arg0: i32) -> (i32, i32, i32, i32) {
    %c0_i32 = arith.constant 0 : i32
    %c0_i32_0 = arith.constant 0 : i32
    %c0_i32_1 = arith.constant 0 : i32
    %c0_i32_2 = arith.constant 0 : i32
    return %arg0, %c0_i32, %c0_i32_0, %c0_i32_1 : i32, i32, i32, i32
  }
}

</mosaic_0001>

<sc_bundles>
// kernel: kernel.5.cloned.1.call-start
scs
__scs_entry_jumppad:
0x0: {  	(pc) =	sbr.rel $0x88, $3  }
0x1: {  	(tag) =	ssettag $0x0;
	lr =	simm.s32 $0x1  }
0x2: {  	[smem:$0x3F9F] =	sst lr;
	_ =	strace $0xD0000000  }
0x3: {  	_ = 	snop  }
0x4: {  	_ = 	snop  }
0x5: {  	_ = 	snop  }
0x6: {  	_ = 	snop  }
0x7: {  	_ = 	snop  }
__scs_overlays_trampoline_lowered:
0x8: {  	[smem:$0x3FAE] =	sst s0  }
0x9: {  	[smem:$0x3FAF] =	sst s1  }
0xa: {  	[smem:$0x3FB0] =	sst s2  }
0xb: {  	[smem:$0x3FB1] =	sst s3  }
0xc: {  	[smem:$0x3FB2] =	sst s4  }
0xd: {  	[smem:$0x3FB3] =	sst s5  }
0xe: {  	[smem:$0x3FB4] =	sst s6  }
0xf: {  	[smem:$0x3FB5] =	sst s7  }
0x10: {  	[smem:$0x3FB6] =	sst s8  }
0x11: {  	[smem:$0x3FB7] =	sst s9;
	s0 =	simm.s32 @!p0 $0x0  }
0x12: {  	s1 =	sld [smem:$0x3F9D];
	s0 =	simm.s32 @p0 $0x1  }
0x13: {  	[smem:$0x3FB8] =	sst s0;
	s0 =	simm.s32 @!p1 $0x0  }
0x14: {  	s2 =	sld [smem:$0x3F9C];
	s0 =	simm.s32 @p1 $0x1  }
0x15: {  	[smem:$0x3FB9] =	sst s0;
	s0 =	simm.s32 @!p2 $0x0  }
0x16: {  	s3 =	sld [smem:$0x3FDB];
	s0 =	simm.s32 @p2 $0x1  }
0x17: {  	s4 =	simm.s32 $0x1BF5;
	[smem:$0x3FBB] =	sst s0  }
0x18: {  	s0 =	sld [smem:$0x3F9E];
	_ =	swait.ge [sflag:s4], $0x0  }
0x19: {  	s7 =	sld [smem:$0x3F9F]  }
0x1a: {  	s8 =	sadd.s32 $0xFFFFE003, lr  }
0x1b: {  	s9 =	sadd.s32 $0xFFFFFEF7, lr;
	s5 =	simm.s32 $0xFFFFFFFF;
	p2 =	slt.u32 s8, $0xFFFFF086  }
0x1c: {  	p1 =	slt.u32 s9, $0xF7A;
	s5 =	simm.s32 @!p2 $0x0  }
0x1d: {  	s5 =	simm.s32 @p1 $0x1;
	p0 =	seq.s32 s7, s2  }
0x1e: {  	s7 =	smul.u32 @!p0 $0xF7A, s2;
	p2 =	seq.s32 @!p0 s5, $0x0  }
0x1f: {  	s9 =	smul.u32 $0xF7A, s1;
	s8 =	simm.s32 @!p0 $0x1BF5;
	p2 =	por !p2, p0  }
0x20: {  	[sflag:s8] =	ssyncset.s32 @!p0 $0xFFFFF086;
	s6 =	sadd.s32 @!p0 s3, s7;
	s7 =	simm.s32 @!p0 $0x108  }
0x21: {  	s3 =	sadd.s32 s3, s9;
	s6 =	sadd.s32 @!p0 $0x88, s6;
	s7 =	simm.s32 @p2 $0x1082  }
0x22: {  	[simem:s7], [sflag:s8] =	dma.local @!p0 [hbm:s6], $0xF7A  }
0x23: {  	s9 =	sor.u32 $0xD0000000, s2;
	s6 =	simm.s32 $0x108;
	_ =	swait.ge @!p0 [sflag:s8], $0x0  }
0x24: {  	s3 =	sadd.s32 $0x88, s3;
	s6 =	simm.s32 @!p1 $0x1082;
	[sflag:s4] =	ssyncset.s32 $0xFFFFF086  }
0x25: {  	[simem:s6], [sflag:s4] =	dma.local [hbm:s3], $0xF7A  }
0x26: {  	[smem:$0x3F9F] =	sst s1;
	(tag) =	ssettag s2;
	_ =	strace s9  }
0x27: {  	s1 =	sld [smem:$0x3FAF]  }
0x28: {  	s2 =	sld [smem:$0x3FB0]  }
0x29: {  	s4 =	sld [smem:$0x3FB2]  }
0x2a: {  	p0 =	seq.s32 s5, $0x0;
	s5 =	sld [smem:$0x3FB3]  }
0x2b: {  	s6 =	sld [smem:$0x3FB4]  }
0x2c: {  	s7 =	sld [smem:$0x3FB5]  }
0x2d: {  	s3 =	simm.s32 $0x108;
	s8 =	sld [smem:$0x3FB6]  }
0x2e: {  	s3 =	simm.s32 @!p0 $0x1082;
	s9 =	sld [smem:$0x3FB7]  }
0x2f: {  	lr =	sadd.s32 s0, s3;
	s0 =	sld [smem:$0x3FAE]  }
0x30: {  	s3 =	sld [smem:$0x3FB1]  }
0x31: {  	[smem:$0x3FBA] =	sst s10  }
0x32: {  	s10 =	sld [smem:$0x3FB8];
	_ =	sdelay $0x3  }
0x33: {  	p0 =	seq.s32 s10, $0x1;
	s10 =	sld [smem:$0x3FBA];
	_ =	sdelay $0x3  }
0x34: {  	[smem:$0x3FBA] =	sst s10  }
0x35: {  	s10 =	sld [smem:$0x3FB9];
	_ =	sdelay $0x3  }
0x36: {  	p1 =	seq.s32 s10, $0x1;
	s10 =	sld [smem:$0x3FBA];
	_ =	sdelay $0x3  }
0x37: {  	[smem:$0x3FBA] =	sst s10  }
0x38: {  	s10 =	sld [smem:$0x3FBB]  }
0x39: {  	_ = 	snop;
	(pc) =	sbr.ind lr, $3  }
0x3a: {  	_ = 	snop  }
0x3b: {  	_ = 	snop  }
0x3c: {  	p2 =	seq.s32 s10, $0x1;
	s10 =	sld [smem:$0x3FBA]  }
0x3d: {  	_ =	shalt  }
0x3e: {  	_ =	shalt  }
0x3f: {  	_ =	shalt  }
0x40: {  	_ =	shalt  }
0x41: {  	_ =	shalt  }
0x42: {  	_ =	shalt  }
0x43: {  	_ =	shalt  }
0x44: {  	_ =	shalt  }
0x45: {  	_ =	shalt  }
0x46: {  	_ =	shalt  }
0x47: {  	_ =	shalt  }
0x48: {  	_ =	shalt  }
0x49: {  	_ =	shalt  }
0x4a: {  	_ =	shalt  }
0x4b: {  	_ =	shalt  }
0x4c: {  	_ =	shalt  }
0x4d: {  	_ =	shalt  }
0x4e: {  	_ =	shalt  }
0x4f: {  	_ =	shalt  }
0x50: {  	_ =	shalt  }
0x51: {  	_ =	shalt  }
0x52: {  	_ =	shalt  }
0x53: {  	_ =	shalt  }
0x54: {  	_ =	shalt  }
0x55: {  	_ =	shalt  }
0x56: {  	_ =	shalt  }
0x57: {  	_ =	shalt  }
0x58: {  	_ =	shalt  }
0x59: {  	_ =	shalt  }
0x5a: {  	_ =	shalt  }
0x5b: {  	_ =	shalt  }
0x5c: {  	_ =	shalt  }
0x5d: {  	_ =	shalt  }
0x5e: {  	_ =	shalt  }
0x5f: {  	_ =	shalt  }
0x60: {  	_ =	shalt  }
0x61: {  	_ =	shalt  }
0x62: {  	_ =	shalt  }
0x63: {  	_ =	shalt  }
0x64: {  	_ =	shalt  }
0x65: {  	_ =	shalt  }
0x66: {  	_ =	shalt  }
0x67: {  	_ =	shalt  }
0x68: {  	_ =	shalt  }
0x69: {  	_ =	shalt  }
0x6a: {  	_ =	shalt  }
0x6b: {  	_ =	shalt  }
0x6c: {  	_ =	shalt  }
0x6d: {  	_ =	shalt  }
0x6e: {  	_ =	shalt  }
0x6f: {  	_ =	shalt  }
0x70: {  	_ =	shalt  }
0x71: {  	_ =	shalt  }
0x72: {  	_ =	shalt  }
0x73: {  	_ =	shalt  }
0x74: {  	_ =	shalt  }
0x75: {  	_ =	shalt  }
0x76: {  	_ =	shalt  }
0x77: {  	_ =	shalt  }
0x78: {  	_ =	shalt  }
0x79: {  	_ =	shalt  }
0x7a: {  	_ =	shalt  }
0x7b: {  	_ =	shalt  }
0x7c: {  	_ =	shalt  }
0x7d: {  	_ =	shalt  }
0x7e: {  	_ =	shalt  }
0x7f: {  	_ =	shalt  }
0x80: {  	_ =	shalt  }
0x81: {  	_ =	shalt  }
0x82: {  	_ =	shalt  }
0x83: {  	_ =	shalt  }
0x84: {  	_ =	shalt  }
0x85: {  	_ =	shalt  }
0x86: {  	_ =	shalt  }
0x87: {  	_ =	shalt  }
.Lfunc_end0:
.L_simem_size_0:
called_computation_lowered:
.L_overlay_start_0:
0x88: {  	s0 =	sld [smem:$0x3FD9]  }
0x89: {  	s1 =	sld [smem:$0x3FFE];
	_ =	sdelay $0x3  }
0x8a: {  	s0 =	sadd.s32 s1, s0  }
0x8b: {  	[smem:$0x3FC6] =	sst s0  }
0x8c: {  	_ = 	snop  }
0x8d: {  	(tm) =	ssettm $0x1  }
0x8e: {  	s15 =	sld [smem:$0x3FFB];
	_ =	sdelay $0x3  }
0x8f: {  	_ =	strace s15  }
0x90: {  	s0 =	sld [smem:$0x3FFC];
	_ =	sdelay $0x3  }
0x91: {  	_ =	strace s0  }
0x92: {  	s0 =	sld [smem:$0x3FFD];
	_ =	sdelay $0x3  }
0x93: {  	_ =	strace s0  }
0x94: {  	_ =	strace $0x8FFFFFFF  }
0x95: {  	s16 =	sld [smem:$0x3FDB];
	_ =	sdelay $0x1  }
0x96: {  	s17 =	simm.s32 $_scs_section_size  }
0x97: {  	s2 =	simm.s32 $_size__tile_overlayer_lowered;
	s3 =	simm.s32 $_tile_overlayer_lowered  }
0x98: {  	s20 =	simm.s32 $0x1BFF;
	s19 =	sshll.u32 s3, $0x1;
	s0 =	sadd.s32 s17, s16  }
0x99: {  	s4 =	simm.s32 $0x0;
	s18 =	sshll.u32 s2, $0x1;
	s2 =	sadd.s32 s19, s0  }
0x9a: {  	[timem:s4], [sflag:s20] =	dma.local [hbm:s2], s18  }
0x9b: {  	_ =	swait.ge [sflag:s20], s18  }
0x9c: {  	s1 =	ssub.s32 $0x0, s18;
	[sflag:s20] =	ssyncset.done $0x0  }
0x9d: {  	[sflag:s20] =	ssyncadd.s32 s1;
	_ =	sdelay $0x1  }
0x9e: {  	s21 =	simm.s32 $0x1B8B  }
0x9f: {  	_ =	swait.ge [sflag:s21], $0x1  }
0xa0: {  	[sflag:s21] =	ssyncset.done $0x0  }
0xa1: {  	s23 =	simm.s32 $0x1B8E;
	s22 =	sld [smem:$0x3FFE];
	[sflag:s21] =	ssyncadd.s32 $0xFFFFFFFF  }
0xa2: {  	s24 =	simm.s32 $execute0_lowered;
	[smem:$0x3FD2] =	sst s23  }
0xa3: {  	s2 =	sshll.u32 s24, $0x1;
	_ =	strace $0x80000046;
	[dreg:$0x1] =	wrdreg $0xFFFFFFFF  }
0xa4: {  	s25 =	simm.s32 $_size_execute0_lowered;
	s0 =	sadd.s32 s0, s2;
	[dreg:$0x0] =	wrdreg $0x0  }
0xa5: {  	s2 =	sshll.u32 s25, $0x1;
	[dreg:$0x2] =	wrdreg s0  }
0xa6: {  	[dreg:$0x3] =	wrdreg s2  }
0xa7: {  	[dreg:$0x4] =	wrdreg $0xC0  }
0xa8: {  	_ =	task [dreg:s4], $0x5FFFF  }
0xa9: {  	[dreg:$0x1] =	wrdreg $0xFFFFFFFF  }
0xaa: {  	[dreg:$0x0] =	wrdreg $0x60  }
0xab: {  	[dreg:$0x2] =	wrdreg s22  }
0xac: {  	[dreg:$0x3] =	wrdreg $0x9  }
0xad: {  	_ =	task.clear_ibuf [dreg:s4], $0x4FFFF;
	_ =	strace $0x90000046  }
0xae: {  	s26 =	simm.s32 $0x9;
	_ =	strace $0x80000048  }
0xaf: {  	_ =	swait.ge [sflag:s26], $0x1  }
0xb0: {  	[sflag:s26] =	ssyncadd.s32 $0xFFFFFFFF  }
0xb1: {  	_ =	strace $0x90000048  }
0xb2: {  	_ =	sfence  }
0xb3: {  	s28 =	sld [smem:$0x0];
	_ =	sdelay $0x1  }
0xb4: {  	s29 =	srdreg.scid  }
0xb5: {  	s30 =	sshll.u32 s29, $0xD;
	s31 =	sshrl.u32 s29, $0x2  }
0xb6: {  	s1 =	sand.u32 $0x1, s29;
	s2 =	sand.u32 $0x4000, s30;
	s0 =	sadd.s32 s31, s28  }
0xb7: {  	s1 =	sor.u32 s2, s1;
	s0 =	sshll.u32 s0, $0x11  }
0xb8: {  	s0 =	sor.u32 s0, s1  }
0xb9: {  	s0 =	sadd.s32 $0x8F2B, s0  }
0xba: {  	[sflag:s0] =	ssyncadd.remote.s32 $0x1  }
0xbb: {  	_ =	sfence.sel $0xFFFF  }
0xbc: {  	[dreg:$0x0] =	wrdreg $0xFFFFFFFF;
	(pc) =	sbr.abs _section_cstart, $3  }
0xbd: {  	[dreg:$0x1] =	wrdreg $0xFFFFFFFF  }
0xbe: {  	_ =	task.clear_ibuf [dreg:s4], $0x2FFFF;
	_ =	strace $0x9FFFFFFF  }
0xbf: {  	(tm) =	ssettm $0x7FFFFFFF  }
tec
execute0_lowered:
.L_overlay_start_1:
0x0: {  	(tag) =	ssettag $0x1  }
0x1: {  	s0 =	stileid.u32  }
0x2: {  	s2 =	rddreg [dreg:$0x0];
	s3 =	smul.u32 $0x500, s0  }
0x3: {  	s1 =	rddreg [dreg:$0x1];
	s4 =	simm.s32 $0x0  }
0x4: {  	[smem:$0x7FF] =	sst s4;
	s3 =	sadd.s32 s3, s2  }
0x5: {  	s29 =	simm.s32 $0x1;
	_ =	strace $0x80000047;
	s3 =	sadd.s32 $0x800, s3  }
0x6: {  	[tilespmem:s4], [sflag:$0x1] =	stream.linear.gather [hbm4b:s3+s4], $0x2800, $0x38;
	[tilespmem:$0x2F80] =	vst v63  }
0x7: {  	_ =	swait.ge [sflag:s29], $0x2800  }
0x8: {  	[sflag:s29] =	ssyncset.done $0x0  }
0x9: {  	[sflag:s29] =	ssyncadd.s32 $0xFFFFD800  }
0xa: {  	v44 =	vld [tilespmem:$0x690];
	_ =	sdelay $0x4  }
0xb: {  	[tilespmem:$0x1F500] =	vst v44;
	v44 =	vld [tilespmem:$0x550];
	_ =	sdelay $0x4  }
0xc: {  	[tilespmem:$0x1F6E0] =	vst v44;
	v44 =	vld [tilespmem:$0x5D0];
	_ =	sdelay $0x4  }
0xd: {  	[tilespmem:$0x1F720] =	vst v44;
	v44 =	vld [tilespmem:$0x650];
	_ =	sdelay $0x4  }
0xe: {  	[tilespmem:$0x1F760] =	vst v44;
	v44 =	vld [tilespmem:$0x6D0];
	_ =	sdelay $0x4  }
0xf: {  	[tilespmem:$0x1F7A0] =	vst v44;
	v44 =	vld [tilespmem:$0x750];
	_ =	sdelay $0x4  }
0x10: {  	[tilespmem:$0x1F7D0] =	vst v44;
	v44 =	vld [tilespmem:$0x7D0];
	_ =	sdelay $0x4  }
0x11: {  	[tilespmem:$0x1F820] =	vst v44;
	v44 =	vld [tilespmem:$0x1850];
	_ =	sdelay $0x4  }
0x12: {  	[tilespmem:$0x1F870] =	vst v44;
	v44 =	vld [tilespmem:$0x18D0];
	_ =	sdelay $0x4  }
0x13: {  	[tilespmem:$0x1F8B0] =	vst v44;
	v44 =	vld [tilespmem:$0x1950];
	_ =	sdelay $0x4  }
0x14: {  	[tilespmem:$0x1F900] =	vst v44;
	v44 =	vld [tilespmem:$0x19D0];
	_ =	sdelay $0x4  }
0x15: {  	[tilespmem:$0x1F940] =	vst v44;
	v44 =	vld [tilespmem:$0x460];
	_ =	sdelay $0x4  }
0x16: {  	[tilespmem:$0x1F7E0] =	vst v44;
	v44 =	vld [tilespmem:$0x4E0];
	_ =	sdelay $0x4  }
0x17: {  	[tilespmem:$0x1F7F0] =	vst v44;
	v44 =	vld [tilespmem:$0x560];
	_ =	sdelay $0x4  }
0x18: {  	[tilespmem:$0x1F830] =	vst v44;
	v44 =	vld [tilespmem:$0x5E0];
	_ =	sdelay $0x4  }
0x19: {  	[tilespmem:$0x1F880] =	vst v44;
	v44 =	vld [tilespmem:$0x660];
	_ =	sdelay $0x4  }
0x1a: {  	[tilespmem:$0x1F8C0] =	vst v44;
	v44 =	vld [tilespmem:$0x6E0];
	_ =	sdelay $0x4  }
0x1b: {  	[tilespmem:$0x1F910] =	vst v44;
	v44 =	vld [tilespmem:$0x760];
	_ =	sdelay $0x4  }
0x1c: {  	[tilespmem:$0x1F950] =	vst v44;
	v44 =	vld [tilespmem:$0x7E0];
	_ =	sdelay $0x4  }
0x1d: {  	[tilespmem:$0x1F980] =	vst v44;
	v44 =	vld [tilespmem:$0x1860];
	_ =	sdelay $0x4  }
0x1e: {  	[tilespmem:$0x1F9D0] =	vst v44;
	v44 =	vld [tilespmem:$0x18E0];
	_ =	sdelay $0x4  }
0x1f: {  	[tilespmem:$0x1FA10] =	vst v44;
	v44 =	vld [tilespmem:$0x1960]  }
0x20: {  	v0 =	vld [tilespmem:$0x0]  }
0x21: {  	v1 =	vld [tilespmem:$0x80]  }
0x22: {  	v2 =	vld [tilespmem:$0x100]  }
0x23: {  	v3 =	vld [tilespmem:$0x180]  }
0x24: {  	[tilespmem:$0x1FA50] =	vst v44;
	v44 =	vld [tilespmem:$0x19E0]  }
0x25: {  	v4 =	vld [tilespmem:$0x10]  }
0x26: {  	v5 =	vld [tilespmem:$0x90]  }
0x27: {  	v6 =	vld [tilespmem:$0x200]  }
0x28: {  	v7 =	vld [tilespmem:$0x110]  }
0x29: {  	[tilespmem:$0x1FA90] =	vst v44;
	v44 =	vld [tilespmem:$0x470]  }
0x2a: {  	v8 =	vld [tilespmem:$0x190]  }
0x2b: {  	v37 =	vld [tilespmem:$0x20]  }
0x2c: {  	v34 =	vld [tilespmem:$0xA0]  }
0x2d: {  	v35 =	vld [tilespmem:$0x120]  }
0x2e: {  	[tilespmem:$0x1F850] =	vst v44;
	v44 =	vld [tilespmem:$0x4F0]  }
0x2f: {  	v39 =	vld [tilespmem:$0x1A0]  }
0x30: {  	v42 =	vld [tilespmem:$0x220]  }
0x31: {  	v48 =	vld [tilespmem:$0x2A0]  }
0x32: {  	v53 =	vld [tilespmem:$0x320]  }
0x33: {  	[tilespmem:$0x1F860] =	vst v44;
	v44 =	vld [tilespmem:$0x570]  }
0x34: {  	v45 =	vld [tilespmem:$0x3A0]  }
0x35: {  	v10 =	vld [tilespmem:$0x1B0]  }
0x36: {  	v12 =	vld [tilespmem:$0x230]  }
0x37: {  	v18 =	vld [tilespmem:$0x2B0]  }
0x38: {  	[tilespmem:$0x1F8A0] =	vst v44;
	v44 =	vld [tilespmem:$0x5F0]  }
0x39: {  	v28 =	vld [tilespmem:$0x330]  }
0x3a: {  	v38 =	vld [tilespmem:$0x3B0]  }
0x3b: {  	v47 =	vld [tilespmem:$0x1430]  }
0x3c: {  	v9 =	vld [tilespmem:$0x1C0]  }
0x3d: {  	[tilespmem:$0x1F8D0] =	vst v44;
	v44 =	vld [tilespmem:$0x670]  }
0x3e: {  	v13 =	vld [tilespmem:$0x240]  }
0x3f: {  	v20 =	vld [tilespmem:$0x2C0]  }
0x40: {  	v29 =	vld [tilespmem:$0x340]  }
0x41: {  	v40 =	vld [tilespmem:$0x3C0]  }
0x42: {  	[tilespmem:$0x1F920] =	vst v44;
	v44 =	vld [tilespmem:$0x6F0]  }
0x43: {  	v49 =	vld [tilespmem:$0x1440]  }
0x44: {  	v11 =	vld [tilespmem:$0x1D0]  }
0x45: {  	v16 =	vld [tilespmem:$0x250]  }
0x46: {  	v61 =	vld [tilespmem:$0x2D0]  }
0x47: {  	[tilespmem:$0x1F960] =	vst v44;
	v44 =	vld [tilespmem:$0x770]  }
0x48: {  	v33 =	vld [tilespmem:$0x350]  }
0x49: {  	v41 =	vld [tilespmem:$0x3D0]  }
0x4a: {  	v55 =	vld [tilespmem:$0x1450]  }
0x4b: {  	v14 =	vld [tilespmem:$0x14D0]  }
0x4c: {  	[tilespmem:$0x1F9B0] =	vst v44;
	v44 =	vld [tilespmem:$0x7F0]  }
0x4d: {  	v24 =	vld [tilespmem:$0x60]  }
0x4e: {  	v21 =	vld [tilespmem:$0xE0]  }
0x4f: {  	v31 =	vld [tilespmem:$0x160]  }
0x50: {  	v32 =	vld [tilespmem:$0x1E0]  }
0x51: {  	[tilespmem:$0x1F9F0] =	vst v44;
	v44 =	vld [tilespmem:$0x1870]  }
0x52: {  	v52 =	vld [tilespmem:$0x260]  }
0x53: {  	v19 =	vld [tilespmem:$0x70]  }
0x54: {  	v26 =	vld [tilespmem:$0x170]  }
0x55: {  	v27 =	vld [tilespmem:$0x1F0]  }
0x56: {  	[tilespmem:$0x1FA30] =	vst v44;
	v44 =	vld [tilespmem:$0x18F0]  }
0x57: {  	v30 =	vld [tilespmem:$0x270]  }
0x58: {  	v57 =	vld [tilespmem:$0x2F0]  }
0x59: {  	v15 =	vld [tilespmem:$0x370]  }
0x5a: {  	v17 =	vld [tilespmem:$0x400]  }
0x5b: {  	[tilespmem:$0x1FA70] =	vst v44;
	v44 =	vld [tilespmem:$0x1970]  }
0x5c: {  	v25 =	vld [tilespmem:$0x500]  }
0x5d: {  	v36 =	vld [tilespmem:$0x580]  }
0x5e: {  	v46 =	vld [tilespmem:$0x600]  }
0x5f: {  	v60 =	vld [tilespmem:$0x680]  }
0x60: {  	[tilespmem:$0x1FAB0] =	vst v44;
	v44 =	vld [tilespmem:$0x19F0]  }
0x61: {  	v22 =	vld [tilespmem:$0x700]  }
0x62: {  	v23 =	vld [tilespmem:$0x410]  }
0x63: {  	v59 =	vld [tilespmem:$0x510]  }
0x64: {  	v43 =	vld [tilespmem:$0x590]  }
0x65: {  	[tilespmem:$0x1FB00] =	vst v44;
	v44 =	vld [tilespmem:$0x800]  }
0x66: {  	v54 =	vld [tilespmem:$0x610]  }
0x67: {  	v56 =	vld [tilespmem:$0x710]  }
0x68: {  	v58 =	vld [tilespmem:$0x790]  }
0x69: {  	v62 =	vld [tilespmem:$0x1810]  }
0x6a: {  	[tilespmem:$0x1F8E0] =	vst v44;
	v44 =	vld [tilespmem:$0x880]  }
0x6b: {  	v63 =	vld [tilespmem:$0x1890]  }
0x6c: {  	v50 =	vld [tilespmem:$0x1910]  }
0x6d: {  	v51 =	vld [tilespmem:$0x1990]  }
0x6e: {  	v0 =	vadd.f32 v1, v0;
	v1 =	vld [tilespmem:$0x280]  }
0x6f: {  	[tilespmem:$0x1F8F0] =	vst v44;
	v44 =	vld [tilespmem:$0x900]  }
0x70: {  	v4 =	vadd.f32 v5, v4;
	v5 =	vld [tilespmem:$0x210]  }
0x71: {  	[tilespmem:$0x1F400] =	vst v14;
	v14 =	vld [tilespmem:$0x1550]  }
0x72: {  	[tilespmem:$0x1F460] =	vst v15;
	v15 =	vld [tilespmem:$0x3F0]  }
0x73: {  	[tilespmem:$0x1F4B0] =	vst v22;
	v22 =	vld [tilespmem:$0x780]  }
0x74: {  	[tilespmem:$0x1F930] =	vst v44;
	v44 =	vld [tilespmem:$0x980]  }
0x75: {  	v0 =	vadd.f32 v2, v0;
	v2 =	vld [tilespmem:$0x300]  }
0x76: {  	v4 =	vadd.f32 v7, v4;
	v7 =	vld [tilespmem:$0x290]  }
0x77: {  	v0 =	vadd.f32 v3, v0;
	v3 =	vld [tilespmem:$0x380]  }
0x78: {  	v4 =	vadd.f32 v8, v4;
	v8 =	vld [tilespmem:$0x310]  }
0x79: {  	[tilespmem:$0x1F970] =	vst v44;
	v44 =	vld [tilespmem:$0xA00]  }
0x7a: {  	v0 =	vadd.f32 v6, v0;
	v6 =	vld [tilespmem:$0x1400]  }
0x7b: {  	v4 =	vadd.f32 v5, v4;
	v5 =	vld [tilespmem:$0x390]  }
0x7c: {  	v0 =	vadd.f32 v1, v0;
	v1 =	vld [tilespmem:$0x1480]  }
0x7d: {  	v4 =	vadd.f32 v7, v4;
	v7 =	vld [tilespmem:$0x1410]  }
0x7e: {  	v0 =	vadd.f32 v2, v0;
	[tilespmem:$0x1F9C0] =	vst v44;
	v44 =	vld [tilespmem:$0xA80]  }
0x7f: {  	v2 =	vld [tilespmem:$0x1500]  }
0x80: {  	v4 =	vadd.f32 v8, v4;
	v8 =	vld [tilespmem:$0x1490];
	v0 =	vadd.f32 v3, v0  }
0x81: {  	v3 =	vld [tilespmem:$0x1580]  }
0x82: {  	v4 =	vadd.f32 v5, v4;
	v5 =	vld [tilespmem:$0x1510];
	v0 =	vadd.f32 v6, v0  }
0x83: {  	[tilespmem:$0x1FA00] =	vst v44;
	v44 =	vld [tilespmem:$0xB00]  }
0x84: {  	[tilespmem:$0x1F530] =	vst v56;
	v56 =	vld [tilespmem:$0x420];
	v0 =	vadd.f32 v1, v0;
	v1 =	vadd.f32 v7, v4  }
0x85: {  	[tilespmem:$0x1F570] =	vst v58;
	v6 =	vld [tilespmem:$0x1590]  }
0x86: {  	[tilespmem:$0x1F5E0] =	vst v63;
	v63 =	vld [tilespmem:$0x4A0];
	v0 =	vadd.f32 v2, v0;
	v1 =	vadd.f32 v8, v1  }
0x87: {  	[tilespmem:$0x1F5A0] =	vst v62;
	v58 =	vld [tilespmem:$0x520]  }
0x88: {  	v0 =	vadd.f32 v3, v0;
	v1 =	vadd.f32 v5, v1;
	[tilespmem:$0x1FA40] =	vst v44;
	v44 =	vld [tilespmem:$0xB80]  }
0x89: {  	[tilespmem:$0x1F610] =	vst v50;
	v62 =	vld [tilespmem:$0x5A0]  }
0x8a: {  	[tilespmem:$0x1F650] =	vst v51;
	v50 =	vld [tilespmem:$0x620];
	v2 =	vxor.u32 $0x7FFFFFFF, v0;
	vm0 =	vlt.s32 v0, $0x0;
	v1 =	vadd.f32 v6, v1  }
0x8b: {  	v51 =	vld [tilespmem:$0x6A0];
	[tilespmem:$0x2800] =	vst v0;
	v0 =	vsel vm0, v2, v0  }
0x8c: {  	v34 =	vadd.f32 v34, v37;
	v37 =	vld [tilespmem:$0x830];
	[tilespmem:$0x2A80] =	vst v0;
	v0 =	vxor.u32 $0x7FFFFFFF, v1;
	vm6 =	vlt.s32 v1, $0x0  }
0x8d: {  	v0 =	vsel vm6, v0, v1;
	[tilespmem:$0x1FA80] =	vst v44;
	v44 =	vld [tilespmem:$0x1C00]  }
0x8e: {  	[tilespmem:$0x2A90] =	vst v0;
	v0 =	vld [tilespmem:$0x1520]  }
0x8f: {  	[tilespmem:$0x1F410] =	vst v14;
	v14 =	vld [tilespmem:$0x15D0]  }
0x90: {  	[tilespmem:$0x1F480] =	vst v15;
	v15 =	vld [tilespmem:$0x1470]  }
0x91: {  	[tilespmem:$0x1F4E0] =	vst v22;
	v22 =	vld [tilespmem:$0x1800]  }
0x92: {  	[tilespmem:$0x1FAC0] =	vst v44;
	v44 =	vld [tilespmem:$0x1C80]  }
0x93: {  	[tilespmem:$0x1F380] =	vst v0;
	v0 =	vld [tilespmem:$0x15A0]  }
0x94: {  	[tilespmem:$0x1F540] =	vst v56;
	v56 =	vld [tilespmem:$0x720]  }
0x95: {  	[tilespmem:$0x1F580] =	vst v58;
	v58 =	vld [tilespmem:$0x7A0]  }
0x96: {  	[tilespmem:$0x1F5B0] =	vst v62;
	v62 =	vld [tilespmem:$0x1820]  }
0x97: {  	[tilespmem:$0x1FB10] =	vst v44;
	v44 =	vld [tilespmem:$0x1D00]  }
0x98: {  	[tilespmem:$0x1F3A0] =	vst v0;
	v0 =	vld [tilespmem:$0x14B0]  }
0x99: {  	[tilespmem:$0x2810] =	vst v1;
	v1 =	vld [tilespmem:$0x14A0]  }
0x9a: {  	v4 =	vld [tilespmem:$0xB0]  }
0x9b: {  	v8 =	vld [tilespmem:$0x130]  }
0x9c: {  	[tilespmem:$0x1FB40] =	vst v44;
	v44 =	vld [tilespmem:$0x1D80]  }
0x9d: {  	[tilespmem:$0x1F390] =	vst v0;
	v0 =	vld [tilespmem:$0x1530]  }
0x9e: {  	[tilespmem:$0x1F370] =	vst v1;
	v1 =	vld [tilespmem:$0x14C0]  }
0x9f: {  	v6 =	vld [tilespmem:$0x30]  }
0xa0: {  	v2 =	vld [tilespmem:$0x1420]  }
0xa1: {  	[tilespmem:$0x1FB90] =	vst v44;
	v44 =	vld [tilespmem:$0x810]  }
0xa2: {  	[tilespmem:$0x1F3B0] =	vst v0;
	v0 =	vld [tilespmem:$0x15B0]  }
0xa3: {  	[tilespmem:$0x1F3D0] =	vst v1;
	v1 =	vld [tilespmem:$0x1540]  }
0xa4: {  	v4 =	vadd.f32 v4, v6;
	v6 =	vld [tilespmem:$0x8B0]  }
0xa5: {  	[tilespmem:$0x1F360] =	vst v2;
	v2 =	vld [tilespmem:$0x40]  }
0xa6: {  	[tilespmem:$0x1F990] =	vst v44;
	v44 =	vld [tilespmem:$0x890]  }
0xa7: {  	[tilespmem:$0x1F3C0] =	vst v0;
	v0 =	vld [tilespmem:$0xC0]  }
0xa8: {  	[tilespmem:$0x1F3E0] =	vst v1;
	v1 =	vld [tilespmem:$0x15C0]  }
0xa9: {  	[tilespmem:$0x1F5F0] =	vst v50;
	v50 =	vld [tilespmem:$0x18A0]  }
0xaa: {  	[tilespmem:$0x1F620] =	vst v51;
	v3 =	vld [tilespmem:$0x50];
	v4 =	vadd.f32 v8, v4  }
0xab: {  	v34 =	vadd.f32 v35, v34;
	[tilespmem:$0x1F9A0] =	vst v44;
	v44 =	vld [tilespmem:$0x910]  }
0xac: {  	v4 =	vadd.f32 v10, v4;
	[tilespmem:$0x1FB60] =	vst v6;
	v0 =	vadd.f32 v0, v2;
	v2 =	vld [tilespmem:$0xAB0]  }
0xad: {  	v6 =	vadd.f32 v39, v34;
	[tilespmem:$0x1F3F0] =	vst v1;
	v1 =	vld [tilespmem:$0xD0]  }
0xae: {  	v51 =	vld [tilespmem:$0x1920];
	[tilespmem:$0x1F430] =	vst v14;
	v4 =	vadd.f32 v12, v4  }
0xaf: {  	v14 =	vld [tilespmem:$0x2E0];
	[tilespmem:$0x1F4A0] =	vst v15;
	v6 =	vadd.f32 v42, v6  }
0xb0: {  	v4 =	vadd.f32 v18, v4;
	[tilespmem:$0x1F9E0] =	vst v44;
	v44 =	vld [tilespmem:$0x990]  }
0xb1: {  	v15 =	vld [tilespmem:$0x14F0];
	[tilespmem:$0x1FC40] =	vst v2;
	v2 =	vadd.f32 v48, v6  }
0xb2: {  	v1 =	vadd.f32 v1, v3;
	v3 =	vadd.f32 v28, v4;
	v4 =	vld [tilespmem:$0x1F360]  }
0xb3: {  	[tilespmem:$0x1F520] =	vst v22;
	v22 =	vld [tilespmem:$0x1880];
	v2 =	vadd.f32 v53, v2  }
0xb4: {  	[tilespmem:$0x1F660] =	vst v56;
	v56 =	vld [tilespmem:$0x19A0]  }
0xb5: {  	v2 =	vadd.f32 v45, v2;
	[tilespmem:$0x1FA20] =	vst v44;
	v44 =	vld [tilespmem:$0xA10]  }
0xb6: {  	[tilespmem:$0x1F710] =	vst v50;
	v50 =	vld [tilespmem:$0x4B0]  }
0xb7: {  	v2 =	vadd.f32 v4, v2;
	v4 =	vld [tilespmem:$0x1F370]  }
0xb8: {  	[tilespmem:$0x1F690] =	vst v58;
	v58 =	vld [tilespmem:$0x530]  }
0xb9: {  	[tilespmem:$0x1F6D0] =	vst v62;
	v62 =	vld [tilespmem:$0x5B0]  }
0xba: {  	[tilespmem:$0x1FA60] =	vst v44;
	v44 =	vld [tilespmem:$0xA90]  }
0xbb: {  	[tilespmem:$0x1F750] =	vst v51;
	v51 =	vld [tilespmem:$0x630]  }
0xbc: {  	v2 =	vadd.f32 v4, v2;
	v4 =	vld [tilespmem:$0x940]  }
0xbd: {  	[tilespmem:$0x1F420] =	vst v14;
	v14 =	vld [tilespmem:$0x360]  }
0xbe: {  	[tilespmem:$0x1F4D0] =	vst v15;
	v15 =	vld [tilespmem:$0x1570]  }
0xbf: {  	[tilespmem:$0x1FAA0] =	vst v44;
	v44 =	vld [tilespmem:$0xB10]  }
0xc0: {  	[tilespmem:$0x1F560] =	vst v22;
	v22 =	vld [tilespmem:$0x1900]  }
0xc1: {  	[tilespmem:$0x1FC10] =	vst v4;
	v4 =	vld [tilespmem:$0x1F380]  }
0xc2: {  	[tilespmem:$0x1F790] =	vst v56;
	v56 =	vld [tilespmem:$0x430]  }
0xc3: {  	[tilespmem:$0x1F5D0] =	vst v58;
	v58 =	vld [tilespmem:$0x6B0]  }
0xc4: {  	[tilespmem:$0x1FAD0] =	vst v44;
	v44 =	vld [tilespmem:$0xB90]  }
0xc5: {  	[tilespmem:$0x1F600] =	vst v62;
	v62 =	vld [tilespmem:$0x730]  }
0xc6: {  	v2 =	vadd.f32 v4, v2;
	v4 =	vld [tilespmem:$0xA40]  }
0xc7: {  	[tilespmem:$0x1F630] =	vst v51;
	v51 =	vld [tilespmem:$0x7B0]  }
0xc8: {  	v7 =	vld [tilespmem:$0x150]  }
0xc9: {  	[tilespmem:$0x1FB20] =	vst v44;
	v44 =	vld [tilespmem:$0x1C10]  }
0xca: {  	v5 =	vld [tilespmem:$0x140]  }
0xcb: {  	[tilespmem:$0x1FC80] =	vst v4;
	v4 =	vld [tilespmem:$0x1F390]  }
0xcc: {  	[tilespmem:$0x1F440] =	vst v14;
	v14 =	vld [tilespmem:$0x3E0];
	v3 =	vadd.f32 v38, v3  }
0xcd: {  	[tilespmem:$0x1F510] =	vst v15;
	v15 =	vld [tilespmem:$0x15F0]  }
0xce: {  	v3 =	vadd.f32 v47, v3;
	[tilespmem:$0x1FB70] =	vst v44;
	v44 =	vld [tilespmem:$0x1C90]  }
0xcf: {  	[tilespmem:$0x1F590] =	vst v22;
	v22 =	vld [tilespmem:$0x1980]  }
0xd0: {  	v3 =	vadd.f32 v4, v3;
	v4 =	vld [tilespmem:$0x1F3A0]  }
0xd1: {  	[tilespmem:$0x1F670] =	vst v58;
	v58 =	vld [tilespmem:$0x1830]  }
0xd2: {  	[tilespmem:$0x1F6B0] =	vst v62;
	v62 =	vld [tilespmem:$0x18B0]  }
0xd3: {  	[tilespmem:$0x1FBB0] =	vst v44;
	v44 =	vld [tilespmem:$0x1D10]  }
0xd4: {  	[tilespmem:$0x1F450] =	vst v14;
	v14 =	vld [tilespmem:$0x1460]  }
0xd5: {  	[tilespmem:$0x1F6F0] =	vst v51;
	v51 =	vld [tilespmem:$0x1930];
	v2 =	vadd.f32 v4, v2  }
0xd6: {  	[tilespmem:$0x1F550] =	vst v15;
	v15 =	vld [tilespmem:$0x480]  }
0xd7: {  	[tilespmem:$0x1FF30] =	vst v2;
	v2 =	vld [tilespmem:$0x1F3B0]  }
0xd8: {  	v0 =	vadd.f32 v5, v0;
	[tilespmem:$0x1FBE0] =	vst v44;
	v44 =	vld [tilespmem:$0x1D90]  }
0xd9: {  	[tilespmem:$0x1F470] =	vst v14;
	v14 =	vld [tilespmem:$0x14E0]  }
0xda: {  	v0 =	vadd.f32 v9, v0;
	v4 =	vld [tilespmem:$0x1F3C0]  }
0xdb: {  	[tilespmem:$0x1F770] =	vst v62;
	v62 =	vld [tilespmem:$0x540]  }
0xdc: {  	[tilespmem:$0x1F5C0] =	vst v22;
	v22 =	vld [tilespmem:$0x490];
	v0 =	vadd.f32 v13, v0  }
0xdd: {  	v2 =	vadd.f32 v2, v3;
	[tilespmem:$0x1FC20] =	vst v44;
	v44 =	vld [tilespmem:$0x820]  }
0xde: {  	[tilespmem:$0x1F490] =	vst v14;
	v14 =	vld [tilespmem:$0x1560];
	v0 =	vadd.f32 v20, v0  }
0xdf: {  	[tilespmem:$0x1F730] =	vst v58;
	v3 =	vld [tilespmem:$0xBC0];
	v2 =	vadd.f32 v4, v2  }
0xe0: {  	[tilespmem:$0x1F640] =	vst v62;
	v62 =	vld [tilespmem:$0x5C0];
	v0 =	vadd.f32 v29, v0  }
0xe1: {  	[tilespmem:$0x1FF40] =	vst v2;
	v2 =	vld [tilespmem:$0x1F3D0]  }
0xe2: {  	v0 =	vadd.f32 v40, v0;
	[tilespmem:$0x1FAE0] =	vst v44;
	v44 =	vld [tilespmem:$0x8A0]  }
0xe3: {  	[tilespmem:$0x1F4C0] =	vst v14;
	v14 =	vld [tilespmem:$0x15E0]  }
0xe4: {  	v58 =	vld [tilespmem:$0x19B0];
	v0 =	vadd.f32 v49, v0;
	[tilespmem:$0x1FCF0] =	vst v3;
	v3 =	vadd.f32 v21, v24  }
0xe5: {  	[tilespmem:$0x1F680] =	vst v62;
	v62 =	vld [tilespmem:$0x640]  }
0xe6: {  	v0 =	vadd.f32 v2, v0;
	v2 =	vadd.f32 v31, v3;
	v3 =	vld [tilespmem:$0x1F3E0]  }
0xe7: {  	[tilespmem:$0x1FAF0] =	vst v44;
	v44 =	vld [tilespmem:$0x920]  }
0xe8: {  	[tilespmem:$0x1F4F0] =	vst v14;
	v14 =	vld [tilespmem:$0xF0]  }
0xe9: {  	v4 =	vld [tilespmem:$0x1F3F0]  }
0xea: {  	[tilespmem:$0x1F7B0] =	vst v51;
	v51 =	vld [tilespmem:$0x4C0]  }
0xeb: {  	v8 =	vld [tilespmem:$0x9B0]  }
0xec: {  	v0 =	vadd.f32 v3, v0;
	[tilespmem:$0x1FB30] =	vst v44;
	v44 =	vld [tilespmem:$0x9A0]  }
0xed: {  	[tilespmem:$0x1F6C0] =	vst v62;
	v62 =	vld [tilespmem:$0x6C0];
	v1 =	vadd.f32 v7, v1  }
0xee: {  	[tilespmem:$0x1F800] =	vst v58;
	v58 =	vld [tilespmem:$0x440];
	v3 =	vadd.f32 v14, v19;
	v0 =	vadd.f32 v4, v0  }
0xef: {  	v10 =	vld [tilespmem:$0x1D30];
	v1 =	vadd.f32 v11, v1  }
0xf0: {  	[tilespmem:$0x1FF50] =	vst v0;
	v0 =	vadd.f32 v26, v3;
	v3 =	vld [tilespmem:$0x8D0]  }
0xf1: {  	v1 =	vadd.f32 v16, v1;
	[tilespmem:$0x1FB80] =	vst v44;
	v44 =	vld [tilespmem:$0xA20]  }
0xf2: {  	[tilespmem:$0x1F700] =	vst v62;
	v62 =	vld [tilespmem:$0x740]  }
0xf3: {  	v12 =	vld [tilespmem:$0x9C0];
	v1 =	vadd.f32 v61, v1  }
0xf4: {  	[tilespmem:$0x1FBD0] =	vst v8;
	v8 =	vld [tilespmem:$0xA30]  }
0xf5: {  	v1 =	vadd.f32 v33, v1;
	[tilespmem:$0x1FC60] =	vst v3;
	v3 =	vld [tilespmem:$0x1F400]  }
0xf6: {  	[tilespmem:$0x1FBC0] =	vst v44;
	v44 =	vld [tilespmem:$0xAA0]  }
0xf7: {  	[tilespmem:$0x1F740] =	vst v62;
	v62 =	vld [tilespmem:$0x7C0];
	v1 =	vadd.f32 v41, v1  }
0xf8: {  	v4 =	vld [tilespmem:$0x1F410]  }
0xf9: {  	v18 =	vld [tilespmem:$0xAC0];
	v1 =	vadd.f32 v55, v1  }
0xfa: {  	[tilespmem:$0x1FC00] =	vst v8;
	v8 =	vld [tilespmem:$0x9D0]  }
0xfb: {  	v1 =	vadd.f32 v3, v1;
	[tilespmem:$0x1FBF0] =	vst v44;
	v44 =	vld [tilespmem:$0xB20]  }
0xfc: {  	[tilespmem:$0x1F780] =	vst v62;
	v62 =	vld [tilespmem:$0x1840]  }
0xfd: {  	v1 =	vadd.f32 v4, v1;
	v4 =	vld [tilespmem:$0x1F420]  }
0xfe: {  	v11 =	vld [tilespmem:$0x1DC0];
	v2 =	vadd.f32 v32, v2  }
0xff: {  	v16 =	vld [tilespmem:$0x1D40]  }
0x100: {  	v2 =	vadd.f32 v52, v2;
	[tilespmem:$0x1FC30] =	vst v44;
	v44 =	vld [tilespmem:$0xBA0]  }
0x101: {  	[tilespmem:$0x1F7C0] =	vst v62;
	v62 =	vld [tilespmem:$0x18C0]  }
0x102: {  	v2 =	vadd.f32 v4, v2;
	v4 =	vld [tilespmem:$0xA50]  }
0x103: {  	v5 =	vld [tilespmem:$0xBB0]  }
0x104: {  	v9 =	vld [tilespmem:$0x1DB0]  }
0x105: {  	[tilespmem:$0x1FC50] =	vst v44;
	v44 =	vld [tilespmem:$0x1C20]  }
0x106: {  	[tilespmem:$0x1F810] =	vst v62;
	v62 =	vld [tilespmem:$0x1940]  }
0x107: {  	[tilespmem:$0x1FCE0] =	vst v4;
	v4 =	vld [tilespmem:$0x1F430]  }
0x108: {  	v33 =	vld [tilespmem:$0x1C40]  }
0x109: {  	v6 =	vld [tilespmem:$0xB30]  }
0x10a: {  	[tilespmem:$0x1FC90] =	vst v44;
	v44 =	vld [tilespmem:$0x1CA0]  }
0x10b: {  	v48 =	vld [tilespmem:$0x1CB0]  }
0x10c: {  	[tilespmem:$0x1F840] =	vst v62;
	v62 =	vld [tilespmem:$0x19C0];
	v1 =	vadd.f32 v4, v1  }
0x10d: {  	v13 =	vld [tilespmem:$0x840]  }
0x10e: {  	[tilespmem:$0x1FF60] =	vst v1;
	v1 =	vld [tilespmem:$0x1F440]  }
0x10f: {  	[tilespmem:$0x1FCB0] =	vst v44;
	v44 =	vld [tilespmem:$0x1D20]  }
0x110: {  	[tilespmem:$0x1FCA0] =	vst v5;
	v5 =	vld [tilespmem:$0x1C30]  }
0x111: {  	[tilespmem:$0x1F890] =	vst v62;
	v62 =	vld [tilespmem:$0x450]  }
0x112: {  	v20 =	vld [tilespmem:$0xB40]  }
0x113: {  	v1 =	vadd.f32 v1, v2;
	v2 =	vld [tilespmem:$0xB50]  }
0x114: {  	v3 =	vadd.f32 v15, v17;
	[tilespmem:$0x1FCD0] =	vst v44;
	v44 =	vld [tilespmem:$0x1DA0]  }
0x115: {  	[tilespmem:$0x1FC70] =	vst v6;
	v6 =	vld [tilespmem:$0x8C0]  }
0x116: {  	[tilespmem:$0x1F6A0] =	vst v62;
	v62 =	vld [tilespmem:$0x4D0];
	v3 =	vadd.f32 v25, v3  }
0x117: {  	v4 =	vld [tilespmem:$0x1C50]  }
0x118: {  	[tilespmem:$0x1FD10] =	vst v2;
	v2 =	vadd.f32 v36, v3;
	v3 =	vld [tilespmem:$0xBD0]  }
0x119: {  	[tilespmem:$0x1FD00] =	vst v44;
	v44 =	vld [tilespmem:$0x930]  }
0x11a: {  	[tilespmem:$0x1FB50] =	vst v37;
	v21 =	vld [tilespmem:$0x1CC0]  }
0x11b: {  	[tilespmem:$0x1FCC0] =	vst v5;
	v14 =	vld [tilespmem:$0x850]  }
0x11c: {  	v19 =	vld [tilespmem:$0x950];
	[tilespmem:$0x1FD70] =	vst v4  }
0x11d: {  	v25 =	vld [tilespmem:$0xAD0];
	[tilespmem:$0x1FD40] =	vst v3  }
0x11e: {  	v0 =	vadd.f32 v27, v0;
	v3 =	vld [tilespmem:$0x1F450];
	[tilespmem:$0x1FBA0] =	vst v44  }
0x11f: {  	v4 =	vld [tilespmem:$0x1F460]  }
0x120: {  	v0 =	vadd.f32 v30, v0;
	_ =	sdelay $0x1  }
0x121: {  	v0 =	vadd.f32 v57, v0;
	_ =	sdelay $0x1  }
0x122: {  	v0 =	vadd.f32 v4, v0;
	v4 =	vld [tilespmem:$0x1CD0];
	_ =	sdelay $0x4  }
0x123: {  	[tilespmem:$0x1FDA0] =	vst v4;
	v4 =	vld [tilespmem:$0x1F470];
	_ =	sdelay $0x2  }
0x124: {  	v1 =	vadd.f32 v3, v1;
	_ =	sdelay $0x1  }
0x125: {  	v1 =	vadd.f32 v4, v1;
	v4 =	vld [tilespmem:$0x1D50];
	_ =	sdelay $0x4  }
0x126: {  	[tilespmem:$0x1FDD0] =	vst v4;
	v4 =	vld [tilespmem:$0x1F480];
	_ =	sdelay $0x4  }
0x127: {  	v0 =	vadd.f32 v4, v0;
	v4 =	vld [tilespmem:$0x1DD0];
	_ =	sdelay $0x4  }
0x128: {  	[tilespmem:$0x1FE00] =	vst v4;
	v4 =	vld [tilespmem:$0x1F490];
	_ =	sdelay $0x4  }
0x129: {  	v1 =	vadd.f32 v4, v1;
	v4 =	vld [tilespmem:$0x860];
	_ =	sdelay $0x4  }
0x12a: {  	[tilespmem:$0x1FD20] =	vst v4;
	v4 =	vld [tilespmem:$0x1F4A0];
	_ =	sdelay $0x4  }
0x12b: {  	v0 =	vadd.f32 v4, v0;
	v4 =	vld [tilespmem:$0x1F4B0]  }
0x12c: {  	v2 =	vadd.f32 v46, v2;
	_ =	sdelay $0x1  }
0x12d: {  	v2 =	vadd.f32 v60, v2;
	_ =	sdelay $0x1  }
0x12e: {  	v2 =	vadd.f32 v4, v2;
	v4 =	vld [tilespmem:$0x8E0];
	_ =	sdelay $0x4  }
0x12f: {  	[tilespmem:$0x1FD30] =	vst v4;
	v4 =	vld [tilespmem:$0x1F4C0];
	_ =	sdelay $0x4  }
0x130: {  	v1 =	vadd.f32 v4, v1;
	v4 =	vld [tilespmem:$0x960];
	_ =	sdelay $0x4  }
0x131: {  	[tilespmem:$0x1FD50] =	vst v4;
	v4 =	vld [tilespmem:$0x1F4D0];
	_ =	sdelay $0x4  }
0x132: {  	v0 =	vadd.f32 v4, v0;
	v4 =	vld [tilespmem:$0x1F4E0];
	_ =	sdelay $0x4  }
0x133: {  	v2 =	vadd.f32 v4, v2;
	v4 =	vld [tilespmem:$0x9E0];
	_ =	sdelay $0x4  }
0x134: {  	[tilespmem:$0x1FD80] =	vst v4;
	v4 =	vld [tilespmem:$0x1F4F0];
	_ =	sdelay $0x3  }
0x135: {  	v3 =	vadd.f32 v22, v23  }
0x136: {  	v1 =	vadd.f32 v4, v1  }
0x137: {  	v3 =	vadd.f32 v59, v3  }
0x138: {  	[tilespmem:$0x1FF70] =	vst v1;
	v1 =	vld [tilespmem:$0x1F500]  }
0x139: {  	v3 =	vadd.f32 v43, v3;
	_ =	sdelay $0x1  }
0x13a: {  	v3 =	vadd.f32 v54, v3;
	_ =	sdelay $0x1  }
0x13b: {  	v1 =	vadd.f32 v1, v3;
	v3 =	vld [tilespmem:$0xA60];
	_ =	sdelay $0x1  }
0x13c: {  	v4 =	vld [tilespmem:$0xB60];
	_ =	sdelay $0x2  }
0x13d: {  	[tilespmem:$0x1FDB0] =	vst v3;
	v3 =	vld [tilespmem:$0x1F510];
	_ =	sdelay $0x1  }
0x13e: {  	[tilespmem:$0x1FE10] =	vst v4;
	v4 =	vld [tilespmem:$0x1F550];
	_ =	sdelay $0x2  }
0x13f: {  	v0 =	vadd.f32 v3, v0;
	_ =	sdelay $0x1  }
0x140: {  	v3 =	vld [tilespmem:$0x1F520];
	v0 =	vadd.f32 v4, v0;
	_ =	sdelay $0x1  }
0x141: {  	[tilespmem:$0x1FF80] =	vst v0;
	v0 =	vld [tilespmem:$0x1F560];
	_ =	sdelay $0x2  }
0x142: {  	v2 =	vadd.f32 v3, v2;
	v3 =	vld [tilespmem:$0xAE0];
	_ =	sdelay $0x1  }
0x143: {  	v0 =	vadd.f32 v0, v2;
	v2 =	vld [tilespmem:$0xBE0];
	_ =	sdelay $0x1  }
0x144: {  	v4 =	vld [tilespmem:$0x1CE0]  }
0x145: {  	[tilespmem:$0x1FDE0] =	vst v3;
	v3 =	vld [tilespmem:$0x1F530];
	_ =	sdelay $0x1  }
0x146: {  	[tilespmem:$0x1FE30] =	vst v2;
	v2 =	vld [tilespmem:$0x1F570];
	_ =	sdelay $0x1  }
0x147: {  	[tilespmem:$0x1FE70] =	vst v4;
	v4 =	vld [tilespmem:$0x1F5A0]  }
0x148: {  	v1 =	vadd.f32 v3, v1;
	v3 =	vld [tilespmem:$0x1F540];
	_ =	sdelay $0x1  }
0x149: {  	v1 =	vadd.f32 v2, v1;
	v2 =	vld [tilespmem:$0x1F580];
	_ =	sdelay $0x1  }
0x14a: {  	v1 =	vadd.f32 v4, v1;
	v4 =	vld [tilespmem:$0x1F5B0]  }
0x14b: {  	v3 =	vadd.f32 v63, v3;
	_ =	sdelay $0x1  }
0x14c: {  	v2 =	vadd.f32 v2, v3;
	v3 =	vld [tilespmem:$0x1C60];
	_ =	sdelay $0x1  }
0x14d: {  	v2 =	vadd.f32 v4, v2;
	v4 =	vld [tilespmem:$0x1D60];
	_ =	sdelay $0x2  }
0x14e: {  	[tilespmem:$0x1FE50] =	vst v3;
	v3 =	vld [tilespmem:$0x1F590];
	_ =	sdelay $0x1  }
0x14f: {  	[tilespmem:$0x1FE90] =	vst v4;
	v4 =	vld [tilespmem:$0x1F5C0];
	_ =	sdelay $0x2  }
0x150: {  	v0 =	vadd.f32 v3, v0;
	_ =	sdelay $0x1  }
0x151: {  	v0 =	vadd.f32 v4, v0;
	_ =	sdelay $0x1  }
0x152: {  	[tilespmem:$0x1FF90] =	vst v0;
	v0 =	vld [tilespmem:$0x1F5D0];
	_ =	sdelay $0x2  }
0x153: {  	v3 =	vadd.f32 v50, v56;
	_ =	sdelay $0x1  }
0x154: {  	v0 =	vadd.f32 v0, v3;
	v3 =	vld [tilespmem:$0x1DE0];
	_ =	sdelay $0x4  }
0x155: {  	[tilespmem:$0x1FEC0] =	vst v3;
	v3 =	vld [tilespmem:$0x1F5E0];
	_ =	sdelay $0x1  }
0x156: {  	v4 =	vld [tilespmem:$0x1F610];
	_ =	sdelay $0x2  }
0x157: {  	v1 =	vadd.f32 v3, v1;
	v3 =	vld [tilespmem:$0x1F5F0];
	_ =	sdelay $0x1  }
0x158: {  	v1 =	vadd.f32 v4, v1;
	v4 =	vld [tilespmem:$0x1F620];
	_ =	sdelay $0x2  }
0x159: {  	v2 =	vadd.f32 v3, v2;
	v3 =	vld [tilespmem:$0x870];
	_ =	sdelay $0x1  }
0x15a: {  	v2 =	vadd.f32 v4, v2;
	v4 =	vld [tilespmem:$0x970];
	_ =	sdelay $0x2  }
0x15b: {  	[tilespmem:$0x1FD60] =	vst v3;
	v3 =	vld [tilespmem:$0x1F600];
	_ =	sdelay $0x1  }
0x15c: {  	[tilespmem:$0x1FD90] =	vst v4;
	v4 =	vld [tilespmem:$0x1F630];
	_ =	sdelay $0x2  }
0x15d: {  	v0 =	vadd.f32 v3, v0;
	_ =	sdelay $0x1  }
0x15e: {  	v0 =	vadd.f32 v4, v0;
	v4 =	vld [tilespmem:$0x1F640];
	_ =	sdelay $0x2  }
0x15f: {  	v3 =	vadd.f32 v51, v58;
	_ =	sdelay $0x1  }
0x160: {  	v3 =	vadd.f32 v4, v3;
	v4 =	vld [tilespmem:$0x9F0];
	_ =	sdelay $0x4  }
0x161: {  	[tilespmem:$0x1FDC0] =	vst v4;
	v4 =	vld [tilespmem:$0x1F650];
	_ =	sdelay $0x4  }
0x162: {  	v1 =	vadd.f32 v4, v1;
	_ =	sdelay $0x1  }
0x163: {  	[tilespmem:$0x1FFA0] =	vst v1;
	v1 =	vld [tilespmem:$0x1F660];
	_ =	sdelay $0x4  }
0x164: {  	v1 =	vadd.f32 v1, v2;
	v2 =	vld [tilespmem:$0xA70];
	_ =	sdelay $0x1  }
0x165: {  	v4 =	vld [tilespmem:$0xB70];
	_ =	sdelay $0x2  }
0x166: {  	[tilespmem:$0x1FDF0] =	vst v2;
	v2 =	vld [tilespmem:$0x1F670];
	_ =	sdelay $0x1  }
0x167: {  	[tilespmem:$0x1FE40] =	vst v4;
	v4 =	vld [tilespmem:$0x1F6B0];
	_ =	sdelay $0x2  }
0x168: {  	v0 =	vadd.f32 v2, v0;
	v2 =	vld [tilespmem:$0x1F680];
	_ =	sdelay $0x1  }
0x169: {  	v0 =	vadd.f32 v4, v0;
	v4 =	vld [tilespmem:$0x1F6C0];
	_ =	sdelay $0x2  }
0x16a: {  	v2 =	vadd.f32 v2, v3;
	v3 =	vld [tilespmem:$0xAF0];
	_ =	sdelay $0x1  }
0x16b: {  	v2 =	vadd.f32 v4, v2;
	v4 =	vld [tilespmem:$0xBF0];
	_ =	sdelay $0x2  }
0x16c: {  	[tilespmem:$0x1FE20] =	vst v3;
	v3 =	vld [tilespmem:$0x1F690];
	_ =	sdelay $0x1  }
0x16d: {  	[tilespmem:$0x1FE60] =	vst v4;
	v4 =	vld [tilespmem:$0x1F6D0];
	_ =	sdelay $0x2  }
0x16e: {  	v1 =	vadd.f32 v3, v1;
	v3 =	vld [tilespmem:$0x1F6A0];
	_ =	sdelay $0x1  }
0x16f: {  	v1 =	vadd.f32 v4, v1;
	v4 =	vld [tilespmem:$0x1F6E0];
	_ =	sdelay $0x2  }
0x170: {  	v3 =	vadd.f32 v62, v3;
	_ =	sdelay $0x1  }
0x171: {  	v3 =	vadd.f32 v4, v3;
	v4 =	vld [tilespmem:$0x1C70];
	_ =	sdelay $0x4  }
0x172: {  	[tilespmem:$0x1FE80] =	vst v4;
	v4 =	vld [tilespmem:$0x1F6F0];
	_ =	sdelay $0x4  }
0x173: {  	v0 =	vadd.f32 v4, v0;
	v4 =	vld [tilespmem:$0x1F700];
	_ =	sdelay $0x4  }
0x174: {  	v2 =	vadd.f32 v4, v2;
	v4 =	vld [tilespmem:$0x1CF0];
	_ =	sdelay $0x4  }
0x175: {  	[tilespmem:$0x1FEA0] =	vst v4;
	v4 =	vld [tilespmem:$0x1F710];
	_ =	sdelay $0x4  }
0x176: {  	v1 =	vadd.f32 v4, v1;
	v4 =	vld [tilespmem:$0x1F720];
	_ =	sdelay $0x4  }
0x177: {  	v3 =	vadd.f32 v4, v3;
	v4 =	vld [tilespmem:$0x1D70];
	_ =	sdelay $0x4  }
0x178: {  	[tilespmem:$0x1FED0] =	vst v4;
	v4 =	vld [tilespmem:$0x1F730];
	_ =	sdelay $0x4  }
0x179: {  	v0 =	vadd.f32 v4, v0;
	v4 =	vld [tilespmem:$0x1F740];
	_ =	sdelay $0x4  }
0x17a: {  	v2 =	vadd.f32 v4, v2;
	v4 =	vld [tilespmem:$0x1DF0];
	_ =	sdelay $0x4  }
0x17b: {  	[tilespmem:$0x1FEF0] =	vst v4;
	v4 =	vld [tilespmem:$0x1F750];
	_ =	sdelay $0x4  }
0x17c: {  	v1 =	vadd.f32 v4, v1;
	v4 =	vld [tilespmem:$0x1F760];
	_ =	sdelay $0x4  }
0x17d: {  	v3 =	vadd.f32 v4, v3;
	v4 =	vld [tilespmem:$0x1F770];
	_ =	sdelay $0x4  }
0x17e: {  	v0 =	vadd.f32 v4, v0;
	v4 =	vld [tilespmem:$0x1F780];
	_ =	sdelay $0x4  }
0x17f: {  	v2 =	vadd.f32 v4, v2;
	v4 =	vld [tilespmem:$0x1F790];
	_ =	sdelay $0x4  }
0x180: {  	v1 =	vadd.f32 v4, v1;
	_ =	sdelay $0x1  }
0x181: {  	[tilespmem:$0x1FFB0] =	vst v1;
	v1 =	vld [tilespmem:$0x1F7A0];
	_ =	sdelay $0x4  }
0x182: {  	v1 =	vadd.f32 v1, v3;
	v3 =	vld [tilespmem:$0x1F7B0];
	_ =	sdelay $0x4  }
0x183: {  	v0 =	vadd.f32 v3, v0;
	v3 =	vld [tilespmem:$0x1F7C0];
	_ =	sdelay $0x4  }
0x184: {  	v2 =	vadd.f32 v3, v2;
	v3 =	vld [tilespmem:$0x1F7D0];
	_ =	sdelay $0x3  }
0x185: {  	v4 =	vld [tilespmem:$0x1F7F0]  }
0x186: {  	v1 =	vadd.f32 v3, v1;
	v3 =	vld [tilespmem:$0x1F7E0];
	_ =	sdelay $0x4  }
0x187: {  	v3 =	vadd.f32 v4, v3;
	v4 =	vld [tilespmem:$0x1F800];
	_ =	sdelay $0x4  }
0x188: {  	v0 =	vadd.f32 v4, v0;
	_ =	sdelay $0x1  }
0x189: {  	[tilespmem:$0x1FFC0] =	vst v0;
	v0 =	vld [tilespmem:$0x1F810];
	_ =	sdelay $0x4  }
0x18a: {  	v0 =	vadd.f32 v0, v2;
	v2 =	vld [tilespmem:$0x1F820];
	_ =	sdelay $0x4  }
0x18b: {  	v1 =	vadd.f32 v2, v1;
	v2 =	vld [tilespmem:$0x1F830];
	_ =	sdelay $0x4  }
0x18c: {  	v2 =	vadd.f32 v2, v3;
	v3 =	vld [tilespmem:$0x1F840];
	_ =	sdelay $0x3  }
0x18d: {  	v4 =	vld [tilespmem:$0x1F860]  }
0x18e: {  	v0 =	vadd.f32 v3, v0;
	v3 =	vld [tilespmem:$0x1F850];
	_ =	sdelay $0x4  }
0x18f: {  	v3 =	vadd.f32 v4, v3;
	v4 =	vld [tilespmem:$0xF80];
	_ =	sdelay $0x4  }
0x190: {  	[tilespmem:$0x1FEB0] =	vst v4;
	v4 =	vld [tilespmem:$0x1F870];
	_ =	sdelay $0x4  }
0x191: {  	v1 =	vadd.f32 v4, v1;
	v4 =	vld [tilespmem:$0x1F880];
	_ =	sdelay $0x4  }
0x192: {  	v2 =	vadd.f32 v4, v2;
	v4 =	vld [tilespmem:$0x2000];
	_ =	sdelay $0x4  }
0x193: {  	[tilespmem:$0x1FEE0] =	vst v4;
	v4 =	vld [tilespmem:$0x1F890];
	_ =	sdelay $0x4  }
0x194: {  	v0 =	vadd.f32 v4, v0;
	_ =	sdelay $0x1  }
0x195: {  	[tilespmem:$0x1FFD0] =	vst v0;
	v0 =	vld [tilespmem:$0x1F8A0];
	_ =	sdelay $0x4  }
0x196: {  	v0 =	vadd.f32 v0, v3;
	v3 =	vld [tilespmem:$0x2080];
	_ =	sdelay $0x4  }
0x197: {  	[tilespmem:$0x1FF00] =	vst v3;
	v3 =	vld [tilespmem:$0x1F8B0];
	_ =	sdelay $0x4  }
0x198: {  	v1 =	vadd.f32 v3, v1;
	v3 =	vld [tilespmem:$0x1F8C0];
	_ =	sdelay $0x4  }
0x199: {  	v2 =	vadd.f32 v3, v2;
	v3 =	vld [tilespmem:$0x2100];
	_ =	sdelay $0x4  }
0x19a: {  	[tilespmem:$0x1FF10] =	vst v3;
	v3 =	vld [tilespmem:$0x1F8D0];
	_ =	sdelay $0x3  }
0x19b: {  	v4 =	vld [tilespmem:$0x1F8F0]  }
0x19c: {  	v0 =	vadd.f32 v3, v0;
	v3 =	vld [tilespmem:$0x1F8E0];
	_ =	sdelay $0x4  }
0x19d: {  	v3 =	vadd.f32 v4, v3;
	v4 =	vld [tilespmem:$0x2180];
	_ =	sdelay $0x4  }
0x19e: {  	[tilespmem:$0x1FF20] =	vst v4;
	v4 =	vld [tilespmem:$0x1F900];
	_ =	sdelay $0x4  }
0x19f: {  	v1 =	vadd.f32 v4, v1;
	v4 =	vld [tilespmem:$0x1F910];
	_ =	sdelay $0x4  }
0x1a0: {  	v2 =	vadd.f32 v4, v2;
	v4 =	vld [tilespmem:$0x1F920];
	_ =	sdelay $0x4  }
0x1a1: {  	v0 =	vadd.f32 v4, v0;
	v4 =	vld [tilespmem:$0x1F930];
	_ =	sdelay $0x4  }
0x1a2: {  	v3 =	vadd.f32 v4, v3;
	v4 =	vld [tilespmem:$0x1F940];
	_ =	sdelay $0x4  }
0x1a3: {  	v1 =	vadd.f32 v4, v1;
	_ =	sdelay $0x1  }
0x1a4: {  	[tilespmem:$0x1FFE0] =	vst v1;
	v1 =	vld [tilespmem:$0x1F950];
	_ =	sdelay $0x4  }
0x1a5: {  	v1 =	vadd.f32 v1, v2;
	v2 =	vld [tilespmem:$0x1F960];
	_ =	sdelay $0x4  }
0x1a6: {  	v0 =	vadd.f32 v2, v0;
	v2 =	vld [tilespmem:$0x1F970];
	_ =	sdelay $0x4  }
0x1a7: {  	v2 =	vadd.f32 v2, v3;
	v3 =	vld [tilespmem:$0x1F980];
	_ =	sdelay $0x3  }
0x1a8: {  	v4 =	vld [tilespmem:$0x1F9A0]  }
0x1a9: {  	v1 =	vadd.f32 v3, v1;
	v3 =	vld [tilespmem:$0x1F990];
	_ =	sdelay $0x4  }
0x1aa: {  	v3 =	vadd.f32 v4, v3;
	v4 =	vld [tilespmem:$0x1F9B0];
	_ =	sdelay $0x4  }
0x1ab: {  	v0 =	vadd.f32 v4, v0;
	v4 =	vld [tilespmem:$0x1F9C0];
	_ =	sdelay $0x4  }
0x1ac: {  	v2 =	vadd.f32 v4, v2;
	v4 =	vld [tilespmem:$0x1F9D0];
	_ =	sdelay $0x4  }
0x1ad: {  	v1 =	vadd.f32 v4, v1;
	v4 =	vld [tilespmem:$0x1F9E0];
	_ =	sdelay $0x4  }
0x1ae: {  	v3 =	vadd.f32 v4, v3;
	v4 =	vld [tilespmem:$0x1F9F0];
	_ =	sdelay $0x4  }
0x1af: {  	v0 =	vadd.f32 v4, v0;
	v4 =	vld [tilespmem:$0x1FA00];
	_ =	sdelay $0x4  }
0x1b0: {  	v2 =	vadd.f32 v4, v2;
	v4 =	vld [tilespmem:$0x1FA10];
	_ =	sdelay $0x4  }
0x1b1: {  	v1 =	vadd.f32 v4, v1;
	v4 =	vld [tilespmem:$0x1FA20];
	_ =	sdelay $0x4  }
0x1b2: {  	v3 =	vadd.f32 v4, v3;
	v4 =	vld [tilespmem:$0x1FA30];
	_ =	sdelay $0x4  }
0x1b3: {  	v0 =	vadd.f32 v4, v0;
	v4 =	vld [tilespmem:$0x1FA40];
	_ =	sdelay $0x4  }
0x1b4: {  	v2 =	vadd.f32 v4, v2;
	v4 =	vld [tilespmem:$0x1FA50];
	_ =	sdelay $0x4  }
0x1b5: {  	v1 =	vadd.f32 v4, v1;
	v4 =	vld [tilespmem:$0x1FA60];
	_ =	sdelay $0x4  }
0x1b6: {  	v3 =	vadd.f32 v4, v3;
	v4 =	vld [tilespmem:$0x1FA70];
	_ =	sdelay $0x4  }
0x1b7: {  	v0 =	vadd.f32 v4, v0;
	v4 =	vld [tilespmem:$0x1FA80];
	_ =	sdelay $0x4  }
0x1b8: {  	v4 =	vadd.f32 v4, v2;
	v2 =	vld [tilespmem:$0x1FA90];
	_ =	sdelay $0x4  }
0x1b9: {  	v55 =	vadd.f32 v2, v1;
	v1 =	vld [tilespmem:$0x1FAA0];
	_ =	sdelay $0x4  }
0x1ba: {  	v3 =	vadd.f32 v1, v3;
	v1 =	vld [tilespmem:$0x1FAB0];
	_ =	sdelay $0x4  }
0x1bb: {  	v0 =	vadd.f32 v1, v0;
	v1 =	vld [tilespmem:$0x1FAC0];
	_ =	sdelay $0x4  }
0x1bc: {  	v5 =	vadd.f32 v1, v4;
	v1 =	vld [tilespmem:$0x1FAD0];
	_ =	sdelay $0x3  }
0x1bd: {  	v2 =	vld [tilespmem:$0x1FAF0]  }
0x1be: {  	v3 =	vadd.f32 v1, v3;
	v1 =	vld [tilespmem:$0x1FAE0];
	_ =	sdelay $0x4  }
0x1bf: {  	v7 =	vadd.f32 v2, v1;
	v1 =	vld [tilespmem:$0x1FB00];
	_ =	sdelay $0x4  }
0x1c0: {  	v56 =	vadd.f32 v1, v0;
	v1 =	vld [tilespmem:$0x1FB20];
	_ =	sdelay $0x4  }
0x1c1: {  	v3 =	vadd.f32 v1, v3;
	v1 =	vld [tilespmem:$0x1FB30];
	_ =	sdelay $0x2  }
0x1c2: {  	v0 =	vld [tilespmem:$0x1FB10];
	_ =	sdelay $0x1  }
0x1c3: {  	v7 =	vadd.f32 v1, v7;
	v1 =	vld [tilespmem:$0x1FB40];
	_ =	sdelay $0x2  }
0x1c4: {  	v0 =	vadd.f32 v0, v5  }
0x1c5: {  	v2 =	vld [tilespmem:$0x1FB60]  }
0x1c6: {  	v0 =	vadd.f32 v1, v0;
	v1 =	vld [tilespmem:$0x1FB50];
	_ =	sdelay $0x4  }
0x1c7: {  	v15 =	vadd.f32 v2, v1;
	v1 =	vld [tilespmem:$0x1FB70];
	_ =	sdelay $0x4  }
0x1c8: {  	v3 =	vadd.f32 v1, v3;
	v1 =	vld [tilespmem:$0x1FB80];
	_ =	sdelay $0x4  }
0x1c9: {  	v7 =	vadd.f32 v1, v7;
	v1 =	vld [tilespmem:$0x1FB90];
	_ =	sdelay $0x4  }
0x1ca: {  	v0 =	vadd.f32 v1, v0;
	v1 =	vld [tilespmem:$0x1FBB0];
	_ =	sdelay $0x4  }
0x1cb: {  	v3 =	vadd.f32 v1, v3;
	v1 =	vld [tilespmem:$0x1FBC0];
	_ =	sdelay $0x2  }
0x1cc: {  	[tilespmem:$0x1FFF0] =	vst v0;
	v0 =	vld [tilespmem:$0x1FBA0];
	_ =	sdelay $0x1  }
0x1cd: {  	v7 =	vadd.f32 v1, v7;
	v1 =	vld [tilespmem:$0x1FBD0];
	_ =	sdelay $0x2  }
0x1ce: {  	v0 =	vadd.f32 v0, v15;
	_ =	sdelay $0x1  }
0x1cf: {  	v0 =	vadd.f32 v1, v0;
	v1 =	vld [tilespmem:$0x1FBE0];
	_ =	sdelay $0x1  }
0x1d0: {  	v2 =	vld [tilespmem:$0x1FC20];
	_ =	sdelay $0x2  }
0x1d1: {  	v3 =	vadd.f32 v1, v3;
	v1 =	vld [tilespmem:$0x1FBF0];
	_ =	sdelay $0x1  }
0x1d2: {  	v58 =	vadd.f32 v2, v3;
	v2 =	vld [tilespmem:$0x1FC30];
	_ =	sdelay $0x2  }
0x1d3: {  	v7 =	vadd.f32 v1, v7;
	v1 =	vld [tilespmem:$0x1FC00];
	_ =	sdelay $0x1  }
0x1d4: {  	v3 =	vadd.f32 v2, v7;
	v2 =	vld [tilespmem:$0x1FC40];
	_ =	sdelay $0x1  }
0x1d5: {  	v4 =	vld [tilespmem:$0x1FC70]  }
0x1d6: {  	v0 =	vadd.f32 v1, v0;
	v1 =	vld [tilespmem:$0x1FC10];
	_ =	sdelay $0x1  }
0x1d7: {  	v0 =	vadd.f32 v2, v0  }
0x1d8: {  	v30 =	vadd.f32 v6, v13  }
0x1d9: {  	v0 =	vadd.f32 v4, v0;
	v4 =	vld [tilespmem:$0x1FC80]  }
0x1da: {  	v1 =	vadd.f32 v1, v30;
	_ =	sdelay $0x1  }
0x1db: {  	v2 =	vld [tilespmem:$0x1FC50];
	v1 =	vadd.f32 v12, v1;
	_ =	sdelay $0x1  }
0x1dc: {  	v1 =	vadd.f32 v4, v1;
	v4 =	vld [tilespmem:$0x1FC90];
	_ =	sdelay $0x2  }
0x1dd: {  	v3 =	vadd.f32 v2, v3;
	_ =	sdelay $0x1  }
0x1de: {  	v3 =	vadd.f32 v4, v3;
	v4 =	vld [tilespmem:$0x1FCA0];
	_ =	sdelay $0x4  }
0x1df: {  	v0 =	vadd.f32 v4, v0;
	v4 =	vld [tilespmem:$0x1FCB0];
	_ =	sdelay $0x4  }
0x1e0: {  	v3 =	vadd.f32 v4, v3;
	v4 =	vld [tilespmem:$0x1FCC0];
	_ =	sdelay $0x3  }
0x1e1: {  	v2 =	vld [tilespmem:$0x1FC60]  }
0x1e2: {  	v0 =	vadd.f32 v4, v0;
	v4 =	vld [tilespmem:$0x1FCD0];
	_ =	sdelay $0x3  }
0x1e3: {  	v2 =	vadd.f32 v2, v14  }
0x1e4: {  	v3 =	vadd.f32 v4, v3;
	v4 =	vld [tilespmem:$0x1FCE0]  }
0x1e5: {  	v2 =	vadd.f32 v19, v2;
	_ =	sdelay $0x1  }
0x1e6: {  	v2 =	vadd.f32 v8, v2;
	_ =	sdelay $0x1  }
0x1e7: {  	v2 =	vadd.f32 v4, v2;
	v4 =	vld [tilespmem:$0x1FCF0]  }
0x1e8: {  	v44 =	vld [tilespmem:$0xC00];
	v1 =	vadd.f32 v18, v1  }
0x1e9: {  	v26 =	vld [tilespmem:$0xC80];
	v0 =	vadd.f32 v48, v0  }
0x1ea: {  	v47 =	vld [tilespmem:$0xD00];
	v1 =	vadd.f32 v20, v1  }
0x1eb: {  	v30 =	vadd.f32 v10, v0;
	v0 =	vld [tilespmem:$0x1FD10]  }
0x1ec: {  	v1 =	vadd.f32 v4, v1;
	v4 =	vld [tilespmem:$0x1FD00]  }
0x1ed: {  	v60 =	vld [tilespmem:$0xE00]  }
0x1ee: {  	v59 =	vld [tilespmem:$0xE80];
	v2 =	vadd.f32 v25, v2  }
0x1ef: {  	v57 =	vld [tilespmem:$0xF00]  }
0x1f0: {  	v2 =	vadd.f32 v0, v2;
	v0 =	vld [tilespmem:$0x1FD20]  }
0x1f1: {  	v48 =	vadd.f32 v4, v3;
	v3 =	vld [tilespmem:$0x1FD30]  }
0x1f2: {  	v34 =	vld [tilespmem:$0xC10]  }
0x1f3: {  	v27 =	vld [tilespmem:$0xC90]  }
0x1f4: {  	v31 =	vld [tilespmem:$0xD10]  }
0x1f5: {  	v36 =	vld [tilespmem:$0xD90]  }
0x1f6: {  	v0 =	vadd.f32 v3, v0;
	v3 =	vld [tilespmem:$0x1FD40]  }
0x1f7: {  	v37 =	vld [tilespmem:$0xE10]  }
0x1f8: {  	v41 =	vld [tilespmem:$0xE90]  }
0x1f9: {  	v43 =	vld [tilespmem:$0xF10]  }
0x1fa: {  	v45 =	vld [tilespmem:$0xF90]  }
0x1fb: {  	v2 =	vadd.f32 v3, v2;
	v3 =	vld [tilespmem:$0x1FD50]  }
0x1fc: {  	v49 =	vld [tilespmem:$0x2010]  }
0x1fd: {  	v53 =	vld [tilespmem:$0x2090]  }
0x1fe: {  	v61 =	vld [tilespmem:$0x2190]  }
0x1ff: {  	v51 =	vld [tilespmem:$0x8F0];
	v1 =	vadd.f32 v33, v1  }
0x200: {  	v0 =	vadd.f32 v3, v0;
	v3 =	vld [tilespmem:$0x1FD60]  }
0x201: {  	v29 =	vld [tilespmem:$0xC20];
	v1 =	vadd.f32 v21, v1  }
0x202: {  	v24 =	vld [tilespmem:$0xCA0]  }
0x203: {  	v28 =	vld [tilespmem:$0xD20];
	v1 =	vadd.f32 v16, v1  }
0x204: {  	v32 =	vld [tilespmem:$0xDA0]  }
0x205: {  	v3 =	vadd.f32 v51, v3;
	v51 =	vadd.f32 v11, v1;
	v1 =	vld [tilespmem:$0x1FD90]  }
0x206: {  	v35 =	vld [tilespmem:$0xE20]  }
0x207: {  	v38 =	vld [tilespmem:$0xEA0]  }
0x208: {  	v8 =	vld [tilespmem:$0x1FD70]  }
0x209: {  	v39 =	vld [tilespmem:$0xF20]  }
0x20a: {  	v1 =	vadd.f32 v1, v3;
	v3 =	vld [tilespmem:$0x1FDA0]  }
0x20b: {  	v40 =	vld [tilespmem:$0xFA0]  }
0x20c: {  	v42 =	vld [tilespmem:$0x2020]  }
0x20d: {  	v2 =	vadd.f32 v8, v2;
	v8 =	vld [tilespmem:$0x1FD80]  }
0x20e: {  	v52 =	vld [tilespmem:$0x20A0]  }
0x20f: {  	v2 =	vadd.f32 v3, v2;
	v3 =	vld [tilespmem:$0x1FDB0]  }
0x210: {  	v46 =	vld [tilespmem:$0x2120]  }
0x211: {  	v54 =	vld [tilespmem:$0x21A0]  }
0x212: {  	v13 =	vld [tilespmem:$0xC30];
	v0 =	vadd.f32 v8, v0  }
0x213: {  	v17 =	vld [tilespmem:$0xE30]  }
0x214: {  	v0 =	vadd.f32 v3, v0;
	v3 =	vld [tilespmem:$0x1FDC0]  }
0x215: {  	v22 =	vld [tilespmem:$0x2030]  }
0x216: {  	v23 =	vld [tilespmem:$0x20B0]  }
0x217: {  	v6 =	vld [tilespmem:$0xC40]  }
0x218: {  	v26 =	vadd.f32 v26, v44;
	v44 =	vld [tilespmem:$0xFC0]  }
0x219: {  	v1 =	vadd.f32 v3, v1;
	v3 =	vld [tilespmem:$0x1FDD0]  }
0x21a: {  	v27 =	vadd.f32 v27, v34;
	v24 =	vadd.f32 v24, v29;
	v29 =	vld [tilespmem:$0x2150]  }
0x21b: {  	v62 =	vld [tilespmem:$0xD80]  }
0x21c: {  	v27 =	vadd.f32 v31, v27;
	v31 =	vld [tilespmem:$0xD50]  }
0x21d: {  	v26 =	vadd.f32 v47, v26;
	v24 =	vadd.f32 v28, v24;
	v28 =	vld [tilespmem:$0xC60]  }
0x21e: {  	v27 =	vadd.f32 v36, v27;
	v2 =	vadd.f32 v3, v2;
	v3 =	vld [tilespmem:$0x1FDE0]  }
0x21f: {  	v36 =	vld [tilespmem:$0xE50]  }
0x220: {  	v27 =	vadd.f32 v37, v27;
	v37 =	vld [tilespmem:$0xF50];
	v62 =	vadd.f32 v62, v26  }
0x221: {  	v63 =	vld [tilespmem:$0x2110]  }
0x222: {  	v26 =	vld [tilespmem:$0x21C0];
	v34 =	vadd.f32 v60, v62  }
0x223: {  	v0 =	vadd.f32 v3, v0;
	v3 =	vld [tilespmem:$0x1FDF0]  }
0x224: {  	v60 =	vld [tilespmem:$0xCD0];
	v34 =	vadd.f32 v59, v34  }
0x225: {  	v59 =	vld [tilespmem:$0xDD0]  }
0x226: {  	v34 =	vadd.f32 v57, v34;
	v57 =	vld [tilespmem:$0xED0]  }
0x227: {  	v5 =	vld [tilespmem:$0xD40]  }
0x228: {  	v1 =	vadd.f32 v3, v1;
	v3 =	vld [tilespmem:$0x1FE00]  }
0x229: {  	v15 =	vld [tilespmem:$0xDB0]  }
0x22a: {  	v12 =	vld [tilespmem:$0xCB0]  }
0x22b: {  	v7 =	vld [tilespmem:$0xDC0]  }
0x22c: {  	v18 =	vld [tilespmem:$0xEB0]  }
0x22d: {  	v47 =	vadd.f32 v3, v2;
	v2 =	vld [tilespmem:$0x1FE10]  }
0x22e: {  	v14 =	vld [tilespmem:$0xD30]  }
0x22f: {  	v12 =	vadd.f32 v12, v13;
	v13 =	vadd.f32 v32, v24;
	v24 =	vld [tilespmem:$0xD60]  }
0x230: {  	v32 =	vld [tilespmem:$0x2070]  }
0x231: {  	v20 =	vld [tilespmem:$0xFB0]  }
0x232: {  	v0 =	vadd.f32 v2, v0;
	v2 =	vld [tilespmem:$0x1FE20]  }
0x233: {  	v19 =	vld [tilespmem:$0xF30];
	v13 =	vadd.f32 v35, v13  }
0x234: {  	v3 =	vld [tilespmem:$0x1FE40]  }
0x235: {  	v13 =	vadd.f32 v38, v13;
	v38 =	vld [tilespmem:$0x2580]  }
0x236: {  	v10 =	vld [tilespmem:$0xF40]  }
0x237: {  	v1 =	vadd.f32 v2, v1;
	v2 =	vld [tilespmem:$0x1FE30]  }
0x238: {  	v4 =	vld [tilespmem:$0xCC0]  }
0x239: {  	v1 =	vadd.f32 v3, v1;
	v3 =	vld [tilespmem:$0x1FE50]  }
0x23a: {  	v50 =	vadd.f32 v9, v30;
	v9 =	vld [tilespmem:$0xEC0]  }
0x23b: {  	v30 =	vld [tilespmem:$0x1FEC0]  }
0x23c: {  	v25 =	vld [tilespmem:$0x2130];
	v0 =	vadd.f32 v2, v0  }
0x23d: {  	v33 =	vld [tilespmem:$0x21B0]  }
0x23e: {  	v4 =	vadd.f32 v4, v6;
	v0 =	vadd.f32 v3, v0;
	v3 =	vld [tilespmem:$0x1FE60]  }
0x23f: {  	v8 =	vld [tilespmem:$0xE40]  }
0x240: {  	v21 =	vld [tilespmem:$0x2140];
	v4 =	vadd.f32 v5, v4  }
0x241: {  	v16 =	vld [tilespmem:$0x20C0]  }
0x242: {  	v6 =	vld [tilespmem:$0xEE0];
	v4 =	vadd.f32 v7, v4  }
0x243: {  	v1 =	vadd.f32 v3, v1;
	v3 =	vld [tilespmem:$0x1FE70]  }
0x244: {  	v5 =	vld [tilespmem:$0xFE0];
	v4 =	vadd.f32 v8, v4  }
0x245: {  	v7 =	vld [tilespmem:$0x20E0]  }
0x246: {  	v4 =	vadd.f32 v9, v4;
	v2 =	vld [tilespmem:$0xC50]  }
0x247: {  	v11 =	vld [tilespmem:$0x2040]  }
0x248: {  	v4 =	vadd.f32 v10, v4;
	v0 =	vadd.f32 v3, v0;
	v3 =	vld [tilespmem:$0x1FE80]  }
0x249: {  	v8 =	vld [tilespmem:$0xC70]  }
0x24a: {  	v9 =	vld [tilespmem:$0xCF0];
	v4 =	vadd.f32 v44, v4  }
0x24b: {  	v10 =	vld [tilespmem:$0xDF0];
	v2 =	vadd.f32 v60, v2  }
0x24c: {  	v44 =	vld [tilespmem:$0x1FF50];
	v4 =	vadd.f32 v11, v4  }
0x24d: {  	v2 =	vadd.f32 v31, v2;
	v1 =	vadd.f32 v3, v1;
	v3 =	vld [tilespmem:$0x1FE90]  }
0x24e: {  	v4 =	vadd.f32 v16, v4;
	v16 =	vld [tilespmem:$0x2170]  }
0x24f: {  	v60 =	vld [tilespmem:$0x1FFD0];
	v2 =	vadd.f32 v59, v2  }
0x250: {  	v31 =	vld [tilespmem:$0xF70]  }
0x251: {  	v59 =	vld [tilespmem:$0x1FFA0];
	v2 =	vadd.f32 v36, v2  }
0x252: {  	v0 =	vadd.f32 v3, v0;
	v3 =	vld [tilespmem:$0x1FEA0]  }
0x253: {  	v2 =	vadd.f32 v57, v2;
	v57 =	vld [tilespmem:$0x1FF90]  }
0x254: {  	v62 =	vadd.f32 v30, v0;
	v0 =	vadd.f32 v41, v27;
	v27 =	vld [tilespmem:$0x1FED0]  }
0x255: {  	v2 =	vadd.f32 v37, v2;
	v37 =	vld [tilespmem:$0x1200]  }
0x256: {  	v30 =	vld [tilespmem:$0x1FEF0]  }
0x257: {  	v0 =	vadd.f32 v43, v0;
	v1 =	vadd.f32 v3, v1;
	v3 =	vld [tilespmem:$0x1FEB0]  }
0x258: {  	v41 =	vld [tilespmem:$0x2050]  }
0x259: {  	v0 =	vadd.f32 v45, v0;
	v1 =	vadd.f32 v27, v1;
	v27 =	vld [tilespmem:$0x1FEE0]  }
0x25a: {  	v45 =	vld [tilespmem:$0xCE0]  }
0x25b: {  	v0 =	vadd.f32 v49, v0;
	v43 =	vadd.f32 v30, v1;
	v1 =	vld [tilespmem:$0x1FF00]  }
0x25c: {  	v30 =	vld [tilespmem:$0x1FF10];
	v34 =	vadd.f32 v3, v34  }
0x25d: {  	v3 =	vld [tilespmem:$0xFD0];
	v0 =	vadd.f32 v53, v0  }
0x25e: {  	v27 =	vadd.f32 v27, v34;
	v34 =	vld [tilespmem:$0x20D0]  }
0x25f: {  	v0 =	vadd.f32 v63, v0;
	v63 =	vld [tilespmem:$0x1FFB0]  }
0x260: {  	v1 =	vadd.f32 v1, v27;
	v27 =	vld [tilespmem:$0x21D0]  }
0x261: {  	v53 =	vadd.f32 v61, v0;
	v0 =	vadd.f32 v39, v13;
	v13 =	vld [tilespmem:$0x21E0]  }
0x262: {  	v39 =	vld [tilespmem:$0x1FF40];
	v2 =	vadd.f32 v3, v2  }
0x263: {  	v1 =	vadd.f32 v30, v1;
	v30 =	vld [tilespmem:$0x1FF20];
	v0 =	vadd.f32 v40, v0  }
0x264: {  	v61 =	vld [tilespmem:$0x1FFC0]  }
0x265: {  	v40 =	vld [tilespmem:$0x1FF30];
	v2 =	vadd.f32 v41, v2;
	v0 =	vadd.f32 v42, v0  }
0x266: {  	v41 =	vld [tilespmem:$0x1FF80]  }
0x267: {  	v2 =	vadd.f32 v34, v2;
	v0 =	vadd.f32 v52, v0;
	v52 =	vld [tilespmem:$0x1FFE0]  }
0x268: {  	v49 =	vadd.f32 v30, v1;
	v1 =	vadd.f32 v14, v12;
	v12 =	vld [tilespmem:$0xDE0]  }
0x269: {  	v14 =	vld [tilespmem:$0xE60]  }
0x26a: {  	v2 =	vadd.f32 v29, v2;
	v29 =	vld [tilespmem:$0x2500]  }
0x26b: {  	v0 =	vadd.f32 v46, v0;
	v46 =	vld [tilespmem:$0x1000]  }
0x26c: {  	v1 =	vadd.f32 v15, v1;
	v15 =	vld [tilespmem:$0xF60]  }
0x26d: {  	v42 =	vadd.f32 v54, v0;
	v54 =	vld [tilespmem:$0x1FF70]  }
0x26e: {  	vm7 =	vlt.s32 v40, $0x0;
	v0 =	vxor.u32 $0x7FFFFFFF, v40;
	v1 =	vadd.f32 v17, v1;
	v17 =	vld [tilespmem:$0x2060]  }
0x26f: {  	v35 =	vsel vm7, v0, v40;
	v0 =	vadd.f32 v45, v28;
	v28 =	vld [tilespmem:$0x20F0]  }
0x270: {  	v45 =	vld [tilespmem:$0x1FF60]  }
0x271: {  	[tilespmem:$0x2820] =	vst v40;
	v40 =	vld [tilespmem:$0x1320];
	v1 =	vadd.f32 v18, v1  }
0x272: {  	v18 =	vld [tilespmem:$0x2160];
	v0 =	vadd.f32 v24, v0  }
0x273: {  	vm6 =	vlt.s32 v55, $0x0;
	v1 =	vadd.f32 v19, v1;
	v19 =	vld [tilespmem:$0xD70]  }
0x274: {  	v9 =	vadd.f32 v9, v8;
	vm8 =	vlt.s32 v44, $0x0;
	v24 =	vld [tilespmem:$0x21F0];
	v0 =	vadd.f32 v12, v0  }
0x275: {  	v3 =	vxor.u32 $0x7FFFFFFF, v45;
	vm9 =	vlt.s32 v45, $0x0;
	v1 =	vadd.f32 v20, v1;
	v20 =	vld [tilespmem:$0xE70]  }
0x276: {  	vm4 =	vlt.s32 v60, $0x0;
	v8 =	vsel vm9, v3, v45;
	v3 =	vld [tilespmem:$0x1080];
	v0 =	vadd.f32 v14, v0  }
0x277: {  	vm13 =	vlt.s32 v59, $0x0;
	vm12 =	vlt.s32 v57, $0x0;
	v14 =	vld [tilespmem:$0x1180];
	v1 =	vadd.f32 v22, v1  }
0x278: {  	vm14 =	vlt.s32 v63, $0x0;
	v0 =	vadd.f32 v6, v0;
	v9 =	vadd.f32 v19, v9;
	v19 =	vld [tilespmem:$0x1100]  }
0x279: {  	v11 =	vxor.u32 $0x7FFFFFFF, v39;
	vm1 =	vlt.s32 v39, $0x0;
	v1 =	vadd.f32 v23, v1;
	v23 =	vld [tilespmem:$0xEF0]  }
0x27a: {  	v11 =	vsel vm1, v11, v39;
	v0 =	vadd.f32 v15, v0;
	v15 =	vld [tilespmem:$0x1380];
	v9 =	vadd.f32 v10, v9  }
0x27b: {  	vm11 =	vlt.s32 v41, $0x0;
	vm5 =	vlt.s32 v52, $0x0;
	v1 =	vadd.f32 v25, v1;
	v25 =	vld [tilespmem:$0xFF0]  }
0x27c: {  	vm10 =	vlt.s32 v54, $0x0;
	v0 =	vadd.f32 v5, v0;
	v6 =	vadd.f32 v20, v9;
	v9 =	vld [tilespmem:$0x1300]  }
0x27d: {  	v3 =	vadd.f32 v3, v46;
	v22 =	vadd.f32 v33, v1;
	v1 =	vxor.u32 $0x7FFFFFFF, v44;
	v33 =	vld [tilespmem:$0x1010]  }
0x27e: {  	v17 =	vadd.f32 v17, v0;
	v36 =	vsel vm8, v1, v44;
	v6 =	vadd.f32 v23, v6;
	v23 =	vld [tilespmem:$0x2400]  }
0x27f: {  	[tilespmem:$0x2840] =	vst v44;
	v1 =	vadd.f32 v21, v4;
	v4 =	vxor.u32 $0x7FFFFFFF, v54;
	v21 =	vxor.u32 $0x7FFFFFFF, v41;
	v44 =	vld [tilespmem:$0x1030]  }
0x280: {  	v5 =	vxor.u32 $0x7FFFFFFF, v63;
	v12 =	vsel vm10, v4, v54;
	v4 =	vsel vm11, v21, v41;
	v21 =	vld [tilespmem:$0x1280]  }
0x281: {  	v20 =	vxor.u32 $0x7FFFFFFF, v59;
	v3 =	vadd.f32 v19, v3;
	v7 =	vadd.f32 v7, v17;
	v17 =	vld [tilespmem:$0x1190]  }
0x282: {  	[tilespmem:$0x2870] =	vst v41;
	v41 =	vld [tilespmem:$0x2420];
	v26 =	vadd.f32 v26, v1;
	v1 =	vxor.u32 $0x7FFFFFFF, v57;
	v6 =	vadd.f32 v31, v6  }
0x283: {  	v31 =	vadd.f32 v27, v2;
	v10 =	vsel vm12, v1, v57;
	v1 =	vsel vm13, v20, v59;
	v20 =	vld [tilespmem:$0x2480]  }
0x284: {  	v27 =	vxor.u32 $0x7FFFFFFF, v52;
	v25 =	vadd.f32 v25, v6;
	v6 =	vsel vm14, v5, v63;
	v5 =	vld [tilespmem:$0x1090]  }
0x285: {  	v14 =	vadd.f32 v14, v3;
	v2 =	vxor.u32 $0x7FFFFFFF, v60;
	v46 =	vsel vm5, v27, v52;
	v27 =	vld [tilespmem:$0x1290]  }
0x286: {  	vm15 =	vlt.s32 v61, $0x0;
	[tilespmem:$0x2AB0] =	vst v11;
	v11 =	vxor.u32 $0x7FFFFFFF, v51;
	v19 =	vadd.f32 v32, v25;
	v25 =	vld [tilespmem:$0x1110]  }
0x287: {  	vm7 =	vlt.s32 v56, $0x0;
	vm9 =	vlt.s32 v58, $0x0;
	v14 =	vadd.f32 v37, v14;
	v37 =	vld [tilespmem:$0x2410]  }
0x288: {  	[tilespmem:$0x2AD0] =	vst v8;
	v8 =	vxor.u32 $0x7FFFFFFF, v43;
	v0 =	vxor.u32 $0x7FFFFFFF, v61;
	v3 =	vsel vm4, v2, v60;
	v2 =	vmovc v52;
	v52 =	vld [tilespmem:$0x1FFF0]  }
0x289: {  	v0 =	vsel vm15, v0, v61;
	v18 =	vadd.f32 v18, v7;
	v32 =	vld [tilespmem:$0x1310];
	v5 =	vadd.f32 v5, v33  }
0x28a: {  	vm15 =	vlt.s32 v43, $0x0;
	v14 =	vadd.f32 v21, v14;
	v19 =	vadd.f32 v28, v19;
	v28 =	vld [tilespmem:$0x1210]  }
0x28b: {  	vm10 =	vlt.s32 v48, $0x0;
	vm11 =	vlt.s32 v50, $0x0;
	[tilespmem:$0x28D0] =	vst v2;
	v2 =	vld [tilespmem:$0x2A90];
	v25 =	vadd.f32 v25, v5  }
0x28c: {  	v7 =	vxor.u32 $0x7FFFFFFF, v55;
	v9 =	vadd.f32 v9, v14;
	v14 =	vld [tilespmem:$0x2490];
	v33 =	vadd.f32 v13, v18  }
0x28d: {  	v21 =	vxor.u32 $0x7FFFFFFF, v56;
	v18 =	vld [tilespmem:$0x2510];
	v16 =	vadd.f32 v16, v19;
	v17 =	vadd.f32 v17, v25  }
0x28e: {  	v19 =	vld [tilespmem:$0x1390];
	v13 =	vxor.u32 $0x7FFFFFFF, v52;
	vm8 =	vlt.s32 v52, $0x0;
	v15 =	vadd.f32 v15, v9  }
0x28f: {  	v5 =	vsel vm6, v7, v55;
	v34 =	vadd.f32 v24, v16;
	v16 =	vld [tilespmem:$0x2590];
	v17 =	vadd.f32 v28, v17  }
0x290: {  	[tilespmem:$0x2AE0] =	vst v12;
	v7 =	vsel vm7, v21, v56;
	v21 =	vxor.u32 $0x7FFFFFFF, v58;
	v30 =	vsel vm8, v13, v52;
	v24 =	vld [tilespmem:$0x1020]  }
0x291: {  	v9 =	vmovc v52;
	v52 =	vsel vm9, v21, v58;
	v13 =	vadd.f32 v23, v15;
	v21 =	vld [tilespmem:$0x10A0];
	v17 =	vadd.f32 v27, v17  }
0x292: {  	v12 =	vxor.u32 $0x7FFFFFFF, v49;
	vm12 =	vlt.s32 v51, $0x0;
	vm13 =	vlt.s32 v47, $0x0;
	[tilespmem:$0x2B00] =	vst v10;
	v23 =	vld [tilespmem:$0x1120]  }
0x293: {  	vm4 =	vlt.s32 v49, $0x0;
	[tilespmem:$0x2B60] =	vst v5;
	v5 =	vld [tilespmem:$0x2AB0];
	v13 =	vadd.f32 v20, v13;
	v17 =	vadd.f32 v32, v17  }
0x294: {  	vm5 =	vlt.s32 v53, $0x0;
	vm14 =	vlt.s32 v62, $0x0;
	v10 =	vxor.u32 $0x7FFFFFFF, v22;
	[tilespmem:$0x2B70] =	vst v7;
	v7 =	vld [tilespmem:$0x2AD0]  }
0x295: {  	[tilespmem:$0x2880] =	vst v57;
	v13 =	vadd.f32 v29, v13;
	v29 =	vadd.f32 v19, v17;
	v17 =	vsel vm12, v11, v51;
	v11 =	vld [tilespmem:$0x10B0]  }
0x296: {  	[tilespmem:$0x2B10] =	vst v1;
	v1 =	vxor.u32 $0x7FFFFFFF, v26;
	vm6 =	vlt.s32 v42, $0x0;
	v15 =	vxor.u32 $0x7FFFFFFF, v48;
	v20 =	vld [tilespmem:$0x11A0]  }
0x297: {  	[tilespmem:$0x2850] =	vst v45;
	v25 =	vxor.u32 $0x7FFFFFFF, v50;
	v21 =	vadd.f32 v21, v24;
	v24 =	vld [tilespmem:$0x1130];
	v45 =	vadd.f32 v37, v29  }
0x298: {  	[tilespmem:$0x2830] =	vst v39;
	vm7 =	vlt.s32 v22, $0x0;
	v39 =	vsel vm10, v15, v48;
	v15 =	vsel vm11, v25, v50;
	v25 =	vld [tilespmem:$0x1220]  }
0x299: {  	[tilespmem:$0x2AA0] =	vst v35;
	v29 =	vsel vm15, v8, v43;
	v8 =	vadd.f32 v14, v45;
	v14 =	vadd.f32 v23, v21;
	v23 =	vld [tilespmem:$0x11B0]  }
0x29a: {  	[tilespmem:$0x2B20] =	vst v6;
	vm8 =	vlt.s32 v26, $0x0;
	v6 =	vxor.u32 $0x7FFFFFFF, v33;
	v27 =	vld [tilespmem:$0x12A0];
	v11 =	vadd.f32 v11, v44  }
0x29b: {  	[tilespmem:$0x2AF0] =	vst v4;
	v57 =	vsel vm7, v10, v22;
	v32 =	vsel vm4, v12, v49;
	v12 =	vld [tilespmem:$0x1230];
	v4 =	vadd.f32 v20, v14  }
0x29c: {  	[tilespmem:$0x2900] =	vst v9;
	v9 =	vld [tilespmem:$0x2AF0];
	v28 =	vxor.u32 $0x7FFFFFFF, v47;
	v35 =	vadd.f32 v38, v13;
	v11 =	vadd.f32 v24, v11  }
0x29d: {  	v13 =	vxor.u32 $0x7FFFFFFF, v62;
	v19 =	vsel vm13, v28, v47;
	v20 =	vld [tilespmem:$0x12B0];
	v4 =	vadd.f32 v25, v4  }
0x29e: {  	v28 =	vsel vm14, v13, v62;
	v13 =	vld [tilespmem:$0x13A0];
	v14 =	vxor.u32 $0x7FFFFFFF, v42;
	v10 =	vadd.f32 v23, v11  }
0x29f: {  	[tilespmem:$0x2860] =	vst v54;
	vm9 =	vlt.s32 v31, $0x0;
	v54 =	vsel vm6, v14, v42;
	v14 =	vld [tilespmem:$0x1330];
	v4 =	vadd.f32 v27, v4  }
0x2a0: {  	[tilespmem:$0x28A0] =	vst v63;
	v63 =	vsel vm8, v1, v26;
	vm10 =	vlt.s32 v33, $0x0;
	v24 =	vld [tilespmem:$0x24A0];
	v10 =	vadd.f32 v12, v10  }
0x2a1: {  	[tilespmem:$0x2B30] =	vst v0;
	v0 =	vxor.u32 $0x7FFFFFFF, v34;
	vm11 =	vlt.s32 v34, $0x0;
	v1 =	vadd.f32 v40, v4;
	v4 =	vld [tilespmem:$0x13B0]  }
0x2a2: {  	vm12 =	vlt.s32 v35, $0x0;
	v11 =	vld [tilespmem:$0x2520];
	v23 =	vxor.u32 $0x7FFFFFFF, v31;
	v10 =	vadd.f32 v20, v10  }
0x2a3: {  	[tilespmem:$0x2890] =	vst v59;
	v21 =	vxor.u32 $0x7FFFFFFF, v53;
	v59 =	vsel vm9, v23, v31;
	v23 =	vld [tilespmem:$0x2430];
	v1 =	vadd.f32 v13, v1  }
0x2a4: {  	[tilespmem:$0x2B40] =	vst v3;
	v44 =	vsel vm10, v6, v33;
	v3 =	vadd.f32 v18, v8;
	v12 =	vld [tilespmem:$0x25A0];
	v6 =	vadd.f32 v14, v10  }
0x2a5: {  	v21 =	vsel vm5, v21, v53;
	v18 =	vxor.u32 $0x7FFFFFFF, v35;
	v13 =	vld [tilespmem:$0x24B0];
	v8 =	vadd.f32 v41, v1  }
0x2a6: {  	s30 =	simm.s32 $0x1F;
	[tilespmem:$0x2AC0] =	vst v36;
	v36 =	vadd.f32 v16, v3;
	v10 =	vld [tilespmem:$0x2530];
	v6 =	vadd.f32 v4, v6;
	v4 =	vimm.s32 $0x1  }
0x2a7: {  	[tilespmem:$0x28E0] =	vst v55;
	v55 =	vsel vm12, v18, v35;
	v1 =	vld [tilespmem:$0x2A80];
	v8 =	vadd.f32 v24, v8;
	v16 =	vshll.u32 v4, s30  }
0x2a8: {  	[tilespmem:$0x2B50] =	vst v46;
	v3 =	vld [tilespmem:$0x2AA0];
	v18 =	vxor.u32 $0x7FFFFFFF, v36;
	v6 =	vadd.f32 v23, v6;
	v16 =	vbroadcast v16, $0x0  }
0x2a9: {  	[tilespmem:$0x2BB0] =	vst v15;
	v15 =	vld [tilespmem:$0x2B50];
	v20 =	vsel vm11, v0, v34;
	v0 =	vimm.s32 $0x0;
	v8 =	vadd.f32 v11, v8  }
0x2aa: {  	vm13 =	vlt.s32 v36, $0x0;
	v14 =	vld [tilespmem:$0x25B0];
	v11 =	vadd.f32 v13, v6;
	v27 =	vor.u32 v0, v16  }
0x2ab: {  	[tilespmem:$0x28F0] =	vst v56;
	v56 =	vsel vm13, v18, v36;
	v6 =	vld [tilespmem:$0x2AC0];
	v37 =	vadd.f32 v12, v8;
	v38 =	vxor.u32 $0x80000000, v27  }
0x2ac: {  	[tilespmem:$0x2BC0] =	vst v17;
	v17 =	vld [tilespmem:$0x2B70];
	v10 =	vadd.f32 v10, v11;
	vm14 =	vge.s32 v1, v38;
	vm15 =	vge.s32 v2, v38  }
0x2ad: {  	[tilespmem:$0x2B90] =	vst v52;
	v8 =	vld [tilespmem:$0x2AE0];
	vm4 =	vge.s32 v3, v38;
	vm5 =	vge.s32 v5, v38;
	vm7 =	vge.s32 v7, v38  }
0x2ae: {  	[tilespmem:$0x2BD0] =	vst v19;
	v19 =	vld [tilespmem:$0x2B90];
	vm9 =	vge.s32 v9, v38;
	v12 =	vmpcnt.ones.xlane vm14;
	v13 =	vmpcnt.ones.xlane vm15  }
0x2af: {  	[tilespmem:$0x2910] =	vst v58;
	v16 =	vmpcnt.ones.xlane vm5;
	v40 =	vadd.f32 v14, v10;
	v10 =	vld [tilespmem:$0x2B00];
	v14 =	vmpcnt.ones.xlane vm4  }
0x2b0: {  	[tilespmem:$0x2930] =	vst v50;
	v11 =	vld [tilespmem:$0x2B10];
	v23 =	vmpcnt.ones.xlane vm7;
	v13 =	vadd.s32 v12, v13;
	vm6 =	vge.s32 v6, v38  }
0x2b1: {  	[tilespmem:$0x2920] =	vst v48;
	v24 =	vmpcnt.ones.xlane vm9;
	v12 =	vld [tilespmem:$0x2B20];
	v14 =	vadd.s32 v14, v13;
	v18 =	vmpcnt.ones.xlane vm6  }
0x2b2: {  	[tilespmem:$0x2940] =	vst v51;
	vm15 =	vge.s32 v15, v38;
	v13 =	vld [tilespmem:$0x2B30];
	vm8 =	vge.s32 v8, v38;
	v16 =	vadd.s32 v16, v14  }
0x2b3: {  	[tilespmem:$0x2950] =	vst v47;
	vm5 =	vge.s32 v17, v38;
	v14 =	vld [tilespmem:$0x2B40];
	v16 =	vadd.s32 v18, v16;
	v18 =	vmpcnt.ones.xlane vm8  }
0x2b4: {  	[tilespmem:$0x2BE0] =	vst v28;
	v28 =	vld [tilespmem:$0x2BB0];
	vm7 =	vge.s32 v19, v38;
	v23 =	vadd.s32 v23, v16;
	vm10 =	vge.s32 v10, v38  }
0x2b5: {  	[tilespmem:$0x28C0] =	vst v60;
	vm11 =	vge.s32 v11, v38;
	v16 =	vld [tilespmem:$0x2B60];
	v18 =	vadd.s32 v18, v23;
	v23 =	vmpcnt.ones.xlane vm10  }
0x2b6: {  	[tilespmem:$0x2B80] =	vst v30;
	v25 =	vmpcnt.ones.xlane vm11;
	vm12 =	vge.s32 v12, v38;
	v24 =	vadd.s32 v24, v18  }
0x2b7: {  	[tilespmem:$0x2BA0] =	vst v39;
	v18 =	vld [tilespmem:$0x2B80];
	v30 =	vmpcnt.ones.xlane vm12;
	vm13 =	vge.s32 v13, v38;
	v23 =	vadd.s32 v23, v24  }
0x2b8: {  	[tilespmem:$0x2BF0] =	vst v29;
	v29 =	vld [tilespmem:$0x2BD0];
	vm14 =	vge.s32 v14, v38;
	v23 =	vadd.s32 v25, v23;
	v25 =	vmpcnt.ones.xlane vm13  }
0x2b9: {  	[tilespmem:$0x2C10] =	vst v21;
	vm9 =	vge.s32 v28, v38;
	v24 =	vld [tilespmem:$0x2BA0];
	v23 =	vadd.s32 v30, v23;
	v30 =	vmpcnt.ones.xlane vm14  }
0x2ba: {  	[tilespmem:$0x2C30] =	vst v57;
	v58 =	vld [tilespmem:$0x2C10];
	v47 =	vmpcnt.ones.xlane vm15;
	vm4 =	vge.s32 v16, v38;
	v25 =	vadd.s32 v25, v23  }
0x2bb: {  	[tilespmem:$0x2C00] =	vst v32;
	v57 =	vxor.u32 $0x7FFFFFFF, v37;
	v23 =	vld [tilespmem:$0x2BC0];
	v25 =	vadd.s32 v30, v25;
	v30 =	vmpcnt.ones.xlane vm4  }
0x2bc: {  	[tilespmem:$0x2960] =	vst v62;
	v32 =	vld [tilespmem:$0x2C00];
	v48 =	vmpcnt.ones.xlane vm5;
	vm6 =	vge.s32 v18, v38;
	v41 =	vadd.s32 v47, v25  }
0x2bd: {  	[tilespmem:$0x2990] =	vst v53;
	v51 =	vmpcnt.ones.xlane vm7;
	v25 =	vld [tilespmem:$0x2BE0];
	v50 =	vmpcnt.ones.xlane vm6;
	v41 =	vadd.s32 v30, v41  }
0x2be: {  	[tilespmem:$0x2C20] =	vst v54;
	v54 =	vmpcnt.ones.xlane vm9;
	vm8 =	vge.s32 v24, v38;
	v30 =	vld [tilespmem:$0x2BF0];
	v41 =	vadd.s32 v48, v41  }
0x2bf: {  	[tilespmem:$0x28B0] =	vst v61;
	v61 =	vld [tilespmem:$0x2C20];
	vm15 =	vge.s32 v58, v38;
	v52 =	vmpcnt.ones.xlane vm8;
	v21 =	vadd.s32 v50, v41  }
0x2c0: {  	[tilespmem:$0x2C70] =	vst v20;
	vm11 =	vge.s32 v29, v38;
	vm10 =	vge.s32 v23, v38;
	v21 =	vadd.s32 v51, v21  }
0x2c1: {  	[tilespmem:$0x2980] =	vst v49;
	v58 =	vld [tilespmem:$0x2C70];
	v62 =	vmpcnt.ones.xlane vm11;
	v60 =	vmpcnt.ones.xlane vm10;
	v21 =	vadd.s32 v52, v21  }
0x2c2: {  	[tilespmem:$0x29D0] =	vst v31;
	vm14 =	vge.s32 v32, v38;
	vm12 =	vge.s32 v25, v38;
	v21 =	vadd.s32 v54, v21  }
0x2c3: {  	[tilespmem:$0x2C40] =	vst v63;
	v48 =	vld [tilespmem:$0x2C30];
	v49 =	vmpcnt.ones.xlane vm12;
	vm13 =	vge.s32 v30, v38;
	v21 =	vadd.s32 v60, v21  }
0x2c4: {  	[tilespmem:$0x2C50] =	vst v59;
	vm4 =	vge.s32 v61, v38;
	v50 =	vld [tilespmem:$0x2C40];
	v51 =	vmpcnt.ones.xlane vm13;
	v21 =	vadd.s32 v62, v21  }
0x2c5: {  	[tilespmem:$0x2C60] =	vst v44;
	v53 =	vmpcnt.ones.xlane vm14;
	v59 =	vmpcnt.ones.xlane vm4;
	v52 =	vld [tilespmem:$0x2C50];
	v21 =	vadd.s32 v49, v21  }
0x2c6: {  	[tilespmem:$0x2C80] =	vst v55;
	vm6 =	vlt.s32 v37, $0x0;
	vm10 =	vge.s32 v58, v38;
	v20 =	vadd.s32 v51, v21;
	v21 =	vld [tilespmem:$0x2C60]  }
0x2c7: {  	[tilespmem:$0x2C90] =	vst v56;
	v44 =	vsel vm6, v57, v37;
	v31 =	vmpcnt.ones.xlane vm10;
	v54 =	vmpcnt.ones.xlane vm15;
	v60 =	vld [tilespmem:$0x2C80]  }
0x2c8: {  	[tilespmem:$0x2970] =	vst v43;
	vm12 =	vlt.s32 v40, $0x0;
	vm5 =	vge.s32 v48, v38;
	v62 =	vld [tilespmem:$0x2C90];
	v20 =	vadd.s32 v53, v20  }
0x2c9: {  	[tilespmem:$0x2CA0] =	vst v44;
	vm7 =	vge.s32 v50, v38;
	v61 =	vmpcnt.ones.xlane vm5;
	v20 =	vadd.s32 v54, v20  }
0x2ca: {  	[tilespmem:$0x29B0] =	vst v22;
	v22 =	vld [tilespmem:$0x2CA0];
	v63 =	vmpcnt.ones.xlane vm7;
	vm8 =	vge.s32 v52, v38;
	v20 =	vadd.s32 v59, v20  }
0x2cb: {  	[tilespmem:$0x29A0] =	vst v42;
	v20 =	vadd.s32 v61, v20;
	vm9 =	vge.s32 v21, v38;
	v21 =	vmpcnt.ones.xlane vm8  }
0x2cc: {  	[tilespmem:$0x29C0] =	vst v26;
	vm11 =	vge.s32 v60, v38;
	v20 =	vadd.s32 v63, v20;
	v26 =	vmpcnt.ones.xlane vm9  }
0x2cd: {  	[tilespmem:$0x29E0] =	vst v33;
	vm13 =	vge.s32 v62, v38;
	v20 =	vadd.s32 v21, v20;
	v21 =	vxor.u32 $0x7FFFFFFF, v40  }
0x2ce: {  	[tilespmem:$0x29F0] =	vst v34;
	v26 =	vadd.s32 v26, v20;
	v20 =	vsel vm12, v21, v40;
	v21 =	vmpcnt.ones.xlane vm11  }
0x2cf: {  	[tilespmem:$0x2A00] =	vst v35;
	vm14 =	vge.s32 v22, v38;
	v26 =	vadd.s32 v31, v26;
	v31 =	vmpcnt.ones.xlane vm13  }
0x2d0: {  	[tilespmem:$0x2A10] =	vst v36;
	v22 =	vmpcnt.ones.xlane vm14;
	vm15 =	vge.s32 v20, v38;
	v21 =	vadd.s32 v21, v26  }
0x2d1: {  	[tilespmem:$0x2A20] =	vst v37;
	v26 =	vmpcnt.ones.xlane vm15;
	v21 =	vadd.s32 v31, v21  }
0x2d2: {  	s31 =	simm.s32 $0x1E;
	[tilespmem:$0x2A30] =	vst v40;
	v22 =	vadd.s32 v22, v21  }
0x2d3: {  	s2 =	sadd.s32 $0x5800, s2;
	s3 =	simm.s32 $0x1D;
	[tilespmem:$0x2CB0] =	vst v20;
	v21 =	vshll.u32 v4, s31;
	v22 =	vadd.s32 v26, v22  }
.LBB2_1:
0x2d4: {  	p0 =	sne.s32 s3, $0x0;
	v21 =	vbroadcast v21, $0x0;
	vm0 =	vgt.s32 v22, $0x11F  }
0x2d5: {  	v0 =	vsel vm0, v27, v0  }
0x2d6: {  	v27 =	vor.u32 v0, v21  }
0x2d7: {  	v21 =	vxor.u32 $0x80000000, v27  }
0x2d8: {  	vm0 =	vge.s32 v1, v21;
	vm1 =	vge.s32 v2, v21  }
0x2d9: {  	v22 =	vmpcnt.ones.xlane vm0;
	v26 =	vmpcnt.ones.xlane vm1;
	vm0 =	vge.s32 v3, v21  }
0x2da: {  	v31 =	vmpcnt.ones.xlane vm0;
	vm0 =	vge.s32 v5, v21  }
0x2db: {  	v22 =	vadd.s32 v22, v26;
	v26 =	vmpcnt.ones.xlane vm0;
	vm0 =	vge.s32 v6, v21  }
0x2dc: {  	v22 =	vadd.s32 v31, v22;
	v31 =	vmpcnt.ones.xlane vm0;
	vm0 =	vge.s32 v7, v21  }
0x2dd: {  	v22 =	vadd.s32 v26, v22;
	v26 =	vmpcnt.ones.xlane vm0;
	vm0 =	vge.s32 v8, v21  }
0x2de: {  	v22 =	vadd.s32 v31, v22;
	v31 =	vmpcnt.ones.xlane vm0;
	vm0 =	vge.s32 v9, v21  }
0x2df: {  	v22 =	vadd.s32 v26, v22;
	v26 =	vmpcnt.ones.xlane vm0;
	vm0 =	vge.s32 v10, v21  }
0x2e0: {  	v22 =	vadd.s32 v31, v22;
	v31 =	vmpcnt.ones.xlane vm0;
	vm0 =	vge.s32 v11, v21  }
0x2e1: {  	v22 =	vadd.s32 v26, v22;
	v26 =	vmpcnt.ones.xlane vm0;
	vm0 =	vge.s32 v12, v21  }
0x2e2: {  	v22 =	vadd.s32 v31, v22;
	v31 =	vmpcnt.ones.xlane vm0;
	vm0 =	vge.s32 v13, v21  }
0x2e3: {  	v22 =	vadd.s32 v26, v22;
	v26 =	vmpcnt.ones.xlane vm0;
	vm0 =	vge.s32 v14, v21  }
0x2e4: {  	v22 =	vadd.s32 v31, v22;
	v31 =	vmpcnt.ones.xlane vm0;
	vm0 =	vge.s32 v15, v21  }
0x2e5: {  	v22 =	vadd.s32 v26, v22;
	v26 =	vmpcnt.ones.xlane vm0;
	vm0 =	vge.s32 v16, v21  }
0x2e6: {  	v22 =	vadd.s32 v31, v22;
	v31 =	vmpcnt.ones.xlane vm0;
	vm0 =	vge.s32 v17, v21  }
0x2e7: {  	v22 =	vadd.s32 v26, v22;
	v26 =	vmpcnt.ones.xlane vm0;
	vm0 =	vge.s32 v18, v21  }
0x2e8: {  	v22 =	vadd.s32 v31, v22;
	v31 =	vmpcnt.ones.xlane vm0;
	vm0 =	vge.s32 v19, v21  }
0x2e9: {  	v22 =	vadd.s32 v26, v22;
	v26 =	vmpcnt.ones.xlane vm0;
	vm0 =	vge.s32 v24, v21  }
0x2ea: {  	v22 =	vadd.s32 v31, v22;
	v31 =	vmpcnt.ones.xlane vm0;
	vm0 =	vge.s32 v28, v21  }
0x2eb: {  	v22 =	vadd.s32 v26, v22;
	v26 =	vmpcnt.ones.xlane vm0;
	vm0 =	vge.s32 v23, v21;
	v33 =	vld [tilespmem:$0x2C10]  }
0x2ec: {  	v22 =	vadd.s32 v31, v22;
	v31 =	vmpcnt.ones.xlane vm0;
	vm0 =	vge.s32 v29, v21;
	v34 =	vld [tilespmem:$0x2C20]  }
0x2ed: {  	v22 =	vadd.s32 v26, v22;
	v26 =	vmpcnt.ones.xlane vm0;
	vm0 =	vge.s32 v25, v21;
	v35 =	vld [tilespmem:$0x2C30]  }
0x2ee: {  	v22 =	vadd.s32 v31, v22;
	v31 =	vmpcnt.ones.xlane vm0;
	vm0 =	vge.s32 v30, v21;
	v36 =	vld [tilespmem:$0x2C40]  }
0x2ef: {  	v22 =	vadd.s32 v26, v22;
	v26 =	vmpcnt.ones.xlane vm0;
	vm0 =	vge.s32 v32, v21;
	v37 =	vld [tilespmem:$0x2C50]  }
0x2f0: {  	v22 =	vadd.s32 v31, v22;
	v31 =	vmpcnt.ones.xlane vm0;
	vm0 =	vge.s32 v33, v21;
	v33 =	vld [tilespmem:$0x2C60]  }
0x2f1: {  	v22 =	vadd.s32 v26, v22;
	v26 =	vmpcnt.ones.xlane vm0;
	vm0 =	vge.s32 v34, v21;
	v34 =	vld [tilespmem:$0x2C70]  }
0x2f2: {  	v22 =	vadd.s32 v31, v22;
	v31 =	vmpcnt.ones.xlane vm0;
	vm0 =	vge.s32 v35, v21;
	v35 =	vld [tilespmem:$0x2C80]  }
0x2f3: {  	v22 =	vadd.s32 v26, v22;
	v26 =	vmpcnt.ones.xlane vm0;
	vm0 =	vge.s32 v36, v21;
	v36 =	vld [tilespmem:$0x2C90]  }
0x2f4: {  	v22 =	vadd.s32 v31, v22;
	v31 =	vmpcnt.ones.xlane vm0;
	vm0 =	vge.s32 v37, v21;
	v37 =	vld [tilespmem:$0x2CA0]  }
0x2f5: {  	v22 =	vadd.s32 v26, v22;
	v26 =	vmpcnt.ones.xlane vm0;
	vm0 =	vge.s32 v33, v21  }
0x2f6: {  	v22 =	vadd.s32 v31, v22;
	v31 =	vmpcnt.ones.xlane vm0;
	vm0 =	vge.s32 v34, v21  }
0x2f7: {  	v22 =	vadd.s32 v26, v22;
	v26 =	vmpcnt.ones.xlane vm0;
	vm0 =	vge.s32 v35, v21  }
0x2f8: {  	v22 =	vadd.s32 v31, v22;
	v31 =	vmpcnt.ones.xlane vm0;
	vm0 =	vge.s32 v36, v21  }
.Ltmp0:
0x2f9: {  	v22 =	vadd.s32 v26, v22;
	v26 =	vmpcnt.ones.xlane vm0;
	vm0 =	vge.s32 v37, v21;
	(pc) =	sbr.rel @p0 .LBB2_1-.Ltmp0, $4  }
0x2fa: {  	v22 =	vadd.s32 v31, v22;
	v31 =	vmpcnt.ones.xlane vm0;
	vm0 =	vge.s32 v20, v21  }
0x2fb: {  	v21 =	vadd.s32 v26, v22;
	v22 =	vmpcnt.ones.xlane vm0  }
0x2fc: {  	v26 =	vadd.s32 v31, v21  }
0x2fd: {  	v21 =	vshll.u32 v4, s3;
	s3 =	sadd.s32 $0xFFFFFFFF, s3;
	v22 =	vadd.s32 v22, v26  }
0x2fe: {  	v4 =	vbroadcast v21, $0x0;
	vm0 =	vgt.s32 v22, $0x11F  }
0x2ff: {  	v0 =	vsel vm0, v27, v0  }
0x300: {  	v4 =	vor.u32 v0, v4  }
0x301: {  	v59 =	vxor.u32 $0x80000000, v4  }
0x302: {  	vm4 =	vge.s32 v1, v59;
	vm1 =	vge.s32 v2, v59  }
0x303: {  	vm5 =	vge.s32 v3, v59;
	v1 =	vmpcnt.ones.xlane vm4;
	v2 =	vmpcnt.ones.xlane vm1  }
0x304: {  	vm6 =	vge.s32 v5, v59;
	v3 =	vmpcnt.ones.xlane vm5  }
0x305: {  	vm7 =	vge.s32 v6, v59;
	v60 =	vmpcnt.ones.xlane vm6;
	v1 =	vadd.s32 v1, v2  }
0x306: {  	vm8 =	vge.s32 v7, v59;
	v61 =	vmpcnt.ones.xlane vm7;
	v1 =	vadd.s32 v3, v1  }
0x307: {  	vm9 =	vge.s32 v8, v59;
	v62 =	vmpcnt.ones.xlane vm8;
	v1 =	vadd.s32 v60, v1  }
0x308: {  	vm10 =	vge.s32 v9, v59;
	v63 =	vmpcnt.ones.xlane vm9;
	v1 =	vadd.s32 v61, v1  }
0x309: {  	vm11 =	vge.s32 v10, v59;
	v6 =	vmpcnt.ones.xlane vm10;
	v1 =	vadd.s32 v62, v1  }
0x30a: {  	vm12 =	vge.s32 v11, v59;
	v7 =	vmpcnt.ones.xlane vm11;
	v1 =	vadd.s32 v63, v1  }
0x30b: {  	vm13 =	vge.s32 v12, v59;
	v8 =	vmpcnt.ones.xlane vm12;
	v1 =	vadd.s32 v6, v1  }
0x30c: {  	vm14 =	vge.s32 v13, v59;
	v9 =	vmpcnt.ones.xlane vm13;
	v1 =	vadd.s32 v7, v1  }
0x30d: {  	vm15 =	vge.s32 v14, v59;
	v10 =	vmpcnt.ones.xlane vm14;
	v1 =	vadd.s32 v8, v1  }
0x30e: {  	v11 =	vmpcnt.ones.xlane vm15;
	vm4 =	vge.s32 v15, v59;
	v1 =	vadd.s32 v9, v1  }
0x30f: {  	vm5 =	vge.s32 v16, v59;
	v12 =	vmpcnt.ones.xlane vm4;
	v1 =	vadd.s32 v10, v1  }
0x310: {  	vm6 =	vge.s32 v17, v59;
	v13 =	vmpcnt.ones.xlane vm5;
	v1 =	vadd.s32 v11, v1  }
0x311: {  	vm7 =	vge.s32 v18, v59;
	v14 =	vmpcnt.ones.xlane vm6;
	v1 =	vadd.s32 v12, v1  }
0x312: {  	vm8 =	vge.s32 v19, v59;
	v15 =	vmpcnt.ones.xlane vm7;
	v1 =	vadd.s32 v13, v1  }
0x313: {  	vm9 =	vge.s32 v24, v59;
	v16 =	vmpcnt.ones.xlane vm8;
	v1 =	vadd.s32 v14, v1  }
0x314: {  	vm10 =	vge.s32 v28, v59;
	v17 =	vmpcnt.ones.xlane vm9;
	v1 =	vadd.s32 v15, v1  }
0x315: {  	vm11 =	vge.s32 v23, v59;
	v19 =	vld [tilespmem:$0x2C10];
	v18 =	vmpcnt.ones.xlane vm10;
	v1 =	vadd.s32 v16, v1  }
0x316: {  	vm12 =	vge.s32 v29, v59;
	v23 =	vld [tilespmem:$0x2C20];
	v22 =	vmpcnt.ones.xlane vm11;
	v1 =	vadd.s32 v17, v1  }
0x317: {  	v26 =	vld [tilespmem:$0x2C30];
	vm13 =	vge.s32 v25, v59;
	v24 =	vmpcnt.ones.xlane vm12;
	v1 =	vadd.s32 v18, v1  }
0x318: {  	vm14 =	vge.s32 v30, v59;
	v28 =	vld [tilespmem:$0x2C40];
	v27 =	vmpcnt.ones.xlane vm13;
	v1 =	vadd.s32 v22, v1  }
0x319: {  	vm15 =	vge.s32 v32, v59;
	v30 =	vld [tilespmem:$0x2C50];
	v29 =	vmpcnt.ones.xlane vm14;
	v1 =	vadd.s32 v24, v1  }
0x31a: {  	v32 =	vld [tilespmem:$0x2C60];
	v31 =	vmpcnt.ones.xlane vm15;
	vm4 =	vge.s32 v19, v59;
	v1 =	vadd.s32 v27, v1  }
0x31b: {  	v34 =	vld [tilespmem:$0x2C70];
	vm5 =	vge.s32 v23, v59;
	v33 =	vmpcnt.ones.xlane vm4;
	v1 =	vadd.s32 v29, v1  }
0x31c: {  	v36 =	vld [tilespmem:$0x2C80];
	vm6 =	vge.s32 v26, v59;
	v35 =	vmpcnt.ones.xlane vm5;
	v1 =	vadd.s32 v31, v1  }
0x31d: {  	v38 =	vld [tilespmem:$0x2C90];
	v37 =	vmpcnt.ones.xlane vm6;
	vm7 =	vge.s32 v28, v59;
	v1 =	vadd.s32 v33, v1  }
0x31e: {  	v40 =	vld [tilespmem:$0x2CA0];
	vm8 =	vge.s32 v30, v59;
	v39 =	vmpcnt.ones.xlane vm7;
	v1 =	vadd.s32 v35, v1  }
0x31f: {  	vm9 =	vge.s32 v32, v59;
	v41 =	vmpcnt.ones.xlane vm8;
	v1 =	vadd.s32 v37, v1  }
0x320: {  	vm10 =	vge.s32 v34, v59;
	v42 =	vmpcnt.ones.xlane vm9;
	v1 =	vadd.s32 v39, v1  }
0x321: {  	vm11 =	vge.s32 v36, v59;
	v43 =	vmpcnt.ones.xlane vm10;
	v1 =	vadd.s32 v41, v1  }
0x322: {  	vm12 =	vge.s32 v38, v59;
	v44 =	vmpcnt.ones.xlane vm11;
	v1 =	vadd.s32 v42, v1  }
0x323: {  	vm13 =	vge.s32 v40, v59;
	v45 =	vmpcnt.ones.xlane vm12;
	v1 =	vadd.s32 v43, v1  }
0x324: {  	vm14 =	vge.s32 v20, v59;
	v46 =	vmpcnt.ones.xlane vm13;
	v1 =	vadd.s32 v44, v1  }
0x325: {  	v47 =	vmpcnt.ones.xlane vm14;
	v1 =	vadd.s32 v45, v1  }
0x326: {  	v1 =	vadd.s32 v46, v1  }
0x327: {  	v1 =	vadd.s32 v47, v1  }
0x328: {  	v48 =	vld [tilespmem:$0x2800];
	vm15 =	vgt.s32 v1, $0x11F  }
0x329: {  	v49 =	vld [tilespmem:$0x2810];
	v0 =	vsel vm15, v4, v0  }
0x32a: {  	v50 =	vimm.s32 $0x80000000;
	v51 =	vld [tilespmem:$0x2820];
	vm0 =	vgt.s32 v0, $0xFFFFFFFF  }
0x32b: {  	v52 =	vld [tilespmem:$0x2830];
	v3 =	vsel vm0, $0xFFFFFFFF, v50  }
0x32c: {  	v53 =	vld [tilespmem:$0x2840];
	v0 =	vxor.u32 v0, v3  }
0x32d: {  	v54 =	vld [tilespmem:$0x2850];
	v1 =	vimm.f32 $0.0e+00;
	vm4 =	vgt.f32 v48, v0  }
0x32e: {  	v56 =	vld [tilespmem:$0x2860];
	vm5 =	vgt.f32 v49, v0;
	v55 =	vsel vm4, $0x3F800000, v1  }
0x32f: {  	v58 =	vld [tilespmem:$0x2870];
	vm6 =	vgt.f32 v51, v0;
	v57 =	vsel vm5, $0x3F800000, v1;
	[tilespmem:$0x2D00] =	vst v55  }
0x330: {  	v60 =	vld [tilespmem:$0x2880];
	vm7 =	vgt.f32 v52, v0;
	v59 =	vsel vm6, $0x3F800000, v1;
	[tilespmem:$0x2D10] =	vst v57  }
0x331: {  	v62 =	vld [tilespmem:$0x2890];
	vm8 =	vgt.f32 v53, v0;
	v61 =	vsel vm7, $0x3F800000, v1;
	[tilespmem:$0x2D20] =	vst v59  }
0x332: {  	v9 =	vld [tilespmem:$0x28A0];
	vm9 =	vgt.f32 v54, v0;
	v63 =	vsel vm8, $0x3F800000, v1;
	[tilespmem:$0x2D30] =	vst v61  }
0x333: {  	v11 =	vld [tilespmem:$0x28B0];
	vm10 =	vgt.f32 v56, v0;
	v10 =	vsel vm9, $0x3F800000, v1;
	[tilespmem:$0x2D40] =	vst v63  }
0x334: {  	v13 =	vld [tilespmem:$0x28C0];
	vm11 =	vgt.f32 v58, v0;
	v12 =	vsel vm10, $0x3F800000, v1;
	[tilespmem:$0x2D50] =	vst v10  }
0x335: {  	v15 =	vld [tilespmem:$0x28D0];
	vm12 =	vgt.f32 v60, v0;
	v14 =	vsel vm11, $0x3F800000, v1;
	[tilespmem:$0x2D60] =	vst v12  }
0x336: {  	v17 =	vld [tilespmem:$0x28E0];
	vm13 =	vgt.f32 v62, v0;
	v16 =	vsel vm12, $0x3F800000, v1;
	[tilespmem:$0x2D70] =	vst v14  }
0x337: {  	v19 =	vld [tilespmem:$0x28F0];
	vm14 =	vgt.f32 v9, v0;
	v18 =	vsel vm13, $0x3F800000, v1;
	[tilespmem:$0x2D80] =	vst v16  }
0x338: {  	v21 =	vld [tilespmem:$0x2900];
	vm15 =	vgt.f32 v11, v0;
	v20 =	vsel vm14, $0x3F800000, v1;
	[tilespmem:$0x2D90] =	vst v18  }
0x339: {  	v23 =	vld [tilespmem:$0x2910];
	v22 =	vsel vm15, $0x3F800000, v1;
	vm4 =	vgt.f32 v13, v0;
	[tilespmem:$0x2DA0] =	vst v20  }
0x33a: {  	v25 =	vld [tilespmem:$0x2920];
	vm5 =	vgt.f32 v15, v0;
	[tilespmem:$0x2DB0] =	vst v22;
	v24 =	vsel vm4, $0x3F800000, v1  }
0x33b: {  	v27 =	vld [tilespmem:$0x2930];
	vm6 =	vgt.f32 v17, v0;
	v26 =	vsel vm5, $0x3F800000, v1;
	[tilespmem:$0x2DC0] =	vst v24  }
0x33c: {  	v29 =	vld [tilespmem:$0x2940];
	vm7 =	vgt.f32 v19, v0;
	v28 =	vsel vm6, $0x3F800000, v1;
	[tilespmem:$0x2DD0] =	vst v26  }
0x33d: {  	v31 =	vld [tilespmem:$0x2950];
	vm8 =	vgt.f32 v21, v0;
	v30 =	vsel vm7, $0x3F800000, v1;
	[tilespmem:$0x2DE0] =	vst v28  }
0x33e: {  	v33 =	vld [tilespmem:$0x2960];
	vm9 =	vgt.f32 v23, v0;
	v32 =	vsel vm8, $0x3F800000, v1;
	[tilespmem:$0x2DF0] =	vst v30  }
0x33f: {  	v35 =	vld [tilespmem:$0x2970];
	vm10 =	vgt.f32 v25, v0;
	v34 =	vsel vm9, $0x3F800000, v1;
	[tilespmem:$0x2E00] =	vst v32  }
0x340: {  	v37 =	vld [tilespmem:$0x2980];
	vm11 =	vgt.f32 v27, v0;
	v36 =	vsel vm10, $0x3F800000, v1;
	[tilespmem:$0x2E10] =	vst v34  }
0x341: {  	v39 =	vld [tilespmem:$0x2990];
	vm12 =	vgt.f32 v29, v0;
	v38 =	vsel vm11, $0x3F800000, v1;
	[tilespmem:$0x2E20] =	vst v36  }
0x342: {  	v41 =	vld [tilespmem:$0x29A0];
	vm13 =	vgt.f32 v31, v0;
	v40 =	vsel vm12, $0x3F800000, v1;
	[tilespmem:$0x2E30] =	vst v38  }
0x343: {  	v43 =	vld [tilespmem:$0x29B0];
	vm14 =	vgt.f32 v33, v0;
	v42 =	vsel vm13, $0x3F800000, v1;
	[tilespmem:$0x2E40] =	vst v40  }
0x344: {  	v45 =	vld [tilespmem:$0x29C0];
	vm15 =	vgt.f32 v35, v0;
	v44 =	vsel vm14, $0x3F800000, v1;
	[tilespmem:$0x2E50] =	vst v42  }
0x345: {  	v47 =	vld [tilespmem:$0x29D0];
	v46 =	vsel vm15, $0x3F800000, v1;
	vm4 =	vgt.f32 v37, v0;
	[tilespmem:$0x2E60] =	vst v44  }
0x346: {  	v49 =	vld [tilespmem:$0x29E0];
	vm5 =	vgt.f32 v39, v0;
	[tilespmem:$0x2E70] =	vst v46;
	v48 =	vsel vm4, $0x3F800000, v1  }
0x347: {  	v51 =	vld [tilespmem:$0x29F0];
	vm6 =	vgt.f32 v41, v0;
	v50 =	vsel vm5, $0x3F800000, v1;
	[tilespmem:$0x2E80] =	vst v48  }
0x348: {  	v53 =	vld [tilespmem:$0x2A00];
	vm7 =	vgt.f32 v43, v0;
	v52 =	vsel vm6, $0x3F800000, v1;
	[tilespmem:$0x2E90] =	vst v50  }
0x349: {  	vm8 =	vgt.f32 v45, v0;
	v55 =	vld [tilespmem:$0x2A10];
	v54 =	vsel vm7, $0x3F800000, v1;
	[tilespmem:$0x2EA0] =	vst v52  }
0x34a: {  	vm9 =	vgt.f32 v47, v0;
	v57 =	vld [tilespmem:$0x2A20];
	v56 =	vsel vm8, $0x3F800000, v1;
	[tilespmem:$0x2EB0] =	vst v54  }
0x34b: {  	v59 =	vld [tilespmem:$0x2A30];
	v58 =	vsel vm9, $0x3F800000, v1;
	[tilespmem:$0x2EC0] =	vst v56;
	vm10 =	vgt.f32 v49, v0  }
0x34c: {  	[tilespmem:$0x2ED0] =	vst v58;
	vm11 =	vgt.f32 v51, v0;
	v60 =	vsel vm10, $0x3F800000, v1  }
0x34d: {  	s3 =	sshrl.u32 s0, $0x3;
	vm12 =	vgt.f32 v53, v0;
	v2 =	vsel vm11, $0x3F800000, v1;
	[tilespmem:$0x2EE0] =	vst v60  }
0x34e: {  	s4 =	sshll.u32 s0, $0x7;
	s3 =	smul.u32 $0x1400, s3;
	v61 =	vsel vm12, $0x3F800000, v1;
	[tilespmem:$0x2EF0] =	vst v2;
	vm13 =	vgt.f32 v55, v0  }
0x34f: {  	s4 =	sand.u32 $0x380, s4;
	[tilespmem:$0x2F00] =	vst v61;
	vm14 =	vgt.f32 v57, v0;
	v62 =	vsel vm13, $0x3F800000, v1  }
0x350: {  	s3 =	sor.u32 s4, s3;
	vm15 =	vgt.f32 v59, v0;
	v63 =	vsel vm14, $0x3F800000, v1;
	[tilespmem:$0x2F10] =	vst v62  }
0x351: {  	s29 =	simm.s32 $0x80;
	s30 =	simm.s32 $0x400;
	s3 =	sshrl.u32 s3, $0x3;
	v0 =	vsel vm15, $0x3F800000, v1;
	[tilespmem:$0x2F20] =	vst v63  }
0x352: {  	s5 =	simm.s32 $0x2D00;
	s31 =	simm.s32 $0x1;
	s2 =	sadd.s32 s2, s3;
	[tilespmem:$0x2F30] =	vst v0  }
0x353: {  	[hbm4b:s2+s29] =	stream.strided.scatter [tilespmem:s5], [sflag:$0x1], $0x280, s30, s29, $0x38;
	[tilespmem:$0x2F80] =	vst v63  }
0x354: {  	_ =	swait.ge [sflag:s31], $0x280  }
0x355: {  	[sflag:s31] =	ssyncset.done $0x0  }
0x356: {  	[sflag:s31] =	ssyncadd.s32 $0xFFFFFD80  }
0x357: {  	_ =	sfence.sel $0x180000  }
0x358: {  	[bflag:$0x0] =	sbarrier.arrive $0xFFFF  }
0x359: {  	p0 =	sne.s32 s0, $0x0;
	_ =	strace $0x90000047  }
0x35a: {  	s0 =	sadd.s32 @!p0 $0x100000, s1;
	[bflag:$0x2] =	sbarrier.arrive $0xFFFF  }
0x35b: {  	[sflag:s0] =	ssyncadd.tile.s32 @!p0 $0x1;
	_ =	shalt  }
.Lfunc_end2:
_tile_overlayer_lowered:
.L_overlay_start_2:
0x35c: {  	(tag) =	ssettag $0x2  }
0x35d: {  	s0 =	rddreg [dreg:$0x0];
	s2 =	stileid.u32  }
0x35e: {  	s1 =	rddreg [dreg:$0x1];
	p0 =	sne.s32 s2, $0x0  }
0x35f: {  	s3 =	rddreg [dreg:$0x2];
	[bflag:$0x3] =	sbarrier.arrive $0xFFFF;
	s2 =	simm.s32 @!p0 $0x1C01  }
0x360: {  	[timem:s3], [sflag:s2] =	dma.local @!p0 [hbm:s0], s1  }
0x361: {  	s0 =	simm.s32 @!p0 $0x1  }
0x362: {  	_ =	swait.ge @!p0 [sflag:s0], s1  }
0x363: {  	s1 =	ssub.s32 @!p0 $0x0, s1;
	[sflag:s0] =	ssyncset.done @!p0 $0x0  }
0x364: {  	[sflag:s0] =	ssyncadd.s32 @!p0 s1  }
0x365: {  	[bflag:$0x3] =	sbarrier.arrive $0xFFFF  }
0x366: {  	_ =	shalt  }

</sc_bundles>
